<compile_context>
chip_gen: v7x
topology: tpu7x:2x2x1
jax: 0.10.2.dev20260603
libtpu: 0.0.44.dev20260713+nightly
codegen_flags: <defaults>
</compile_context>

<pallas_src>
import functools

import jax
import jax.numpy as jnp
from jax import lax
from jax.experimental import pallas as pl
from jax.experimental.pallas import tpu as pltpu
from jax.experimental.pallas import tpu_sc as plsc

N = 10000
E = 320000
D = 128
G = 64

NC = 2
NS = 16
NW = NC * NS
EC = 96
KBUF = 3
CHUNKS = 105
N_ACC = 10112
ROWS_ACC = N_ACC // NS
E_PAD = NW * EC * CHUNKS
N_PAD = 10240
ROWS_PER = N_PAD // NS
BN = 256
GRID = N_PAD // BN

def _deg_body(dstp_hbm, zeros1_hbm, out_hbm, dst_v, ones_v, acc):
    c = lax.axis_index("c")
    s = lax.axis_index("s")
    wid = c * NS + s
    for j in range(EC // 16):
        ones_v[pl.ds(j * 16, 16)] = jnp.ones((16,), jnp.float32)
    pltpu.sync_copy(zeros1_hbm, acc.at[pl.ds(s * ROWS_PER, ROWS_PER)])
    pltpu.sync_copy(dstp_hbm.at[wid], dst_v)
    plsc.subcore_barrier()

    def body(i, carry):
        pltpu.sync_copy(ones_v, acc.at[dst_v.at[i]], add=True)
        return carry

    lax.fori_loop(0, CHUNKS, body, 0)
    plsc.subcore_barrier()
    pltpu.sync_copy(acc.at[pl.ds(s * ROWS_PER, ROWS_PER)],
                    out_hbm.at[c, pl.ds(s * ROWS_PER, ROWS_PER)])


def _agg_body(hp_hbm, pk_hbm, zeros2_hbm, out_hbm,
              pk_v, src0, dst0, src1, dst1, src2, dst2,
              rows0, rows1, rows2, acc, sem0, sem1, sem2):
    c = lax.axis_index("c")
    s = lax.axis_index("s")
    wid = c * NS + s
    rows = (rows0, rows1, rows2)
    sems = (sem0, sem1, sem2)
    srcs = (src0, src1, src2)
    dsts = (dst0, dst1, dst2)
    pltpu.sync_copy(zeros2_hbm, acc.at[pl.ds(s * ROWS_ACC, ROWS_ACC)])
    pltpu.sync_copy(pk_hbm.at[wid], pk_v)
    plsc.subcore_barrier()

    def dec(i, j):
        for k in range(EC // 16):
            v = pk_v[pl.ds(i * EC + k * 16, 16)]
            srcs[j][pl.ds(k * 16, 16)] = lax.shift_right_logical(v, 15)
            dsts[j][pl.ds(k * 16, 16)] = lax.bitwise_and(v, 32767)

    def gather(j):
        return pltpu.make_async_copy(hp_hbm.at[srcs[j]], rows[j], sems[j])

    for j in range(KBUF):
        dec(j, j)
        gather(j).start()

    def body(t, carry):
        i0 = KBUF * t
        for j in range(KBUF):
            i = i0 + j
            gather(j).wait()
            pltpu.sync_copy(rows[j], acc.at[dsts[j]], add=True)

            @pl.when(t < CHUNKS // KBUF - 1)
            def _():
                dec(i + KBUF, j)
                gather(j).start()

        return carry

    lax.fori_loop(0, CHUNKS // KBUF, body, 0)
    plsc.subcore_barrier()
    pltpu.sync_copy(acc.at[pl.ds(s * ROWS_ACC, ROWS_ACC)],
                    out_hbm.at[c, pl.ds(s * ROWS_ACC, ROWS_ACC)])


@functools.lru_cache(maxsize=None)
def _sc_kernels():
    mesh = plsc.VectorSubcoreMesh(core_axis_name="c", subcore_axis_name="s")
    deg = pl.kernel(
        _deg_body,
        out_type=jax.ShapeDtypeStruct((NC, N_PAD), jnp.float32),
        mesh=mesh,
        scratch_types=[
            pltpu.VMEM((CHUNKS, EC), jnp.int32),
            pltpu.VMEM((EC,), jnp.float32),
            pltpu.VMEM_SHARED((N_PAD,), jnp.float32),
        ],
    )
    agg = pl.kernel(
        _agg_body,
        out_type=jax.ShapeDtypeStruct((NC, N_ACC, D), jnp.float32),
        mesh=mesh,
        scratch_types=[
            pltpu.VMEM((CHUNKS * EC,), jnp.int32),
            pltpu.VMEM((EC,), jnp.int32),
            pltpu.VMEM((EC,), jnp.int32),
            pltpu.VMEM((EC,), jnp.int32),
            pltpu.VMEM((EC,), jnp.int32),
            pltpu.VMEM((EC,), jnp.int32),
            pltpu.VMEM((EC,), jnp.int32),
            pltpu.VMEM((EC, D), jnp.float32),
            pltpu.VMEM((EC, D), jnp.float32),
            pltpu.VMEM((EC, D), jnp.float32),
            pltpu.VMEM_SHARED((N_ACC, D), jnp.float32),
            pltpu.SemaphoreType.DMA,
            pltpu.SemaphoreType.DMA,
            pltpu.SemaphoreType.DMA,
        ],
    )
    return deg, agg


def _proj_body(x_ref, w_ref, d0_ref, d1_ref, o_ref):
    dinv = lax.rsqrt(d0_ref[...] + d1_ref[...] + 1.0)
    h = jnp.dot(x_ref[...], w_ref[...], preferred_element_type=jnp.float32)
    o_ref[...] = dinv * h


def _mid_body(a0_ref, a1_ref, hp_ref, d0_ref, d1_ref, b_ref, w_ref, o_ref):
    dinv = lax.rsqrt(d0_ref[...] + d1_ref[...] + 1.0)
    act = jnp.maximum(
        dinv * (a0_ref[...] + a1_ref[...] + hp_ref[...]) + b_ref[...], 0.0)
    o_ref[...] = dinv * jnp.dot(act, w_ref[...],
                                preferred_element_type=jnp.float32)


def _final_body(a0_ref, a1_ref, hp_ref, d0_ref, d1_ref, b_ref, bt_ref,
                o_ref, sums, cnt):
    i = pl.program_id(0)

    @pl.when(i == 0)
    def _():
        sums[...] = jnp.zeros_like(sums)
        cnt[...] = jnp.zeros_like(cnt)

    dinv = lax.rsqrt(d0_ref[...] + d1_ref[...] + 1.0)
    h3 = dinv * (a0_ref[...] + a1_ref[...] + hp_ref[...]) + b_ref[...]
    oh = (bt_ref[...] == lax.broadcasted_iota(jnp.int32, (BN, G), 1)
          ).astype(jnp.float32)
    dn = (((0,), (0,)), ((), ()))
    sums[...] += lax.dot_general(oh, h3, dn,
                                 preferred_element_type=jnp.float32)
    cnt[...] += lax.dot_general(oh, jnp.ones((BN, D), jnp.float32), dn,
                                preferred_element_type=jnp.float32)

    @pl.when(i == pl.num_programs(0) - 1)
    def _():
        o_ref[...] = sums[...] / jnp.maximum(cnt[...], 1.0)


_row = pl.BlockSpec((BN, D), lambda i: (i, 0))
_col = pl.BlockSpec((BN, 1), lambda i: (i, 0))
_mat = pl.BlockSpec((D, D), lambda i: (0, 0))
_vec = pl.BlockSpec((1, D), lambda i: (0, 0))

_proj_tc = pl.pallas_call(
    _proj_body,
    grid=(GRID,),
    in_specs=[_row, _mat, _col, _col],
    out_specs=_row,
    out_shape=jax.ShapeDtypeStruct((N_PAD, D), jnp.float32),
)

_mid_tc = pl.pallas_call(
    _mid_body,
    grid=(GRID,),
    in_specs=[_row, _row, _row, _col, _col, _vec, _mat],
    out_specs=_row,
    out_shape=jax.ShapeDtypeStruct((N_PAD, D), jnp.float32),
)

_final_tc = pl.pallas_call(
    _final_body,
    grid=(GRID,),
    in_specs=[_row, _row, _row, _col, _col, _vec,
              pl.BlockSpec((BN, 1), lambda i: (i, 0))],
    out_specs=pl.BlockSpec((G, D), lambda i: (0, 0)),
    out_shape=jax.ShapeDtypeStruct((G, D), jnp.float32),
    scratch_shapes=[pltpu.VMEM((G, D), jnp.float32),
                    pltpu.VMEM((G, D), jnp.float32)],
    compiler_params=pltpu.CompilerParams(
        dimension_semantics=("arbitrary",)),
)


def _accpad(a):
    return jnp.pad(a, ((0, 0), (0, N_PAD - N_ACC), (0, 0)))


def kernel(x, edge_index, batch, W1, b1, W2, b2, W3, b3):
    src = edge_index[0]
    dst = edge_index[1]
    padn = E_PAD - E
    padr = N + (jnp.arange(padn, dtype=jnp.int32) % (N_ACC - N))
    packed = jnp.concatenate(
        [jnp.left_shift(src, 15) | dst,
         jnp.left_shift(padr, 15) | padr]).reshape(NW, CHUNKS * EC)
    dstp = jnp.concatenate([dst, padr]).reshape(NW, CHUNKS, EC)
    xp = jnp.pad(x, ((0, N_PAD - N), (0, 0)))
    btp = jnp.pad(batch, (0, N_PAD - N),
                  constant_values=G).reshape(N_PAD, 1)
    z1 = jnp.zeros((ROWS_PER,), jnp.float32)
    z2 = jnp.zeros((ROWS_ACC, D), jnp.float32)

    deg_fn, agg_fn = _sc_kernels()
    degs = deg_fn(dstp, z1)
    d0 = degs[0].reshape(N_PAD, 1)
    d1 = degs[1].reshape(N_PAD, 1)

    h1p = _proj_tc(xp, W1, d0, d1)
    a1 = _accpad(agg_fn(h1p, packed, z2))
    h2p = _mid_tc(a1[0], a1[1], h1p, d0, d1, b1.reshape(1, D), W2)
    a2 = _accpad(agg_fn(h2p, packed, z2))
    h3p = _mid_tc(a2[0], a2[1], h2p, d0, d1, b2.reshape(1, D), W3)
    a3 = _accpad(agg_fn(h3p, packed, z2))
    return _final_tc(a3[0], a3[1], h3p, d0, d1, b3.reshape(1, D), btp)

# --- scband reference (transcript-rebuilt; emitter-appended) ---
"""Pipeline reference for scband-molecule-gnn-18751827214721 (READ-ONLY COPY).

The authoritative reference and input builder live on the scoring server;
editing this copy changes nothing except your own understanding.
"""

import jax, jax.numpy as jnp
import numpy as np

N = 10000
E = 320000
D = 128
H = 128
G = 64


def setup_inputs(seed: int = 0) -> dict:
    key = jax.random.key(seed)
    ks = jax.random.split(key, 10)
    x = jax.random.normal(ks[0], (N, D), dtype=jnp.float32)
    edge_index = jax.random.randint(ks[1], (2, E), 0, N, dtype=jnp.int32)
    batch = jnp.sort(jax.random.randint(ks[2], (N,), 0, G, dtype=jnp.int32))
    s1 = 1.0 / np.sqrt(D)
    s2 = 1.0 / np.sqrt(H)
    W1 = jax.random.uniform(ks[3], (D, H), jnp.float32, -s1, s1)
    b1 = jnp.zeros((H,), jnp.float32)
    W2 = jax.random.uniform(ks[4], (H, H), jnp.float32, -s2, s2)
    b2 = jnp.zeros((H,), jnp.float32)
    W3 = jax.random.uniform(ks[5], (H, H), jnp.float32, -s2, s2)
    b3 = jnp.zeros((H,), jnp.float32)
    return {"x": x, "edge_index": edge_index, "batch": batch,
            "W1": W1, "b1": b1, "W2": W2, "b2": b2, "W3": W3, "b3": b3}


def _gcn_conv(x, src, dst, W, b):
    # GCNConv: add self-loops, symmetric normalization D^-1/2 (A+I) D^-1/2 X W + b
    h = x @ W
    loop = jnp.arange(N, dtype=src.dtype)
    src_sl = jnp.concatenate([src, loop])
    dst_sl = jnp.concatenate([dst, loop])
    deg = jnp.zeros((N,), h.dtype).at[dst_sl].add(1.0)
    dinv = jnp.where(deg > 0, deg ** -0.5, 0.0)
    norm = dinv[src_sl] * dinv[dst_sl]
    msg = norm[:, None] * jnp.take(h, src_sl, axis=0)
    out = jnp.zeros_like(h).at[dst_sl].add(msg)
    return out + b


def reference(x, edge_index, batch, W1, b1, W2, b2, W3, b3):
    src, dst = edge_index[0], edge_index[1]
    h = jax.nn.relu(_gcn_conv(x, src, dst, W1, b1))
    h = jax.nn.relu(_gcn_conv(h, src, dst, W2, b2))
    h = _gcn_conv(h, src, dst, W3, b3)
    # global_mean_pool over batch segment ids
    sums = jax.ops.segment_sum(h, batch, num_segments=G)
    cnt = jax.ops.segment_sum(jnp.ones((N, 1), h.dtype), batch, num_segments=G)
    return sums / jnp.maximum(cnt, 1.0)

if __name__ == "__main__":
    import jax
    _d = setup_inputs()
    print(jax.jit(kernel)(*tuple(_d.values())))

</pallas_src>

<mosaic_0001>
#map = affine_map<(d0, d1) -> (0, 0)>
#map1 = affine_map<(d0, d1) -> (0, 0, 0)>
module attributes {stable_mosaic.version = 14 : i64} {
  func.func @_agg_body(%arg0: i32, %arg1: i32, %arg2: memref<10240x128xf32, #tpu.memory_space<hbm>>, %arg3: memref<32x10080xi32, #tpu.memory_space<hbm>>, %arg4: memref<632x128xf32, #tpu.memory_space<hbm>>, %arg5: memref<2x10112x128xf32, #tpu.memory_space<hbm>>, %arg6: memref<10080xi32, #tpu.memory_space<vmem>>, %arg7: memref<96xi32, #tpu.memory_space<vmem>>, %arg8: memref<96xi32, #tpu.memory_space<vmem>>, %arg9: memref<96xi32, #tpu.memory_space<vmem>>, %arg10: memref<96xi32, #tpu.memory_space<vmem>>, %arg11: memref<96xi32, #tpu.memory_space<vmem>>, %arg12: memref<96xi32, #tpu.memory_space<vmem>>, %arg13: memref<96x128xf32, #tpu.memory_space<vmem>>, %arg14: memref<96x128xf32, #tpu.memory_space<vmem>>, %arg15: memref<96x128xf32, #tpu.memory_space<vmem>>, %arg16: memref<10112x128xf32, #tpu.memory_space<vmem_shared>>, %arg17: memref<!tpu.dma_semaphore, #tpu.memory_space<semaphore_mem>>, %arg18: memref<!tpu.dma_semaphore, #tpu.memory_space<semaphore_mem>>, %arg19: memref<!tpu.dma_semaphore, #tpu.memory_space<semaphore_mem>>) attributes {dimension_semantics = [#tpu.dimension_semantics<core_parallel>, #tpu.dimension_semantics<subcore_parallel>], iteration_bounds = array<i64: 2, 16>, scalar_prefetch = 0 : i64, scratch_operands = 14 : i64, tpu.core_type = #tpu.core_type<sc_vector_subcore>, window_params = [{transform_indices = #map}, {transform_indices = #map}, {transform_indices = #map}, {transform_indices = #map1}]} {
    %mul3A = arith.constant 16 : i32
    %mul3A_0 = arith.muli %arg0, %mul3A : i32
    %add3A = arith.addi %mul3A_0, %arg1 : i32
    %mul3A_1 = arith.constant 632 : i32
    %mul3A_2 = arith.muli %arg1, %mul3A_1 : i32
    "tpu.region"() ({
      %run_scoped3A = tpu.sem_alloc : memref<!tpu.dma_semaphore, #tpu.memory_space<semaphore_mem>>
      %dma_start3A_323 = arith.constant 0 : i32
      %dma_start3A_324 = tpu.memref_slice %arg16[%mul3A_2, %dma_start3A_323] : memref<10112x128xf32, #tpu.memory_space<vmem_shared>> -> memref<632x128xf32, #tpu.memory_space<vmem_shared>>
      tpu.enqueue_dma source(%arg4 : memref<632x128xf32, #tpu.memory_space<hbm>>) target(%dma_start3A_324 : memref<632x128xf32, #tpu.memory_space<vmem_shared>>) target_semaphore(%run_scoped3A : memref<!tpu.dma_semaphore, #tpu.memory_space<semaphore_mem>>)
      %dma_wait3A = arith.constant 0 : i32
      %dma_wait3A_325 = tpu.memref_slice %arg16[%mul3A_2, %dma_wait3A] : memref<10112x128xf32, #tpu.memory_space<vmem_shared>> -> memref<632x128xf32, #tpu.memory_space<vmem_shared>>
      tpu.wait_dma2 semaphore(%run_scoped3A : memref<!tpu.dma_semaphore, #tpu.memory_space<semaphore_mem>>) src(%arg4 : memref<632x128xf32, #tpu.memory_space<hbm>>) dst(%dma_wait3A_325 : memref<632x128xf32, #tpu.memory_space<vmem_shared>>)
      tpu.yield
    }) : () -> ()
    "tpu.region"() ({
      %run_scoped3A = tpu.sem_alloc : memref<!tpu.dma_semaphore, #tpu.memory_space<semaphore_mem>>
      %dma_start3A_323 = arith.constant 0 : i32
      %dma_start3A_324 = tpu.memref_slice %arg3[%add3A, %dma_start3A_323] : memref<32x10080xi32, #tpu.memory_space<hbm>> -> memref<1x10080xi32, #tpu.memory_space<hbm>>
      %dma_start3A_325 = tpu.memref_squeeze %dma_start3A_324 : memref<1x10080xi32, #tpu.memory_space<hbm>> -> memref<10080xi32, #tpu.memory_space<hbm>>
      %dma_start3A_326 = arith.constant 0 : i32
      %dma_start3A_327 = tpu.memref_slice %arg3[%add3A, %dma_start3A_326] : memref<32x10080xi32, #tpu.memory_space<hbm>> -> memref<1x10080xi32, #tpu.memory_space<hbm>>
      %dma_start3A_328 = tpu.memref_squeeze %dma_start3A_327 : memref<1x10080xi32, #tpu.memory_space<hbm>> -> memref<10080xi32, #tpu.memory_space<hbm>>
      tpu.enqueue_dma source(%dma_start3A_328 : memref<10080xi32, #tpu.memory_space<hbm>>) target(%arg6 : memref<10080xi32, #tpu.memory_space<vmem>>) target_semaphore(%run_scoped3A : memref<!tpu.dma_semaphore, #tpu.memory_space<semaphore_mem>>)
      %dma_wait3A = arith.constant 0 : i32
      %dma_wait3A_329 = tpu.memref_slice %arg3[%add3A, %dma_wait3A] : memref<32x10080xi32, #tpu.memory_space<hbm>> -> memref<1x10080xi32, #tpu.memory_space<hbm>>
      %dma_wait3A_330 = tpu.memref_squeeze %dma_wait3A_329 : memref<1x10080xi32, #tpu.memory_space<hbm>> -> memref<10080xi32, #tpu.memory_space<hbm>>
      %dma_wait3A_331 = arith.constant 0 : i32
      %dma_wait3A_332 = tpu.memref_slice %arg3[%add3A, %dma_wait3A_331] : memref<32x10080xi32, #tpu.memory_space<hbm>> -> memref<1x10080xi32, #tpu.memory_space<hbm>>
      %dma_wait3A_333 = tpu.memref_squeeze %dma_wait3A_332 : memref<1x10080xi32, #tpu.memory_space<hbm>> -> memref<10080xi32, #tpu.memory_space<hbm>>
      tpu.wait_dma2 semaphore(%run_scoped3A : memref<!tpu.dma_semaphore, #tpu.memory_space<semaphore_mem>>) src(%dma_wait3A_333 : memref<10080xi32, #tpu.memory_space<hbm>>) dst(%arg6 : memref<10080xi32, #tpu.memory_space<vmem>>)
      tpu.yield
    }) : () -> ()
    %barrier3A = arith.constant 0 : index
    tpu.barrier barrier_id(%barrier3A)
    %get3A = arith.constant 0 : index
    %get3A_3 = tpu.vector_load %arg6[%get3A] {strides = array<i32>} : memref<10080xi32, #tpu.memory_space<vmem>>, vector<16xi32>,
    %get3A_4 = vector.shape_cast %get3A_3 : vector<16xi32> to vector<16xi32>
    %shift_right_logical3A = arith.constant 15 : i32
    %shift_right_logical3A_5 = vector.broadcast %shift_right_logical3A : i32 to vector<16xi32>
    %shift_right_logical3A_6 = arith.shrui %get3A_4, %shift_right_logical3A_5 : vector<16xi32>
    %swap3A = arith.constant 0 : index
    %swap3A_7 = tpu.vector_load %arg7[%swap3A] {strides = array<i32>} : memref<96xi32, #tpu.memory_space<vmem>>, vector<16xi32>,
    %swap3A_8 = vector.shape_cast %swap3A_7 : vector<16xi32> to vector<16xi32>
    %swap3A_9 = vector.shape_cast %shift_right_logical3A_6 : vector<16xi32> to vector<16xi32>
    tpu.vector_store %arg7[%swap3A], %swap3A_9 {strides = array<i32>} : memref<96xi32, #tpu.memory_space<vmem>>, vector<16xi32>,
    %and3A = arith.constant 32767 : i32
    %and3A_10 = vector.broadcast %and3A : i32 to vector<16xi32>
    %and3A_11 = arith.andi %get3A_4, %and3A_10 : vector<16xi32>
    %swap3A_12 = arith.constant 0 : index
    %swap3A_13 = tpu.vector_load %arg8[%swap3A_12] {strides = array<i32>} : memref<96xi32, #tpu.memory_space<vmem>>, vector<16xi32>,
    %swap3A_14 = vector.shape_cast %swap3A_13 : vector<16xi32> to vector<16xi32>
    %swap3A_15 = vector.shape_cast %and3A_11 : vector<16xi32> to vector<16xi32>
    tpu.vector_store %arg8[%swap3A_12], %swap3A_15 {strides = array<i32>} : memref<96xi32, #tpu.memory_space<vmem>>, vector<16xi32>,
    %get3A_16 = arith.constant 16 : index
    %get3A_17 = tpu.vector_load %arg6[%get3A_16] {strides = array<i32>} : memref<10080xi32, #tpu.memory_space<vmem>>, vector<16xi32>,
    %get3A_18 = vector.shape_cast %get3A_17 : vector<16xi32> to vector<16xi32>
    %shift_right_logical3A_19 = arith.constant 15 : i32
    %shift_right_logical3A_20 = vector.broadcast %shift_right_logical3A_19 : i32 to vector<16xi32>
    %shift_right_logical3A_21 = arith.shrui %get3A_18, %shift_right_logical3A_20 : vector<16xi32>
    %swap3A_22 = arith.constant 16 : index
    %swap3A_23 = tpu.vector_load %arg7[%swap3A_22] {strides = array<i32>} : memref<96xi32, #tpu.memory_space<vmem>>, vector<16xi32>,
    %swap3A_24 = vector.shape_cast %swap3A_23 : vector<16xi32> to vector<16xi32>
    %swap3A_25 = vector.shape_cast %shift_right_logical3A_21 : vector<16xi32> to vector<16xi32>
    tpu.vector_store %arg7[%swap3A_22], %swap3A_25 {strides = array<i32>} : memref<96xi32, #tpu.memory_space<vmem>>, vector<16xi32>,
    %and3A_26 = arith.constant 32767 : i32
    %and3A_27 = vector.broadcast %and3A_26 : i32 to vector<16xi32>
    %and3A_28 = arith.andi %get3A_18, %and3A_27 : vector<16xi32>
    %swap3A_29 = arith.constant 16 : index
    %swap3A_30 = tpu.vector_load %arg8[%swap3A_29] {strides = array<i32>} : memref<96xi32, #tpu.memory_space<vmem>>, vector<16xi32>,
    %swap3A_31 = vector.shape_cast %swap3A_30 : vector<16xi32> to vector<16xi32>
    %swap3A_32 = vector.shape_cast %and3A_28 : vector<16xi32> to vector<16xi32>
    tpu.vector_store %arg8[%swap3A_29], %swap3A_32 {strides = array<i32>} : memref<96xi32, #tpu.memory_space<vmem>>, vector<16xi32>,
    %get3A_33 = arith.constant 32 : index
    %get3A_34 = tpu.vector_load %arg6[%get3A_33] {strides = array<i32>} : memref<10080xi32, #tpu.memory_space<vmem>>, vector<16xi32>,
    %get3A_35 = vector.shape_cast %get3A_34 : vector<16xi32> to vector<16xi32>
    %shift_right_logical3A_36 = arith.constant 15 : i32
    %shift_right_logical3A_37 = vector.broadcast %shift_right_logical3A_36 : i32 to vector<16xi32>
    %shift_right_logical3A_38 = arith.shrui %get3A_35, %shift_right_logical3A_37 : vector<16xi32>
    %swap3A_39 = arith.constant 32 : index
    %swap3A_40 = tpu.vector_load %arg7[%swap3A_39] {strides = array<i32>} : memref<96xi32, #tpu.memory_space<vmem>>, vector<16xi32>,
    %swap3A_41 = vector.shape_cast %swap3A_40 : vector<16xi32> to vector<16xi32>
    %swap3A_42 = vector.shape_cast %shift_right_logical3A_38 : vector<16xi32> to vector<16xi32>
    tpu.vector_store %arg7[%swap3A_39], %swap3A_42 {strides = array<i32>} : memref<96xi32, #tpu.memory_space<vmem>>, vector<16xi32>,
    %and3A_43 = arith.constant 32767 : i32
    %and3A_44 = vector.broadcast %and3A_43 : i32 to vector<16xi32>
    %and3A_45 = arith.andi %get3A_35, %and3A_44 : vector<16xi32>
    %swap3A_46 = arith.constant 32 : index
    %swap3A_47 = tpu.vector_load %arg8[%swap3A_46] {strides = array<i32>} : memref<96xi32, #tpu.memory_space<vmem>>, vector<16xi32>,
    %swap3A_48 = vector.shape_cast %swap3A_47 : vector<16xi32> to vector<16xi32>
    %swap3A_49 = vector.shape_cast %and3A_45 : vector<16xi32> to vector<16xi32>
    tpu.vector_store %arg8[%swap3A_46], %swap3A_49 {strides = array<i32>} : memref<96xi32, #tpu.memory_space<vmem>>, vector<16xi32>,
    %get3A_50 = arith.constant 48 : index
    %get3A_51 = tpu.vector_load %arg6[%get3A_50] {strides = array<i32>} : memref<10080xi32, #tpu.memory_space<vmem>>, vector<16xi32>,
    %get3A_52 = vector.shape_cast %get3A_51 : vector<16xi32> to vector<16xi32>
    %shift_right_logical3A_53 = arith.constant 15 : i32
    %shift_right_logical3A_54 = vector.broadcast %shift_right_logical3A_53 : i32 to vector<16xi32>
    %shift_right_logical3A_55 = arith.shrui %get3A_52, %shift_right_logical3A_54 : vector<16xi32>
    %swap3A_56 = arith.constant 48 : index
    %swap3A_57 = tpu.vector_load %arg7[%swap3A_56] {strides = array<i32>} : memref<96xi32, #tpu.memory_space<vmem>>, vector<16xi32>,
    %swap3A_58 = vector.shape_cast %swap3A_57 : vector<16xi32> to vector<16xi32>
    %swap3A_59 = vector.shape_cast %shift_right_logical3A_55 : vector<16xi32> to vector<16xi32>
    tpu.vector_store %arg7[%swap3A_56], %swap3A_59 {strides = array<i32>} : memref<96xi32, #tpu.memory_space<vmem>>, vector<16xi32>,
    %and3A_60 = arith.constant 32767 : i32
    %and3A_61 = vector.broadcast %and3A_60 : i32 to vector<16xi32>
    %and3A_62 = arith.andi %get3A_52, %and3A_61 : vector<16xi32>
    %swap3A_63 = arith.constant 48 : index
    %swap3A_64 = tpu.vector_load %arg8[%swap3A_63] {strides = array<i32>} : memref<96xi32, #tpu.memory_space<vmem>>, vector<16xi32>,
    %swap3A_65 = vector.shape_cast %swap3A_64 : vector<16xi32> to vector<16xi32>
    %swap3A_66 = vector.shape_cast %and3A_62 : vector<16xi32> to vector<16xi32>
    tpu.vector_store %arg8[%swap3A_63], %swap3A_66 {strides = array<i32>} : memref<96xi32, #tpu.memory_space<vmem>>, vector<16xi32>,
    %get3A_67 = arith.constant 64 : index
    %get3A_68 = tpu.vector_load %arg6[%get3A_67] {strides = array<i32>} : memref<10080xi32, #tpu.memory_space<vmem>>, vector<16xi32>,
    %get3A_69 = vector.shape_cast %get3A_68 : vector<16xi32> to vector<16xi32>
    %shift_right_logical3A_70 = arith.constant 15 : i32
    %shift_right_logical3A_71 = vector.broadcast %shift_right_logical3A_70 : i32 to vector<16xi32>
    %shift_right_logical3A_72 = arith.shrui %get3A_69, %shift_right_logical3A_71 : vector<16xi32>
    %swap3A_73 = arith.constant 64 : index
    %swap3A_74 = tpu.vector_load %arg7[%swap3A_73] {strides = array<i32>} : memref<96xi32, #tpu.memory_space<vmem>>, vector<16xi32>,
    %swap3A_75 = vector.shape_cast %swap3A_74 : vector<16xi32> to vector<16xi32>
    %swap3A_76 = vector.shape_cast %shift_right_logical3A_72 : vector<16xi32> to vector<16xi32>
    tpu.vector_store %arg7[%swap3A_73], %swap3A_76 {strides = array<i32>} : memref<96xi32, #tpu.memory_space<vmem>>, vector<16xi32>,
    %and3A_77 = arith.constant 32767 : i32
    %and3A_78 = vector.broadcast %and3A_77 : i32 to vector<16xi32>
    %and3A_79 = arith.andi %get3A_69, %and3A_78 : vector<16xi32>
    %swap3A_80 = arith.constant 64 : index
    %swap3A_81 = tpu.vector_load %arg8[%swap3A_80] {strides = array<i32>} : memref<96xi32, #tpu.memory_space<vmem>>, vector<16xi32>,
    %swap3A_82 = vector.shape_cast %swap3A_81 : vector<16xi32> to vector<16xi32>
    %swap3A_83 = vector.shape_cast %and3A_79 : vector<16xi32> to vector<16xi32>
    tpu.vector_store %arg8[%swap3A_80], %swap3A_83 {strides = array<i32>} : memref<96xi32, #tpu.memory_space<vmem>>, vector<16xi32>,
    %get3A_84 = arith.constant 80 : index
    %get3A_85 = tpu.vector_load %arg6[%get3A_84] {strides = array<i32>} : memref<10080xi32, #tpu.memory_space<vmem>>, vector<16xi32>,
    %get3A_86 = vector.shape_cast %get3A_85 : vector<16xi32> to vector<16xi32>
    %shift_right_logical3A_87 = arith.constant 15 : i32
    %shift_right_logical3A_88 = vector.broadcast %shift_right_logical3A_87 : i32 to vector<16xi32>
    %shift_right_logical3A_89 = arith.shrui %get3A_86, %shift_right_logical3A_88 : vector<16xi32>
    %swap3A_90 = arith.constant 80 : index
    %swap3A_91 = tpu.vector_load %arg7[%swap3A_90] {strides = array<i32>} : memref<96xi32, #tpu.memory_space<vmem>>, vector<16xi32>,
    %swap3A_92 = vector.shape_cast %swap3A_91 : vector<16xi32> to vector<16xi32>
    %swap3A_93 = vector.shape_cast %shift_right_logical3A_89 : vector<16xi32> to vector<16xi32>
    tpu.vector_store %arg7[%swap3A_90], %swap3A_93 {strides = array<i32>} : memref<96xi32, #tpu.memory_space<vmem>>, vector<16xi32>,
    %and3A_94 = arith.constant 32767 : i32
    %and3A_95 = vector.broadcast %and3A_94 : i32 to vector<16xi32>
    %and3A_96 = arith.andi %get3A_86, %and3A_95 : vector<16xi32>
    %swap3A_97 = arith.constant 80 : index
    %swap3A_98 = tpu.vector_load %arg8[%swap3A_97] {strides = array<i32>} : memref<96xi32, #tpu.memory_space<vmem>>, vector<16xi32>,
    %swap3A_99 = vector.shape_cast %swap3A_98 : vector<16xi32> to vector<16xi32>
    %swap3A_100 = vector.shape_cast %and3A_96 : vector<16xi32> to vector<16xi32>
    tpu.vector_store %arg8[%swap3A_97], %swap3A_100 {strides = array<i32>} : memref<96xi32, #tpu.memory_space<vmem>>, vector<16xi32>,
    %dma_start3A = arith.constant 0 : i32
    %dma_start3A_101 = arith.constant 0 : i32
    %dma_start3A_102 = tpu.memref_slice %arg2[%dma_start3A, %dma_start3A_101] : memref<10240x128xf32, #tpu.memory_space<hbm>> -> memref<10240x128xf32, #tpu.memory_space<hbm>>
    tpu.enqueue_indirect_dma source(%dma_start3A_102 : memref<10240x128xf32, #tpu.memory_space<hbm>>) target(%arg13 : memref<96x128xf32, #tpu.memory_space<vmem>>) offsets(%arg7 : memref<96xi32, #tpu.memory_space<vmem>>) semaphore(%arg17 : memref<!tpu.dma_semaphore, #tpu.memory_space<semaphore_mem>>)
    %get3A_103 = arith.constant 96 : index
    %get3A_104 = tpu.vector_load %arg6[%get3A_103] {strides = array<i32>} : memref<10080xi32, #tpu.memory_space<vmem>>, vector<16xi32>,
    %get3A_105 = vector.shape_cast %get3A_104 : vector<16xi32> to vector<16xi32>
    %shift_right_logical3A_106 = arith.constant 15 : i32
    %shift_right_logical3A_107 = vector.broadcast %shift_right_logical3A_106 : i32 to vector<16xi32>
    %shift_right_logical3A_108 = arith.shrui %get3A_105, %shift_right_logical3A_107 : vector<16xi32>
    %swap3A_109 = arith.constant 0 : index
    %swap3A_110 = tpu.vector_load %arg9[%swap3A_109] {strides = array<i32>} : memref<96xi32, #tpu.memory_space<vmem>>, vector<16xi32>,
    %swap3A_111 = vector.shape_cast %swap3A_110 : vector<16xi32> to vector<16xi32>
    %swap3A_112 = vector.shape_cast %shift_right_logical3A_108 : vector<16xi32> to vector<16xi32>
    tpu.vector_store %arg9[%swap3A_109], %swap3A_112 {strides = array<i32>} : memref<96xi32, #tpu.memory_space<vmem>>, vector<16xi32>,
    %and3A_113 = arith.constant 32767 : i32
    %and3A_114 = vector.broadcast %and3A_113 : i32 to vector<16xi32>
    %and3A_115 = arith.andi %get3A_105, %and3A_114 : vector<16xi32>
    %swap3A_116 = arith.constant 0 : index
    %swap3A_117 = tpu.vector_load %arg10[%swap3A_116] {strides = array<i32>} : memref<96xi32, #tpu.memory_space<vmem>>, vector<16xi32>,
    %swap3A_118 = vector.shape_cast %swap3A_117 : vector<16xi32> to vector<16xi32>
    %swap3A_119 = vector.shape_cast %and3A_115 : vector<16xi32> to vector<16xi32>
    tpu.vector_store %arg10[%swap3A_116], %swap3A_119 {strides = array<i32>} : memref<96xi32, #tpu.memory_space<vmem>>, vector<16xi32>,
    %get3A_120 = arith.constant 112 : index
    %get3A_121 = tpu.vector_load %arg6[%get3A_120] {strides = array<i32>} : memref<10080xi32, #tpu.memory_space<vmem>>, vector<16xi32>,
    %get3A_122 = vector.shape_cast %get3A_121 : vector<16xi32> to vector<16xi32>
    %shift_right_logical3A_123 = arith.constant 15 : i32
    %shift_right_logical3A_124 = vector.broadcast %shift_right_logical3A_123 : i32 to vector<16xi32>
    %shift_right_logical3A_125 = arith.shrui %get3A_122, %shift_right_logical3A_124 : vector<16xi32>
    %swap3A_126 = arith.constant 16 : index
    %swap3A_127 = tpu.vector_load %arg9[%swap3A_126] {strides = array<i32>} : memref<96xi32, #tpu.memory_space<vmem>>, vector<16xi32>,
    %swap3A_128 = vector.shape_cast %swap3A_127 : vector<16xi32> to vector<16xi32>
    %swap3A_129 = vector.shape_cast %shift_right_logical3A_125 : vector<16xi32> to vector<16xi32>
    tpu.vector_store %arg9[%swap3A_126], %swap3A_129 {strides = array<i32>} : memref<96xi32, #tpu.memory_space<vmem>>, vector<16xi32>,
    %and3A_130 = arith.constant 32767 : i32
    %and3A_131 = vector.broadcast %and3A_130 : i32 to vector<16xi32>
    %and3A_132 = arith.andi %get3A_122, %and3A_131 : vector<16xi32>
    %swap3A_133 = arith.constant 16 : index
    %swap3A_134 = tpu.vector_load %arg10[%swap3A_133] {strides = array<i32>} : memref<96xi32, #tpu.memory_space<vmem>>, vector<16xi32>,
    %swap3A_135 = vector.shape_cast %swap3A_134 : vector<16xi32> to vector<16xi32>
    %swap3A_136 = vector.shape_cast %and3A_132 : vector<16xi32> to vector<16xi32>
    tpu.vector_store %arg10[%swap3A_133], %swap3A_136 {strides = array<i32>} : memref<96xi32, #tpu.memory_space<vmem>>, vector<16xi32>,
    %get3A_137 = arith.constant 128 : index
    %get3A_138 = tpu.vector_load %arg6[%get3A_137] {strides = array<i32>} : memref<10080xi32, #tpu.memory_space<vmem>>, vector<16xi32>,
    %get3A_139 = vector.shape_cast %get3A_138 : vector<16xi32> to vector<16xi32>
    %shift_right_logical3A_140 = arith.constant 15 : i32
    %shift_right_logical3A_141 = vector.broadcast %shift_right_logical3A_140 : i32 to vector<16xi32>
    %shift_right_logical3A_142 = arith.shrui %get3A_139, %shift_right_logical3A_141 : vector<16xi32>
    %swap3A_143 = arith.constant 32 : index
    %swap3A_144 = tpu.vector_load %arg9[%swap3A_143] {strides = array<i32>} : memref<96xi32, #tpu.memory_space<vmem>>, vector<16xi32>,
    %swap3A_145 = vector.shape_cast %swap3A_144 : vector<16xi32> to vector<16xi32>
    %swap3A_146 = vector.shape_cast %shift_right_logical3A_142 : vector<16xi32> to vector<16xi32>
    tpu.vector_store %arg9[%swap3A_143], %swap3A_146 {strides = array<i32>} : memref<96xi32, #tpu.memory_space<vmem>>, vector<16xi32>,
    %and3A_147 = arith.constant 32767 : i32
    %and3A_148 = vector.broadcast %and3A_147 : i32 to vector<16xi32>
    %and3A_149 = arith.andi %get3A_139, %and3A_148 : vector<16xi32>
    %swap3A_150 = arith.constant 32 : index
    %swap3A_151 = tpu.vector_load %arg10[%swap3A_150] {strides = array<i32>} : memref<96xi32, #tpu.memory_space<vmem>>, vector<16xi32>,
    %swap3A_152 = vector.shape_cast %swap3A_151 : vector<16xi32> to vector<16xi32>
    %swap3A_153 = vector.shape_cast %and3A_149 : vector<16xi32> to vector<16xi32>
    tpu.vector_store %arg10[%swap3A_150], %swap3A_153 {strides = array<i32>} : memref<96xi32, #tpu.memory_space<vmem>>, vector<16xi32>,
    %get3A_154 = arith.constant 144 : index
    %get3A_155 = tpu.vector_load %arg6[%get3A_154] {strides = array<i32>} : memref<10080xi32, #tpu.memory_space<vmem>>, vector<16xi32>,
    %get3A_156 = vector.shape_cast %get3A_155 : vector<16xi32> to vector<16xi32>
    %shift_right_logical3A_157 = arith.constant 15 : i32
    %shift_right_logical3A_158 = vector.broadcast %shift_right_logical3A_157 : i32 to vector<16xi32>
    %shift_right_logical3A_159 = arith.shrui %get3A_156, %shift_right_logical3A_158 : vector<16xi32>
    %swap3A_160 = arith.constant 48 : index
    %swap3A_161 = tpu.vector_load %arg9[%swap3A_160] {strides = array<i32>} : memref<96xi32, #tpu.memory_space<vmem>>, vector<16xi32>,
    %swap3A_162 = vector.shape_cast %swap3A_161 : vector<16xi32> to vector<16xi32>
    %swap3A_163 = vector.shape_cast %shift_right_logical3A_159 : vector<16xi32> to vector<16xi32>
    tpu.vector_store %arg9[%swap3A_160], %swap3A_163 {strides = array<i32>} : memref<96xi32, #tpu.memory_space<vmem>>, vector<16xi32>,
    %and3A_164 = arith.constant 32767 : i32
    %and3A_165 = vector.broadcast %and3A_164 : i32 to vector<16xi32>
    %and3A_166 = arith.andi %get3A_156, %and3A_165 : vector<16xi32>
    %swap3A_167 = arith.constant 48 : index
    %swap3A_168 = tpu.vector_load %arg10[%swap3A_167] {strides = array<i32>} : memref<96xi32, #tpu.memory_space<vmem>>, vector<16xi32>,
    %swap3A_169 = vector.shape_cast %swap3A_168 : vector<16xi32> to vector<16xi32>
    %swap3A_170 = vector.shape_cast %and3A_166 : vector<16xi32> to vector<16xi32>
    tpu.vector_store %arg10[%swap3A_167], %swap3A_170 {strides = array<i32>} : memref<96xi32, #tpu.memory_space<vmem>>, vector<16xi32>,
    %get3A_171 = arith.constant 160 : index
    %get3A_172 = tpu.vector_load %arg6[%get3A_171] {strides = array<i32>} : memref<10080xi32, #tpu.memory_space<vmem>>, vector<16xi32>,
    %get3A_173 = vector.shape_cast %get3A_172 : vector<16xi32> to vector<16xi32>
    %shift_right_logical3A_174 = arith.constant 15 : i32
    %shift_right_logical3A_175 = vector.broadcast %shift_right_logical3A_174 : i32 to vector<16xi32>
    %shift_right_logical3A_176 = arith.shrui %get3A_173, %shift_right_logical3A_175 : vector<16xi32>
    %swap3A_177 = arith.constant 64 : index
    %swap3A_178 = tpu.vector_load %arg9[%swap3A_177] {strides = array<i32>} : memref<96xi32, #tpu.memory_space<vmem>>, vector<16xi32>,
    %swap3A_179 = vector.shape_cast %swap3A_178 : vector<16xi32> to vector<16xi32>
    %swap3A_180 = vector.shape_cast %shift_right_logical3A_176 : vector<16xi32> to vector<16xi32>
    tpu.vector_store %arg9[%swap3A_177], %swap3A_180 {strides = array<i32>} : memref<96xi32, #tpu.memory_space<vmem>>, vector<16xi32>,
    %and3A_181 = arith.constant 32767 : i32
    %and3A_182 = vector.broadcast %and3A_181 : i32 to vector<16xi32>
    %and3A_183 = arith.andi %get3A_173, %and3A_182 : vector<16xi32>
    %swap3A_184 = arith.constant 64 : index
    %swap3A_185 = tpu.vector_load %arg10[%swap3A_184] {strides = array<i32>} : memref<96xi32, #tpu.memory_space<vmem>>, vector<16xi32>,
    %swap3A_186 = vector.shape_cast %swap3A_185 : vector<16xi32> to vector<16xi32>
    %swap3A_187 = vector.shape_cast %and3A_183 : vector<16xi32> to vector<16xi32>
    tpu.vector_store %arg10[%swap3A_184], %swap3A_187 {strides = array<i32>} : memref<96xi32, #tpu.memory_space<vmem>>, vector<16xi32>,
    %get3A_188 = arith.constant 176 : index
    %get3A_189 = tpu.vector_load %arg6[%get3A_188] {strides = array<i32>} : memref<10080xi32, #tpu.memory_space<vmem>>, vector<16xi32>,
    %get3A_190 = vector.shape_cast %get3A_189 : vector<16xi32> to vector<16xi32>
    %shift_right_logical3A_191 = arith.constant 15 : i32
    %shift_right_logical3A_192 = vector.broadcast %shift_right_logical3A_191 : i32 to vector<16xi32>
    %shift_right_logical3A_193 = arith.shrui %get3A_190, %shift_right_logical3A_192 : vector<16xi32>
    %swap3A_194 = arith.constant 80 : index
    %swap3A_195 = tpu.vector_load %arg9[%swap3A_194] {strides = array<i32>} : memref<96xi32, #tpu.memory_space<vmem>>, vector<16xi32>,
    %swap3A_196 = vector.shape_cast %swap3A_195 : vector<16xi32> to vector<16xi32>
    %swap3A_197 = vector.shape_cast %shift_right_logical3A_193 : vector<16xi32> to vector<16xi32>
    tpu.vector_store %arg9[%swap3A_194], %swap3A_197 {strides = array<i32>} : memref<96xi32, #tpu.memory_space<vmem>>, vector<16xi32>,
    %and3A_198 = arith.constant 32767 : i32
    %and3A_199 = vector.broadcast %and3A_198 : i32 to vector<16xi32>
    %and3A_200 = arith.andi %get3A_190, %and3A_199 : vector<16xi32>
    %swap3A_201 = arith.constant 80 : index
    %swap3A_202 = tpu.vector_load %arg10[%swap3A_201] {strides = array<i32>} : memref<96xi32, #tpu.memory_space<vmem>>, vector<16xi32>,
    %swap3A_203 = vector.shape_cast %swap3A_202 : vector<16xi32> to vector<16xi32>
    %swap3A_204 = vector.shape_cast %and3A_200 : vector<16xi32> to vector<16xi32>
    tpu.vector_store %arg10[%swap3A_201], %swap3A_204 {strides = array<i32>} : memref<96xi32, #tpu.memory_space<vmem>>, vector<16xi32>,
    %dma_start3A_205 = arith.constant 0 : i32
    %dma_start3A_206 = arith.constant 0 : i32
    %dma_start3A_207 = tpu.memref_slice %arg2[%dma_start3A_205, %dma_start3A_206] : memref<10240x128xf32, #tpu.memory_space<hbm>> -> memref<10240x128xf32, #tpu.memory_space<hbm>>
    tpu.enqueue_indirect_dma source(%dma_start3A_207 : memref<10240x128xf32, #tpu.memory_space<hbm>>) target(%arg14 : memref<96x128xf32, #tpu.memory_space<vmem>>) offsets(%arg9 : memref<96xi32, #tpu.memory_space<vmem>>) semaphore(%arg18 : memref<!tpu.dma_semaphore, #tpu.memory_space<semaphore_mem>>)
    %get3A_208 = arith.constant 192 : index
    %get3A_209 = tpu.vector_load %arg6[%get3A_208] {strides = array<i32>} : memref<10080xi32, #tpu.memory_space<vmem>>, vector<16xi32>,
    %get3A_210 = vector.shape_cast %get3A_209 : vector<16xi32> to vector<16xi32>
    %shift_right_logical3A_211 = arith.constant 15 : i32
    %shift_right_logical3A_212 = vector.broadcast %shift_right_logical3A_211 : i32 to vector<16xi32>
    %shift_right_logical3A_213 = arith.shrui %get3A_210, %shift_right_logical3A_212 : vector<16xi32>
    %swap3A_214 = arith.constant 0 : index
    %swap3A_215 = tpu.vector_load %arg11[%swap3A_214] {strides = array<i32>} : memref<96xi32, #tpu.memory_space<vmem>>, vector<16xi32>,
    %swap3A_216 = vector.shape_cast %swap3A_215 : vector<16xi32> to vector<16xi32>
    %swap3A_217 = vector.shape_cast %shift_right_logical3A_213 : vector<16xi32> to vector<16xi32>
    tpu.vector_store %arg11[%swap3A_214], %swap3A_217 {strides = array<i32>} : memref<96xi32, #tpu.memory_space<vmem>>, vector<16xi32>,
    %and3A_218 = arith.constant 32767 : i32
    %and3A_219 = vector.broadcast %and3A_218 : i32 to vector<16xi32>
    %and3A_220 = arith.andi %get3A_210, %and3A_219 : vector<16xi32>
    %swap3A_221 = arith.constant 0 : index
    %swap3A_222 = tpu.vector_load %arg12[%swap3A_221] {strides = array<i32>} : memref<96xi32, #tpu.memory_space<vmem>>, vector<16xi32>,
    %swap3A_223 = vector.shape_cast %swap3A_222 : vector<16xi32> to vector<16xi32>
    %swap3A_224 = vector.shape_cast %and3A_220 : vector<16xi32> to vector<16xi32>
    tpu.vector_store %arg12[%swap3A_221], %swap3A_224 {strides = array<i32>} : memref<96xi32, #tpu.memory_space<vmem>>, vector<16xi32>,
    %get3A_225 = arith.constant 208 : index
    %get3A_226 = tpu.vector_load %arg6[%get3A_225] {strides = array<i32>} : memref<10080xi32, #tpu.memory_space<vmem>>, vector<16xi32>,
    %get3A_227 = vector.shape_cast %get3A_226 : vector<16xi32> to vector<16xi32>
    %shift_right_logical3A_228 = arith.constant 15 : i32
    %shift_right_logical3A_229 = vector.broadcast %shift_right_logical3A_228 : i32 to vector<16xi32>
    %shift_right_logical3A_230 = arith.shrui %get3A_227, %shift_right_logical3A_229 : vector<16xi32>
    %swap3A_231 = arith.constant 16 : index
    %swap3A_232 = tpu.vector_load %arg11[%swap3A_231] {strides = array<i32>} : memref<96xi32, #tpu.memory_space<vmem>>, vector<16xi32>,
    %swap3A_233 = vector.shape_cast %swap3A_232 : vector<16xi32> to vector<16xi32>
    %swap3A_234 = vector.shape_cast %shift_right_logical3A_230 : vector<16xi32> to vector<16xi32>
    tpu.vector_store %arg11[%swap3A_231], %swap3A_234 {strides = array<i32>} : memref<96xi32, #tpu.memory_space<vmem>>, vector<16xi32>,
    %and3A_235 = arith.constant 32767 : i32
    %and3A_236 = vector.broadcast %and3A_235 : i32 to vector<16xi32>
    %and3A_237 = arith.andi %get3A_227, %and3A_236 : vector<16xi32>
    %swap3A_238 = arith.constant 16 : index
    %swap3A_239 = tpu.vector_load %arg12[%swap3A_238] {strides = array<i32>} : memref<96xi32, #tpu.memory_space<vmem>>, vector<16xi32>,
    %swap3A_240 = vector.shape_cast %swap3A_239 : vector<16xi32> to vector<16xi32>
    %swap3A_241 = vector.shape_cast %and3A_237 : vector<16xi32> to vector<16xi32>
    tpu.vector_store %arg12[%swap3A_238], %swap3A_241 {strides = array<i32>} : memref<96xi32, #tpu.memory_space<vmem>>, vector<16xi32>,
    %get3A_242 = arith.constant 224 : index
    %get3A_243 = tpu.vector_load %arg6[%get3A_242] {strides = array<i32>} : memref<10080xi32, #tpu.memory_space<vmem>>, vector<16xi32>,
    %get3A_244 = vector.shape_cast %get3A_243 : vector<16xi32> to vector<16xi32>
    %shift_right_logical3A_245 = arith.constant 15 : i32
    %shift_right_logical3A_246 = vector.broadcast %shift_right_logical3A_245 : i32 to vector<16xi32>
    %shift_right_logical3A_247 = arith.shrui %get3A_244, %shift_right_logical3A_246 : vector<16xi32>
    %swap3A_248 = arith.constant 32 : index
    %swap3A_249 = tpu.vector_load %arg11[%swap3A_248] {strides = array<i32>} : memref<96xi32, #tpu.memory_space<vmem>>, vector<16xi32>,
    %swap3A_250 = vector.shape_cast %swap3A_249 : vector<16xi32> to vector<16xi32>
    %swap3A_251 = vector.shape_cast %shift_right_logical3A_247 : vector<16xi32> to vector<16xi32>
    tpu.vector_store %arg11[%swap3A_248], %swap3A_251 {strides = array<i32>} : memref<96xi32, #tpu.memory_space<vmem>>, vector<16xi32>,
    %and3A_252 = arith.constant 32767 : i32
    %and3A_253 = vector.broadcast %and3A_252 : i32 to vector<16xi32>
    %and3A_254 = arith.andi %get3A_244, %and3A_253 : vector<16xi32>
    %swap3A_255 = arith.constant 32 : index
    %swap3A_256 = tpu.vector_load %arg12[%swap3A_255] {strides = array<i32>} : memref<96xi32, #tpu.memory_space<vmem>>, vector<16xi32>,
    %swap3A_257 = vector.shape_cast %swap3A_256 : vector<16xi32> to vector<16xi32>
    %swap3A_258 = vector.shape_cast %and3A_254 : vector<16xi32> to vector<16xi32>
    tpu.vector_store %arg12[%swap3A_255], %swap3A_258 {strides = array<i32>} : memref<96xi32, #tpu.memory_space<vmem>>, vector<16xi32>,
    %get3A_259 = arith.constant 240 : index
    %get3A_260 = tpu.vector_load %arg6[%get3A_259] {strides = array<i32>} : memref<10080xi32, #tpu.memory_space<vmem>>, vector<16xi32>,
    %get3A_261 = vector.shape_cast %get3A_260 : vector<16xi32> to vector<16xi32>
    %shift_right_logical3A_262 = arith.constant 15 : i32
    %shift_right_logical3A_263 = vector.broadcast %shift_right_logical3A_262 : i32 to vector<16xi32>
    %shift_right_logical3A_264 = arith.shrui %get3A_261, %shift_right_logical3A_263 : vector<16xi32>
    %swap3A_265 = arith.constant 48 : index
    %swap3A_266 = tpu.vector_load %arg11[%swap3A_265] {strides = array<i32>} : memref<96xi32, #tpu.memory_space<vmem>>, vector<16xi32>,
    %swap3A_267 = vector.shape_cast %swap3A_266 : vector<16xi32> to vector<16xi32>
    %swap3A_268 = vector.shape_cast %shift_right_logical3A_264 : vector<16xi32> to vector<16xi32>
    tpu.vector_store %arg11[%swap3A_265], %swap3A_268 {strides = array<i32>} : memref<96xi32, #tpu.memory_space<vmem>>, vector<16xi32>,
    %and3A_269 = arith.constant 32767 : i32
    %and3A_270 = vector.broadcast %and3A_269 : i32 to vector<16xi32>
    %and3A_271 = arith.andi %get3A_261, %and3A_270 : vector<16xi32>
    %swap3A_272 = arith.constant 48 : index
    %swap3A_273 = tpu.vector_load %arg12[%swap3A_272] {strides = array<i32>} : memref<96xi32, #tpu.memory_space<vmem>>, vector<16xi32>,
    %swap3A_274 = vector.shape_cast %swap3A_273 : vector<16xi32> to vector<16xi32>
    %swap3A_275 = vector.shape_cast %and3A_271 : vector<16xi32> to vector<16xi32>
    tpu.vector_store %arg12[%swap3A_272], %swap3A_275 {strides = array<i32>} : memref<96xi32, #tpu.memory_space<vmem>>, vector<16xi32>,
    %get3A_276 = arith.constant 256 : index
    %get3A_277 = tpu.vector_load %arg6[%get3A_276] {strides = array<i32>} : memref<10080xi32, #tpu.memory_space<vmem>>, vector<16xi32>,
    %get3A_278 = vector.shape_cast %get3A_277 : vector<16xi32> to vector<16xi32>
    %shift_right_logical3A_279 = arith.constant 15 : i32
    %shift_right_logical3A_280 = vector.broadcast %shift_right_logical3A_279 : i32 to vector<16xi32>
    %shift_right_logical3A_281 = arith.shrui %get3A_278, %shift_right_logical3A_280 : vector<16xi32>
    %swap3A_282 = arith.constant 64 : index
    %swap3A_283 = tpu.vector_load %arg11[%swap3A_282] {strides = array<i32>} : memref<96xi32, #tpu.memory_space<vmem>>, vector<16xi32>,
    %swap3A_284 = vector.shape_cast %swap3A_283 : vector<16xi32> to vector<16xi32>
    %swap3A_285 = vector.shape_cast %shift_right_logical3A_281 : vector<16xi32> to vector<16xi32>
    tpu.vector_store %arg11[%swap3A_282], %swap3A_285 {strides = array<i32>} : memref<96xi32, #tpu.memory_space<vmem>>, vector<16xi32>,
    %and3A_286 = arith.constant 32767 : i32
    %and3A_287 = vector.broadcast %and3A_286 : i32 to vector<16xi32>
    %and3A_288 = arith.andi %get3A_278, %and3A_287 : vector<16xi32>
    %swap3A_289 = arith.constant 64 : index
    %swap3A_290 = tpu.vector_load %arg12[%swap3A_289] {strides = array<i32>} : memref<96xi32, #tpu.memory_space<vmem>>, vector<16xi32>,
    %swap3A_291 = vector.shape_cast %swap3A_290 : vector<16xi32> to vector<16xi32>
    %swap3A_292 = vector.shape_cast %and3A_288 : vector<16xi32> to vector<16xi32>
    tpu.vector_store %arg12[%swap3A_289], %swap3A_292 {strides = array<i32>} : memref<96xi32, #tpu.memory_space<vmem>>, vector<16xi32>,
    %get3A_293 = arith.constant 272 : index
    %get3A_294 = tpu.vector_load %arg6[%get3A_293] {strides = array<i32>} : memref<10080xi32, #tpu.memory_space<vmem>>, vector<16xi32>,
    %get3A_295 = vector.shape_cast %get3A_294 : vector<16xi32> to vector<16xi32>
    %shift_right_logical3A_296 = arith.constant 15 : i32
    %shift_right_logical3A_297 = vector.broadcast %shift_right_logical3A_296 : i32 to vector<16xi32>
    %shift_right_logical3A_298 = arith.shrui %get3A_295, %shift_right_logical3A_297 : vector<16xi32>
    %swap3A_299 = arith.constant 80 : index
    %swap3A_300 = tpu.vector_load %arg11[%swap3A_299] {strides = array<i32>} : memref<96xi32, #tpu.memory_space<vmem>>, vector<16xi32>,
    %swap3A_301 = vector.shape_cast %swap3A_300 : vector<16xi32> to vector<16xi32>
    %swap3A_302 = vector.shape_cast %shift_right_logical3A_298 : vector<16xi32> to vector<16xi32>
    tpu.vector_store %arg11[%swap3A_299], %swap3A_302 {strides = array<i32>} : memref<96xi32, #tpu.memory_space<vmem>>, vector<16xi32>,
    %and3A_303 = arith.constant 32767 : i32
    %and3A_304 = vector.broadcast %and3A_303 : i32 to vector<16xi32>
    %and3A_305 = arith.andi %get3A_295, %and3A_304 : vector<16xi32>
    %swap3A_306 = arith.constant 80 : index
    %swap3A_307 = tpu.vector_load %arg12[%swap3A_306] {strides = array<i32>} : memref<96xi32, #tpu.memory_space<vmem>>, vector<16xi32>,
    %swap3A_308 = vector.shape_cast %swap3A_307 : vector<16xi32> to vector<16xi32>
    %swap3A_309 = vector.shape_cast %and3A_305 : vector<16xi32> to vector<16xi32>
    tpu.vector_store %arg12[%swap3A_306], %swap3A_309 {strides = array<i32>} : memref<96xi32, #tpu.memory_space<vmem>>, vector<16xi32>,
    %dma_start3A_310 = arith.constant 0 : i32
    %dma_start3A_311 = arith.constant 0 : i32
    %dma_start3A_312 = tpu.memref_slice %arg2[%dma_start3A_310, %dma_start3A_311] : memref<10240x128xf32, #tpu.memory_space<hbm>> -> memref<10240x128xf32, #tpu.memory_space<hbm>>
    tpu.enqueue_indirect_dma source(%dma_start3A_312 : memref<10240x128xf32, #tpu.memory_space<hbm>>) target(%arg15 : memref<96x128xf32, #tpu.memory_space<vmem>>) offsets(%arg11 : memref<96xi32, #tpu.memory_space<vmem>>) semaphore(%arg19 : memref<!tpu.dma_semaphore, #tpu.memory_space<semaphore_mem>>)
    %scan3A = arith.constant 0 : i32
    %scan3A_313 = arith.constant 0 : i32
    %scan3A_314 = arith.constant 35 : i32
    %scan3A_315 = arith.addi %scan3A_313, %scan3A_314 : i32
    %scan3A_316 = arith.constant 1 : i32
    scf.for %scan3A_323 = %scan3A_313 to %scan3A_315 step %scan3A_316  : i32 {
      %mul3A_324 = arith.constant 3 : i32
      %mul3A_325 = arith.muli %mul3A_324, %scan3A_323 : i32
      %add3A_326 = arith.constant 0 : i32
      %add3A_327 = arith.addi %mul3A_325, %add3A_326 : i32
      %dma_wait3A = arith.constant 0 : i32
      %dma_wait3A_328 = arith.constant 0 : i32
      %dma_wait3A_329 = tpu.memref_slice %arg2[%dma_wait3A, %dma_wait3A_328] : memref<10240x128xf32, #tpu.memory_space<hbm>> -> memref<10240x128xf32, #tpu.memory_space<hbm>>
      tpu.wait_indirect_dma semaphore(%arg17 : memref<!tpu.dma_semaphore, #tpu.memory_space<semaphore_mem>>) src(%dma_wait3A_329 : memref<10240x128xf32, #tpu.memory_space<hbm>>) dst(%arg13 : memref<96x128xf32, #tpu.memory_space<vmem>>)
      "tpu.region"() ({
        %run_scoped3A = tpu.sem_alloc : memref<!tpu.dma_semaphore, #tpu.memory_space<semaphore_mem>>
        %dma_start3A_352 = arith.constant 0 : i32
        %dma_start3A_353 = arith.constant 0 : i32
        %dma_start3A_354 = tpu.memref_slice %arg16[%dma_start3A_352, %dma_start3A_353] : memref<10112x128xf32, #tpu.memory_space<vmem_shared>> -> memref<10112x128xf32, #tpu.memory_space<vmem_shared>>
        tpu.enqueue_indirect_dma source(%arg13 : memref<96x128xf32, #tpu.memory_space<vmem>>) target(%dma_start3A_354 : memref<10112x128xf32, #tpu.memory_space<vmem_shared>>) offsets(%arg8 : memref<96xi32, #tpu.memory_space<vmem>>) semaphore(%run_scoped3A : memref<!tpu.dma_semaphore, #tpu.memory_space<semaphore_mem>>) {add = true}
        %dma_wait3A_355 = arith.constant 0 : i32
        %dma_wait3A_356 = arith.constant 0 : i32
        %dma_wait3A_357 = tpu.memref_slice %arg16[%dma_wait3A_355, %dma_wait3A_356] : memref<10112x128xf32, #tpu.memory_space<vmem_shared>> -> memref<10112x128xf32, #tpu.memory_space<vmem_shared>>
        tpu.wait_indirect_dma semaphore(%run_scoped3A : memref<!tpu.dma_semaphore, #tpu.memory_space<semaphore_mem>>) src(%arg13 : memref<96x128xf32, #tpu.memory_space<vmem>>) dst(%dma_wait3A_357 : memref<10112x128xf32, #tpu.memory_space<vmem_shared>>)
        tpu.yield
      }) : () -> ()
      %lt3A = arith.constant 34 : i32
      %lt3A_330 = arith.cmpi slt, %scan3A_323, %lt3A : i32
      %convert_element_type3A = arith.extui %lt3A_330 : i1 to i32
      %cond3A = arith.constant 0 : i32
      %cond3A_331 = arith.cmpi ne, %convert_element_type3A, %cond3A : i32
      scf.if %cond3A_331 {
        %add3A_352 = arith.constant 3 : i32
        %add3A_353 = arith.addi %add3A_327, %add3A_352 : i32
        %mul3A_354 = arith.constant 96 : i32
        %mul3A_355 = arith.muli %add3A_353, %mul3A_354 : i32
        %add3A_356 = arith.constant 0 : i32
        %add3A_357 = arith.addi %mul3A_355, %add3A_356 : i32
        %get3A_358 = arith.index_cast %add3A_357 : i32 to index
        %get3A_359 = tpu.vector_load %arg6[%get3A_358] {strides = array<i32>} : memref<10080xi32, #tpu.memory_space<vmem>>, vector<16xi32>,
        %get3A_360 = vector.shape_cast %get3A_359 : vector<16xi32> to vector<16xi32>
        %shift_right_logical3A_361 = arith.constant 15 : i32
        %shift_right_logical3A_362 = vector.broadcast %shift_right_logical3A_361 : i32 to vector<16xi32>
        %shift_right_logical3A_363 = arith.shrui %get3A_360, %shift_right_logical3A_362 : vector<16xi32>
        %swap3A_364 = arith.constant 0 : index
        %swap3A_365 = tpu.vector_load %arg7[%swap3A_364] {strides = array<i32>} : memref<96xi32, #tpu.memory_space<vmem>>, vector<16xi32>,
        %swap3A_366 = vector.shape_cast %swap3A_365 : vector<16xi32> to vector<16xi32>
        %swap3A_367 = vector.shape_cast %shift_right_logical3A_363 : vector<16xi32> to vector<16xi32>
        tpu.vector_store %arg7[%swap3A_364], %swap3A_367 {strides = array<i32>} : memref<96xi32, #tpu.memory_space<vmem>>, vector<16xi32>,
        %and3A_368 = arith.constant 32767 : i32
        %and3A_369 = vector.broadcast %and3A_368 : i32 to vector<16xi32>
        %and3A_370 = arith.andi %get3A_360, %and3A_369 : vector<16xi32>
        %swap3A_371 = arith.constant 0 : index
        %swap3A_372 = tpu.vector_load %arg8[%swap3A_371] {strides = array<i32>} : memref<96xi32, #tpu.memory_space<vmem>>, vector<16xi32>,
        %swap3A_373 = vector.shape_cast %swap3A_372 : vector<16xi32> to vector<16xi32>
        %swap3A_374 = vector.shape_cast %and3A_370 : vector<16xi32> to vector<16xi32>
        tpu.vector_store %arg8[%swap3A_371], %swap3A_374 {strides = array<i32>} : memref<96xi32, #tpu.memory_space<vmem>>, vector<16xi32>,
        %mul3A_375 = arith.constant 96 : i32
        %mul3A_376 = arith.muli %add3A_353, %mul3A_375 : i32
        %add3A_377 = arith.constant 16 : i32
        %add3A_378 = arith.addi %mul3A_376, %add3A_377 : i32
        %get3A_379 = arith.index_cast %add3A_378 : i32 to index
        %get3A_380 = tpu.vector_load %arg6[%get3A_379] {strides = array<i32>} : memref<10080xi32, #tpu.memory_space<vmem>>, vector<16xi32>,
        %get3A_381 = vector.shape_cast %get3A_380 : vector<16xi32> to vector<16xi32>
        %shift_right_logical3A_382 = arith.constant 15 : i32
        %shift_right_logical3A_383 = vector.broadcast %shift_right_logical3A_382 : i32 to vector<16xi32>
        %shift_right_logical3A_384 = arith.shrui %get3A_381, %shift_right_logical3A_383 : vector<16xi32>
        %swap3A_385 = arith.constant 16 : index
        %swap3A_386 = tpu.vector_load %arg7[%swap3A_385] {strides = array<i32>} : memref<96xi32, #tpu.memory_space<vmem>>, vector<16xi32>,
        %swap3A_387 = vector.shape_cast %swap3A_386 : vector<16xi32> to vector<16xi32>
        %swap3A_388 = vector.shape_cast %shift_right_logical3A_384 : vector<16xi32> to vector<16xi32>
        tpu.vector_store %arg7[%swap3A_385], %swap3A_388 {strides = array<i32>} : memref<96xi32, #tpu.memory_space<vmem>>, vector<16xi32>,
        %and3A_389 = arith.constant 32767 : i32
        %and3A_390 = vector.broadcast %and3A_389 : i32 to vector<16xi32>
        %and3A_391 = arith.andi %get3A_381, %and3A_390 : vector<16xi32>
        %swap3A_392 = arith.constant 16 : index
        %swap3A_393 = tpu.vector_load %arg8[%swap3A_392] {strides = array<i32>} : memref<96xi32, #tpu.memory_space<vmem>>, vector<16xi32>,
        %swap3A_394 = vector.shape_cast %swap3A_393 : vector<16xi32> to vector<16xi32>
        %swap3A_395 = vector.shape_cast %and3A_391 : vector<16xi32> to vector<16xi32>
        tpu.vector_store %arg8[%swap3A_392], %swap3A_395 {strides = array<i32>} : memref<96xi32, #tpu.memory_space<vmem>>, vector<16xi32>,
        %mul3A_396 = arith.constant 96 : i32
        %mul3A_397 = arith.muli %add3A_353, %mul3A_396 : i32
        %add3A_398 = arith.constant 32 : i32
        %add3A_399 = arith.addi %mul3A_397, %add3A_398 : i32
        %get3A_400 = arith.index_cast %add3A_399 : i32 to index
        %get3A_401 = tpu.vector_load %arg6[%get3A_400] {strides = array<i32>} : memref<10080xi32, #tpu.memory_space<vmem>>, vector<16xi32>,
        %get3A_402 = vector.shape_cast %get3A_401 : vector<16xi32> to vector<16xi32>
        %shift_right_logical3A_403 = arith.constant 15 : i32
        %shift_right_logical3A_404 = vector.broadcast %shift_right_logical3A_403 : i32 to vector<16xi32>
        %shift_right_logical3A_405 = arith.shrui %get3A_402, %shift_right_logical3A_404 : vector<16xi32>
        %swap3A_406 = arith.constant 32 : index
        %swap3A_407 = tpu.vector_load %arg7[%swap3A_406] {strides = array<i32>} : memref<96xi32, #tpu.memory_space<vmem>>, vector<16xi32>,
        %swap3A_408 = vector.shape_cast %swap3A_407 : vector<16xi32> to vector<16xi32>
        %swap3A_409 = vector.shape_cast %shift_right_logical3A_405 : vector<16xi32> to vector<16xi32>
        tpu.vector_store %arg7[%swap3A_406], %swap3A_409 {strides = array<i32>} : memref<96xi32, #tpu.memory_space<vmem>>, vector<16xi32>,
        %and3A_410 = arith.constant 32767 : i32
        %and3A_411 = vector.broadcast %and3A_410 : i32 to vector<16xi32>
        %and3A_412 = arith.andi %get3A_402, %and3A_411 : vector<16xi32>
        %swap3A_413 = arith.constant 32 : index
        %swap3A_414 = tpu.vector_load %arg8[%swap3A_413] {strides = array<i32>} : memref<96xi32, #tpu.memory_space<vmem>>, vector<16xi32>,
        %swap3A_415 = vector.shape_cast %swap3A_414 : vector<16xi32> to vector<16xi32>
        %swap3A_416 = vector.shape_cast %and3A_412 : vector<16xi32> to vector<16xi32>
        tpu.vector_store %arg8[%swap3A_413], %swap3A_416 {strides = array<i32>} : memref<96xi32, #tpu.memory_space<vmem>>, vector<16xi32>,
        %mul3A_417 = arith.constant 96 : i32
        %mul3A_418 = arith.muli %add3A_353, %mul3A_417 : i32
        %add3A_419 = arith.constant 48 : i32
        %add3A_420 = arith.addi %mul3A_418, %add3A_419 : i32
        %get3A_421 = arith.index_cast %add3A_420 : i32 to index
        %get3A_422 = tpu.vector_load %arg6[%get3A_421] {strides = array<i32>} : memref<10080xi32, #tpu.memory_space<vmem>>, vector<16xi32>,
        %get3A_423 = vector.shape_cast %get3A_422 : vector<16xi32> to vector<16xi32>
        %shift_right_logical3A_424 = arith.constant 15 : i32
        %shift_right_logical3A_425 = vector.broadcast %shift_right_logical3A_424 : i32 to vector<16xi32>
        %shift_right_logical3A_426 = arith.shrui %get3A_423, %shift_right_logical3A_425 : vector<16xi32>
        %swap3A_427 = arith.constant 48 : index
        %swap3A_428 = tpu.vector_load %arg7[%swap3A_427] {strides = array<i32>} : memref<96xi32, #tpu.memory_space<vmem>>, vector<16xi32>,
        %swap3A_429 = vector.shape_cast %swap3A_428 : vector<16xi32> to vector<16xi32>
        %swap3A_430 = vector.shape_cast %shift_right_logical3A_426 : vector<16xi32> to vector<16xi32>
        tpu.vector_store %arg7[%swap3A_427], %swap3A_430 {strides = array<i32>} : memref<96xi32, #tpu.memory_space<vmem>>, vector<16xi32>,
        %and3A_431 = arith.constant 32767 : i32
        %and3A_432 = vector.broadcast %and3A_431 : i32 to vector<16xi32>
        %and3A_433 = arith.andi %get3A_423, %and3A_432 : vector<16xi32>
        %swap3A_434 = arith.constant 48 : index
        %swap3A_435 = tpu.vector_load %arg8[%swap3A_434] {strides = array<i32>} : memref<96xi32, #tpu.memory_space<vmem>>, vector<16xi32>,
        %swap3A_436 = vector.shape_cast %swap3A_435 : vector<16xi32> to vector<16xi32>
        %swap3A_437 = vector.shape_cast %and3A_433 : vector<16xi32> to vector<16xi32>
        tpu.vector_store %arg8[%swap3A_434], %swap3A_437 {strides = array<i32>} : memref<96xi32, #tpu.memory_space<vmem>>, vector<16xi32>,
        %mul3A_438 = arith.constant 96 : i32
        %mul3A_439 = arith.muli %add3A_353, %mul3A_438 : i32
        %add3A_440 = arith.constant 64 : i32
        %add3A_441 = arith.addi %mul3A_439, %add3A_440 : i32
        %get3A_442 = arith.index_cast %add3A_441 : i32 to index
        %get3A_443 = tpu.vector_load %arg6[%get3A_442] {strides = array<i32>} : memref<10080xi32, #tpu.memory_space<vmem>>, vector<16xi32>,
        %get3A_444 = vector.shape_cast %get3A_443 : vector<16xi32> to vector<16xi32>
        %shift_right_logical3A_445 = arith.constant 15 : i32
        %shift_right_logical3A_446 = vector.broadcast %shift_right_logical3A_445 : i32 to vector<16xi32>
        %shift_right_logical3A_447 = arith.shrui %get3A_444, %shift_right_logical3A_446 : vector<16xi32>
        %swap3A_448 = arith.constant 64 : index
        %swap3A_449 = tpu.vector_load %arg7[%swap3A_448] {strides = array<i32>} : memref<96xi32, #tpu.memory_space<vmem>>, vector<16xi32>,
        %swap3A_450 = vector.shape_cast %swap3A_449 : vector<16xi32> to vector<16xi32>
        %swap3A_451 = vector.shape_cast %shift_right_logical3A_447 : vector<16xi32> to vector<16xi32>
        tpu.vector_store %arg7[%swap3A_448], %swap3A_451 {strides = array<i32>} : memref<96xi32, #tpu.memory_space<vmem>>, vector<16xi32>,
        %and3A_452 = arith.constant 32767 : i32
        %and3A_453 = vector.broadcast %and3A_452 : i32 to vector<16xi32>
        %and3A_454 = arith.andi %get3A_444, %and3A_453 : vector<16xi32>
        %swap3A_455 = arith.constant 64 : index
        %swap3A_456 = tpu.vector_load %arg8[%swap3A_455] {strides = array<i32>} : memref<96xi32, #tpu.memory_space<vmem>>, vector<16xi32>,
        %swap3A_457 = vector.shape_cast %swap3A_456 : vector<16xi32> to vector<16xi32>
        %swap3A_458 = vector.shape_cast %and3A_454 : vector<16xi32> to vector<16xi32>
        tpu.vector_store %arg8[%swap3A_455], %swap3A_458 {strides = array<i32>} : memref<96xi32, #tpu.memory_space<vmem>>, vector<16xi32>,
        %mul3A_459 = arith.constant 96 : i32
        %mul3A_460 = arith.muli %add3A_353, %mul3A_459 : i32
        %add3A_461 = arith.constant 80 : i32
        %add3A_462 = arith.addi %mul3A_460, %add3A_461 : i32
        %get3A_463 = arith.index_cast %add3A_462 : i32 to index
        %get3A_464 = tpu.vector_load %arg6[%get3A_463] {strides = array<i32>} : memref<10080xi32, #tpu.memory_space<vmem>>, vector<16xi32>,
        %get3A_465 = vector.shape_cast %get3A_464 : vector<16xi32> to vector<16xi32>
        %shift_right_logical3A_466 = arith.constant 15 : i32
        %shift_right_logical3A_467 = vector.broadcast %shift_right_logical3A_466 : i32 to vector<16xi32>
        %shift_right_logical3A_468 = arith.shrui %get3A_465, %shift_right_logical3A_467 : vector<16xi32>
        %swap3A_469 = arith.constant 80 : index
        %swap3A_470 = tpu.vector_load %arg7[%swap3A_469] {strides = array<i32>} : memref<96xi32, #tpu.memory_space<vmem>>, vector<16xi32>,
        %swap3A_471 = vector.shape_cast %swap3A_470 : vector<16xi32> to vector<16xi32>
        %swap3A_472 = vector.shape_cast %shift_right_logical3A_468 : vector<16xi32> to vector<16xi32>
        tpu.vector_store %arg7[%swap3A_469], %swap3A_472 {strides = array<i32>} : memref<96xi32, #tpu.memory_space<vmem>>, vector<16xi32>,
        %and3A_473 = arith.constant 32767 : i32
        %and3A_474 = vector.broadcast %and3A_473 : i32 to vector<16xi32>
        %and3A_475 = arith.andi %get3A_465, %and3A_474 : vector<16xi32>
        %swap3A_476 = arith.constant 80 : index
        %swap3A_477 = tpu.vector_load %arg8[%swap3A_476] {strides = array<i32>} : memref<96xi32, #tpu.memory_space<vmem>>, vector<16xi32>,
        %swap3A_478 = vector.shape_cast %swap3A_477 : vector<16xi32> to vector<16xi32>
        %swap3A_479 = vector.shape_cast %and3A_475 : vector<16xi32> to vector<16xi32>
        tpu.vector_store %arg8[%swap3A_476], %swap3A_479 {strides = array<i32>} : memref<96xi32, #tpu.memory_space<vmem>>, vector<16xi32>,
        %dma_start3A_480 = arith.constant 0 : i32
        %dma_start3A_481 = arith.constant 0 : i32
        %dma_start3A_482 = tpu.memref_slice %arg2[%dma_start3A_480, %dma_start3A_481] : memref<10240x128xf32, #tpu.memory_space<hbm>> -> memref<10240x128xf32, #tpu.memory_space<hbm>>
        tpu.enqueue_indirect_dma source(%dma_start3A_482 : memref<10240x128xf32, #tpu.memory_space<hbm>>) target(%arg13 : memref<96x128xf32, #tpu.memory_space<vmem>>) offsets(%arg7 : memref<96xi32, #tpu.memory_space<vmem>>) semaphore(%arg17 : memref<!tpu.dma_semaphore, #tpu.memory_space<semaphore_mem>>)
      } else {
      }
      %add3A_332 = arith.constant 1 : i32
      %add3A_333 = arith.addi %mul3A_325, %add3A_332 : i32
      %dma_wait3A_334 = arith.constant 0 : i32
      %dma_wait3A_335 = arith.constant 0 : i32
      %dma_wait3A_336 = tpu.memref_slice %arg2[%dma_wait3A_334, %dma_wait3A_335] : memref<10240x128xf32, #tpu.memory_space<hbm>> -> memref<10240x128xf32, #tpu.memory_space<hbm>>
      tpu.wait_indirect_dma semaphore(%arg18 : memref<!tpu.dma_semaphore, #tpu.memory_space<semaphore_mem>>) src(%dma_wait3A_336 : memref<10240x128xf32, #tpu.memory_space<hbm>>) dst(%arg14 : memref<96x128xf32, #tpu.memory_space<vmem>>)
      "tpu.region"() ({
        %run_scoped3A = tpu.sem_alloc : memref<!tpu.dma_semaphore, #tpu.memory_space<semaphore_mem>>
        %dma_start3A_352 = arith.constant 0 : i32
        %dma_start3A_353 = arith.constant 0 : i32
        %dma_start3A_354 = tpu.memref_slice %arg16[%dma_start3A_352, %dma_start3A_353] : memref<10112x128xf32, #tpu.memory_space<vmem_shared>> -> memref<10112x128xf32, #tpu.memory_space<vmem_shared>>
        tpu.enqueue_indirect_dma source(%arg14 : memref<96x128xf32, #tpu.memory_space<vmem>>) target(%dma_start3A_354 : memref<10112x128xf32, #tpu.memory_space<vmem_shared>>) offsets(%arg10 : memref<96xi32, #tpu.memory_space<vmem>>) semaphore(%run_scoped3A : memref<!tpu.dma_semaphore, #tpu.memory_space<semaphore_mem>>) {add = true}
        %dma_wait3A_355 = arith.constant 0 : i32
        %dma_wait3A_356 = arith.constant 0 : i32
        %dma_wait3A_357 = tpu.memref_slice %arg16[%dma_wait3A_355, %dma_wait3A_356] : memref<10112x128xf32, #tpu.memory_space<vmem_shared>> -> memref<10112x128xf32, #tpu.memory_space<vmem_shared>>
        tpu.wait_indirect_dma semaphore(%run_scoped3A : memref<!tpu.dma_semaphore, #tpu.memory_space<semaphore_mem>>) src(%arg14 : memref<96x128xf32, #tpu.memory_space<vmem>>) dst(%dma_wait3A_357 : memref<10112x128xf32, #tpu.memory_space<vmem_shared>>)
        tpu.yield
      }) : () -> ()
      %lt3A_337 = arith.constant 34 : i32
      %lt3A_338 = arith.cmpi slt, %scan3A_323, %lt3A_337 : i32
      %convert_element_type3A_339 = arith.extui %lt3A_338 : i1 to i32
      %cond3A_340 = arith.constant 0 : i32
      %cond3A_341 = arith.cmpi ne, %convert_element_type3A_339, %cond3A_340 : i32
      scf.if %cond3A_341 {
        %add3A_352 = arith.constant 3 : i32
        %add3A_353 = arith.addi %add3A_333, %add3A_352 : i32
        %mul3A_354 = arith.constant 96 : i32
        %mul3A_355 = arith.muli %add3A_353, %mul3A_354 : i32
        %add3A_356 = arith.constant 0 : i32
        %add3A_357 = arith.addi %mul3A_355, %add3A_356 : i32
        %get3A_358 = arith.index_cast %add3A_357 : i32 to index
        %get3A_359 = tpu.vector_load %arg6[%get3A_358] {strides = array<i32>} : memref<10080xi32, #tpu.memory_space<vmem>>, vector<16xi32>,
        %get3A_360 = vector.shape_cast %get3A_359 : vector<16xi32> to vector<16xi32>
        %shift_right_logical3A_361 = arith.constant 15 : i32
        %shift_right_logical3A_362 = vector.broadcast %shift_right_logical3A_361 : i32 to vector<16xi32>
        %shift_right_logical3A_363 = arith.shrui %get3A_360, %shift_right_logical3A_362 : vector<16xi32>
        %swap3A_364 = arith.constant 0 : index
        %swap3A_365 = tpu.vector_load %arg9[%swap3A_364] {strides = array<i32>} : memref<96xi32, #tpu.memory_space<vmem>>, vector<16xi32>,
        %swap3A_366 = vector.shape_cast %swap3A_365 : vector<16xi32> to vector<16xi32>
        %swap3A_367 = vector.shape_cast %shift_right_logical3A_363 : vector<16xi32> to vector<16xi32>
        tpu.vector_store %arg9[%swap3A_364], %swap3A_367 {strides = array<i32>} : memref<96xi32, #tpu.memory_space<vmem>>, vector<16xi32>,
        %and3A_368 = arith.constant 32767 : i32
        %and3A_369 = vector.broadcast %and3A_368 : i32 to vector<16xi32>
        %and3A_370 = arith.andi %get3A_360, %and3A_369 : vector<16xi32>
        %swap3A_371 = arith.constant 0 : index
        %swap3A_372 = tpu.vector_load %arg10[%swap3A_371] {strides = array<i32>} : memref<96xi32, #tpu.memory_space<vmem>>, vector<16xi32>,
        %swap3A_373 = vector.shape_cast %swap3A_372 : vector<16xi32> to vector<16xi32>
        %swap3A_374 = vector.shape_cast %and3A_370 : vector<16xi32> to vector<16xi32>
        tpu.vector_store %arg10[%swap3A_371], %swap3A_374 {strides = array<i32>} : memref<96xi32, #tpu.memory_space<vmem>>, vector<16xi32>,
        %mul3A_375 = arith.constant 96 : i32
        %mul3A_376 = arith.muli %add3A_353, %mul3A_375 : i32
        %add3A_377 = arith.constant 16 : i32
        %add3A_378 = arith.addi %mul3A_376, %add3A_377 : i32
        %get3A_379 = arith.index_cast %add3A_378 : i32 to index
        %get3A_380 = tpu.vector_load %arg6[%get3A_379] {strides = array<i32>} : memref<10080xi32, #tpu.memory_space<vmem>>, vector<16xi32>,
        %get3A_381 = vector.shape_cast %get3A_380 : vector<16xi32> to vector<16xi32>
        %shift_right_logical3A_382 = arith.constant 15 : i32
        %shift_right_logical3A_383 = vector.broadcast %shift_right_logical3A_382 : i32 to vector<16xi32>
        %shift_right_logical3A_384 = arith.shrui %get3A_381, %shift_right_logical3A_383 : vector<16xi32>
        %swap3A_385 = arith.constant 16 : index
        %swap3A_386 = tpu.vector_load %arg9[%swap3A_385] {strides = array<i32>} : memref<96xi32, #tpu.memory_space<vmem>>, vector<16xi32>,
        %swap3A_387 = vector.shape_cast %swap3A_386 : vector<16xi32> to vector<16xi32>
        %swap3A_388 = vector.shape_cast %shift_right_logical3A_384 : vector<16xi32> to vector<16xi32>
        tpu.vector_store %arg9[%swap3A_385], %swap3A_388 {strides = array<i32>} : memref<96xi32, #tpu.memory_space<vmem>>, vector<16xi32>,
        %and3A_389 = arith.constant 32767 : i32
        %and3A_390 = vector.broadcast %and3A_389 : i32 to vector<16xi32>
        %and3A_391 = arith.andi %get3A_381, %and3A_390 : vector<16xi32>
        %swap3A_392 = arith.constant 16 : index
        %swap3A_393 = tpu.vector_load %arg10[%swap3A_392] {strides = array<i32>} : memref<96xi32, #tpu.memory_space<vmem>>, vector<16xi32>,
        %swap3A_394 = vector.shape_cast %swap3A_393 : vector<16xi32> to vector<16xi32>
        %swap3A_395 = vector.shape_cast %and3A_391 : vector<16xi32> to vector<16xi32>
        tpu.vector_store %arg10[%swap3A_392], %swap3A_395 {strides = array<i32>} : memref<96xi32, #tpu.memory_space<vmem>>, vector<16xi32>,
        %mul3A_396 = arith.constant 96 : i32
        %mul3A_397 = arith.muli %add3A_353, %mul3A_396 : i32
        %add3A_398 = arith.constant 32 : i32
        %add3A_399 = arith.addi %mul3A_397, %add3A_398 : i32
        %get3A_400 = arith.index_cast %add3A_399 : i32 to index
        %get3A_401 = tpu.vector_load %arg6[%get3A_400] {strides = array<i32>} : memref<10080xi32, #tpu.memory_space<vmem>>, vector<16xi32>,
        %get3A_402 = vector.shape_cast %get3A_401 : vector<16xi32> to vector<16xi32>
        %shift_right_logical3A_403 = arith.constant 15 : i32
        %shift_right_logical3A_404 = vector.broadcast %shift_right_logical3A_403 : i32 to vector<16xi32>
        %shift_right_logical3A_405 = arith.shrui %get3A_402, %shift_right_logical3A_404 : vector<16xi32>
        %swap3A_406 = arith.constant 32 : index
        %swap3A_407 = tpu.vector_load %arg9[%swap3A_406] {strides = array<i32>} : memref<96xi32, #tpu.memory_space<vmem>>, vector<16xi32>,
        %swap3A_408 = vector.shape_cast %swap3A_407 : vector<16xi32> to vector<16xi32>
        %swap3A_409 = vector.shape_cast %shift_right_logical3A_405 : vector<16xi32> to vector<16xi32>
        tpu.vector_store %arg9[%swap3A_406], %swap3A_409 {strides = array<i32>} : memref<96xi32, #tpu.memory_space<vmem>>, vector<16xi32>,
        %and3A_410 = arith.constant 32767 : i32
        %and3A_411 = vector.broadcast %and3A_410 : i32 to vector<16xi32>
        %and3A_412 = arith.andi %get3A_402, %and3A_411 : vector<16xi32>
        %swap3A_413 = arith.constant 32 : index
        %swap3A_414 = tpu.vector_load %arg10[%swap3A_413] {strides = array<i32>} : memref<96xi32, #tpu.memory_space<vmem>>, vector<16xi32>,
        %swap3A_415 = vector.shape_cast %swap3A_414 : vector<16xi32> to vector<16xi32>
        %swap3A_416 = vector.shape_cast %and3A_412 : vector<16xi32> to vector<16xi32>
        tpu.vector_store %arg10[%swap3A_413], %swap3A_416 {strides = array<i32>} : memref<96xi32, #tpu.memory_space<vmem>>, vector<16xi32>,
        %mul3A_417 = arith.constant 96 : i32
        %mul3A_418 = arith.muli %add3A_353, %mul3A_417 : i32
        %add3A_419 = arith.constant 48 : i32
        %add3A_420 = arith.addi %mul3A_418, %add3A_419 : i32
        %get3A_421 = arith.index_cast %add3A_420 : i32 to index
        %get3A_422 = tpu.vector_load %arg6[%get3A_421] {strides = array<i32>} : memref<10080xi32, #tpu.memory_space<vmem>>, vector<16xi32>,
        %get3A_423 = vector.shape_cast %get3A_422 : vector<16xi32> to vector<16xi32>
        %shift_right_logical3A_424 = arith.constant 15 : i32
        %shift_right_logical3A_425 = vector.broadcast %shift_right_logical3A_424 : i32 to vector<16xi32>
        %shift_right_logical3A_426 = arith.shrui %get3A_423, %shift_right_logical3A_425 : vector<16xi32>
        %swap3A_427 = arith.constant 48 : index
        %swap3A_428 = tpu.vector_load %arg9[%swap3A_427] {strides = array<i32>} : memref<96xi32, #tpu.memory_space<vmem>>, vector<16xi32>,
        %swap3A_429 = vector.shape_cast %swap3A_428 : vector<16xi32> to vector<16xi32>
        %swap3A_430 = vector.shape_cast %shift_right_logical3A_426 : vector<16xi32> to vector<16xi32>
        tpu.vector_store %arg9[%swap3A_427], %swap3A_430 {strides = array<i32>} : memref<96xi32, #tpu.memory_space<vmem>>, vector<16xi32>,
        %and3A_431 = arith.constant 32767 : i32
        %and3A_432 = vector.broadcast %and3A_431 : i32 to vector<16xi32>
        %and3A_433 = arith.andi %get3A_423, %and3A_432 : vector<16xi32>
        %swap3A_434 = arith.constant 48 : index
        %swap3A_435 = tpu.vector_load %arg10[%swap3A_434] {strides = array<i32>} : memref<96xi32, #tpu.memory_space<vmem>>, vector<16xi32>,
        %swap3A_436 = vector.shape_cast %swap3A_435 : vector<16xi32> to vector<16xi32>
        %swap3A_437 = vector.shape_cast %and3A_433 : vector<16xi32> to vector<16xi32>
        tpu.vector_store %arg10[%swap3A_434], %swap3A_437 {strides = array<i32>} : memref<96xi32, #tpu.memory_space<vmem>>, vector<16xi32>,
        %mul3A_438 = arith.constant 96 : i32
        %mul3A_439 = arith.muli %add3A_353, %mul3A_438 : i32
        %add3A_440 = arith.constant 64 : i32
        %add3A_441 = arith.addi %mul3A_439, %add3A_440 : i32
        %get3A_442 = arith.index_cast %add3A_441 : i32 to index
        %get3A_443 = tpu.vector_load %arg6[%get3A_442] {strides = array<i32>} : memref<10080xi32, #tpu.memory_space<vmem>>, vector<16xi32>,
        %get3A_444 = vector.shape_cast %get3A_443 : vector<16xi32> to vector<16xi32>
        %shift_right_logical3A_445 = arith.constant 15 : i32
        %shift_right_logical3A_446 = vector.broadcast %shift_right_logical3A_445 : i32 to vector<16xi32>
        %shift_right_logical3A_447 = arith.shrui %get3A_444, %shift_right_logical3A_446 : vector<16xi32>
        %swap3A_448 = arith.constant 64 : index
        %swap3A_449 = tpu.vector_load %arg9[%swap3A_448] {strides = array<i32>} : memref<96xi32, #tpu.memory_space<vmem>>, vector<16xi32>,
        %swap3A_450 = vector.shape_cast %swap3A_449 : vector<16xi32> to vector<16xi32>
        %swap3A_451 = vector.shape_cast %shift_right_logical3A_447 : vector<16xi32> to vector<16xi32>
        tpu.vector_store %arg9[%swap3A_448], %swap3A_451 {strides = array<i32>} : memref<96xi32, #tpu.memory_space<vmem>>, vector<16xi32>,
        %and3A_452 = arith.constant 32767 : i32
        %and3A_453 = vector.broadcast %and3A_452 : i32 to vector<16xi32>
        %and3A_454 = arith.andi %get3A_444, %and3A_453 : vector<16xi32>
        %swap3A_455 = arith.constant 64 : index
        %swap3A_456 = tpu.vector_load %arg10[%swap3A_455] {strides = array<i32>} : memref<96xi32, #tpu.memory_space<vmem>>, vector<16xi32>,
        %swap3A_457 = vector.shape_cast %swap3A_456 : vector<16xi32> to vector<16xi32>
        %swap3A_458 = vector.shape_cast %and3A_454 : vector<16xi32> to vector<16xi32>
        tpu.vector_store %arg10[%swap3A_455], %swap3A_458 {strides = array<i32>} : memref<96xi32, #tpu.memory_space<vmem>>, vector<16xi32>,
        %mul3A_459 = arith.constant 96 : i32
        %mul3A_460 = arith.muli %add3A_353, %mul3A_459 : i32
        %add3A_461 = arith.constant 80 : i32
        %add3A_462 = arith.addi %mul3A_460, %add3A_461 : i32
        %get3A_463 = arith.index_cast %add3A_462 : i32 to index
        %get3A_464 = tpu.vector_load %arg6[%get3A_463] {strides = array<i32>} : memref<10080xi32, #tpu.memory_space<vmem>>, vector<16xi32>,
        %get3A_465 = vector.shape_cast %get3A_464 : vector<16xi32> to vector<16xi32>
        %shift_right_logical3A_466 = arith.constant 15 : i32
        %shift_right_logical3A_467 = vector.broadcast %shift_right_logical3A_466 : i32 to vector<16xi32>
        %shift_right_logical3A_468 = arith.shrui %get3A_465, %shift_right_logical3A_467 : vector<16xi32>
        %swap3A_469 = arith.constant 80 : index
        %swap3A_470 = tpu.vector_load %arg9[%swap3A_469] {strides = array<i32>} : memref<96xi32, #tpu.memory_space<vmem>>, vector<16xi32>,
        %swap3A_471 = vector.shape_cast %swap3A_470 : vector<16xi32> to vector<16xi32>
        %swap3A_472 = vector.shape_cast %shift_right_logical3A_468 : vector<16xi32> to vector<16xi32>
        tpu.vector_store %arg9[%swap3A_469], %swap3A_472 {strides = array<i32>} : memref<96xi32, #tpu.memory_space<vmem>>, vector<16xi32>,
        %and3A_473 = arith.constant 32767 : i32
        %and3A_474 = vector.broadcast %and3A_473 : i32 to vector<16xi32>
        %and3A_475 = arith.andi %get3A_465, %and3A_474 : vector<16xi32>
        %swap3A_476 = arith.constant 80 : index
        %swap3A_477 = tpu.vector_load %arg10[%swap3A_476] {strides = array<i32>} : memref<96xi32, #tpu.memory_space<vmem>>, vector<16xi32>,
        %swap3A_478 = vector.shape_cast %swap3A_477 : vector<16xi32> to vector<16xi32>
        %swap3A_479 = vector.shape_cast %and3A_475 : vector<16xi32> to vector<16xi32>
        tpu.vector_store %arg10[%swap3A_476], %swap3A_479 {strides = array<i32>} : memref<96xi32, #tpu.memory_space<vmem>>, vector<16xi32>,
        %dma_start3A_480 = arith.constant 0 : i32
        %dma_start3A_481 = arith.constant 0 : i32
        %dma_start3A_482 = tpu.memref_slice %arg2[%dma_start3A_480, %dma_start3A_481] : memref<10240x128xf32, #tpu.memory_space<hbm>> -> memref<10240x128xf32, #tpu.memory_space<hbm>>
        tpu.enqueue_indirect_dma source(%dma_start3A_482 : memref<10240x128xf32, #tpu.memory_space<hbm>>) target(%arg14 : memref<96x128xf32, #tpu.memory_space<vmem>>) offsets(%arg9 : memref<96xi32, #tpu.memory_space<vmem>>) semaphore(%arg18 : memref<!tpu.dma_semaphore, #tpu.memory_space<semaphore_mem>>)
      } else {
      }
      %add3A_342 = arith.constant 2 : i32
      %add3A_343 = arith.addi %mul3A_325, %add3A_342 : i32
      %dma_wait3A_344 = arith.constant 0 : i32
      %dma_wait3A_345 = arith.constant 0 : i32
      %dma_wait3A_346 = tpu.memref_slice %arg2[%dma_wait3A_344, %dma_wait3A_345] : memref<10240x128xf32, #tpu.memory_space<hbm>> -> memref<10240x128xf32, #tpu.memory_space<hbm>>
      tpu.wait_indirect_dma semaphore(%arg19 : memref<!tpu.dma_semaphore, #tpu.memory_space<semaphore_mem>>) src(%dma_wait3A_346 : memref<10240x128xf32, #tpu.memory_space<hbm>>) dst(%arg15 : memref<96x128xf32, #tpu.memory_space<vmem>>)
      "tpu.region"() ({
        %run_scoped3A = tpu.sem_alloc : memref<!tpu.dma_semaphore, #tpu.memory_space<semaphore_mem>>
        %dma_start3A_352 = arith.constant 0 : i32
        %dma_start3A_353 = arith.constant 0 : i32
        %dma_start3A_354 = tpu.memref_slice %arg16[%dma_start3A_352, %dma_start3A_353] : memref<10112x128xf32, #tpu.memory_space<vmem_shared>> -> memref<10112x128xf32, #tpu.memory_space<vmem_shared>>
        tpu.enqueue_indirect_dma source(%arg15 : memref<96x128xf32, #tpu.memory_space<vmem>>) target(%dma_start3A_354 : memref<10112x128xf32, #tpu.memory_space<vmem_shared>>) offsets(%arg12 : memref<96xi32, #tpu.memory_space<vmem>>) semaphore(%run_scoped3A : memref<!tpu.dma_semaphore, #tpu.memory_space<semaphore_mem>>) {add = true}
        %dma_wait3A_355 = arith.constant 0 : i32
        %dma_wait3A_356 = arith.constant 0 : i32
        %dma_wait3A_357 = tpu.memref_slice %arg16[%dma_wait3A_355, %dma_wait3A_356] : memref<10112x128xf32, #tpu.memory_space<vmem_shared>> -> memref<10112x128xf32, #tpu.memory_space<vmem_shared>>
        tpu.wait_indirect_dma semaphore(%run_scoped3A : memref<!tpu.dma_semaphore, #tpu.memory_space<semaphore_mem>>) src(%arg15 : memref<96x128xf32, #tpu.memory_space<vmem>>) dst(%dma_wait3A_357 : memref<10112x128xf32, #tpu.memory_space<vmem_shared>>)
        tpu.yield
      }) : () -> ()
      %lt3A_347 = arith.constant 34 : i32
      %lt3A_348 = arith.cmpi slt, %scan3A_323, %lt3A_347 : i32
      %convert_element_type3A_349 = arith.extui %lt3A_348 : i1 to i32
      %cond3A_350 = arith.constant 0 : i32
      %cond3A_351 = arith.cmpi ne, %convert_element_type3A_349, %cond3A_350 : i32
      scf.if %cond3A_351 {
        %add3A_352 = arith.constant 3 : i32
        %add3A_353 = arith.addi %add3A_343, %add3A_352 : i32
        %mul3A_354 = arith.constant 96 : i32
        %mul3A_355 = arith.muli %add3A_353, %mul3A_354 : i32
        %add3A_356 = arith.constant 0 : i32
        %add3A_357 = arith.addi %mul3A_355, %add3A_356 : i32
        %get3A_358 = arith.index_cast %add3A_357 : i32 to index
        %get3A_359 = tpu.vector_load %arg6[%get3A_358] {strides = array<i32>} : memref<10080xi32, #tpu.memory_space<vmem>>, vector<16xi32>,
        %get3A_360 = vector.shape_cast %get3A_359 : vector<16xi32> to vector<16xi32>
        %shift_right_logical3A_361 = arith.constant 15 : i32
        %shift_right_logical3A_362 = vector.broadcast %shift_right_logical3A_361 : i32 to vector<16xi32>
        %shift_right_logical3A_363 = arith.shrui %get3A_360, %shift_right_logical3A_362 : vector<16xi32>
        %swap3A_364 = arith.constant 0 : index
        %swap3A_365 = tpu.vector_load %arg11[%swap3A_364] {strides = array<i32>} : memref<96xi32, #tpu.memory_space<vmem>>, vector<16xi32>,
        %swap3A_366 = vector.shape_cast %swap3A_365 : vector<16xi32> to vector<16xi32>
        %swap3A_367 = vector.shape_cast %shift_right_logical3A_363 : vector<16xi32> to vector<16xi32>
        tpu.vector_store %arg11[%swap3A_364], %swap3A_367 {strides = array<i32>} : memref<96xi32, #tpu.memory_space<vmem>>, vector<16xi32>,
        %and3A_368 = arith.constant 32767 : i32
        %and3A_369 = vector.broadcast %and3A_368 : i32 to vector<16xi32>
        %and3A_370 = arith.andi %get3A_360, %and3A_369 : vector<16xi32>
        %swap3A_371 = arith.constant 0 : index
        %swap3A_372 = tpu.vector_load %arg12[%swap3A_371] {strides = array<i32>} : memref<96xi32, #tpu.memory_space<vmem>>, vector<16xi32>,
        %swap3A_373 = vector.shape_cast %swap3A_372 : vector<16xi32> to vector<16xi32>
        %swap3A_374 = vector.shape_cast %and3A_370 : vector<16xi32> to vector<16xi32>
        tpu.vector_store %arg12[%swap3A_371], %swap3A_374 {strides = array<i32>} : memref<96xi32, #tpu.memory_space<vmem>>, vector<16xi32>,
        %mul3A_375 = arith.constant 96 : i32
        %mul3A_376 = arith.muli %add3A_353, %mul3A_375 : i32
        %add3A_377 = arith.constant 16 : i32
        %add3A_378 = arith.addi %mul3A_376, %add3A_377 : i32
        %get3A_379 = arith.index_cast %add3A_378 : i32 to index
        %get3A_380 = tpu.vector_load %arg6[%get3A_379] {strides = array<i32>} : memref<10080xi32, #tpu.memory_space<vmem>>, vector<16xi32>,
        %get3A_381 = vector.shape_cast %get3A_380 : vector<16xi32> to vector<16xi32>
        %shift_right_logical3A_382 = arith.constant 15 : i32
        %shift_right_logical3A_383 = vector.broadcast %shift_right_logical3A_382 : i32 to vector<16xi32>
        %shift_right_logical3A_384 = arith.shrui %get3A_381, %shift_right_logical3A_383 : vector<16xi32>
        %swap3A_385 = arith.constant 16 : index
        %swap3A_386 = tpu.vector_load %arg11[%swap3A_385] {strides = array<i32>} : memref<96xi32, #tpu.memory_space<vmem>>, vector<16xi32>,
        %swap3A_387 = vector.shape_cast %swap3A_386 : vector<16xi32> to vector<16xi32>
        %swap3A_388 = vector.shape_cast %shift_right_logical3A_384 : vector<16xi32> to vector<16xi32>
        tpu.vector_store %arg11[%swap3A_385], %swap3A_388 {strides = array<i32>} : memref<96xi32, #tpu.memory_space<vmem>>, vector<16xi32>,
        %and3A_389 = arith.constant 32767 : i32
        %and3A_390 = vector.broadcast %and3A_389 : i32 to vector<16xi32>
        %and3A_391 = arith.andi %get3A_381, %and3A_390 : vector<16xi32>
        %swap3A_392 = arith.constant 16 : index
        %swap3A_393 = tpu.vector_load %arg12[%swap3A_392] {strides = array<i32>} : memref<96xi32, #tpu.memory_space<vmem>>, vector<16xi32>,
        %swap3A_394 = vector.shape_cast %swap3A_393 : vector<16xi32> to vector<16xi32>
        %swap3A_395 = vector.shape_cast %and3A_391 : vector<16xi32> to vector<16xi32>
        tpu.vector_store %arg12[%swap3A_392], %swap3A_395 {strides = array<i32>} : memref<96xi32, #tpu.memory_space<vmem>>, vector<16xi32>,
        %mul3A_396 = arith.constant 96 : i32
        %mul3A_397 = arith.muli %add3A_353, %mul3A_396 : i32
        %add3A_398 = arith.constant 32 : i32
        %add3A_399 = arith.addi %mul3A_397, %add3A_398 : i32
        %get3A_400 = arith.index_cast %add3A_399 : i32 to index
        %get3A_401 = tpu.vector_load %arg6[%get3A_400] {strides = array<i32>} : memref<10080xi32, #tpu.memory_space<vmem>>, vector<16xi32>,
        %get3A_402 = vector.shape_cast %get3A_401 : vector<16xi32> to vector<16xi32>
        %shift_right_logical3A_403 = arith.constant 15 : i32
        %shift_right_logical3A_404 = vector.broadcast %shift_right_logical3A_403 : i32 to vector<16xi32>
        %shift_right_logical3A_405 = arith.shrui %get3A_402, %shift_right_logical3A_404 : vector<16xi32>
        %swap3A_406 = arith.constant 32 : index
        %swap3A_407 = tpu.vector_load %arg11[%swap3A_406] {strides = array<i32>} : memref<96xi32, #tpu.memory_space<vmem>>, vector<16xi32>,
        %swap3A_408 = vector.shape_cast %swap3A_407 : vector<16xi32> to vector<16xi32>
        %swap3A_409 = vector.shape_cast %shift_right_logical3A_405 : vector<16xi32> to vector<16xi32>
        tpu.vector_store %arg11[%swap3A_406], %swap3A_409 {strides = array<i32>} : memref<96xi32, #tpu.memory_space<vmem>>, vector<16xi32>,
        %and3A_410 = arith.constant 32767 : i32
        %and3A_411 = vector.broadcast %and3A_410 : i32 to vector<16xi32>
        %and3A_412 = arith.andi %get3A_402, %and3A_411 : vector<16xi32>
        %swap3A_413 = arith.constant 32 : index
        %swap3A_414 = tpu.vector_load %arg12[%swap3A_413] {strides = array<i32>} : memref<96xi32, #tpu.memory_space<vmem>>, vector<16xi32>,
        %swap3A_415 = vector.shape_cast %swap3A_414 : vector<16xi32> to vector<16xi32>
        %swap3A_416 = vector.shape_cast %and3A_412 : vector<16xi32> to vector<16xi32>
        tpu.vector_store %arg12[%swap3A_413], %swap3A_416 {strides = array<i32>} : memref<96xi32, #tpu.memory_space<vmem>>, vector<16xi32>,
        %mul3A_417 = arith.constant 96 : i32
        %mul3A_418 = arith.muli %add3A_353, %mul3A_417 : i32
        %add3A_419 = arith.constant 48 : i32
        %add3A_420 = arith.addi %mul3A_418, %add3A_419 : i32
        %get3A_421 = arith.index_cast %add3A_420 : i32 to index
        %get3A_422 = tpu.vector_load %arg6[%get3A_421] {strides = array<i32>} : memref<10080xi32, #tpu.memory_space<vmem>>, vector<16xi32>,
        %get3A_423 = vector.shape_cast %get3A_422 : vector<16xi32> to vector<16xi32>
        %shift_right_logical3A_424 = arith.constant 15 : i32
        %shift_right_logical3A_425 = vector.broadcast %shift_right_logical3A_424 : i32 to vector<16xi32>
        %shift_right_logical3A_426 = arith.shrui %get3A_423, %shift_right_logical3A_425 : vector<16xi32>
        %swap3A_427 = arith.constant 48 : index
        %swap3A_428 = tpu.vector_load %arg11[%swap3A_427] {strides = array<i32>} : memref<96xi32, #tpu.memory_space<vmem>>, vector<16xi32>,
        %swap3A_429 = vector.shape_cast %swap3A_428 : vector<16xi32> to vector<16xi32>
        %swap3A_430 = vector.shape_cast %shift_right_logical3A_426 : vector<16xi32> to vector<16xi32>
        tpu.vector_store %arg11[%swap3A_427], %swap3A_430 {strides = array<i32>} : memref<96xi32, #tpu.memory_space<vmem>>, vector<16xi32>,
        %and3A_431 = arith.constant 32767 : i32
        %and3A_432 = vector.broadcast %and3A_431 : i32 to vector<16xi32>
        %and3A_433 = arith.andi %get3A_423, %and3A_432 : vector<16xi32>
        %swap3A_434 = arith.constant 48 : index
        %swap3A_435 = tpu.vector_load %arg12[%swap3A_434] {strides = array<i32>} : memref<96xi32, #tpu.memory_space<vmem>>, vector<16xi32>,
        %swap3A_436 = vector.shape_cast %swap3A_435 : vector<16xi32> to vector<16xi32>
        %swap3A_437 = vector.shape_cast %and3A_433 : vector<16xi32> to vector<16xi32>
        tpu.vector_store %arg12[%swap3A_434], %swap3A_437 {strides = array<i32>} : memref<96xi32, #tpu.memory_space<vmem>>, vector<16xi32>,
        %mul3A_438 = arith.constant 96 : i32
        %mul3A_439 = arith.muli %add3A_353, %mul3A_438 : i32
        %add3A_440 = arith.constant 64 : i32
        %add3A_441 = arith.addi %mul3A_439, %add3A_440 : i32
        %get3A_442 = arith.index_cast %add3A_441 : i32 to index
        %get3A_443 = tpu.vector_load %arg6[%get3A_442] {strides = array<i32>} : memref<10080xi32, #tpu.memory_space<vmem>>, vector<16xi32>,
        %get3A_444 = vector.shape_cast %get3A_443 : vector<16xi32> to vector<16xi32>
        %shift_right_logical3A_445 = arith.constant 15 : i32
        %shift_right_logical3A_446 = vector.broadcast %shift_right_logical3A_445 : i32 to vector<16xi32>
        %shift_right_logical3A_447 = arith.shrui %get3A_444, %shift_right_logical3A_446 : vector<16xi32>
        %swap3A_448 = arith.constant 64 : index
        %swap3A_449 = tpu.vector_load %arg11[%swap3A_448] {strides = array<i32>} : memref<96xi32, #tpu.memory_space<vmem>>, vector<16xi32>,
        %swap3A_450 = vector.shape_cast %swap3A_449 : vector<16xi32> to vector<16xi32>
        %swap3A_451 = vector.shape_cast %shift_right_logical3A_447 : vector<16xi32> to vector<16xi32>
        tpu.vector_store %arg11[%swap3A_448], %swap3A_451 {strides = array<i32>} : memref<96xi32, #tpu.memory_space<vmem>>, vector<16xi32>,
        %and3A_452 = arith.constant 32767 : i32
        %and3A_453 = vector.broadcast %and3A_452 : i32 to vector<16xi32>
        %and3A_454 = arith.andi %get3A_444, %and3A_453 : vector<16xi32>
        %swap3A_455 = arith.constant 64 : index
        %swap3A_456 = tpu.vector_load %arg12[%swap3A_455] {strides = array<i32>} : memref<96xi32, #tpu.memory_space<vmem>>, vector<16xi32>,
        %swap3A_457 = vector.shape_cast %swap3A_456 : vector<16xi32> to vector<16xi32>
        %swap3A_458 = vector.shape_cast %and3A_454 : vector<16xi32> to vector<16xi32>
        tpu.vector_store %arg12[%swap3A_455], %swap3A_458 {strides = array<i32>} : memref<96xi32, #tpu.memory_space<vmem>>, vector<16xi32>,
        %mul3A_459 = arith.constant 96 : i32
        %mul3A_460 = arith.muli %add3A_353, %mul3A_459 : i32
        %add3A_461 = arith.constant 80 : i32
        %add3A_462 = arith.addi %mul3A_460, %add3A_461 : i32
        %get3A_463 = arith.index_cast %add3A_462 : i32 to index
        %get3A_464 = tpu.vector_load %arg6[%get3A_463] {strides = array<i32>} : memref<10080xi32, #tpu.memory_space<vmem>>, vector<16xi32>,
        %get3A_465 = vector.shape_cast %get3A_464 : vector<16xi32> to vector<16xi32>
        %shift_right_logical3A_466 = arith.constant 15 : i32
        %shift_right_logical3A_467 = vector.broadcast %shift_right_logical3A_466 : i32 to vector<16xi32>
        %shift_right_logical3A_468 = arith.shrui %get3A_465, %shift_right_logical3A_467 : vector<16xi32>
        %swap3A_469 = arith.constant 80 : index
        %swap3A_470 = tpu.vector_load %arg11[%swap3A_469] {strides = array<i32>} : memref<96xi32, #tpu.memory_space<vmem>>, vector<16xi32>,
        %swap3A_471 = vector.shape_cast %swap3A_470 : vector<16xi32> to vector<16xi32>
        %swap3A_472 = vector.shape_cast %shift_right_logical3A_468 : vector<16xi32> to vector<16xi32>
        tpu.vector_store %arg11[%swap3A_469], %swap3A_472 {strides = array<i32>} : memref<96xi32, #tpu.memory_space<vmem>>, vector<16xi32>,
        %and3A_473 = arith.constant 32767 : i32
        %and3A_474 = vector.broadcast %and3A_473 : i32 to vector<16xi32>
        %and3A_475 = arith.andi %get3A_465, %and3A_474 : vector<16xi32>
        %swap3A_476 = arith.constant 80 : index
        %swap3A_477 = tpu.vector_load %arg12[%swap3A_476] {strides = array<i32>} : memref<96xi32, #tpu.memory_space<vmem>>, vector<16xi32>,
        %swap3A_478 = vector.shape_cast %swap3A_477 : vector<16xi32> to vector<16xi32>
        %swap3A_479 = vector.shape_cast %and3A_475 : vector<16xi32> to vector<16xi32>
        tpu.vector_store %arg12[%swap3A_476], %swap3A_479 {strides = array<i32>} : memref<96xi32, #tpu.memory_space<vmem>>, vector<16xi32>,
        %dma_start3A_480 = arith.constant 0 : i32
        %dma_start3A_481 = arith.constant 0 : i32
        %dma_start3A_482 = tpu.memref_slice %arg2[%dma_start3A_480, %dma_start3A_481] : memref<10240x128xf32, #tpu.memory_space<hbm>> -> memref<10240x128xf32, #tpu.memory_space<hbm>>
        tpu.enqueue_indirect_dma source(%dma_start3A_482 : memref<10240x128xf32, #tpu.memory_space<hbm>>) target(%arg15 : memref<96x128xf32, #tpu.memory_space<vmem>>) offsets(%arg11 : memref<96xi32, #tpu.memory_space<vmem>>) semaphore(%arg19 : memref<!tpu.dma_semaphore, #tpu.memory_space<semaphore_mem>>)
      } else {
      }
    }
    %scan3A_317 = arith.constant 35 : i32
    %barrier3A_318 = arith.constant 0 : index
    tpu.barrier barrier_id(%barrier3A_318)
    %mul3A_319 = arith.constant 632 : i32
    %mul3A_320 = arith.muli %arg1, %mul3A_319 : i32
    %mul3A_321 = arith.constant 632 : i32
    %mul3A_322 = arith.muli %arg1, %mul3A_321 : i32
    "tpu.region"() ({
      %run_scoped3A = tpu.sem_alloc : memref<!tpu.dma_semaphore, #tpu.memory_space<semaphore_mem>>
      %dma_start3A_323 = arith.constant 0 : i32
      %dma_start3A_324 = tpu.memref_slice %arg5[%arg0, %mul3A_322, %dma_start3A_323] : memref<2x10112x128xf32, #tpu.memory_space<hbm>> -> memref<1x632x128xf32, #tpu.memory_space<hbm>>
      %dma_start3A_325 = tpu.memref_squeeze %dma_start3A_324 : memref<1x632x128xf32, #tpu.memory_space<hbm>> -> memref<632x128xf32, #tpu.memory_space<hbm>>
      %dma_start3A_326 = arith.constant 0 : i32
      %dma_start3A_327 = tpu.memref_slice %arg16[%mul3A_320, %dma_start3A_326] : memref<10112x128xf32, #tpu.memory_space<vmem_shared>> -> memref<632x128xf32, #tpu.memory_space<vmem_shared>>
      tpu.enqueue_dma source(%dma_start3A_327 : memref<632x128xf32, #tpu.memory_space<vmem_shared>>) target(%dma_start3A_325 : memref<632x128xf32, #tpu.memory_space<hbm>>) target_semaphore(%run_scoped3A : memref<!tpu.dma_semaphore, #tpu.memory_space<semaphore_mem>>)
      %dma_wait3A = arith.constant 0 : i32
      %dma_wait3A_328 = tpu.memref_slice %arg5[%arg0, %mul3A_322, %dma_wait3A] : memref<2x10112x128xf32, #tpu.memory_space<hbm>> -> memref<1x632x128xf32, #tpu.memory_space<hbm>>
      %dma_wait3A_329 = tpu.memref_squeeze %dma_wait3A_328 : memref<1x632x128xf32, #tpu.memory_space<hbm>> -> memref<632x128xf32, #tpu.memory_space<hbm>>
      %dma_wait3A_330 = arith.constant 0 : i32
      %dma_wait3A_331 = tpu.memref_slice %arg16[%mul3A_320, %dma_wait3A_330] : memref<10112x128xf32, #tpu.memory_space<vmem_shared>> -> memref<632x128xf32, #tpu.memory_space<vmem_shared>>
      tpu.wait_dma2 semaphore(%run_scoped3A : memref<!tpu.dma_semaphore, #tpu.memory_space<semaphore_mem>>) src(%dma_wait3A_331 : memref<632x128xf32, #tpu.memory_space<vmem_shared>>) dst(%dma_wait3A_329 : memref<632x128xf32, #tpu.memory_space<hbm>>)
      tpu.yield
    }) : () -> ()
    return
  }
}

#map = affine_map<(d0, d1) -> (0, 0, 0)>
#map1 = affine_map<(d0, d1) -> (0)>
#map2 = affine_map<(d0, d1) -> (0, 0)>
module attributes {stable_mosaic.version = 14 : i64} {
  func.func @_deg_body(%arg0: i32, %arg1: i32, %arg2: memref<32x105x96xi32, #tpu.memory_space<hbm>>, %arg3: memref<640xf32, #tpu.memory_space<hbm>>, %arg4: memref<2x10240xf32, #tpu.memory_space<hbm>>, %arg5: memref<105x96xi32, #tpu.memory_space<vmem>>, %arg6: memref<96xf32, #tpu.memory_space<vmem>>, %arg7: memref<10240xf32, #tpu.memory_space<vmem_shared>>) attributes {dimension_semantics = [#tpu.dimension_semantics<core_parallel>, #tpu.dimension_semantics<subcore_parallel>], iteration_bounds = array<i64: 2, 16>, scalar_prefetch = 0 : i64, scratch_operands = 3 : i64, tpu.core_type = #tpu.core_type<sc_vector_subcore>, window_params = [{transform_indices = #map}, {transform_indices = #map1}, {transform_indices = #map2}]} {
    %mul3A = arith.constant 16 : i32
    %mul3A_0 = arith.muli %arg0, %mul3A : i32
    %add3A = arith.addi %mul3A_0, %arg1 : i32
    %broadcast_in_dim3A = arith.constant 1.000000e+00 : f32
    %broadcast_in_dim3A_1 = vector.broadcast %broadcast_in_dim3A : f32 to vector<16xf32>
    %swap3A = arith.constant 0 : index
    %swap3A_2 = tpu.vector_load %arg6[%swap3A] {strides = array<i32>} : memref<96xf32, #tpu.memory_space<vmem>>, vector<16xf32>,
    %swap3A_3 = vector.shape_cast %swap3A_2 : vector<16xf32> to vector<16xf32>
    %swap3A_4 = vector.shape_cast %broadcast_in_dim3A_1 : vector<16xf32> to vector<16xf32>
    tpu.vector_store %arg6[%swap3A], %swap3A_4 {strides = array<i32>} : memref<96xf32, #tpu.memory_space<vmem>>, vector<16xf32>,
    %broadcast_in_dim3A_5 = arith.constant 1.000000e+00 : f32
    %broadcast_in_dim3A_6 = vector.broadcast %broadcast_in_dim3A_5 : f32 to vector<16xf32>
    %swap3A_7 = arith.constant 16 : index
    %swap3A_8 = tpu.vector_load %arg6[%swap3A_7] {strides = array<i32>} : memref<96xf32, #tpu.memory_space<vmem>>, vector<16xf32>,
    %swap3A_9 = vector.shape_cast %swap3A_8 : vector<16xf32> to vector<16xf32>
    %swap3A_10 = vector.shape_cast %broadcast_in_dim3A_6 : vector<16xf32> to vector<16xf32>
    tpu.vector_store %arg6[%swap3A_7], %swap3A_10 {strides = array<i32>} : memref<96xf32, #tpu.memory_space<vmem>>, vector<16xf32>,
    %broadcast_in_dim3A_11 = arith.constant 1.000000e+00 : f32
    %broadcast_in_dim3A_12 = vector.broadcast %broadcast_in_dim3A_11 : f32 to vector<16xf32>
    %swap3A_13 = arith.constant 32 : index
    %swap3A_14 = tpu.vector_load %arg6[%swap3A_13] {strides = array<i32>} : memref<96xf32, #tpu.memory_space<vmem>>, vector<16xf32>,
    %swap3A_15 = vector.shape_cast %swap3A_14 : vector<16xf32> to vector<16xf32>
    %swap3A_16 = vector.shape_cast %broadcast_in_dim3A_12 : vector<16xf32> to vector<16xf32>
    tpu.vector_store %arg6[%swap3A_13], %swap3A_16 {strides = array<i32>} : memref<96xf32, #tpu.memory_space<vmem>>, vector<16xf32>,
    %broadcast_in_dim3A_17 = arith.constant 1.000000e+00 : f32
    %broadcast_in_dim3A_18 = vector.broadcast %broadcast_in_dim3A_17 : f32 to vector<16xf32>
    %swap3A_19 = arith.constant 48 : index
    %swap3A_20 = tpu.vector_load %arg6[%swap3A_19] {strides = array<i32>} : memref<96xf32, #tpu.memory_space<vmem>>, vector<16xf32>,
    %swap3A_21 = vector.shape_cast %swap3A_20 : vector<16xf32> to vector<16xf32>
    %swap3A_22 = vector.shape_cast %broadcast_in_dim3A_18 : vector<16xf32> to vector<16xf32>
    tpu.vector_store %arg6[%swap3A_19], %swap3A_22 {strides = array<i32>} : memref<96xf32, #tpu.memory_space<vmem>>, vector<16xf32>,
    %broadcast_in_dim3A_23 = arith.constant 1.000000e+00 : f32
    %broadcast_in_dim3A_24 = vector.broadcast %broadcast_in_dim3A_23 : f32 to vector<16xf32>
    %swap3A_25 = arith.constant 64 : index
    %swap3A_26 = tpu.vector_load %arg6[%swap3A_25] {strides = array<i32>} : memref<96xf32, #tpu.memory_space<vmem>>, vector<16xf32>,
    %swap3A_27 = vector.shape_cast %swap3A_26 : vector<16xf32> to vector<16xf32>
    %swap3A_28 = vector.shape_cast %broadcast_in_dim3A_24 : vector<16xf32> to vector<16xf32>
    tpu.vector_store %arg6[%swap3A_25], %swap3A_28 {strides = array<i32>} : memref<96xf32, #tpu.memory_space<vmem>>, vector<16xf32>,
    %broadcast_in_dim3A_29 = arith.constant 1.000000e+00 : f32
    %broadcast_in_dim3A_30 = vector.broadcast %broadcast_in_dim3A_29 : f32 to vector<16xf32>
    %swap3A_31 = arith.constant 80 : index
    %swap3A_32 = tpu.vector_load %arg6[%swap3A_31] {strides = array<i32>} : memref<96xf32, #tpu.memory_space<vmem>>, vector<16xf32>,
    %swap3A_33 = vector.shape_cast %swap3A_32 : vector<16xf32> to vector<16xf32>
    %swap3A_34 = vector.shape_cast %broadcast_in_dim3A_30 : vector<16xf32> to vector<16xf32>
    tpu.vector_store %arg6[%swap3A_31], %swap3A_34 {strides = array<i32>} : memref<96xf32, #tpu.memory_space<vmem>>, vector<16xf32>,
    %mul3A_35 = arith.constant 640 : i32
    %mul3A_36 = arith.muli %arg1, %mul3A_35 : i32
    "tpu.region"() ({
      %run_scoped3A = tpu.sem_alloc : memref<!tpu.dma_semaphore, #tpu.memory_space<semaphore_mem>>
      %dma_start3A = tpu.memref_slice %arg7[%mul3A_36] : memref<10240xf32, #tpu.memory_space<vmem_shared>> -> memref<640xf32, #tpu.memory_space<vmem_shared>>
      tpu.enqueue_dma source(%arg3 : memref<640xf32, #tpu.memory_space<hbm>>) target(%dma_start3A : memref<640xf32, #tpu.memory_space<vmem_shared>>) target_semaphore(%run_scoped3A : memref<!tpu.dma_semaphore, #tpu.memory_space<semaphore_mem>>)
      %dma_wait3A = tpu.memref_slice %arg7[%mul3A_36] : memref<10240xf32, #tpu.memory_space<vmem_shared>> -> memref<640xf32, #tpu.memory_space<vmem_shared>>
      tpu.wait_dma2 semaphore(%run_scoped3A : memref<!tpu.dma_semaphore, #tpu.memory_space<semaphore_mem>>) src(%arg3 : memref<640xf32, #tpu.memory_space<hbm>>) dst(%dma_wait3A : memref<640xf32, #tpu.memory_space<vmem_shared>>)
      tpu.yield
    }) : () -> ()
    "tpu.region"() ({
      %run_scoped3A = tpu.sem_alloc : memref<!tpu.dma_semaphore, #tpu.memory_space<semaphore_mem>>
      %dma_start3A = arith.constant 0 : i32
      %dma_start3A_47 = arith.constant 0 : i32
      %dma_start3A_48 = tpu.memref_slice %arg2[%add3A, %dma_start3A, %dma_start3A_47] : memref<32x105x96xi32, #tpu.memory_space<hbm>> -> memref<1x105x96xi32, #tpu.memory_space<hbm>>
      %dma_start3A_49 = tpu.memref_squeeze %dma_start3A_48 : memref<1x105x96xi32, #tpu.memory_space<hbm>> -> memref<105x96xi32, #tpu.memory_space<hbm>>
      %dma_start3A_50 = arith.constant 0 : i32
      %dma_start3A_51 = arith.constant 0 : i32
      %dma_start3A_52 = tpu.memref_slice %arg2[%add3A, %dma_start3A_50, %dma_start3A_51] : memref<32x105x96xi32, #tpu.memory_space<hbm>> -> memref<1x105x96xi32, #tpu.memory_space<hbm>>
      %dma_start3A_53 = tpu.memref_squeeze %dma_start3A_52 : memref<1x105x96xi32, #tpu.memory_space<hbm>> -> memref<105x96xi32, #tpu.memory_space<hbm>>
      tpu.enqueue_dma source(%dma_start3A_53 : memref<105x96xi32, #tpu.memory_space<hbm>>) target(%arg5 : memref<105x96xi32, #tpu.memory_space<vmem>>) target_semaphore(%run_scoped3A : memref<!tpu.dma_semaphore, #tpu.memory_space<semaphore_mem>>)
      %dma_wait3A = arith.constant 0 : i32
      %dma_wait3A_54 = arith.constant 0 : i32
      %dma_wait3A_55 = tpu.memref_slice %arg2[%add3A, %dma_wait3A, %dma_wait3A_54] : memref<32x105x96xi32, #tpu.memory_space<hbm>> -> memref<1x105x96xi32, #tpu.memory_space<hbm>>
      %dma_wait3A_56 = tpu.memref_squeeze %dma_wait3A_55 : memref<1x105x96xi32, #tpu.memory_space<hbm>> -> memref<105x96xi32, #tpu.memory_space<hbm>>
      %dma_wait3A_57 = arith.constant 0 : i32
      %dma_wait3A_58 = arith.constant 0 : i32
      %dma_wait3A_59 = tpu.memref_slice %arg2[%add3A, %dma_wait3A_57, %dma_wait3A_58] : memref<32x105x96xi32, #tpu.memory_space<hbm>> -> memref<1x105x96xi32, #tpu.memory_space<hbm>>
      %dma_wait3A_60 = tpu.memref_squeeze %dma_wait3A_59 : memref<1x105x96xi32, #tpu.memory_space<hbm>> -> memref<105x96xi32, #tpu.memory_space<hbm>>
      tpu.wait_dma2 semaphore(%run_scoped3A : memref<!tpu.dma_semaphore, #tpu.memory_space<semaphore_mem>>) src(%dma_wait3A_60 : memref<105x96xi32, #tpu.memory_space<hbm>>) dst(%arg5 : memref<105x96xi32, #tpu.memory_space<vmem>>)
      tpu.yield
    }) : () -> ()
    %barrier3A = arith.constant 0 : index
    tpu.barrier barrier_id(%barrier3A)
    %scan3A = arith.constant 0 : i32
    %scan3A_37 = arith.constant 0 : i32
    %scan3A_38 = arith.constant 105 : i32
    %scan3A_39 = arith.addi %scan3A_37, %scan3A_38 : i32
    %scan3A_40 = arith.constant 1 : i32
    scf.for %scan3A_47 = %scan3A_37 to %scan3A_39 step %scan3A_40  : i32 {
      "tpu.region"() ({
        %run_scoped3A = tpu.sem_alloc : memref<!tpu.dma_semaphore, #tpu.memory_space<semaphore_mem>>
        %dma_start3A = arith.constant 0 : i32
        %dma_start3A_48 = tpu.memref_slice %arg5[%scan3A_47, %dma_start3A] : memref<105x96xi32, #tpu.memory_space<vmem>> -> memref<1x96xi32, #tpu.memory_space<vmem>>
        %dma_start3A_49 = tpu.memref_squeeze %dma_start3A_48 : memref<1x96xi32, #tpu.memory_space<vmem>> -> memref<96xi32, #tpu.memory_space<vmem>>
        %dma_start3A_50 = arith.constant 0 : i32
        %dma_start3A_51 = tpu.memref_slice %arg7[%dma_start3A_50] : memref<10240xf32, #tpu.memory_space<vmem_shared>> -> memref<10240xf32, #tpu.memory_space<vmem_shared>>
        tpu.enqueue_indirect_dma source(%arg6 : memref<96xf32, #tpu.memory_space<vmem>>) target(%dma_start3A_51 : memref<10240xf32, #tpu.memory_space<vmem_shared>>) offsets(%dma_start3A_49 : memref<96xi32, #tpu.memory_space<vmem>>) semaphore(%run_scoped3A : memref<!tpu.dma_semaphore, #tpu.memory_space<semaphore_mem>>) {add = true}
        %dma_wait3A = arith.constant 0 : i32
        %dma_wait3A_52 = tpu.memref_slice %arg5[%scan3A_47, %dma_wait3A] : memref<105x96xi32, #tpu.memory_space<vmem>> -> memref<1x96xi32, #tpu.memory_space<vmem>>
        %dma_wait3A_53 = tpu.memref_squeeze %dma_wait3A_52 : memref<1x96xi32, #tpu.memory_space<vmem>> -> memref<96xi32, #tpu.memory_space<vmem>>
        %dma_wait3A_54 = arith.constant 0 : i32
        %dma_wait3A_55 = tpu.memref_slice %arg7[%dma_wait3A_54] : memref<10240xf32, #tpu.memory_space<vmem_shared>> -> memref<10240xf32, #tpu.memory_space<vmem_shared>>
        tpu.wait_indirect_dma semaphore(%run_scoped3A : memref<!tpu.dma_semaphore, #tpu.memory_space<semaphore_mem>>) src(%arg6 : memref<96xf32, #tpu.memory_space<vmem>>) dst(%dma_wait3A_55 : memref<10240xf32, #tpu.memory_space<vmem_shared>>)
        tpu.yield
      }) : () -> ()
    }
    %scan3A_41 = arith.constant 105 : i32
    %barrier3A_42 = arith.constant 0 : index
    tpu.barrier barrier_id(%barrier3A_42)
    %mul3A_43 = arith.constant 640 : i32
    %mul3A_44 = arith.muli %arg1, %mul3A_43 : i32
    %mul3A_45 = arith.constant 640 : i32
    %mul3A_46 = arith.muli %arg1, %mul3A_45 : i32
    "tpu.region"() ({
      %run_scoped3A = tpu.sem_alloc : memref<!tpu.dma_semaphore, #tpu.memory_space<semaphore_mem>>
      %dma_start3A = tpu.memref_slice %arg4[%arg0, %mul3A_46] : memref<2x10240xf32, #tpu.memory_space<hbm>> -> memref<1x640xf32, #tpu.memory_space<hbm>>
      %dma_start3A_47 = tpu.memref_squeeze %dma_start3A : memref<1x640xf32, #tpu.memory_space<hbm>> -> memref<640xf32, #tpu.memory_space<hbm>>
      %dma_start3A_48 = tpu.memref_slice %arg7[%mul3A_44] : memref<10240xf32, #tpu.memory_space<vmem_shared>> -> memref<640xf32, #tpu.memory_space<vmem_shared>>
      tpu.enqueue_dma source(%dma_start3A_48 : memref<640xf32, #tpu.memory_space<vmem_shared>>) target(%dma_start3A_47 : memref<640xf32, #tpu.memory_space<hbm>>) target_semaphore(%run_scoped3A : memref<!tpu.dma_semaphore, #tpu.memory_space<semaphore_mem>>)
      %dma_wait3A = tpu.memref_slice %arg4[%arg0, %mul3A_46] : memref<2x10240xf32, #tpu.memory_space<hbm>> -> memref<1x640xf32, #tpu.memory_space<hbm>>
      %dma_wait3A_49 = tpu.memref_squeeze %dma_wait3A : memref<1x640xf32, #tpu.memory_space<hbm>> -> memref<640xf32, #tpu.memory_space<hbm>>
      %dma_wait3A_50 = tpu.memref_slice %arg7[%mul3A_44] : memref<10240xf32, #tpu.memory_space<vmem_shared>> -> memref<640xf32, #tpu.memory_space<vmem_shared>>
      tpu.wait_dma2 semaphore(%run_scoped3A : memref<!tpu.dma_semaphore, #tpu.memory_space<semaphore_mem>>) src(%dma_wait3A_50 : memref<640xf32, #tpu.memory_space<vmem_shared>>) dst(%dma_wait3A_49 : memref<640xf32, #tpu.memory_space<hbm>>)
      tpu.yield
    }) : () -> ()
    return
  }
}

#map = affine_map<(d0, d1) -> (0, 0)>
#map1 = affine_map<(d0, d1) -> (0, 0, 0)>
module attributes {stable_mosaic.version = 14 : i64} {
  func.func @_agg_body(%arg0: i32, %arg1: i32, %arg2: memref<10240x128xf32, #tpu.memory_space<hbm>>, %arg3: memref<32x10080xi32, #tpu.memory_space<hbm>>, %arg4: memref<632x128xf32, #tpu.memory_space<hbm>>, %arg5: memref<2x10112x128xf32, #tpu.memory_space<hbm>>, %arg6: memref<10080xi32, #tpu.memory_space<vmem>>, %arg7: memref<96xi32, #tpu.memory_space<vmem>>, %arg8: memref<96xi32, #tpu.memory_space<vmem>>, %arg9: memref<96xi32, #tpu.memory_space<vmem>>, %arg10: memref<96xi32, #tpu.memory_space<vmem>>, %arg11: memref<96xi32, #tpu.memory_space<vmem>>, %arg12: memref<96xi32, #tpu.memory_space<vmem>>, %arg13: memref<96x128xf32, #tpu.memory_space<vmem>>, %arg14: memref<96x128xf32, #tpu.memory_space<vmem>>, %arg15: memref<96x128xf32, #tpu.memory_space<vmem>>, %arg16: memref<10112x128xf32, #tpu.memory_space<vmem_shared>>, %arg17: memref<!tpu.dma_semaphore, #tpu.memory_space<semaphore_mem>>, %arg18: memref<!tpu.dma_semaphore, #tpu.memory_space<semaphore_mem>>, %arg19: memref<!tpu.dma_semaphore, #tpu.memory_space<semaphore_mem>>) attributes {dimension_semantics = [#tpu.dimension_semantics<core_parallel>, #tpu.dimension_semantics<subcore_parallel>], iteration_bounds = array<i64: 2, 16>, scalar_prefetch = 0 : i64, scratch_operands = 14 : i64, tpu.core_type = #tpu.core_type<sc_vector_subcore>, window_params = [{transform_indices = #map}, {transform_indices = #map}, {transform_indices = #map}, {transform_indices = #map1}]} {
    %mul3A = arith.constant 16 : i32
    %mul3A_0 = arith.muli %arg0, %mul3A : i32
    %add3A = arith.addi %mul3A_0, %arg1 : i32
    %mul3A_1 = arith.constant 632 : i32
    %mul3A_2 = arith.muli %arg1, %mul3A_1 : i32
    "tpu.region"() ({
      %run_scoped3A = tpu.sem_alloc : memref<!tpu.dma_semaphore, #tpu.memory_space<semaphore_mem>>
      %dma_start3A_323 = arith.constant 0 : i32
      %dma_start3A_324 = tpu.memref_slice %arg16[%mul3A_2, %dma_start3A_323] : memref<10112x128xf32, #tpu.memory_space<vmem_shared>> -> memref<632x128xf32, #tpu.memory_space<vmem_shared>>
      tpu.enqueue_dma source(%arg4 : memref<632x128xf32, #tpu.memory_space<hbm>>) target(%dma_start3A_324 : memref<632x128xf32, #tpu.memory_space<vmem_shared>>) target_semaphore(%run_scoped3A : memref<!tpu.dma_semaphore, #tpu.memory_space<semaphore_mem>>)
      %dma_wait3A = arith.constant 0 : i32
      %dma_wait3A_325 = tpu.memref_slice %arg16[%mul3A_2, %dma_wait3A] : memref<10112x128xf32, #tpu.memory_space<vmem_shared>> -> memref<632x128xf32, #tpu.memory_space<vmem_shared>>
      tpu.wait_dma2 semaphore(%run_scoped3A : memref<!tpu.dma_semaphore, #tpu.memory_space<semaphore_mem>>) src(%arg4 : memref<632x128xf32, #tpu.memory_space<hbm>>) dst(%dma_wait3A_325 : memref<632x128xf32, #tpu.memory_space<vmem_shared>>)
      tpu.yield
    }) : () -> ()
    "tpu.region"() ({
      %run_scoped3A = tpu.sem_alloc : memref<!tpu.dma_semaphore, #tpu.memory_space<semaphore_mem>>
      %dma_start3A_323 = arith.constant 0 : i32
      %dma_start3A_324 = tpu.memref_slice %arg3[%add3A, %dma_start3A_323] : memref<32x10080xi32, #tpu.memory_space<hbm>> -> memref<1x10080xi32, #tpu.memory_space<hbm>>
      %dma_start3A_325 = tpu.memref_squeeze %dma_start3A_324 : memref<1x10080xi32, #tpu.memory_space<hbm>> -> memref<10080xi32, #tpu.memory_space<hbm>>
      %dma_start3A_326 = arith.constant 0 : i32
      %dma_start3A_327 = tpu.memref_slice %arg3[%add3A, %dma_start3A_326] : memref<32x10080xi32, #tpu.memory_space<hbm>> -> memref<1x10080xi32, #tpu.memory_space<hbm>>
      %dma_start3A_328 = tpu.memref_squeeze %dma_start3A_327 : memref<1x10080xi32, #tpu.memory_space<hbm>> -> memref<10080xi32, #tpu.memory_space<hbm>>
      tpu.enqueue_dma source(%dma_start3A_328 : memref<10080xi32, #tpu.memory_space<hbm>>) target(%arg6 : memref<10080xi32, #tpu.memory_space<vmem>>) target_semaphore(%run_scoped3A : memref<!tpu.dma_semaphore, #tpu.memory_space<semaphore_mem>>)
      %dma_wait3A = arith.constant 0 : i32
      %dma_wait3A_329 = tpu.memref_slice %arg3[%add3A, %dma_wait3A] : memref<32x10080xi32, #tpu.memory_space<hbm>> -> memref<1x10080xi32, #tpu.memory_space<hbm>>
      %dma_wait3A_330 = tpu.memref_squeeze %dma_wait3A_329 : memref<1x10080xi32, #tpu.memory_space<hbm>> -> memref<10080xi32, #tpu.memory_space<hbm>>
      %dma_wait3A_331 = arith.constant 0 : i32
      %dma_wait3A_332 = tpu.memref_slice %arg3[%add3A, %dma_wait3A_331] : memref<32x10080xi32, #tpu.memory_space<hbm>> -> memref<1x10080xi32, #tpu.memory_space<hbm>>
      %dma_wait3A_333 = tpu.memref_squeeze %dma_wait3A_332 : memref<1x10080xi32, #tpu.memory_space<hbm>> -> memref<10080xi32, #tpu.memory_space<hbm>>
      tpu.wait_dma2 semaphore(%run_scoped3A : memref<!tpu.dma_semaphore, #tpu.memory_space<semaphore_mem>>) src(%dma_wait3A_333 : memref<10080xi32, #tpu.memory_space<hbm>>) dst(%arg6 : memref<10080xi32, #tpu.memory_space<vmem>>)
      tpu.yield
    }) : () -> ()
    %barrier3A = arith.constant 0 : index
    tpu.barrier barrier_id(%barrier3A)
    %get3A = arith.constant 0 : index
    %get3A_3 = tpu.vector_load %arg6[%get3A] {strides = array<i32>} : memref<10080xi32, #tpu.memory_space<vmem>>, vector<16xi32>,
    %get3A_4 = vector.shape_cast %get3A_3 : vector<16xi32> to vector<16xi32>
    %shift_right_logical3A = arith.constant 15 : i32
    %shift_right_logical3A_5 = vector.broadcast %shift_right_logical3A : i32 to vector<16xi32>
    %shift_right_logical3A_6 = arith.shrui %get3A_4, %shift_right_logical3A_5 : vector<16xi32>
    %swap3A = arith.constant 0 : index
    %swap3A_7 = tpu.vector_load %arg7[%swap3A] {strides = array<i32>} : memref<96xi32, #tpu.memory_space<vmem>>, vector<16xi32>,
    %swap3A_8 = vector.shape_cast %swap3A_7 : vector<16xi32> to vector<16xi32>
    %swap3A_9 = vector.shape_cast %shift_right_logical3A_6 : vector<16xi32> to vector<16xi32>
    tpu.vector_store %arg7[%swap3A], %swap3A_9 {strides = array<i32>} : memref<96xi32, #tpu.memory_space<vmem>>, vector<16xi32>,
    %and3A = arith.constant 32767 : i32
    %and3A_10 = vector.broadcast %and3A : i32 to vector<16xi32>
    %and3A_11 = arith.andi %get3A_4, %and3A_10 : vector<16xi32>
    %swap3A_12 = arith.constant 0 : index
    %swap3A_13 = tpu.vector_load %arg8[%swap3A_12] {strides = array<i32>} : memref<96xi32, #tpu.memory_space<vmem>>, vector<16xi32>,
    %swap3A_14 = vector.shape_cast %swap3A_13 : vector<16xi32> to vector<16xi32>
    %swap3A_15 = vector.shape_cast %and3A_11 : vector<16xi32> to vector<16xi32>
    tpu.vector_store %arg8[%swap3A_12], %swap3A_15 {strides = array<i32>} : memref<96xi32, #tpu.memory_space<vmem>>, vector<16xi32>,
    %get3A_16 = arith.constant 16 : index
    %get3A_17 = tpu.vector_load %arg6[%get3A_16] {strides = array<i32>} : memref<10080xi32, #tpu.memory_space<vmem>>, vector<16xi32>,
    %get3A_18 = vector.shape_cast %get3A_17 : vector<16xi32> to vector<16xi32>
    %shift_right_logical3A_19 = arith.constant 15 : i32
    %shift_right_logical3A_20 = vector.broadcast %shift_right_logical3A_19 : i32 to vector<16xi32>
    %shift_right_logical3A_21 = arith.shrui %get3A_18, %shift_right_logical3A_20 : vector<16xi32>
    %swap3A_22 = arith.constant 16 : index
    %swap3A_23 = tpu.vector_load %arg7[%swap3A_22] {strides = array<i32>} : memref<96xi32, #tpu.memory_space<vmem>>, vector<16xi32>,
    %swap3A_24 = vector.shape_cast %swap3A_23 : vector<16xi32> to vector<16xi32>
    %swap3A_25 = vector.shape_cast %shift_right_logical3A_21 : vector<16xi32> to vector<16xi32>
    tpu.vector_store %arg7[%swap3A_22], %swap3A_25 {strides = array<i32>} : memref<96xi32, #tpu.memory_space<vmem>>, vector<16xi32>,
    %and3A_26 = arith.constant 32767 : i32
    %and3A_27 = vector.broadcast %and3A_26 : i32 to vector<16xi32>
    %and3A_28 = arith.andi %get3A_18, %and3A_27 : vector<16xi32>
    %swap3A_29 = arith.constant 16 : index
    %swap3A_30 = tpu.vector_load %arg8[%swap3A_29] {strides = array<i32>} : memref<96xi32, #tpu.memory_space<vmem>>, vector<16xi32>,
    %swap3A_31 = vector.shape_cast %swap3A_30 : vector<16xi32> to vector<16xi32>
    %swap3A_32 = vector.shape_cast %and3A_28 : vector<16xi32> to vector<16xi32>
    tpu.vector_store %arg8[%swap3A_29], %swap3A_32 {strides = array<i32>} : memref<96xi32, #tpu.memory_space<vmem>>, vector<16xi32>,
    %get3A_33 = arith.constant 32 : index
    %get3A_34 = tpu.vector_load %arg6[%get3A_33] {strides = array<i32>} : memref<10080xi32, #tpu.memory_space<vmem>>, vector<16xi32>,
    %get3A_35 = vector.shape_cast %get3A_34 : vector<16xi32> to vector<16xi32>
    %shift_right_logical3A_36 = arith.constant 15 : i32
    %shift_right_logical3A_37 = vector.broadcast %shift_right_logical3A_36 : i32 to vector<16xi32>
    %shift_right_logical3A_38 = arith.shrui %get3A_35, %shift_right_logical3A_37 : vector<16xi32>
    %swap3A_39 = arith.constant 32 : index
    %swap3A_40 = tpu.vector_load %arg7[%swap3A_39] {strides = array<i32>} : memref<96xi32, #tpu.memory_space<vmem>>, vector<16xi32>,
    %swap3A_41 = vector.shape_cast %swap3A_40 : vector<16xi32> to vector<16xi32>
    %swap3A_42 = vector.shape_cast %shift_right_logical3A_38 : vector<16xi32> to vector<16xi32>
    tpu.vector_store %arg7[%swap3A_39], %swap3A_42 {strides = array<i32>} : memref<96xi32, #tpu.memory_space<vmem>>, vector<16xi32>,
    %and3A_43 = arith.constant 32767 : i32
    %and3A_44 = vector.broadcast %and3A_43 : i32 to vector<16xi32>
    %and3A_45 = arith.andi %get3A_35, %and3A_44 : vector<16xi32>
    %swap3A_46 = arith.constant 32 : index
    %swap3A_47 = tpu.vector_load %arg8[%swap3A_46] {strides = array<i32>} : memref<96xi32, #tpu.memory_space<vmem>>, vector<16xi32>,
    %swap3A_48 = vector.shape_cast %swap3A_47 : vector<16xi32> to vector<16xi32>
    %swap3A_49 = vector.shape_cast %and3A_45 : vector<16xi32> to vector<16xi32>
    tpu.vector_store %arg8[%swap3A_46], %swap3A_49 {strides = array<i32>} : memref<96xi32, #tpu.memory_space<vmem>>, vector<16xi32>,
    %get3A_50 = arith.constant 48 : index
    %get3A_51 = tpu.vector_load %arg6[%get3A_50] {strides = array<i32>} : memref<10080xi32, #tpu.memory_space<vmem>>, vector<16xi32>,
    %get3A_52 = vector.shape_cast %get3A_51 : vector<16xi32> to vector<16xi32>
    %shift_right_logical3A_53 = arith.constant 15 : i32
    %shift_right_logical3A_54 = vector.broadcast %shift_right_logical3A_53 : i32 to vector<16xi32>
    %shift_right_logical3A_55 = arith.shrui %get3A_52, %shift_right_logical3A_54 : vector<16xi32>
    %swap3A_56 = arith.constant 48 : index
    %swap3A_57 = tpu.vector_load %arg7[%swap3A_56] {strides = array<i32>} : memref<96xi32, #tpu.memory_space<vmem>>, vector<16xi32>,
    %swap3A_58 = vector.shape_cast %swap3A_57 : vector<16xi32> to vector<16xi32>
    %swap3A_59 = vector.shape_cast %shift_right_logical3A_55 : vector<16xi32> to vector<16xi32>
    tpu.vector_store %arg7[%swap3A_56], %swap3A_59 {strides = array<i32>} : memref<96xi32, #tpu.memory_space<vmem>>, vector<16xi32>,
    %and3A_60 = arith.constant 32767 : i32
    %and3A_61 = vector.broadcast %and3A_60 : i32 to vector<16xi32>
    %and3A_62 = arith.andi %get3A_52, %and3A_61 : vector<16xi32>
    %swap3A_63 = arith.constant 48 : index
    %swap3A_64 = tpu.vector_load %arg8[%swap3A_63] {strides = array<i32>} : memref<96xi32, #tpu.memory_space<vmem>>, vector<16xi32>,
    %swap3A_65 = vector.shape_cast %swap3A_64 : vector<16xi32> to vector<16xi32>
    %swap3A_66 = vector.shape_cast %and3A_62 : vector<16xi32> to vector<16xi32>
    tpu.vector_store %arg8[%swap3A_63], %swap3A_66 {strides = array<i32>} : memref<96xi32, #tpu.memory_space<vmem>>, vector<16xi32>,
    %get3A_67 = arith.constant 64 : index
    %get3A_68 = tpu.vector_load %arg6[%get3A_67] {strides = array<i32>} : memref<10080xi32, #tpu.memory_space<vmem>>, vector<16xi32>,
    %get3A_69 = vector.shape_cast %get3A_68 : vector<16xi32> to vector<16xi32>
    %shift_right_logical3A_70 = arith.constant 15 : i32
    %shift_right_logical3A_71 = vector.broadcast %shift_right_logical3A_70 : i32 to vector<16xi32>
    %shift_right_logical3A_72 = arith.shrui %get3A_69, %shift_right_logical3A_71 : vector<16xi32>
    %swap3A_73 = arith.constant 64 : index
    %swap3A_74 = tpu.vector_load %arg7[%swap3A_73] {strides = array<i32>} : memref<96xi32, #tpu.memory_space<vmem>>, vector<16xi32>,
    %swap3A_75 = vector.shape_cast %swap3A_74 : vector<16xi32> to vector<16xi32>
    %swap3A_76 = vector.shape_cast %shift_right_logical3A_72 : vector<16xi32> to vector<16xi32>
    tpu.vector_store %arg7[%swap3A_73], %swap3A_76 {strides = array<i32>} : memref<96xi32, #tpu.memory_space<vmem>>, vector<16xi32>,
    %and3A_77 = arith.constant 32767 : i32
    %and3A_78 = vector.broadcast %and3A_77 : i32 to vector<16xi32>
    %and3A_79 = arith.andi %get3A_69, %and3A_78 : vector<16xi32>
    %swap3A_80 = arith.constant 64 : index
    %swap3A_81 = tpu.vector_load %arg8[%swap3A_80] {strides = array<i32>} : memref<96xi32, #tpu.memory_space<vmem>>, vector<16xi32>,
    %swap3A_82 = vector.shape_cast %swap3A_81 : vector<16xi32> to vector<16xi32>
    %swap3A_83 = vector.shape_cast %and3A_79 : vector<16xi32> to vector<16xi32>
    tpu.vector_store %arg8[%swap3A_80], %swap3A_83 {strides = array<i32>} : memref<96xi32, #tpu.memory_space<vmem>>, vector<16xi32>,
    %get3A_84 = arith.constant 80 : index
    %get3A_85 = tpu.vector_load %arg6[%get3A_84] {strides = array<i32>} : memref<10080xi32, #tpu.memory_space<vmem>>, vector<16xi32>,
    %get3A_86 = vector.shape_cast %get3A_85 : vector<16xi32> to vector<16xi32>
    %shift_right_logical3A_87 = arith.constant 15 : i32
    %shift_right_logical3A_88 = vector.broadcast %shift_right_logical3A_87 : i32 to vector<16xi32>
    %shift_right_logical3A_89 = arith.shrui %get3A_86, %shift_right_logical3A_88 : vector<16xi32>
    %swap3A_90 = arith.constant 80 : index
    %swap3A_91 = tpu.vector_load %arg7[%swap3A_90] {strides = array<i32>} : memref<96xi32, #tpu.memory_space<vmem>>, vector<16xi32>,
    %swap3A_92 = vector.shape_cast %swap3A_91 : vector<16xi32> to vector<16xi32>
    %swap3A_93 = vector.shape_cast %shift_right_logical3A_89 : vector<16xi32> to vector<16xi32>
    tpu.vector_store %arg7[%swap3A_90], %swap3A_93 {strides = array<i32>} : memref<96xi32, #tpu.memory_space<vmem>>, vector<16xi32>,
    %and3A_94 = arith.constant 32767 : i32
    %and3A_95 = vector.broadcast %and3A_94 : i32 to vector<16xi32>
    %and3A_96 = arith.andi %get3A_86, %and3A_95 : vector<16xi32>
    %swap3A_97 = arith.constant 80 : index
    %swap3A_98 = tpu.vector_load %arg8[%swap3A_97] {strides = array<i32>} : memref<96xi32, #tpu.memory_space<vmem>>, vector<16xi32>,
    %swap3A_99 = vector.shape_cast %swap3A_98 : vector<16xi32> to vector<16xi32>
    %swap3A_100 = vector.shape_cast %and3A_96 : vector<16xi32> to vector<16xi32>
    tpu.vector_store %arg8[%swap3A_97], %swap3A_100 {strides = array<i32>} : memref<96xi32, #tpu.memory_space<vmem>>, vector<16xi32>,
    %dma_start3A = arith.constant 0 : i32
    %dma_start3A_101 = arith.constant 0 : i32
    %dma_start3A_102 = tpu.memref_slice %arg2[%dma_start3A, %dma_start3A_101] : memref<10240x128xf32, #tpu.memory_space<hbm>> -> memref<10240x128xf32, #tpu.memory_space<hbm>>
    tpu.enqueue_indirect_dma source(%dma_start3A_102 : memref<10240x128xf32, #tpu.memory_space<hbm>>) target(%arg13 : memref<96x128xf32, #tpu.memory_space<vmem>>) offsets(%arg7 : memref<96xi32, #tpu.memory_space<vmem>>) semaphore(%arg17 : memref<!tpu.dma_semaphore, #tpu.memory_space<semaphore_mem>>)
    %get3A_103 = arith.constant 96 : index
    %get3A_104 = tpu.vector_load %arg6[%get3A_103] {strides = array<i32>} : memref<10080xi32, #tpu.memory_space<vmem>>, vector<16xi32>,
    %get3A_105 = vector.shape_cast %get3A_104 : vector<16xi32> to vector<16xi32>
    %shift_right_logical3A_106 = arith.constant 15 : i32
    %shift_right_logical3A_107 = vector.broadcast %shift_right_logical3A_106 : i32 to vector<16xi32>
    %shift_right_logical3A_108 = arith.shrui %get3A_105, %shift_right_logical3A_107 : vector<16xi32>
    %swap3A_109 = arith.constant 0 : index
    %swap3A_110 = tpu.vector_load %arg9[%swap3A_109] {strides = array<i32>} : memref<96xi32, #tpu.memory_space<vmem>>, vector<16xi32>,
    %swap3A_111 = vector.shape_cast %swap3A_110 : vector<16xi32> to vector<16xi32>
    %swap3A_112 = vector.shape_cast %shift_right_logical3A_108 : vector<16xi32> to vector<16xi32>
    tpu.vector_store %arg9[%swap3A_109], %swap3A_112 {strides = array<i32>} : memref<96xi32, #tpu.memory_space<vmem>>, vector<16xi32>,
    %and3A_113 = arith.constant 32767 : i32
    %and3A_114 = vector.broadcast %and3A_113 : i32 to vector<16xi32>
    %and3A_115 = arith.andi %get3A_105, %and3A_114 : vector<16xi32>
    %swap3A_116 = arith.constant 0 : index
    %swap3A_117 = tpu.vector_load %arg10[%swap3A_116] {strides = array<i32>} : memref<96xi32, #tpu.memory_space<vmem>>, vector<16xi32>,
    %swap3A_118 = vector.shape_cast %swap3A_117 : vector<16xi32> to vector<16xi32>
    %swap3A_119 = vector.shape_cast %and3A_115 : vector<16xi32> to vector<16xi32>
    tpu.vector_store %arg10[%swap3A_116], %swap3A_119 {strides = array<i32>} : memref<96xi32, #tpu.memory_space<vmem>>, vector<16xi32>,
    %get3A_120 = arith.constant 112 : index
    %get3A_121 = tpu.vector_load %arg6[%get3A_120] {strides = array<i32>} : memref<10080xi32, #tpu.memory_space<vmem>>, vector<16xi32>,
    %get3A_122 = vector.shape_cast %get3A_121 : vector<16xi32> to vector<16xi32>
    %shift_right_logical3A_123 = arith.constant 15 : i32
    %shift_right_logical3A_124 = vector.broadcast %shift_right_logical3A_123 : i32 to vector<16xi32>
    %shift_right_logical3A_125 = arith.shrui %get3A_122, %shift_right_logical3A_124 : vector<16xi32>
    %swap3A_126 = arith.constant 16 : index
    %swap3A_127 = tpu.vector_load %arg9[%swap3A_126] {strides = array<i32>} : memref<96xi32, #tpu.memory_space<vmem>>, vector<16xi32>,
    %swap3A_128 = vector.shape_cast %swap3A_127 : vector<16xi32> to vector<16xi32>
    %swap3A_129 = vector.shape_cast %shift_right_logical3A_125 : vector<16xi32> to vector<16xi32>
    tpu.vector_store %arg9[%swap3A_126], %swap3A_129 {strides = array<i32>} : memref<96xi32, #tpu.memory_space<vmem>>, vector<16xi32>,
    %and3A_130 = arith.constant 32767 : i32
    %and3A_131 = vector.broadcast %and3A_130 : i32 to vector<16xi32>
    %and3A_132 = arith.andi %get3A_122, %and3A_131 : vector<16xi32>
    %swap3A_133 = arith.constant 16 : index
    %swap3A_134 = tpu.vector_load %arg10[%swap3A_133] {strides = array<i32>} : memref<96xi32, #tpu.memory_space<vmem>>, vector<16xi32>,
    %swap3A_135 = vector.shape_cast %swap3A_134 : vector<16xi32> to vector<16xi32>
    %swap3A_136 = vector.shape_cast %and3A_132 : vector<16xi32> to vector<16xi32>
    tpu.vector_store %arg10[%swap3A_133], %swap3A_136 {strides = array<i32>} : memref<96xi32, #tpu.memory_space<vmem>>, vector<16xi32>,
    %get3A_137 = arith.constant 128 : index
    %get3A_138 = tpu.vector_load %arg6[%get3A_137] {strides = array<i32>} : memref<10080xi32, #tpu.memory_space<vmem>>, vector<16xi32>,
    %get3A_139 = vector.shape_cast %get3A_138 : vector<16xi32> to vector<16xi32>
    %shift_right_logical3A_140 = arith.constant 15 : i32
    %shift_right_logical3A_141 = vector.broadcast %shift_right_logical3A_140 : i32 to vector<16xi32>
    %shift_right_logical3A_142 = arith.shrui %get3A_139, %shift_right_logical3A_141 : vector<16xi32>
    %swap3A_143 = arith.constant 32 : index
    %swap3A_144 = tpu.vector_load %arg9[%swap3A_143] {strides = array<i32>} : memref<96xi32, #tpu.memory_space<vmem>>, vector<16xi32>,
    %swap3A_145 = vector.shape_cast %swap3A_144 : vector<16xi32> to vector<16xi32>
    %swap3A_146 = vector.shape_cast %shift_right_logical3A_142 : vector<16xi32> to vector<16xi32>
    tpu.vector_store %arg9[%swap3A_143], %swap3A_146 {strides = array<i32>} : memref<96xi32, #tpu.memory_space<vmem>>, vector<16xi32>,
    %and3A_147 = arith.constant 32767 : i32
    %and3A_148 = vector.broadcast %and3A_147 : i32 to vector<16xi32>
    %and3A_149 = arith.andi %get3A_139, %and3A_148 : vector<16xi32>
    %swap3A_150 = arith.constant 32 : index
    %swap3A_151 = tpu.vector_load %arg10[%swap3A_150] {strides = array<i32>} : memref<96xi32, #tpu.memory_space<vmem>>, vector<16xi32>,
    %swap3A_152 = vector.shape_cast %swap3A_151 : vector<16xi32> to vector<16xi32>
    %swap3A_153 = vector.shape_cast %and3A_149 : vector<16xi32> to vector<16xi32>
    tpu.vector_store %arg10[%swap3A_150], %swap3A_153 {strides = array<i32>} : memref<96xi32, #tpu.memory_space<vmem>>, vector<16xi32>,
    %get3A_154 = arith.constant 144 : index
    %get3A_155 = tpu.vector_load %arg6[%get3A_154] {strides = array<i32>} : memref<10080xi32, #tpu.memory_space<vmem>>, vector<16xi32>,
    %get3A_156 = vector.shape_cast %get3A_155 : vector<16xi32> to vector<16xi32>
    %shift_right_logical3A_157 = arith.constant 15 : i32
    %shift_right_logical3A_158 = vector.broadcast %shift_right_logical3A_157 : i32 to vector<16xi32>
    %shift_right_logical3A_159 = arith.shrui %get3A_156, %shift_right_logical3A_158 : vector<16xi32>
    %swap3A_160 = arith.constant 48 : index
    %swap3A_161 = tpu.vector_load %arg9[%swap3A_160] {strides = array<i32>} : memref<96xi32, #tpu.memory_space<vmem>>, vector<16xi32>,
    %swap3A_162 = vector.shape_cast %swap3A_161 : vector<16xi32> to vector<16xi32>
    %swap3A_163 = vector.shape_cast %shift_right_logical3A_159 : vector<16xi32> to vector<16xi32>
    tpu.vector_store %arg9[%swap3A_160], %swap3A_163 {strides = array<i32>} : memref<96xi32, #tpu.memory_space<vmem>>, vector<16xi32>,
    %and3A_164 = arith.constant 32767 : i32
    %and3A_165 = vector.broadcast %and3A_164 : i32 to vector<16xi32>
    %and3A_166 = arith.andi %get3A_156, %and3A_165 : vector<16xi32>
    %swap3A_167 = arith.constant 48 : index
    %swap3A_168 = tpu.vector_load %arg10[%swap3A_167] {strides = array<i32>} : memref<96xi32, #tpu.memory_space<vmem>>, vector<16xi32>,
    %swap3A_169 = vector.shape_cast %swap3A_168 : vector<16xi32> to vector<16xi32>
    %swap3A_170 = vector.shape_cast %and3A_166 : vector<16xi32> to vector<16xi32>
    tpu.vector_store %arg10[%swap3A_167], %swap3A_170 {strides = array<i32>} : memref<96xi32, #tpu.memory_space<vmem>>, vector<16xi32>,
    %get3A_171 = arith.constant 160 : index
    %get3A_172 = tpu.vector_load %arg6[%get3A_171] {strides = array<i32>} : memref<10080xi32, #tpu.memory_space<vmem>>, vector<16xi32>,
    %get3A_173 = vector.shape_cast %get3A_172 : vector<16xi32> to vector<16xi32>
    %shift_right_logical3A_174 = arith.constant 15 : i32
    %shift_right_logical3A_175 = vector.broadcast %shift_right_logical3A_174 : i32 to vector<16xi32>
    %shift_right_logical3A_176 = arith.shrui %get3A_173, %shift_right_logical3A_175 : vector<16xi32>
    %swap3A_177 = arith.constant 64 : index
    %swap3A_178 = tpu.vector_load %arg9[%swap3A_177] {strides = array<i32>} : memref<96xi32, #tpu.memory_space<vmem>>, vector<16xi32>,
    %swap3A_179 = vector.shape_cast %swap3A_178 : vector<16xi32> to vector<16xi32>
    %swap3A_180 = vector.shape_cast %shift_right_logical3A_176 : vector<16xi32> to vector<16xi32>
    tpu.vector_store %arg9[%swap3A_177], %swap3A_180 {strides = array<i32>} : memref<96xi32, #tpu.memory_space<vmem>>, vector<16xi32>,
    %and3A_181 = arith.constant 32767 : i32
    %and3A_182 = vector.broadcast %and3A_181 : i32 to vector<16xi32>
    %and3A_183 = arith.andi %get3A_173, %and3A_182 : vector<16xi32>
    %swap3A_184 = arith.constant 64 : index
    %swap3A_185 = tpu.vector_load %arg10[%swap3A_184] {strides = array<i32>} : memref<96xi32, #tpu.memory_space<vmem>>, vector<16xi32>,
    %swap3A_186 = vector.shape_cast %swap3A_185 : vector<16xi32> to vector<16xi32>
    %swap3A_187 = vector.shape_cast %and3A_183 : vector<16xi32> to vector<16xi32>
    tpu.vector_store %arg10[%swap3A_184], %swap3A_187 {strides = array<i32>} : memref<96xi32, #tpu.memory_space<vmem>>, vector<16xi32>,
    %get3A_188 = arith.constant 176 : index
    %get3A_189 = tpu.vector_load %arg6[%get3A_188] {strides = array<i32>} : memref<10080xi32, #tpu.memory_space<vmem>>, vector<16xi32>,
    %get3A_190 = vector.shape_cast %get3A_189 : vector<16xi32> to vector<16xi32>
    %shift_right_logical3A_191 = arith.constant 15 : i32
    %shift_right_logical3A_192 = vector.broadcast %shift_right_logical3A_191 : i32 to vector<16xi32>
    %shift_right_logical3A_193 = arith.shrui %get3A_190, %shift_right_logical3A_192 : vector<16xi32>
    %swap3A_194 = arith.constant 80 : index
    %swap3A_195 = tpu.vector_load %arg9[%swap3A_194] {strides = array<i32>} : memref<96xi32, #tpu.memory_space<vmem>>, vector<16xi32>,
    %swap3A_196 = vector.shape_cast %swap3A_195 : vector<16xi32> to vector<16xi32>
    %swap3A_197 = vector.shape_cast %shift_right_logical3A_193 : vector<16xi32> to vector<16xi32>
    tpu.vector_store %arg9[%swap3A_194], %swap3A_197 {strides = array<i32>} : memref<96xi32, #tpu.memory_space<vmem>>, vector<16xi32>,
    %and3A_198 = arith.constant 32767 : i32
    %and3A_199 = vector.broadcast %and3A_198 : i32 to vector<16xi32>
    %and3A_200 = arith.andi %get3A_190, %and3A_199 : vector<16xi32>
    %swap3A_201 = arith.constant 80 : index
    %swap3A_202 = tpu.vector_load %arg10[%swap3A_201] {strides = array<i32>} : memref<96xi32, #tpu.memory_space<vmem>>, vector<16xi32>,
    %swap3A_203 = vector.shape_cast %swap3A_202 : vector<16xi32> to vector<16xi32>
    %swap3A_204 = vector.shape_cast %and3A_200 : vector<16xi32> to vector<16xi32>
    tpu.vector_store %arg10[%swap3A_201], %swap3A_204 {strides = array<i32>} : memref<96xi32, #tpu.memory_space<vmem>>, vector<16xi32>,
    %dma_start3A_205 = arith.constant 0 : i32
    %dma_start3A_206 = arith.constant 0 : i32
    %dma_start3A_207 = tpu.memref_slice %arg2[%dma_start3A_205, %dma_start3A_206] : memref<10240x128xf32, #tpu.memory_space<hbm>> -> memref<10240x128xf32, #tpu.memory_space<hbm>>
    tpu.enqueue_indirect_dma source(%dma_start3A_207 : memref<10240x128xf32, #tpu.memory_space<hbm>>) target(%arg14 : memref<96x128xf32, #tpu.memory_space<vmem>>) offsets(%arg9 : memref<96xi32, #tpu.memory_space<vmem>>) semaphore(%arg18 : memref<!tpu.dma_semaphore, #tpu.memory_space<semaphore_mem>>)
    %get3A_208 = arith.constant 192 : index
    %get3A_209 = tpu.vector_load %arg6[%get3A_208] {strides = array<i32>} : memref<10080xi32, #tpu.memory_space<vmem>>, vector<16xi32>,
    %get3A_210 = vector.shape_cast %get3A_209 : vector<16xi32> to vector<16xi32>
    %shift_right_logical3A_211 = arith.constant 15 : i32
    %shift_right_logical3A_212 = vector.broadcast %shift_right_logical3A_211 : i32 to vector<16xi32>
    %shift_right_logical3A_213 = arith.shrui %get3A_210, %shift_right_logical3A_212 : vector<16xi32>
    %swap3A_214 = arith.constant 0 : index
    %swap3A_215 = tpu.vector_load %arg11[%swap3A_214] {strides = array<i32>} : memref<96xi32, #tpu.memory_space<vmem>>, vector<16xi32>,
    %swap3A_216 = vector.shape_cast %swap3A_215 : vector<16xi32> to vector<16xi32>
    %swap3A_217 = vector.shape_cast %shift_right_logical3A_213 : vector<16xi32> to vector<16xi32>
    tpu.vector_store %arg11[%swap3A_214], %swap3A_217 {strides = array<i32>} : memref<96xi32, #tpu.memory_space<vmem>>, vector<16xi32>,
    %and3A_218 = arith.constant 32767 : i32
    %and3A_219 = vector.broadcast %and3A_218 : i32 to vector<16xi32>
    %and3A_220 = arith.andi %get3A_210, %and3A_219 : vector<16xi32>
    %swap3A_221 = arith.constant 0 : index
    %swap3A_222 = tpu.vector_load %arg12[%swap3A_221] {strides = array<i32>} : memref<96xi32, #tpu.memory_space<vmem>>, vector<16xi32>,
    %swap3A_223 = vector.shape_cast %swap3A_222 : vector<16xi32> to vector<16xi32>
    %swap3A_224 = vector.shape_cast %and3A_220 : vector<16xi32> to vector<16xi32>
    tpu.vector_store %arg12[%swap3A_221], %swap3A_224 {strides = array<i32>} : memref<96xi32, #tpu.memory_space<vmem>>, vector<16xi32>,
    %get3A_225 = arith.constant 208 : index
    %get3A_226 = tpu.vector_load %arg6[%get3A_225] {strides = array<i32>} : memref<10080xi32, #tpu.memory_space<vmem>>, vector<16xi32>,
    %get3A_227 = vector.shape_cast %get3A_226 : vector<16xi32> to vector<16xi32>
    %shift_right_logical3A_228 = arith.constant 15 : i32
    %shift_right_logical3A_229 = vector.broadcast %shift_right_logical3A_228 : i32 to vector<16xi32>
    %shift_right_logical3A_230 = arith.shrui %get3A_227, %shift_right_logical3A_229 : vector<16xi32>
    %swap3A_231 = arith.constant 16 : index
    %swap3A_232 = tpu.vector_load %arg11[%swap3A_231] {strides = array<i32>} : memref<96xi32, #tpu.memory_space<vmem>>, vector<16xi32>,
    %swap3A_233 = vector.shape_cast %swap3A_232 : vector<16xi32> to vector<16xi32>
    %swap3A_234 = vector.shape_cast %shift_right_logical3A_230 : vector<16xi32> to vector<16xi32>
    tpu.vector_store %arg11[%swap3A_231], %swap3A_234 {strides = array<i32>} : memref<96xi32, #tpu.memory_space<vmem>>, vector<16xi32>,
    %and3A_235 = arith.constant 32767 : i32
    %and3A_236 = vector.broadcast %and3A_235 : i32 to vector<16xi32>
    %and3A_237 = arith.andi %get3A_227, %and3A_236 : vector<16xi32>
    %swap3A_238 = arith.constant 16 : index
    %swap3A_239 = tpu.vector_load %arg12[%swap3A_238] {strides = array<i32>} : memref<96xi32, #tpu.memory_space<vmem>>, vector<16xi32>,
    %swap3A_240 = vector.shape_cast %swap3A_239 : vector<16xi32> to vector<16xi32>
    %swap3A_241 = vector.shape_cast %and3A_237 : vector<16xi32> to vector<16xi32>
    tpu.vector_store %arg12[%swap3A_238], %swap3A_241 {strides = array<i32>} : memref<96xi32, #tpu.memory_space<vmem>>, vector<16xi32>,
    %get3A_242 = arith.constant 224 : index
    %get3A_243 = tpu.vector_load %arg6[%get3A_242] {strides = array<i32>} : memref<10080xi32, #tpu.memory_space<vmem>>, vector<16xi32>,
    %get3A_244 = vector.shape_cast %get3A_243 : vector<16xi32> to vector<16xi32>
    %shift_right_logical3A_245 = arith.constant 15 : i32
    %shift_right_logical3A_246 = vector.broadcast %shift_right_logical3A_245 : i32 to vector<16xi32>
    %shift_right_logical3A_247 = arith.shrui %get3A_244, %shift_right_logical3A_246 : vector<16xi32>
    %swap3A_248 = arith.constant 32 : index
    %swap3A_249 = tpu.vector_load %arg11[%swap3A_248] {strides = array<i32>} : memref<96xi32, #tpu.memory_space<vmem>>, vector<16xi32>,
    %swap3A_250 = vector.shape_cast %swap3A_249 : vector<16xi32> to vector<16xi32>
    %swap3A_251 = vector.shape_cast %shift_right_logical3A_247 : vector<16xi32> to vector<16xi32>
    tpu.vector_store %arg11[%swap3A_248], %swap3A_251 {strides = array<i32>} : memref<96xi32, #tpu.memory_space<vmem>>, vector<16xi32>,
    %and3A_252 = arith.constant 32767 : i32
    %and3A_253 = vector.broadcast %and3A_252 : i32 to vector<16xi32>
    %and3A_254 = arith.andi %get3A_244, %and3A_253 : vector<16xi32>
    %swap3A_255 = arith.constant 32 : index
    %swap3A_256 = tpu.vector_load %arg12[%swap3A_255] {strides = array<i32>} : memref<96xi32, #tpu.memory_space<vmem>>, vector<16xi32>,
    %swap3A_257 = vector.shape_cast %swap3A_256 : vector<16xi32> to vector<16xi32>
    %swap3A_258 = vector.shape_cast %and3A_254 : vector<16xi32> to vector<16xi32>
    tpu.vector_store %arg12[%swap3A_255], %swap3A_258 {strides = array<i32>} : memref<96xi32, #tpu.memory_space<vmem>>, vector<16xi32>,
    %get3A_259 = arith.constant 240 : index
    %get3A_260 = tpu.vector_load %arg6[%get3A_259] {strides = array<i32>} : memref<10080xi32, #tpu.memory_space<vmem>>, vector<16xi32>,
    %get3A_261 = vector.shape_cast %get3A_260 : vector<16xi32> to vector<16xi32>
    %shift_right_logical3A_262 = arith.constant 15 : i32
    %shift_right_logical3A_263 = vector.broadcast %shift_right_logical3A_262 : i32 to vector<16xi32>
    %shift_right_logical3A_264 = arith.shrui %get3A_261, %shift_right_logical3A_263 : vector<16xi32>
    %swap3A_265 = arith.constant 48 : index
    %swap3A_266 = tpu.vector_load %arg11[%swap3A_265] {strides = array<i32>} : memref<96xi32, #tpu.memory_space<vmem>>, vector<16xi32>,
    %swap3A_267 = vector.shape_cast %swap3A_266 : vector<16xi32> to vector<16xi32>
    %swap3A_268 = vector.shape_cast %shift_right_logical3A_264 : vector<16xi32> to vector<16xi32>
    tpu.vector_store %arg11[%swap3A_265], %swap3A_268 {strides = array<i32>} : memref<96xi32, #tpu.memory_space<vmem>>, vector<16xi32>,
    %and3A_269 = arith.constant 32767 : i32
    %and3A_270 = vector.broadcast %and3A_269 : i32 to vector<16xi32>
    %and3A_271 = arith.andi %get3A_261, %and3A_270 : vector<16xi32>
    %swap3A_272 = arith.constant 48 : index
    %swap3A_273 = tpu.vector_load %arg12[%swap3A_272] {strides = array<i32>} : memref<96xi32, #tpu.memory_space<vmem>>, vector<16xi32>,
    %swap3A_274 = vector.shape_cast %swap3A_273 : vector<16xi32> to vector<16xi32>
    %swap3A_275 = vector.shape_cast %and3A_271 : vector<16xi32> to vector<16xi32>
    tpu.vector_store %arg12[%swap3A_272], %swap3A_275 {strides = array<i32>} : memref<96xi32, #tpu.memory_space<vmem>>, vector<16xi32>,
    %get3A_276 = arith.constant 256 : index
    %get3A_277 = tpu.vector_load %arg6[%get3A_276] {strides = array<i32>} : memref<10080xi32, #tpu.memory_space<vmem>>, vector<16xi32>,
    %get3A_278 = vector.shape_cast %get3A_277 : vector<16xi32> to vector<16xi32>
    %shift_right_logical3A_279 = arith.constant 15 : i32
    %shift_right_logical3A_280 = vector.broadcast %shift_right_logical3A_279 : i32 to vector<16xi32>
    %shift_right_logical3A_281 = arith.shrui %get3A_278, %shift_right_logical3A_280 : vector<16xi32>
    %swap3A_282 = arith.constant 64 : index
    %swap3A_283 = tpu.vector_load %arg11[%swap3A_282] {strides = array<i32>} : memref<96xi32, #tpu.memory_space<vmem>>, vector<16xi32>,
    %swap3A_284 = vector.shape_cast %swap3A_283 : vector<16xi32> to vector<16xi32>
    %swap3A_285 = vector.shape_cast %shift_right_logical3A_281 : vector<16xi32> to vector<16xi32>
    tpu.vector_store %arg11[%swap3A_282], %swap3A_285 {strides = array<i32>} : memref<96xi32, #tpu.memory_space<vmem>>, vector<16xi32>,
    %and3A_286 = arith.constant 32767 : i32
    %and3A_287 = vector.broadcast %and3A_286 : i32 to vector<16xi32>
    %and3A_288 = arith.andi %get3A_278, %and3A_287 : vector<16xi32>
    %swap3A_289 = arith.constant 64 : index
    %swap3A_290 = tpu.vector_load %arg12[%swap3A_289] {strides = array<i32>} : memref<96xi32, #tpu.memory_space<vmem>>, vector<16xi32>,
    %swap3A_291 = vector.shape_cast %swap3A_290 : vector<16xi32> to vector<16xi32>
    %swap3A_292 = vector.shape_cast %and3A_288 : vector<16xi32> to vector<16xi32>
    tpu.vector_store %arg12[%swap3A_289], %swap3A_292 {strides = array<i32>} : memref<96xi32, #tpu.memory_space<vmem>>, vector<16xi32>,
    %get3A_293 = arith.constant 272 : index
    %get3A_294 = tpu.vector_load %arg6[%get3A_293] {strides = array<i32>} : memref<10080xi32, #tpu.memory_space<vmem>>, vector<16xi32>,
    %get3A_295 = vector.shape_cast %get3A_294 : vector<16xi32> to vector<16xi32>
    %shift_right_logical3A_296 = arith.constant 15 : i32
    %shift_right_logical3A_297 = vector.broadcast %shift_right_logical3A_296 : i32 to vector<16xi32>
    %shift_right_logical3A_298 = arith.shrui %get3A_295, %shift_right_logical3A_297 : vector<16xi32>
    %swap3A_299 = arith.constant 80 : index
    %swap3A_300 = tpu.vector_load %arg11[%swap3A_299] {strides = array<i32>} : memref<96xi32, #tpu.memory_space<vmem>>, vector<16xi32>,
    %swap3A_301 = vector.shape_cast %swap3A_300 : vector<16xi32> to vector<16xi32>
    %swap3A_302 = vector.shape_cast %shift_right_logical3A_298 : vector<16xi32> to vector<16xi32>
    tpu.vector_store %arg11[%swap3A_299], %swap3A_302 {strides = array<i32>} : memref<96xi32, #tpu.memory_space<vmem>>, vector<16xi32>,
    %and3A_303 = arith.constant 32767 : i32
    %and3A_304 = vector.broadcast %and3A_303 : i32 to vector<16xi32>
    %and3A_305 = arith.andi %get3A_295, %and3A_304 : vector<16xi32>
    %swap3A_306 = arith.constant 80 : index
    %swap3A_307 = tpu.vector_load %arg12[%swap3A_306] {strides = array<i32>} : memref<96xi32, #tpu.memory_space<vmem>>, vector<16xi32>,
    %swap3A_308 = vector.shape_cast %swap3A_307 : vector<16xi32> to vector<16xi32>
    %swap3A_309 = vector.shape_cast %and3A_305 : vector<16xi32> to vector<16xi32>
    tpu.vector_store %arg12[%swap3A_306], %swap3A_309 {strides = array<i32>} : memref<96xi32, #tpu.memory_space<vmem>>, vector<16xi32>,
    %dma_start3A_310 = arith.constant 0 : i32
    %dma_start3A_311 = arith.constant 0 : i32
    %dma_start3A_312 = tpu.memref_slice %arg2[%dma_start3A_310, %dma_start3A_311] : memref<10240x128xf32, #tpu.memory_space<hbm>> -> memref<10240x128xf32, #tpu.memory_space<hbm>>
    tpu.enqueue_indirect_dma source(%dma_start3A_312 : memref<10240x128xf32, #tpu.memory_space<hbm>>) target(%arg15 : memref<96x128xf32, #tpu.memory_space<vmem>>) offsets(%arg11 : memref<96xi32, #tpu.memory_space<vmem>>) semaphore(%arg19 : memref<!tpu.dma_semaphore, #tpu.memory_space<semaphore_mem>>)
    %scan3A = arith.constant 0 : i32
    %scan3A_313 = arith.constant 0 : i32
    %scan3A_314 = arith.constant 35 : i32
    %scan3A_315 = arith.addi %scan3A_313, %scan3A_314 : i32
    %scan3A_316 = arith.constant 1 : i32
    scf.for %scan3A_323 = %scan3A_313 to %scan3A_315 step %scan3A_316  : i32 {
      %mul3A_324 = arith.constant 3 : i32
      %mul3A_325 = arith.muli %mul3A_324, %scan3A_323 : i32
      %add3A_326 = arith.constant 0 : i32
      %add3A_327 = arith.addi %mul3A_325, %add3A_326 : i32
      %dma_wait3A = arith.constant 0 : i32
      %dma_wait3A_328 = arith.constant 0 : i32
      %dma_wait3A_329 = tpu.memref_slice %arg2[%dma_wait3A, %dma_wait3A_328] : memref<10240x128xf32, #tpu.memory_space<hbm>> -> memref<10240x128xf32, #tpu.memory_space<hbm>>
      tpu.wait_indirect_dma semaphore(%arg17 : memref<!tpu.dma_semaphore, #tpu.memory_space<semaphore_mem>>) src(%dma_wait3A_329 : memref<10240x128xf32, #tpu.memory_space<hbm>>) dst(%arg13 : memref<96x128xf32, #tpu.memory_space<vmem>>)
      "tpu.region"() ({
        %run_scoped3A = tpu.sem_alloc : memref<!tpu.dma_semaphore, #tpu.memory_space<semaphore_mem>>
        %dma_start3A_352 = arith.constant 0 : i32
        %dma_start3A_353 = arith.constant 0 : i32
        %dma_start3A_354 = tpu.memref_slice %arg16[%dma_start3A_352, %dma_start3A_353] : memref<10112x128xf32, #tpu.memory_space<vmem_shared>> -> memref<10112x128xf32, #tpu.memory_space<vmem_shared>>
        tpu.enqueue_indirect_dma source(%arg13 : memref<96x128xf32, #tpu.memory_space<vmem>>) target(%dma_start3A_354 : memref<10112x128xf32, #tpu.memory_space<vmem_shared>>) offsets(%arg8 : memref<96xi32, #tpu.memory_space<vmem>>) semaphore(%run_scoped3A : memref<!tpu.dma_semaphore, #tpu.memory_space<semaphore_mem>>) {add = true}
        %dma_wait3A_355 = arith.constant 0 : i32
        %dma_wait3A_356 = arith.constant 0 : i32
        %dma_wait3A_357 = tpu.memref_slice %arg16[%dma_wait3A_355, %dma_wait3A_356] : memref<10112x128xf32, #tpu.memory_space<vmem_shared>> -> memref<10112x128xf32, #tpu.memory_space<vmem_shared>>
        tpu.wait_indirect_dma semaphore(%run_scoped3A : memref<!tpu.dma_semaphore, #tpu.memory_space<semaphore_mem>>) src(%arg13 : memref<96x128xf32, #tpu.memory_space<vmem>>) dst(%dma_wait3A_357 : memref<10112x128xf32, #tpu.memory_space<vmem_shared>>)
        tpu.yield
      }) : () -> ()
      %lt3A = arith.constant 34 : i32
      %lt3A_330 = arith.cmpi slt, %scan3A_323, %lt3A : i32
      %convert_element_type3A = arith.extui %lt3A_330 : i1 to i32
      %cond3A = arith.constant 0 : i32
      %cond3A_331 = arith.cmpi ne, %convert_element_type3A, %cond3A : i32
      scf.if %cond3A_331 {
        %add3A_352 = arith.constant 3 : i32
        %add3A_353 = arith.addi %add3A_327, %add3A_352 : i32
        %mul3A_354 = arith.constant 96 : i32
        %mul3A_355 = arith.muli %add3A_353, %mul3A_354 : i32
        %add3A_356 = arith.constant 0 : i32
        %add3A_357 = arith.addi %mul3A_355, %add3A_356 : i32
        %get3A_358 = arith.index_cast %add3A_357 : i32 to index
        %get3A_359 = tpu.vector_load %arg6[%get3A_358] {strides = array<i32>} : memref<10080xi32, #tpu.memory_space<vmem>>, vector<16xi32>,
        %get3A_360 = vector.shape_cast %get3A_359 : vector<16xi32> to vector<16xi32>
        %shift_right_logical3A_361 = arith.constant 15 : i32
        %shift_right_logical3A_362 = vector.broadcast %shift_right_logical3A_361 : i32 to vector<16xi32>
        %shift_right_logical3A_363 = arith.shrui %get3A_360, %shift_right_logical3A_362 : vector<16xi32>
        %swap3A_364 = arith.constant 0 : index
        %swap3A_365 = tpu.vector_load %arg7[%swap3A_364] {strides = array<i32>} : memref<96xi32, #tpu.memory_space<vmem>>, vector<16xi32>,
        %swap3A_366 = vector.shape_cast %swap3A_365 : vector<16xi32> to vector<16xi32>
        %swap3A_367 = vector.shape_cast %shift_right_logical3A_363 : vector<16xi32> to vector<16xi32>
        tpu.vector_store %arg7[%swap3A_364], %swap3A_367 {strides = array<i32>} : memref<96xi32, #tpu.memory_space<vmem>>, vector<16xi32>,
        %and3A_368 = arith.constant 32767 : i32
        %and3A_369 = vector.broadcast %and3A_368 : i32 to vector<16xi32>
        %and3A_370 = arith.andi %get3A_360, %and3A_369 : vector<16xi32>
        %swap3A_371 = arith.constant 0 : index
        %swap3A_372 = tpu.vector_load %arg8[%swap3A_371] {strides = array<i32>} : memref<96xi32, #tpu.memory_space<vmem>>, vector<16xi32>,
        %swap3A_373 = vector.shape_cast %swap3A_372 : vector<16xi32> to vector<16xi32>
        %swap3A_374 = vector.shape_cast %and3A_370 : vector<16xi32> to vector<16xi32>
        tpu.vector_store %arg8[%swap3A_371], %swap3A_374 {strides = array<i32>} : memref<96xi32, #tpu.memory_space<vmem>>, vector<16xi32>,
        %mul3A_375 = arith.constant 96 : i32
        %mul3A_376 = arith.muli %add3A_353, %mul3A_375 : i32
        %add3A_377 = arith.constant 16 : i32
        %add3A_378 = arith.addi %mul3A_376, %add3A_377 : i32
        %get3A_379 = arith.index_cast %add3A_378 : i32 to index
        %get3A_380 = tpu.vector_load %arg6[%get3A_379] {strides = array<i32>} : memref<10080xi32, #tpu.memory_space<vmem>>, vector<16xi32>,
        %get3A_381 = vector.shape_cast %get3A_380 : vector<16xi32> to vector<16xi32>
        %shift_right_logical3A_382 = arith.constant 15 : i32
        %shift_right_logical3A_383 = vector.broadcast %shift_right_logical3A_382 : i32 to vector<16xi32>
        %shift_right_logical3A_384 = arith.shrui %get3A_381, %shift_right_logical3A_383 : vector<16xi32>
        %swap3A_385 = arith.constant 16 : index
        %swap3A_386 = tpu.vector_load %arg7[%swap3A_385] {strides = array<i32>} : memref<96xi32, #tpu.memory_space<vmem>>, vector<16xi32>,
        %swap3A_387 = vector.shape_cast %swap3A_386 : vector<16xi32> to vector<16xi32>
        %swap3A_388 = vector.shape_cast %shift_right_logical3A_384 : vector<16xi32> to vector<16xi32>
        tpu.vector_store %arg7[%swap3A_385], %swap3A_388 {strides = array<i32>} : memref<96xi32, #tpu.memory_space<vmem>>, vector<16xi32>,
        %and3A_389 = arith.constant 32767 : i32
        %and3A_390 = vector.broadcast %and3A_389 : i32 to vector<16xi32>
        %and3A_391 = arith.andi %get3A_381, %and3A_390 : vector<16xi32>
        %swap3A_392 = arith.constant 16 : index
        %swap3A_393 = tpu.vector_load %arg8[%swap3A_392] {strides = array<i32>} : memref<96xi32, #tpu.memory_space<vmem>>, vector<16xi32>,
        %swap3A_394 = vector.shape_cast %swap3A_393 : vector<16xi32> to vector<16xi32>
        %swap3A_395 = vector.shape_cast %and3A_391 : vector<16xi32> to vector<16xi32>
        tpu.vector_store %arg8[%swap3A_392], %swap3A_395 {strides = array<i32>} : memref<96xi32, #tpu.memory_space<vmem>>, vector<16xi32>,
        %mul3A_396 = arith.constant 96 : i32
        %mul3A_397 = arith.muli %add3A_353, %mul3A_396 : i32
        %add3A_398 = arith.constant 32 : i32
        %add3A_399 = arith.addi %mul3A_397, %add3A_398 : i32
        %get3A_400 = arith.index_cast %add3A_399 : i32 to index
        %get3A_401 = tpu.vector_load %arg6[%get3A_400] {strides = array<i32>} : memref<10080xi32, #tpu.memory_space<vmem>>, vector<16xi32>,
        %get3A_402 = vector.shape_cast %get3A_401 : vector<16xi32> to vector<16xi32>
        %shift_right_logical3A_403 = arith.constant 15 : i32
        %shift_right_logical3A_404 = vector.broadcast %shift_right_logical3A_403 : i32 to vector<16xi32>
        %shift_right_logical3A_405 = arith.shrui %get3A_402, %shift_right_logical3A_404 : vector<16xi32>
        %swap3A_406 = arith.constant 32 : index
        %swap3A_407 = tpu.vector_load %arg7[%swap3A_406] {strides = array<i32>} : memref<96xi32, #tpu.memory_space<vmem>>, vector<16xi32>,
        %swap3A_408 = vector.shape_cast %swap3A_407 : vector<16xi32> to vector<16xi32>
        %swap3A_409 = vector.shape_cast %shift_right_logical3A_405 : vector<16xi32> to vector<16xi32>
        tpu.vector_store %arg7[%swap3A_406], %swap3A_409 {strides = array<i32>} : memref<96xi32, #tpu.memory_space<vmem>>, vector<16xi32>,
        %and3A_410 = arith.constant 32767 : i32
        %and3A_411 = vector.broadcast %and3A_410 : i32 to vector<16xi32>
        %and3A_412 = arith.andi %get3A_402, %and3A_411 : vector<16xi32>
        %swap3A_413 = arith.constant 32 : index
        %swap3A_414 = tpu.vector_load %arg8[%swap3A_413] {strides = array<i32>} : memref<96xi32, #tpu.memory_space<vmem>>, vector<16xi32>,
        %swap3A_415 = vector.shape_cast %swap3A_414 : vector<16xi32> to vector<16xi32>
        %swap3A_416 = vector.shape_cast %and3A_412 : vector<16xi32> to vector<16xi32>
        tpu.vector_store %arg8[%swap3A_413], %swap3A_416 {strides = array<i32>} : memref<96xi32, #tpu.memory_space<vmem>>, vector<16xi32>,
        %mul3A_417 = arith.constant 96 : i32
        %mul3A_418 = arith.muli %add3A_353, %mul3A_417 : i32
        %add3A_419 = arith.constant 48 : i32
        %add3A_420 = arith.addi %mul3A_418, %add3A_419 : i32
        %get3A_421 = arith.index_cast %add3A_420 : i32 to index
        %get3A_422 = tpu.vector_load %arg6[%get3A_421] {strides = array<i32>} : memref<10080xi32, #tpu.memory_space<vmem>>, vector<16xi32>,
        %get3A_423 = vector.shape_cast %get3A_422 : vector<16xi32> to vector<16xi32>
        %shift_right_logical3A_424 = arith.constant 15 : i32
        %shift_right_logical3A_425 = vector.broadcast %shift_right_logical3A_424 : i32 to vector<16xi32>
        %shift_right_logical3A_426 = arith.shrui %get3A_423, %shift_right_logical3A_425 : vector<16xi32>
        %swap3A_427 = arith.constant 48 : index
        %swap3A_428 = tpu.vector_load %arg7[%swap3A_427] {strides = array<i32>} : memref<96xi32, #tpu.memory_space<vmem>>, vector<16xi32>,
        %swap3A_429 = vector.shape_cast %swap3A_428 : vector<16xi32> to vector<16xi32>
        %swap3A_430 = vector.shape_cast %shift_right_logical3A_426 : vector<16xi32> to vector<16xi32>
        tpu.vector_store %arg7[%swap3A_427], %swap3A_430 {strides = array<i32>} : memref<96xi32, #tpu.memory_space<vmem>>, vector<16xi32>,
        %and3A_431 = arith.constant 32767 : i32
        %and3A_432 = vector.broadcast %and3A_431 : i32 to vector<16xi32>
        %and3A_433 = arith.andi %get3A_423, %and3A_432 : vector<16xi32>
        %swap3A_434 = arith.constant 48 : index
        %swap3A_435 = tpu.vector_load %arg8[%swap3A_434] {strides = array<i32>} : memref<96xi32, #tpu.memory_space<vmem>>, vector<16xi32>,
        %swap3A_436 = vector.shape_cast %swap3A_435 : vector<16xi32> to vector<16xi32>
        %swap3A_437 = vector.shape_cast %and3A_433 : vector<16xi32> to vector<16xi32>
        tpu.vector_store %arg8[%swap3A_434], %swap3A_437 {strides = array<i32>} : memref<96xi32, #tpu.memory_space<vmem>>, vector<16xi32>,
        %mul3A_438 = arith.constant 96 : i32
        %mul3A_439 = arith.muli %add3A_353, %mul3A_438 : i32
        %add3A_440 = arith.constant 64 : i32
        %add3A_441 = arith.addi %mul3A_439, %add3A_440 : i32
        %get3A_442 = arith.index_cast %add3A_441 : i32 to index
        %get3A_443 = tpu.vector_load %arg6[%get3A_442] {strides = array<i32>} : memref<10080xi32, #tpu.memory_space<vmem>>, vector<16xi32>,
        %get3A_444 = vector.shape_cast %get3A_443 : vector<16xi32> to vector<16xi32>
        %shift_right_logical3A_445 = arith.constant 15 : i32
        %shift_right_logical3A_446 = vector.broadcast %shift_right_logical3A_445 : i32 to vector<16xi32>
        %shift_right_logical3A_447 = arith.shrui %get3A_444, %shift_right_logical3A_446 : vector<16xi32>
        %swap3A_448 = arith.constant 64 : index
        %swap3A_449 = tpu.vector_load %arg7[%swap3A_448] {strides = array<i32>} : memref<96xi32, #tpu.memory_space<vmem>>, vector<16xi32>,
        %swap3A_450 = vector.shape_cast %swap3A_449 : vector<16xi32> to vector<16xi32>
        %swap3A_451 = vector.shape_cast %shift_right_logical3A_447 : vector<16xi32> to vector<16xi32>
        tpu.vector_store %arg7[%swap3A_448], %swap3A_451 {strides = array<i32>} : memref<96xi32, #tpu.memory_space<vmem>>, vector<16xi32>,
        %and3A_452 = arith.constant 32767 : i32
        %and3A_453 = vector.broadcast %and3A_452 : i32 to vector<16xi32>
        %and3A_454 = arith.andi %get3A_444, %and3A_453 : vector<16xi32>
        %swap3A_455 = arith.constant 64 : index
        %swap3A_456 = tpu.vector_load %arg8[%swap3A_455] {strides = array<i32>} : memref<96xi32, #tpu.memory_space<vmem>>, vector<16xi32>,
        %swap3A_457 = vector.shape_cast %swap3A_456 : vector<16xi32> to vector<16xi32>
        %swap3A_458 = vector.shape_cast %and3A_454 : vector<16xi32> to vector<16xi32>
        tpu.vector_store %arg8[%swap3A_455], %swap3A_458 {strides = array<i32>} : memref<96xi32, #tpu.memory_space<vmem>>, vector<16xi32>,
        %mul3A_459 = arith.constant 96 : i32
        %mul3A_460 = arith.muli %add3A_353, %mul3A_459 : i32
        %add3A_461 = arith.constant 80 : i32
        %add3A_462 = arith.addi %mul3A_460, %add3A_461 : i32
        %get3A_463 = arith.index_cast %add3A_462 : i32 to index
        %get3A_464 = tpu.vector_load %arg6[%get3A_463] {strides = array<i32>} : memref<10080xi32, #tpu.memory_space<vmem>>, vector<16xi32>,
        %get3A_465 = vector.shape_cast %get3A_464 : vector<16xi32> to vector<16xi32>
        %shift_right_logical3A_466 = arith.constant 15 : i32
        %shift_right_logical3A_467 = vector.broadcast %shift_right_logical3A_466 : i32 to vector<16xi32>
        %shift_right_logical3A_468 = arith.shrui %get3A_465, %shift_right_logical3A_467 : vector<16xi32>
        %swap3A_469 = arith.constant 80 : index
        %swap3A_470 = tpu.vector_load %arg7[%swap3A_469] {strides = array<i32>} : memref<96xi32, #tpu.memory_space<vmem>>, vector<16xi32>,
        %swap3A_471 = vector.shape_cast %swap3A_470 : vector<16xi32> to vector<16xi32>
        %swap3A_472 = vector.shape_cast %shift_right_logical3A_468 : vector<16xi32> to vector<16xi32>
        tpu.vector_store %arg7[%swap3A_469], %swap3A_472 {strides = array<i32>} : memref<96xi32, #tpu.memory_space<vmem>>, vector<16xi32>,
        %and3A_473 = arith.constant 32767 : i32
        %and3A_474 = vector.broadcast %and3A_473 : i32 to vector<16xi32>
        %and3A_475 = arith.andi %get3A_465, %and3A_474 : vector<16xi32>
        %swap3A_476 = arith.constant 80 : index
        %swap3A_477 = tpu.vector_load %arg8[%swap3A_476] {strides = array<i32>} : memref<96xi32, #tpu.memory_space<vmem>>, vector<16xi32>,
        %swap3A_478 = vector.shape_cast %swap3A_477 : vector<16xi32> to vector<16xi32>
        %swap3A_479 = vector.shape_cast %and3A_475 : vector<16xi32> to vector<16xi32>
        tpu.vector_store %arg8[%swap3A_476], %swap3A_479 {strides = array<i32>} : memref<96xi32, #tpu.memory_space<vmem>>, vector<16xi32>,
        %dma_start3A_480 = arith.constant 0 : i32
        %dma_start3A_481 = arith.constant 0 : i32
        %dma_start3A_482 = tpu.memref_slice %arg2[%dma_start3A_480, %dma_start3A_481] : memref<10240x128xf32, #tpu.memory_space<hbm>> -> memref<10240x128xf32, #tpu.memory_space<hbm>>
        tpu.enqueue_indirect_dma source(%dma_start3A_482 : memref<10240x128xf32, #tpu.memory_space<hbm>>) target(%arg13 : memref<96x128xf32, #tpu.memory_space<vmem>>) offsets(%arg7 : memref<96xi32, #tpu.memory_space<vmem>>) semaphore(%arg17 : memref<!tpu.dma_semaphore, #tpu.memory_space<semaphore_mem>>)
      } else {
      }
      %add3A_332 = arith.constant 1 : i32
      %add3A_333 = arith.addi %mul3A_325, %add3A_332 : i32
      %dma_wait3A_334 = arith.constant 0 : i32
      %dma_wait3A_335 = arith.constant 0 : i32
      %dma_wait3A_336 = tpu.memref_slice %arg2[%dma_wait3A_334, %dma_wait3A_335] : memref<10240x128xf32, #tpu.memory_space<hbm>> -> memref<10240x128xf32, #tpu.memory_space<hbm>>
      tpu.wait_indirect_dma semaphore(%arg18 : memref<!tpu.dma_semaphore, #tpu.memory_space<semaphore_mem>>) src(%dma_wait3A_336 : memref<10240x128xf32, #tpu.memory_space<hbm>>) dst(%arg14 : memref<96x128xf32, #tpu.memory_space<vmem>>)
      "tpu.region"() ({
        %run_scoped3A = tpu.sem_alloc : memref<!tpu.dma_semaphore, #tpu.memory_space<semaphore_mem>>
        %dma_start3A_352 = arith.constant 0 : i32
        %dma_start3A_353 = arith.constant 0 : i32
        %dma_start3A_354 = tpu.memref_slice %arg16[%dma_start3A_352, %dma_start3A_353] : memref<10112x128xf32, #tpu.memory_space<vmem_shared>> -> memref<10112x128xf32, #tpu.memory_space<vmem_shared>>
        tpu.enqueue_indirect_dma source(%arg14 : memref<96x128xf32, #tpu.memory_space<vmem>>) target(%dma_start3A_354 : memref<10112x128xf32, #tpu.memory_space<vmem_shared>>) offsets(%arg10 : memref<96xi32, #tpu.memory_space<vmem>>) semaphore(%run_scoped3A : memref<!tpu.dma_semaphore, #tpu.memory_space<semaphore_mem>>) {add = true}
        %dma_wait3A_355 = arith.constant 0 : i32
        %dma_wait3A_356 = arith.constant 0 : i32
        %dma_wait3A_357 = tpu.memref_slice %arg16[%dma_wait3A_355, %dma_wait3A_356] : memref<10112x128xf32, #tpu.memory_space<vmem_shared>> -> memref<10112x128xf32, #tpu.memory_space<vmem_shared>>
        tpu.wait_indirect_dma semaphore(%run_scoped3A : memref<!tpu.dma_semaphore, #tpu.memory_space<semaphore_mem>>) src(%arg14 : memref<96x128xf32, #tpu.memory_space<vmem>>) dst(%dma_wait3A_357 : memref<10112x128xf32, #tpu.memory_space<vmem_shared>>)
        tpu.yield
      }) : () -> ()
      %lt3A_337 = arith.constant 34 : i32
      %lt3A_338 = arith.cmpi slt, %scan3A_323, %lt3A_337 : i32
      %convert_element_type3A_339 = arith.extui %lt3A_338 : i1 to i32
      %cond3A_340 = arith.constant 0 : i32
      %cond3A_341 = arith.cmpi ne, %convert_element_type3A_339, %cond3A_340 : i32
      scf.if %cond3A_341 {
        %add3A_352 = arith.constant 3 : i32
        %add3A_353 = arith.addi %add3A_333, %add3A_352 : i32
        %mul3A_354 = arith.constant 96 : i32
        %mul3A_355 = arith.muli %add3A_353, %mul3A_354 : i32
        %add3A_356 = arith.constant 0 : i32
        %add3A_357 = arith.addi %mul3A_355, %add3A_356 : i32
        %get3A_358 = arith.index_cast %add3A_357 : i32 to index
        %get3A_359 = tpu.vector_load %arg6[%get3A_358] {strides = array<i32>} : memref<10080xi32, #tpu.memory_space<vmem>>, vector<16xi32>,
        %get3A_360 = vector.shape_cast %get3A_359 : vector<16xi32> to vector<16xi32>
        %shift_right_logical3A_361 = arith.constant 15 : i32
        %shift_right_logical3A_362 = vector.broadcast %shift_right_logical3A_361 : i32 to vector<16xi32>
        %shift_right_logical3A_363 = arith.shrui %get3A_360, %shift_right_logical3A_362 : vector<16xi32>
        %swap3A_364 = arith.constant 0 : index
        %swap3A_365 = tpu.vector_load %arg9[%swap3A_364] {strides = array<i32>} : memref<96xi32, #tpu.memory_space<vmem>>, vector<16xi32>,
        %swap3A_366 = vector.shape_cast %swap3A_365 : vector<16xi32> to vector<16xi32>
        %swap3A_367 = vector.shape_cast %shift_right_logical3A_363 : vector<16xi32> to vector<16xi32>
        tpu.vector_store %arg9[%swap3A_364], %swap3A_367 {strides = array<i32>} : memref<96xi32, #tpu.memory_space<vmem>>, vector<16xi32>,
        %and3A_368 = arith.constant 32767 : i32
        %and3A_369 = vector.broadcast %and3A_368 : i32 to vector<16xi32>
        %and3A_370 = arith.andi %get3A_360, %and3A_369 : vector<16xi32>
        %swap3A_371 = arith.constant 0 : index
        %swap3A_372 = tpu.vector_load %arg10[%swap3A_371] {strides = array<i32>} : memref<96xi32, #tpu.memory_space<vmem>>, vector<16xi32>,
        %swap3A_373 = vector.shape_cast %swap3A_372 : vector<16xi32> to vector<16xi32>
        %swap3A_374 = vector.shape_cast %and3A_370 : vector<16xi32> to vector<16xi32>
        tpu.vector_store %arg10[%swap3A_371], %swap3A_374 {strides = array<i32>} : memref<96xi32, #tpu.memory_space<vmem>>, vector<16xi32>,
        %mul3A_375 = arith.constant 96 : i32
        %mul3A_376 = arith.muli %add3A_353, %mul3A_375 : i32
        %add3A_377 = arith.constant 16 : i32
        %add3A_378 = arith.addi %mul3A_376, %add3A_377 : i32
        %get3A_379 = arith.index_cast %add3A_378 : i32 to index
        %get3A_380 = tpu.vector_load %arg6[%get3A_379] {strides = array<i32>} : memref<10080xi32, #tpu.memory_space<vmem>>, vector<16xi32>,
        %get3A_381 = vector.shape_cast %get3A_380 : vector<16xi32> to vector<16xi32>
        %shift_right_logical3A_382 = arith.constant 15 : i32
        %shift_right_logical3A_383 = vector.broadcast %shift_right_logical3A_382 : i32 to vector<16xi32>
        %shift_right_logical3A_384 = arith.shrui %get3A_381, %shift_right_logical3A_383 : vector<16xi32>
        %swap3A_385 = arith.constant 16 : index
        %swap3A_386 = tpu.vector_load %arg9[%swap3A_385] {strides = array<i32>} : memref<96xi32, #tpu.memory_space<vmem>>, vector<16xi32>,
        %swap3A_387 = vector.shape_cast %swap3A_386 : vector<16xi32> to vector<16xi32>
        %swap3A_388 = vector.shape_cast %shift_right_logical3A_384 : vector<16xi32> to vector<16xi32>
        tpu.vector_store %arg9[%swap3A_385], %swap3A_388 {strides = array<i32>} : memref<96xi32, #tpu.memory_space<vmem>>, vector<16xi32>,
        %and3A_389 = arith.constant 32767 : i32
        %and3A_390 = vector.broadcast %and3A_389 : i32 to vector<16xi32>
        %and3A_391 = arith.andi %get3A_381, %and3A_390 : vector<16xi32>
        %swap3A_392 = arith.constant 16 : index
        %swap3A_393 = tpu.vector_load %arg10[%swap3A_392] {strides = array<i32>} : memref<96xi32, #tpu.memory_space<vmem>>, vector<16xi32>,
        %swap3A_394 = vector.shape_cast %swap3A_393 : vector<16xi32> to vector<16xi32>
        %swap3A_395 = vector.shape_cast %and3A_391 : vector<16xi32> to vector<16xi32>
        tpu.vector_store %arg10[%swap3A_392], %swap3A_395 {strides = array<i32>} : memref<96xi32, #tpu.memory_space<vmem>>, vector<16xi32>,
        %mul3A_396 = arith.constant 96 : i32
        %mul3A_397 = arith.muli %add3A_353, %mul3A_396 : i32
        %add3A_398 = arith.constant 32 : i32
        %add3A_399 = arith.addi %mul3A_397, %add3A_398 : i32
        %get3A_400 = arith.index_cast %add3A_399 : i32 to index
        %get3A_401 = tpu.vector_load %arg6[%get3A_400] {strides = array<i32>} : memref<10080xi32, #tpu.memory_space<vmem>>, vector<16xi32>,
        %get3A_402 = vector.shape_cast %get3A_401 : vector<16xi32> to vector<16xi32>
        %shift_right_logical3A_403 = arith.constant 15 : i32
        %shift_right_logical3A_404 = vector.broadcast %shift_right_logical3A_403 : i32 to vector<16xi32>
        %shift_right_logical3A_405 = arith.shrui %get3A_402, %shift_right_logical3A_404 : vector<16xi32>
        %swap3A_406 = arith.constant 32 : index
        %swap3A_407 = tpu.vector_load %arg9[%swap3A_406] {strides = array<i32>} : memref<96xi32, #tpu.memory_space<vmem>>, vector<16xi32>,
        %swap3A_408 = vector.shape_cast %swap3A_407 : vector<16xi32> to vector<16xi32>
        %swap3A_409 = vector.shape_cast %shift_right_logical3A_405 : vector<16xi32> to vector<16xi32>
        tpu.vector_store %arg9[%swap3A_406], %swap3A_409 {strides = array<i32>} : memref<96xi32, #tpu.memory_space<vmem>>, vector<16xi32>,
        %and3A_410 = arith.constant 32767 : i32
        %and3A_411 = vector.broadcast %and3A_410 : i32 to vector<16xi32>
        %and3A_412 = arith.andi %get3A_402, %and3A_411 : vector<16xi32>
        %swap3A_413 = arith.constant 32 : index
        %swap3A_414 = tpu.vector_load %arg10[%swap3A_413] {strides = array<i32>} : memref<96xi32, #tpu.memory_space<vmem>>, vector<16xi32>,
        %swap3A_415 = vector.shape_cast %swap3A_414 : vector<16xi32> to vector<16xi32>
        %swap3A_416 = vector.shape_cast %and3A_412 : vector<16xi32> to vector<16xi32>
        tpu.vector_store %arg10[%swap3A_413], %swap3A_416 {strides = array<i32>} : memref<96xi32, #tpu.memory_space<vmem>>, vector<16xi32>,
        %mul3A_417 = arith.constant 96 : i32
        %mul3A_418 = arith.muli %add3A_353, %mul3A_417 : i32
        %add3A_419 = arith.constant 48 : i32
        %add3A_420 = arith.addi %mul3A_418, %add3A_419 : i32
        %get3A_421 = arith.index_cast %add3A_420 : i32 to index
        %get3A_422 = tpu.vector_load %arg6[%get3A_421] {strides = array<i32>} : memref<10080xi32, #tpu.memory_space<vmem>>, vector<16xi32>,
        %get3A_423 = vector.shape_cast %get3A_422 : vector<16xi32> to vector<16xi32>
        %shift_right_logical3A_424 = arith.constant 15 : i32
        %shift_right_logical3A_425 = vector.broadcast %shift_right_logical3A_424 : i32 to vector<16xi32>
        %shift_right_logical3A_426 = arith.shrui %get3A_423, %shift_right_logical3A_425 : vector<16xi32>
        %swap3A_427 = arith.constant 48 : index
        %swap3A_428 = tpu.vector_load %arg9[%swap3A_427] {strides = array<i32>} : memref<96xi32, #tpu.memory_space<vmem>>, vector<16xi32>,
        %swap3A_429 = vector.shape_cast %swap3A_428 : vector<16xi32> to vector<16xi32>
        %swap3A_430 = vector.shape_cast %shift_right_logical3A_426 : vector<16xi32> to vector<16xi32>
        tpu.vector_store %arg9[%swap3A_427], %swap3A_430 {strides = array<i32>} : memref<96xi32, #tpu.memory_space<vmem>>, vector<16xi32>,
        %and3A_431 = arith.constant 32767 : i32
        %and3A_432 = vector.broadcast %and3A_431 : i32 to vector<16xi32>
        %and3A_433 = arith.andi %get3A_423, %and3A_432 : vector<16xi32>
        %swap3A_434 = arith.constant 48 : index
        %swap3A_435 = tpu.vector_load %arg10[%swap3A_434] {strides = array<i32>} : memref<96xi32, #tpu.memory_space<vmem>>, vector<16xi32>,
        %swap3A_436 = vector.shape_cast %swap3A_435 : vector<16xi32> to vector<16xi32>
        %swap3A_437 = vector.shape_cast %and3A_433 : vector<16xi32> to vector<16xi32>
        tpu.vector_store %arg10[%swap3A_434], %swap3A_437 {strides = array<i32>} : memref<96xi32, #tpu.memory_space<vmem>>, vector<16xi32>,
        %mul3A_438 = arith.constant 96 : i32
        %mul3A_439 = arith.muli %add3A_353, %mul3A_438 : i32
        %add3A_440 = arith.constant 64 : i32
        %add3A_441 = arith.addi %mul3A_439, %add3A_440 : i32
        %get3A_442 = arith.index_cast %add3A_441 : i32 to index
        %get3A_443 = tpu.vector_load %arg6[%get3A_442] {strides = array<i32>} : memref<10080xi32, #tpu.memory_space<vmem>>, vector<16xi32>,
        %get3A_444 = vector.shape_cast %get3A_443 : vector<16xi32> to vector<16xi32>
        %shift_right_logical3A_445 = arith.constant 15 : i32
        %shift_right_logical3A_446 = vector.broadcast %shift_right_logical3A_445 : i32 to vector<16xi32>
        %shift_right_logical3A_447 = arith.shrui %get3A_444, %shift_right_logical3A_446 : vector<16xi32>
        %swap3A_448 = arith.constant 64 : index
        %swap3A_449 = tpu.vector_load %arg9[%swap3A_448] {strides = array<i32>} : memref<96xi32, #tpu.memory_space<vmem>>, vector<16xi32>,
        %swap3A_450 = vector.shape_cast %swap3A_449 : vector<16xi32> to vector<16xi32>
        %swap3A_451 = vector.shape_cast %shift_right_logical3A_447 : vector<16xi32> to vector<16xi32>
        tpu.vector_store %arg9[%swap3A_448], %swap3A_451 {strides = array<i32>} : memref<96xi32, #tpu.memory_space<vmem>>, vector<16xi32>,
        %and3A_452 = arith.constant 32767 : i32
        %and3A_453 = vector.broadcast %and3A_452 : i32 to vector<16xi32>
        %and3A_454 = arith.andi %get3A_444, %and3A_453 : vector<16xi32>
        %swap3A_455 = arith.constant 64 : index
        %swap3A_456 = tpu.vector_load %arg10[%swap3A_455] {strides = array<i32>} : memref<96xi32, #tpu.memory_space<vmem>>, vector<16xi32>,
        %swap3A_457 = vector.shape_cast %swap3A_456 : vector<16xi32> to vector<16xi32>
        %swap3A_458 = vector.shape_cast %and3A_454 : vector<16xi32> to vector<16xi32>
        tpu.vector_store %arg10[%swap3A_455], %swap3A_458 {strides = array<i32>} : memref<96xi32, #tpu.memory_space<vmem>>, vector<16xi32>,
        %mul3A_459 = arith.constant 96 : i32
        %mul3A_460 = arith.muli %add3A_353, %mul3A_459 : i32
        %add3A_461 = arith.constant 80 : i32
        %add3A_462 = arith.addi %mul3A_460, %add3A_461 : i32
        %get3A_463 = arith.index_cast %add3A_462 : i32 to index
        %get3A_464 = tpu.vector_load %arg6[%get3A_463] {strides = array<i32>} : memref<10080xi32, #tpu.memory_space<vmem>>, vector<16xi32>,
        %get3A_465 = vector.shape_cast %get3A_464 : vector<16xi32> to vector<16xi32>
        %shift_right_logical3A_466 = arith.constant 15 : i32
        %shift_right_logical3A_467 = vector.broadcast %shift_right_logical3A_466 : i32 to vector<16xi32>
        %shift_right_logical3A_468 = arith.shrui %get3A_465, %shift_right_logical3A_467 : vector<16xi32>
        %swap3A_469 = arith.constant 80 : index
        %swap3A_470 = tpu.vector_load %arg9[%swap3A_469] {strides = array<i32>} : memref<96xi32, #tpu.memory_space<vmem>>, vector<16xi32>,
        %swap3A_471 = vector.shape_cast %swap3A_470 : vector<16xi32> to vector<16xi32>
        %swap3A_472 = vector.shape_cast %shift_right_logical3A_468 : vector<16xi32> to vector<16xi32>
        tpu.vector_store %arg9[%swap3A_469], %swap3A_472 {strides = array<i32>} : memref<96xi32, #tpu.memory_space<vmem>>, vector<16xi32>,
        %and3A_473 = arith.constant 32767 : i32
        %and3A_474 = vector.broadcast %and3A_473 : i32 to vector<16xi32>
        %and3A_475 = arith.andi %get3A_465, %and3A_474 : vector<16xi32>
        %swap3A_476 = arith.constant 80 : index
        %swap3A_477 = tpu.vector_load %arg10[%swap3A_476] {strides = array<i32>} : memref<96xi32, #tpu.memory_space<vmem>>, vector<16xi32>,
        %swap3A_478 = vector.shape_cast %swap3A_477 : vector<16xi32> to vector<16xi32>
        %swap3A_479 = vector.shape_cast %and3A_475 : vector<16xi32> to vector<16xi32>
        tpu.vector_store %arg10[%swap3A_476], %swap3A_479 {strides = array<i32>} : memref<96xi32, #tpu.memory_space<vmem>>, vector<16xi32>,
        %dma_start3A_480 = arith.constant 0 : i32
        %dma_start3A_481 = arith.constant 0 : i32
        %dma_start3A_482 = tpu.memref_slice %arg2[%dma_start3A_480, %dma_start3A_481] : memref<10240x128xf32, #tpu.memory_space<hbm>> -> memref<10240x128xf32, #tpu.memory_space<hbm>>
        tpu.enqueue_indirect_dma source(%dma_start3A_482 : memref<10240x128xf32, #tpu.memory_space<hbm>>) target(%arg14 : memref<96x128xf32, #tpu.memory_space<vmem>>) offsets(%arg9 : memref<96xi32, #tpu.memory_space<vmem>>) semaphore(%arg18 : memref<!tpu.dma_semaphore, #tpu.memory_space<semaphore_mem>>)
      } else {
      }
      %add3A_342 = arith.constant 2 : i32
      %add3A_343 = arith.addi %mul3A_325, %add3A_342 : i32
      %dma_wait3A_344 = arith.constant 0 : i32
      %dma_wait3A_345 = arith.constant 0 : i32
      %dma_wait3A_346 = tpu.memref_slice %arg2[%dma_wait3A_344, %dma_wait3A_345] : memref<10240x128xf32, #tpu.memory_space<hbm>> -> memref<10240x128xf32, #tpu.memory_space<hbm>>
      tpu.wait_indirect_dma semaphore(%arg19 : memref<!tpu.dma_semaphore, #tpu.memory_space<semaphore_mem>>) src(%dma_wait3A_346 : memref<10240x128xf32, #tpu.memory_space<hbm>>) dst(%arg15 : memref<96x128xf32, #tpu.memory_space<vmem>>)
      "tpu.region"() ({
        %run_scoped3A = tpu.sem_alloc : memref<!tpu.dma_semaphore, #tpu.memory_space<semaphore_mem>>
        %dma_start3A_352 = arith.constant 0 : i32
        %dma_start3A_353 = arith.constant 0 : i32
        %dma_start3A_354 = tpu.memref_slice %arg16[%dma_start3A_352, %dma_start3A_353] : memref<10112x128xf32, #tpu.memory_space<vmem_shared>> -> memref<10112x128xf32, #tpu.memory_space<vmem_shared>>
        tpu.enqueue_indirect_dma source(%arg15 : memref<96x128xf32, #tpu.memory_space<vmem>>) target(%dma_start3A_354 : memref<10112x128xf32, #tpu.memory_space<vmem_shared>>) offsets(%arg12 : memref<96xi32, #tpu.memory_space<vmem>>) semaphore(%run_scoped3A : memref<!tpu.dma_semaphore, #tpu.memory_space<semaphore_mem>>) {add = true}
        %dma_wait3A_355 = arith.constant 0 : i32
        %dma_wait3A_356 = arith.constant 0 : i32
        %dma_wait3A_357 = tpu.memref_slice %arg16[%dma_wait3A_355, %dma_wait3A_356] : memref<10112x128xf32, #tpu.memory_space<vmem_shared>> -> memref<10112x128xf32, #tpu.memory_space<vmem_shared>>
        tpu.wait_indirect_dma semaphore(%run_scoped3A : memref<!tpu.dma_semaphore, #tpu.memory_space<semaphore_mem>>) src(%arg15 : memref<96x128xf32, #tpu.memory_space<vmem>>) dst(%dma_wait3A_357 : memref<10112x128xf32, #tpu.memory_space<vmem_shared>>)
        tpu.yield
      }) : () -> ()
      %lt3A_347 = arith.constant 34 : i32
      %lt3A_348 = arith.cmpi slt, %scan3A_323, %lt3A_347 : i32
      %convert_element_type3A_349 = arith.extui %lt3A_348 : i1 to i32
      %cond3A_350 = arith.constant 0 : i32
      %cond3A_351 = arith.cmpi ne, %convert_element_type3A_349, %cond3A_350 : i32
      scf.if %cond3A_351 {
        %add3A_352 = arith.constant 3 : i32
        %add3A_353 = arith.addi %add3A_343, %add3A_352 : i32
        %mul3A_354 = arith.constant 96 : i32
        %mul3A_355 = arith.muli %add3A_353, %mul3A_354 : i32
        %add3A_356 = arith.constant 0 : i32
        %add3A_357 = arith.addi %mul3A_355, %add3A_356 : i32
        %get3A_358 = arith.index_cast %add3A_357 : i32 to index
        %get3A_359 = tpu.vector_load %arg6[%get3A_358] {strides = array<i32>} : memref<10080xi32, #tpu.memory_space<vmem>>, vector<16xi32>,
        %get3A_360 = vector.shape_cast %get3A_359 : vector<16xi32> to vector<16xi32>
        %shift_right_logical3A_361 = arith.constant 15 : i32
        %shift_right_logical3A_362 = vector.broadcast %shift_right_logical3A_361 : i32 to vector<16xi32>
        %shift_right_logical3A_363 = arith.shrui %get3A_360, %shift_right_logical3A_362 : vector<16xi32>
        %swap3A_364 = arith.constant 0 : index
        %swap3A_365 = tpu.vector_load %arg11[%swap3A_364] {strides = array<i32>} : memref<96xi32, #tpu.memory_space<vmem>>, vector<16xi32>,
        %swap3A_366 = vector.shape_cast %swap3A_365 : vector<16xi32> to vector<16xi32>
        %swap3A_367 = vector.shape_cast %shift_right_logical3A_363 : vector<16xi32> to vector<16xi32>
        tpu.vector_store %arg11[%swap3A_364], %swap3A_367 {strides = array<i32>} : memref<96xi32, #tpu.memory_space<vmem>>, vector<16xi32>,
        %and3A_368 = arith.constant 32767 : i32
        %and3A_369 = vector.broadcast %and3A_368 : i32 to vector<16xi32>
        %and3A_370 = arith.andi %get3A_360, %and3A_369 : vector<16xi32>
        %swap3A_371 = arith.constant 0 : index
        %swap3A_372 = tpu.vector_load %arg12[%swap3A_371] {strides = array<i32>} : memref<96xi32, #tpu.memory_space<vmem>>, vector<16xi32>,
        %swap3A_373 = vector.shape_cast %swap3A_372 : vector<16xi32> to vector<16xi32>
        %swap3A_374 = vector.shape_cast %and3A_370 : vector<16xi32> to vector<16xi32>
        tpu.vector_store %arg12[%swap3A_371], %swap3A_374 {strides = array<i32>} : memref<96xi32, #tpu.memory_space<vmem>>, vector<16xi32>,
        %mul3A_375 = arith.constant 96 : i32
        %mul3A_376 = arith.muli %add3A_353, %mul3A_375 : i32
        %add3A_377 = arith.constant 16 : i32
        %add3A_378 = arith.addi %mul3A_376, %add3A_377 : i32
        %get3A_379 = arith.index_cast %add3A_378 : i32 to index
        %get3A_380 = tpu.vector_load %arg6[%get3A_379] {strides = array<i32>} : memref<10080xi32, #tpu.memory_space<vmem>>, vector<16xi32>,
        %get3A_381 = vector.shape_cast %get3A_380 : vector<16xi32> to vector<16xi32>
        %shift_right_logical3A_382 = arith.constant 15 : i32
        %shift_right_logical3A_383 = vector.broadcast %shift_right_logical3A_382 : i32 to vector<16xi32>
        %shift_right_logical3A_384 = arith.shrui %get3A_381, %shift_right_logical3A_383 : vector<16xi32>
        %swap3A_385 = arith.constant 16 : index
        %swap3A_386 = tpu.vector_load %arg11[%swap3A_385] {strides = array<i32>} : memref<96xi32, #tpu.memory_space<vmem>>, vector<16xi32>,
        %swap3A_387 = vector.shape_cast %swap3A_386 : vector<16xi32> to vector<16xi32>
        %swap3A_388 = vector.shape_cast %shift_right_logical3A_384 : vector<16xi32> to vector<16xi32>
        tpu.vector_store %arg11[%swap3A_385], %swap3A_388 {strides = array<i32>} : memref<96xi32, #tpu.memory_space<vmem>>, vector<16xi32>,
        %and3A_389 = arith.constant 32767 : i32
        %and3A_390 = vector.broadcast %and3A_389 : i32 to vector<16xi32>
        %and3A_391 = arith.andi %get3A_381, %and3A_390 : vector<16xi32>
        %swap3A_392 = arith.constant 16 : index
        %swap3A_393 = tpu.vector_load %arg12[%swap3A_392] {strides = array<i32>} : memref<96xi32, #tpu.memory_space<vmem>>, vector<16xi32>,
        %swap3A_394 = vector.shape_cast %swap3A_393 : vector<16xi32> to vector<16xi32>
        %swap3A_395 = vector.shape_cast %and3A_391 : vector<16xi32> to vector<16xi32>
        tpu.vector_store %arg12[%swap3A_392], %swap3A_395 {strides = array<i32>} : memref<96xi32, #tpu.memory_space<vmem>>, vector<16xi32>,
        %mul3A_396 = arith.constant 96 : i32
        %mul3A_397 = arith.muli %add3A_353, %mul3A_396 : i32
        %add3A_398 = arith.constant 32 : i32
        %add3A_399 = arith.addi %mul3A_397, %add3A_398 : i32
        %get3A_400 = arith.index_cast %add3A_399 : i32 to index
        %get3A_401 = tpu.vector_load %arg6[%get3A_400] {strides = array<i32>} : memref<10080xi32, #tpu.memory_space<vmem>>, vector<16xi32>,
        %get3A_402 = vector.shape_cast %get3A_401 : vector<16xi32> to vector<16xi32>
        %shift_right_logical3A_403 = arith.constant 15 : i32
        %shift_right_logical3A_404 = vector.broadcast %shift_right_logical3A_403 : i32 to vector<16xi32>
        %shift_right_logical3A_405 = arith.shrui %get3A_402, %shift_right_logical3A_404 : vector<16xi32>
        %swap3A_406 = arith.constant 32 : index
        %swap3A_407 = tpu.vector_load %arg11[%swap3A_406] {strides = array<i32>} : memref<96xi32, #tpu.memory_space<vmem>>, vector<16xi32>,
        %swap3A_408 = vector.shape_cast %swap3A_407 : vector<16xi32> to vector<16xi32>
        %swap3A_409 = vector.shape_cast %shift_right_logical3A_405 : vector<16xi32> to vector<16xi32>
        tpu.vector_store %arg11[%swap3A_406], %swap3A_409 {strides = array<i32>} : memref<96xi32, #tpu.memory_space<vmem>>, vector<16xi32>,
        %and3A_410 = arith.constant 32767 : i32
        %and3A_411 = vector.broadcast %and3A_410 : i32 to vector<16xi32>
        %and3A_412 = arith.andi %get3A_402, %and3A_411 : vector<16xi32>
        %swap3A_413 = arith.constant 32 : index
        %swap3A_414 = tpu.vector_load %arg12[%swap3A_413] {strides = array<i32>} : memref<96xi32, #tpu.memory_space<vmem>>, vector<16xi32>,
        %swap3A_415 = vector.shape_cast %swap3A_414 : vector<16xi32> to vector<16xi32>
        %swap3A_416 = vector.shape_cast %and3A_412 : vector<16xi32> to vector<16xi32>
        tpu.vector_store %arg12[%swap3A_413], %swap3A_416 {strides = array<i32>} : memref<96xi32, #tpu.memory_space<vmem>>, vector<16xi32>,
        %mul3A_417 = arith.constant 96 : i32
        %mul3A_418 = arith.muli %add3A_353, %mul3A_417 : i32
        %add3A_419 = arith.constant 48 : i32
        %add3A_420 = arith.addi %mul3A_418, %add3A_419 : i32
        %get3A_421 = arith.index_cast %add3A_420 : i32 to index
        %get3A_422 = tpu.vector_load %arg6[%get3A_421] {strides = array<i32>} : memref<10080xi32, #tpu.memory_space<vmem>>, vector<16xi32>,
        %get3A_423 = vector.shape_cast %get3A_422 : vector<16xi32> to vector<16xi32>
        %shift_right_logical3A_424 = arith.constant 15 : i32
        %shift_right_logical3A_425 = vector.broadcast %shift_right_logical3A_424 : i32 to vector<16xi32>
        %shift_right_logical3A_426 = arith.shrui %get3A_423, %shift_right_logical3A_425 : vector<16xi32>
        %swap3A_427 = arith.constant 48 : index
        %swap3A_428 = tpu.vector_load %arg11[%swap3A_427] {strides = array<i32>} : memref<96xi32, #tpu.memory_space<vmem>>, vector<16xi32>,
        %swap3A_429 = vector.shape_cast %swap3A_428 : vector<16xi32> to vector<16xi32>
        %swap3A_430 = vector.shape_cast %shift_right_logical3A_426 : vector<16xi32> to vector<16xi32>
        tpu.vector_store %arg11[%swap3A_427], %swap3A_430 {strides = array<i32>} : memref<96xi32, #tpu.memory_space<vmem>>, vector<16xi32>,
        %and3A_431 = arith.constant 32767 : i32
        %and3A_432 = vector.broadcast %and3A_431 : i32 to vector<16xi32>
        %and3A_433 = arith.andi %get3A_423, %and3A_432 : vector<16xi32>
        %swap3A_434 = arith.constant 48 : index
        %swap3A_435 = tpu.vector_load %arg12[%swap3A_434] {strides = array<i32>} : memref<96xi32, #tpu.memory_space<vmem>>, vector<16xi32>,
        %swap3A_436 = vector.shape_cast %swap3A_435 : vector<16xi32> to vector<16xi32>
        %swap3A_437 = vector.shape_cast %and3A_433 : vector<16xi32> to vector<16xi32>
        tpu.vector_store %arg12[%swap3A_434], %swap3A_437 {strides = array<i32>} : memref<96xi32, #tpu.memory_space<vmem>>, vector<16xi32>,
        %mul3A_438 = arith.constant 96 : i32
        %mul3A_439 = arith.muli %add3A_353, %mul3A_438 : i32
        %add3A_440 = arith.constant 64 : i32
        %add3A_441 = arith.addi %mul3A_439, %add3A_440 : i32
        %get3A_442 = arith.index_cast %add3A_441 : i32 to index
        %get3A_443 = tpu.vector_load %arg6[%get3A_442] {strides = array<i32>} : memref<10080xi32, #tpu.memory_space<vmem>>, vector<16xi32>,
        %get3A_444 = vector.shape_cast %get3A_443 : vector<16xi32> to vector<16xi32>
        %shift_right_logical3A_445 = arith.constant 15 : i32
        %shift_right_logical3A_446 = vector.broadcast %shift_right_logical3A_445 : i32 to vector<16xi32>
        %shift_right_logical3A_447 = arith.shrui %get3A_444, %shift_right_logical3A_446 : vector<16xi32>
        %swap3A_448 = arith.constant 64 : index
        %swap3A_449 = tpu.vector_load %arg11[%swap3A_448] {strides = array<i32>} : memref<96xi32, #tpu.memory_space<vmem>>, vector<16xi32>,
        %swap3A_450 = vector.shape_cast %swap3A_449 : vector<16xi32> to vector<16xi32>
        %swap3A_451 = vector.shape_cast %shift_right_logical3A_447 : vector<16xi32> to vector<16xi32>
        tpu.vector_store %arg11[%swap3A_448], %swap3A_451 {strides = array<i32>} : memref<96xi32, #tpu.memory_space<vmem>>, vector<16xi32>,
        %and3A_452 = arith.constant 32767 : i32
        %and3A_453 = vector.broadcast %and3A_452 : i32 to vector<16xi32>
        %and3A_454 = arith.andi %get3A_444, %and3A_453 : vector<16xi32>
        %swap3A_455 = arith.constant 64 : index
        %swap3A_456 = tpu.vector_load %arg12[%swap3A_455] {strides = array<i32>} : memref<96xi32, #tpu.memory_space<vmem>>, vector<16xi32>,
        %swap3A_457 = vector.shape_cast %swap3A_456 : vector<16xi32> to vector<16xi32>
        %swap3A_458 = vector.shape_cast %and3A_454 : vector<16xi32> to vector<16xi32>
        tpu.vector_store %arg12[%swap3A_455], %swap3A_458 {strides = array<i32>} : memref<96xi32, #tpu.memory_space<vmem>>, vector<16xi32>,
        %mul3A_459 = arith.constant 96 : i32
        %mul3A_460 = arith.muli %add3A_353, %mul3A_459 : i32
        %add3A_461 = arith.constant 80 : i32
        %add3A_462 = arith.addi %mul3A_460, %add3A_461 : i32
        %get3A_463 = arith.index_cast %add3A_462 : i32 to index
        %get3A_464 = tpu.vector_load %arg6[%get3A_463] {strides = array<i32>} : memref<10080xi32, #tpu.memory_space<vmem>>, vector<16xi32>,
        %get3A_465 = vector.shape_cast %get3A_464 : vector<16xi32> to vector<16xi32>
        %shift_right_logical3A_466 = arith.constant 15 : i32
        %shift_right_logical3A_467 = vector.broadcast %shift_right_logical3A_466 : i32 to vector<16xi32>
        %shift_right_logical3A_468 = arith.shrui %get3A_465, %shift_right_logical3A_467 : vector<16xi32>
        %swap3A_469 = arith.constant 80 : index
        %swap3A_470 = tpu.vector_load %arg11[%swap3A_469] {strides = array<i32>} : memref<96xi32, #tpu.memory_space<vmem>>, vector<16xi32>,
        %swap3A_471 = vector.shape_cast %swap3A_470 : vector<16xi32> to vector<16xi32>
        %swap3A_472 = vector.shape_cast %shift_right_logical3A_468 : vector<16xi32> to vector<16xi32>
        tpu.vector_store %arg11[%swap3A_469], %swap3A_472 {strides = array<i32>} : memref<96xi32, #tpu.memory_space<vmem>>, vector<16xi32>,
        %and3A_473 = arith.constant 32767 : i32
        %and3A_474 = vector.broadcast %and3A_473 : i32 to vector<16xi32>
        %and3A_475 = arith.andi %get3A_465, %and3A_474 : vector<16xi32>
        %swap3A_476 = arith.constant 80 : index
        %swap3A_477 = tpu.vector_load %arg12[%swap3A_476] {strides = array<i32>} : memref<96xi32, #tpu.memory_space<vmem>>, vector<16xi32>,
        %swap3A_478 = vector.shape_cast %swap3A_477 : vector<16xi32> to vector<16xi32>
        %swap3A_479 = vector.shape_cast %and3A_475 : vector<16xi32> to vector<16xi32>
        tpu.vector_store %arg12[%swap3A_476], %swap3A_479 {strides = array<i32>} : memref<96xi32, #tpu.memory_space<vmem>>, vector<16xi32>,
        %dma_start3A_480 = arith.constant 0 : i32
        %dma_start3A_481 = arith.constant 0 : i32
        %dma_start3A_482 = tpu.memref_slice %arg2[%dma_start3A_480, %dma_start3A_481] : memref<10240x128xf32, #tpu.memory_space<hbm>> -> memref<10240x128xf32, #tpu.memory_space<hbm>>
        tpu.enqueue_indirect_dma source(%dma_start3A_482 : memref<10240x128xf32, #tpu.memory_space<hbm>>) target(%arg15 : memref<96x128xf32, #tpu.memory_space<vmem>>) offsets(%arg11 : memref<96xi32, #tpu.memory_space<vmem>>) semaphore(%arg19 : memref<!tpu.dma_semaphore, #tpu.memory_space<semaphore_mem>>)
      } else {
      }
    }
    %scan3A_317 = arith.constant 35 : i32
    %barrier3A_318 = arith.constant 0 : index
    tpu.barrier barrier_id(%barrier3A_318)
    %mul3A_319 = arith.constant 632 : i32
    %mul3A_320 = arith.muli %arg1, %mul3A_319 : i32
    %mul3A_321 = arith.constant 632 : i32
    %mul3A_322 = arith.muli %arg1, %mul3A_321 : i32
    "tpu.region"() ({
      %run_scoped3A = tpu.sem_alloc : memref<!tpu.dma_semaphore, #tpu.memory_space<semaphore_mem>>
      %dma_start3A_323 = arith.constant 0 : i32
      %dma_start3A_324 = tpu.memref_slice %arg5[%arg0, %mul3A_322, %dma_start3A_323] : memref<2x10112x128xf32, #tpu.memory_space<hbm>> -> memref<1x632x128xf32, #tpu.memory_space<hbm>>
      %dma_start3A_325 = tpu.memref_squeeze %dma_start3A_324 : memref<1x632x128xf32, #tpu.memory_space<hbm>> -> memref<632x128xf32, #tpu.memory_space<hbm>>
      %dma_start3A_326 = arith.constant 0 : i32
      %dma_start3A_327 = tpu.memref_slice %arg16[%mul3A_320, %dma_start3A_326] : memref<10112x128xf32, #tpu.memory_space<vmem_shared>> -> memref<632x128xf32, #tpu.memory_space<vmem_shared>>
      tpu.enqueue_dma source(%dma_start3A_327 : memref<632x128xf32, #tpu.memory_space<vmem_shared>>) target(%dma_start3A_325 : memref<632x128xf32, #tpu.memory_space<hbm>>) target_semaphore(%run_scoped3A : memref<!tpu.dma_semaphore, #tpu.memory_space<semaphore_mem>>)
      %dma_wait3A = arith.constant 0 : i32
      %dma_wait3A_328 = tpu.memref_slice %arg5[%arg0, %mul3A_322, %dma_wait3A] : memref<2x10112x128xf32, #tpu.memory_space<hbm>> -> memref<1x632x128xf32, #tpu.memory_space<hbm>>
      %dma_wait3A_329 = tpu.memref_squeeze %dma_wait3A_328 : memref<1x632x128xf32, #tpu.memory_space<hbm>> -> memref<632x128xf32, #tpu.memory_space<hbm>>
      %dma_wait3A_330 = arith.constant 0 : i32
      %dma_wait3A_331 = tpu.memref_slice %arg16[%mul3A_320, %dma_wait3A_330] : memref<10112x128xf32, #tpu.memory_space<vmem_shared>> -> memref<632x128xf32, #tpu.memory_space<vmem_shared>>
      tpu.wait_dma2 semaphore(%run_scoped3A : memref<!tpu.dma_semaphore, #tpu.memory_space<semaphore_mem>>) src(%dma_wait3A_331 : memref<632x128xf32, #tpu.memory_space<vmem_shared>>) dst(%dma_wait3A_329 : memref<632x128xf32, #tpu.memory_space<hbm>>)
      tpu.yield
    }) : () -> ()
    return
  }
}

#map = affine_map<(d0, d1) -> (0, 0)>
#map1 = affine_map<(d0, d1) -> (0, 0, 0)>
module attributes {stable_mosaic.version = 14 : i64} {
  func.func @_agg_body(%arg0: i32, %arg1: i32, %arg2: memref<10240x128xf32, #tpu.memory_space<hbm>>, %arg3: memref<32x10080xi32, #tpu.memory_space<hbm>>, %arg4: memref<632x128xf32, #tpu.memory_space<hbm>>, %arg5: memref<2x10112x128xf32, #tpu.memory_space<hbm>>, %arg6: memref<10080xi32, #tpu.memory_space<vmem>>, %arg7: memref<96xi32, #tpu.memory_space<vmem>>, %arg8: memref<96xi32, #tpu.memory_space<vmem>>, %arg9: memref<96xi32, #tpu.memory_space<vmem>>, %arg10: memref<96xi32, #tpu.memory_space<vmem>>, %arg11: memref<96xi32, #tpu.memory_space<vmem>>, %arg12: memref<96xi32, #tpu.memory_space<vmem>>, %arg13: memref<96x128xf32, #tpu.memory_space<vmem>>, %arg14: memref<96x128xf32, #tpu.memory_space<vmem>>, %arg15: memref<96x128xf32, #tpu.memory_space<vmem>>, %arg16: memref<10112x128xf32, #tpu.memory_space<vmem_shared>>, %arg17: memref<!tpu.dma_semaphore, #tpu.memory_space<semaphore_mem>>, %arg18: memref<!tpu.dma_semaphore, #tpu.memory_space<semaphore_mem>>, %arg19: memref<!tpu.dma_semaphore, #tpu.memory_space<semaphore_mem>>) attributes {dimension_semantics = [#tpu.dimension_semantics<core_parallel>, #tpu.dimension_semantics<subcore_parallel>], iteration_bounds = array<i64: 2, 16>, scalar_prefetch = 0 : i64, scratch_operands = 14 : i64, tpu.core_type = #tpu.core_type<sc_vector_subcore>, window_params = [{transform_indices = #map}, {transform_indices = #map}, {transform_indices = #map}, {transform_indices = #map1}]} {
    %mul3A = arith.constant 16 : i32
    %mul3A_0 = arith.muli %arg0, %mul3A : i32
    %add3A = arith.addi %mul3A_0, %arg1 : i32
    %mul3A_1 = arith.constant 632 : i32
    %mul3A_2 = arith.muli %arg1, %mul3A_1 : i32
    "tpu.region"() ({
      %run_scoped3A = tpu.sem_alloc : memref<!tpu.dma_semaphore, #tpu.memory_space<semaphore_mem>>
      %dma_start3A_323 = arith.constant 0 : i32
      %dma_start3A_324 = tpu.memref_slice %arg16[%mul3A_2, %dma_start3A_323] : memref<10112x128xf32, #tpu.memory_space<vmem_shared>> -> memref<632x128xf32, #tpu.memory_space<vmem_shared>>
      tpu.enqueue_dma source(%arg4 : memref<632x128xf32, #tpu.memory_space<hbm>>) target(%dma_start3A_324 : memref<632x128xf32, #tpu.memory_space<vmem_shared>>) target_semaphore(%run_scoped3A : memref<!tpu.dma_semaphore, #tpu.memory_space<semaphore_mem>>)
      %dma_wait3A = arith.constant 0 : i32
      %dma_wait3A_325 = tpu.memref_slice %arg16[%mul3A_2, %dma_wait3A] : memref<10112x128xf32, #tpu.memory_space<vmem_shared>> -> memref<632x128xf32, #tpu.memory_space<vmem_shared>>
      tpu.wait_dma2 semaphore(%run_scoped3A : memref<!tpu.dma_semaphore, #tpu.memory_space<semaphore_mem>>) src(%arg4 : memref<632x128xf32, #tpu.memory_space<hbm>>) dst(%dma_wait3A_325 : memref<632x128xf32, #tpu.memory_space<vmem_shared>>)
      tpu.yield
    }) : () -> ()
    "tpu.region"() ({
      %run_scoped3A = tpu.sem_alloc : memref<!tpu.dma_semaphore, #tpu.memory_space<semaphore_mem>>
      %dma_start3A_323 = arith.constant 0 : i32
      %dma_start3A_324 = tpu.memref_slice %arg3[%add3A, %dma_start3A_323] : memref<32x10080xi32, #tpu.memory_space<hbm>> -> memref<1x10080xi32, #tpu.memory_space<hbm>>
      %dma_start3A_325 = tpu.memref_squeeze %dma_start3A_324 : memref<1x10080xi32, #tpu.memory_space<hbm>> -> memref<10080xi32, #tpu.memory_space<hbm>>
      %dma_start3A_326 = arith.constant 0 : i32
      %dma_start3A_327 = tpu.memref_slice %arg3[%add3A, %dma_start3A_326] : memref<32x10080xi32, #tpu.memory_space<hbm>> -> memref<1x10080xi32, #tpu.memory_space<hbm>>
      %dma_start3A_328 = tpu.memref_squeeze %dma_start3A_327 : memref<1x10080xi32, #tpu.memory_space<hbm>> -> memref<10080xi32, #tpu.memory_space<hbm>>
      tpu.enqueue_dma source(%dma_start3A_328 : memref<10080xi32, #tpu.memory_space<hbm>>) target(%arg6 : memref<10080xi32, #tpu.memory_space<vmem>>) target_semaphore(%run_scoped3A : memref<!tpu.dma_semaphore, #tpu.memory_space<semaphore_mem>>)
      %dma_wait3A = arith.constant 0 : i32
      %dma_wait3A_329 = tpu.memref_slice %arg3[%add3A, %dma_wait3A] : memref<32x10080xi32, #tpu.memory_space<hbm>> -> memref<1x10080xi32, #tpu.memory_space<hbm>>
      %dma_wait3A_330 = tpu.memref_squeeze %dma_wait3A_329 : memref<1x10080xi32, #tpu.memory_space<hbm>> -> memref<10080xi32, #tpu.memory_space<hbm>>
      %dma_wait3A_331 = arith.constant 0 : i32
      %dma_wait3A_332 = tpu.memref_slice %arg3[%add3A, %dma_wait3A_331] : memref<32x10080xi32, #tpu.memory_space<hbm>> -> memref<1x10080xi32, #tpu.memory_space<hbm>>
      %dma_wait3A_333 = tpu.memref_squeeze %dma_wait3A_332 : memref<1x10080xi32, #tpu.memory_space<hbm>> -> memref<10080xi32, #tpu.memory_space<hbm>>
      tpu.wait_dma2 semaphore(%run_scoped3A : memref<!tpu.dma_semaphore, #tpu.memory_space<semaphore_mem>>) src(%dma_wait3A_333 : memref<10080xi32, #tpu.memory_space<hbm>>) dst(%arg6 : memref<10080xi32, #tpu.memory_space<vmem>>)
      tpu.yield
    }) : () -> ()
    %barrier3A = arith.constant 0 : index
    tpu.barrier barrier_id(%barrier3A)
    %get3A = arith.constant 0 : index
    %get3A_3 = tpu.vector_load %arg6[%get3A] {strides = array<i32>} : memref<10080xi32, #tpu.memory_space<vmem>>, vector<16xi32>,
    %get3A_4 = vector.shape_cast %get3A_3 : vector<16xi32> to vector<16xi32>
    %shift_right_logical3A = arith.constant 15 : i32
    %shift_right_logical3A_5 = vector.broadcast %shift_right_logical3A : i32 to vector<16xi32>
    %shift_right_logical3A_6 = arith.shrui %get3A_4, %shift_right_logical3A_5 : vector<16xi32>
    %swap3A = arith.constant 0 : index
    %swap3A_7 = tpu.vector_load %arg7[%swap3A] {strides = array<i32>} : memref<96xi32, #tpu.memory_space<vmem>>, vector<16xi32>,
    %swap3A_8 = vector.shape_cast %swap3A_7 : vector<16xi32> to vector<16xi32>
    %swap3A_9 = vector.shape_cast %shift_right_logical3A_6 : vector<16xi32> to vector<16xi32>
    tpu.vector_store %arg7[%swap3A], %swap3A_9 {strides = array<i32>} : memref<96xi32, #tpu.memory_space<vmem>>, vector<16xi32>,
    %and3A = arith.constant 32767 : i32
    %and3A_10 = vector.broadcast %and3A : i32 to vector<16xi32>
    %and3A_11 = arith.andi %get3A_4, %and3A_10 : vector<16xi32>
    %swap3A_12 = arith.constant 0 : index
    %swap3A_13 = tpu.vector_load %arg8[%swap3A_12] {strides = array<i32>} : memref<96xi32, #tpu.memory_space<vmem>>, vector<16xi32>,
    %swap3A_14 = vector.shape_cast %swap3A_13 : vector<16xi32> to vector<16xi32>
    %swap3A_15 = vector.shape_cast %and3A_11 : vector<16xi32> to vector<16xi32>
    tpu.vector_store %arg8[%swap3A_12], %swap3A_15 {strides = array<i32>} : memref<96xi32, #tpu.memory_space<vmem>>, vector<16xi32>,
    %get3A_16 = arith.constant 16 : index
    %get3A_17 = tpu.vector_load %arg6[%get3A_16] {strides = array<i32>} : memref<10080xi32, #tpu.memory_space<vmem>>, vector<16xi32>,
    %get3A_18 = vector.shape_cast %get3A_17 : vector<16xi32> to vector<16xi32>
    %shift_right_logical3A_19 = arith.constant 15 : i32
    %shift_right_logical3A_20 = vector.broadcast %shift_right_logical3A_19 : i32 to vector<16xi32>
    %shift_right_logical3A_21 = arith.shrui %get3A_18, %shift_right_logical3A_20 : vector<16xi32>
    %swap3A_22 = arith.constant 16 : index
    %swap3A_23 = tpu.vector_load %arg7[%swap3A_22] {strides = array<i32>} : memref<96xi32, #tpu.memory_space<vmem>>, vector<16xi32>,
    %swap3A_24 = vector.shape_cast %swap3A_23 : vector<16xi32> to vector<16xi32>
    %swap3A_25 = vector.shape_cast %shift_right_logical3A_21 : vector<16xi32> to vector<16xi32>
    tpu.vector_store %arg7[%swap3A_22], %swap3A_25 {strides = array<i32>} : memref<96xi32, #tpu.memory_space<vmem>>, vector<16xi32>,
    %and3A_26 = arith.constant 32767 : i32
    %and3A_27 = vector.broadcast %and3A_26 : i32 to vector<16xi32>
    %and3A_28 = arith.andi %get3A_18, %and3A_27 : vector<16xi32>
    %swap3A_29 = arith.constant 16 : index
    %swap3A_30 = tpu.vector_load %arg8[%swap3A_29] {strides = array<i32>} : memref<96xi32, #tpu.memory_space<vmem>>, vector<16xi32>,
    %swap3A_31 = vector.shape_cast %swap3A_30 : vector<16xi32> to vector<16xi32>
    %swap3A_32 = vector.shape_cast %and3A_28 : vector<16xi32> to vector<16xi32>
    tpu.vector_store %arg8[%swap3A_29], %swap3A_32 {strides = array<i32>} : memref<96xi32, #tpu.memory_space<vmem>>, vector<16xi32>,
    %get3A_33 = arith.constant 32 : index
    %get3A_34 = tpu.vector_load %arg6[%get3A_33] {strides = array<i32>} : memref<10080xi32, #tpu.memory_space<vmem>>, vector<16xi32>,
    %get3A_35 = vector.shape_cast %get3A_34 : vector<16xi32> to vector<16xi32>
    %shift_right_logical3A_36 = arith.constant 15 : i32
    %shift_right_logical3A_37 = vector.broadcast %shift_right_logical3A_36 : i32 to vector<16xi32>
    %shift_right_logical3A_38 = arith.shrui %get3A_35, %shift_right_logical3A_37 : vector<16xi32>
    %swap3A_39 = arith.constant 32 : index
    %swap3A_40 = tpu.vector_load %arg7[%swap3A_39] {strides = array<i32>} : memref<96xi32, #tpu.memory_space<vmem>>, vector<16xi32>,
    %swap3A_41 = vector.shape_cast %swap3A_40 : vector<16xi32> to vector<16xi32>
    %swap3A_42 = vector.shape_cast %shift_right_logical3A_38 : vector<16xi32> to vector<16xi32>
    tpu.vector_store %arg7[%swap3A_39], %swap3A_42 {strides = array<i32>} : memref<96xi32, #tpu.memory_space<vmem>>, vector<16xi32>,
    %and3A_43 = arith.constant 32767 : i32
    %and3A_44 = vector.broadcast %and3A_43 : i32 to vector<16xi32>
    %and3A_45 = arith.andi %get3A_35, %and3A_44 : vector<16xi32>
    %swap3A_46 = arith.constant 32 : index
    %swap3A_47 = tpu.vector_load %arg8[%swap3A_46] {strides = array<i32>} : memref<96xi32, #tpu.memory_space<vmem>>, vector<16xi32>,
    %swap3A_48 = vector.shape_cast %swap3A_47 : vector<16xi32> to vector<16xi32>
    %swap3A_49 = vector.shape_cast %and3A_45 : vector<16xi32> to vector<16xi32>
    tpu.vector_store %arg8[%swap3A_46], %swap3A_49 {strides = array<i32>} : memref<96xi32, #tpu.memory_space<vmem>>, vector<16xi32>,
    %get3A_50 = arith.constant 48 : index
    %get3A_51 = tpu.vector_load %arg6[%get3A_50] {strides = array<i32>} : memref<10080xi32, #tpu.memory_space<vmem>>, vector<16xi32>,
    %get3A_52 = vector.shape_cast %get3A_51 : vector<16xi32> to vector<16xi32>
    %shift_right_logical3A_53 = arith.constant 15 : i32
    %shift_right_logical3A_54 = vector.broadcast %shift_right_logical3A_53 : i32 to vector<16xi32>
    %shift_right_logical3A_55 = arith.shrui %get3A_52, %shift_right_logical3A_54 : vector<16xi32>
    %swap3A_56 = arith.constant 48 : index
    %swap3A_57 = tpu.vector_load %arg7[%swap3A_56] {strides = array<i32>} : memref<96xi32, #tpu.memory_space<vmem>>, vector<16xi32>,
    %swap3A_58 = vector.shape_cast %swap3A_57 : vector<16xi32> to vector<16xi32>
    %swap3A_59 = vector.shape_cast %shift_right_logical3A_55 : vector<16xi32> to vector<16xi32>
    tpu.vector_store %arg7[%swap3A_56], %swap3A_59 {strides = array<i32>} : memref<96xi32, #tpu.memory_space<vmem>>, vector<16xi32>,
    %and3A_60 = arith.constant 32767 : i32
    %and3A_61 = vector.broadcast %and3A_60 : i32 to vector<16xi32>
    %and3A_62 = arith.andi %get3A_52, %and3A_61 : vector<16xi32>
    %swap3A_63 = arith.constant 48 : index
    %swap3A_64 = tpu.vector_load %arg8[%swap3A_63] {strides = array<i32>} : memref<96xi32, #tpu.memory_space<vmem>>, vector<16xi32>,
    %swap3A_65 = vector.shape_cast %swap3A_64 : vector<16xi32> to vector<16xi32>
    %swap3A_66 = vector.shape_cast %and3A_62 : vector<16xi32> to vector<16xi32>
    tpu.vector_store %arg8[%swap3A_63], %swap3A_66 {strides = array<i32>} : memref<96xi32, #tpu.memory_space<vmem>>, vector<16xi32>,
    %get3A_67 = arith.constant 64 : index
    %get3A_68 = tpu.vector_load %arg6[%get3A_67] {strides = array<i32>} : memref<10080xi32, #tpu.memory_space<vmem>>, vector<16xi32>,
    %get3A_69 = vector.shape_cast %get3A_68 : vector<16xi32> to vector<16xi32>
    %shift_right_logical3A_70 = arith.constant 15 : i32
    %shift_right_logical3A_71 = vector.broadcast %shift_right_logical3A_70 : i32 to vector<16xi32>
    %shift_right_logical3A_72 = arith.shrui %get3A_69, %shift_right_logical3A_71 : vector<16xi32>
    %swap3A_73 = arith.constant 64 : index
    %swap3A_74 = tpu.vector_load %arg7[%swap3A_73] {strides = array<i32>} : memref<96xi32, #tpu.memory_space<vmem>>, vector<16xi32>,
    %swap3A_75 = vector.shape_cast %swap3A_74 : vector<16xi32> to vector<16xi32>
    %swap3A_76 = vector.shape_cast %shift_right_logical3A_72 : vector<16xi32> to vector<16xi32>
    tpu.vector_store %arg7[%swap3A_73], %swap3A_76 {strides = array<i32>} : memref<96xi32, #tpu.memory_space<vmem>>, vector<16xi32>,
    %and3A_77 = arith.constant 32767 : i32
    %and3A_78 = vector.broadcast %and3A_77 : i32 to vector<16xi32>
    %and3A_79 = arith.andi %get3A_69, %and3A_78 : vector<16xi32>
    %swap3A_80 = arith.constant 64 : index
    %swap3A_81 = tpu.vector_load %arg8[%swap3A_80] {strides = array<i32>} : memref<96xi32, #tpu.memory_space<vmem>>, vector<16xi32>,
    %swap3A_82 = vector.shape_cast %swap3A_81 : vector<16xi32> to vector<16xi32>
    %swap3A_83 = vector.shape_cast %and3A_79 : vector<16xi32> to vector<16xi32>
    tpu.vector_store %arg8[%swap3A_80], %swap3A_83 {strides = array<i32>} : memref<96xi32, #tpu.memory_space<vmem>>, vector<16xi32>,
    %get3A_84 = arith.constant 80 : index
    %get3A_85 = tpu.vector_load %arg6[%get3A_84] {strides = array<i32>} : memref<10080xi32, #tpu.memory_space<vmem>>, vector<16xi32>,
    %get3A_86 = vector.shape_cast %get3A_85 : vector<16xi32> to vector<16xi32>
    %shift_right_logical3A_87 = arith.constant 15 : i32
    %shift_right_logical3A_88 = vector.broadcast %shift_right_logical3A_87 : i32 to vector<16xi32>
    %shift_right_logical3A_89 = arith.shrui %get3A_86, %shift_right_logical3A_88 : vector<16xi32>
    %swap3A_90 = arith.constant 80 : index
    %swap3A_91 = tpu.vector_load %arg7[%swap3A_90] {strides = array<i32>} : memref<96xi32, #tpu.memory_space<vmem>>, vector<16xi32>,
    %swap3A_92 = vector.shape_cast %swap3A_91 : vector<16xi32> to vector<16xi32>
    %swap3A_93 = vector.shape_cast %shift_right_logical3A_89 : vector<16xi32> to vector<16xi32>
    tpu.vector_store %arg7[%swap3A_90], %swap3A_93 {strides = array<i32>} : memref<96xi32, #tpu.memory_space<vmem>>, vector<16xi32>,
    %and3A_94 = arith.constant 32767 : i32
    %and3A_95 = vector.broadcast %and3A_94 : i32 to vector<16xi32>
    %and3A_96 = arith.andi %get3A_86, %and3A_95 : vector<16xi32>
    %swap3A_97 = arith.constant 80 : index
    %swap3A_98 = tpu.vector_load %arg8[%swap3A_97] {strides = array<i32>} : memref<96xi32, #tpu.memory_space<vmem>>, vector<16xi32>,
    %swap3A_99 = vector.shape_cast %swap3A_98 : vector<16xi32> to vector<16xi32>
    %swap3A_100 = vector.shape_cast %and3A_96 : vector<16xi32> to vector<16xi32>
    tpu.vector_store %arg8[%swap3A_97], %swap3A_100 {strides = array<i32>} : memref<96xi32, #tpu.memory_space<vmem>>, vector<16xi32>,
    %dma_start3A = arith.constant 0 : i32
    %dma_start3A_101 = arith.constant 0 : i32
    %dma_start3A_102 = tpu.memref_slice %arg2[%dma_start3A, %dma_start3A_101] : memref<10240x128xf32, #tpu.memory_space<hbm>> -> memref<10240x128xf32, #tpu.memory_space<hbm>>
    tpu.enqueue_indirect_dma source(%dma_start3A_102 : memref<10240x128xf32, #tpu.memory_space<hbm>>) target(%arg13 : memref<96x128xf32, #tpu.memory_space<vmem>>) offsets(%arg7 : memref<96xi32, #tpu.memory_space<vmem>>) semaphore(%arg17 : memref<!tpu.dma_semaphore, #tpu.memory_space<semaphore_mem>>)
    %get3A_103 = arith.constant 96 : index
    %get3A_104 = tpu.vector_load %arg6[%get3A_103] {strides = array<i32>} : memref<10080xi32, #tpu.memory_space<vmem>>, vector<16xi32>,
    %get3A_105 = vector.shape_cast %get3A_104 : vector<16xi32> to vector<16xi32>
    %shift_right_logical3A_106 = arith.constant 15 : i32
    %shift_right_logical3A_107 = vector.broadcast %shift_right_logical3A_106 : i32 to vector<16xi32>
    %shift_right_logical3A_108 = arith.shrui %get3A_105, %shift_right_logical3A_107 : vector<16xi32>
    %swap3A_109 = arith.constant 0 : index
    %swap3A_110 = tpu.vector_load %arg9[%swap3A_109] {strides = array<i32>} : memref<96xi32, #tpu.memory_space<vmem>>, vector<16xi32>,
    %swap3A_111 = vector.shape_cast %swap3A_110 : vector<16xi32> to vector<16xi32>
    %swap3A_112 = vector.shape_cast %shift_right_logical3A_108 : vector<16xi32> to vector<16xi32>
    tpu.vector_store %arg9[%swap3A_109], %swap3A_112 {strides = array<i32>} : memref<96xi32, #tpu.memory_space<vmem>>, vector<16xi32>,
    %and3A_113 = arith.constant 32767 : i32
    %and3A_114 = vector.broadcast %and3A_113 : i32 to vector<16xi32>
    %and3A_115 = arith.andi %get3A_105, %and3A_114 : vector<16xi32>
    %swap3A_116 = arith.constant 0 : index
    %swap3A_117 = tpu.vector_load %arg10[%swap3A_116] {strides = array<i32>} : memref<96xi32, #tpu.memory_space<vmem>>, vector<16xi32>,
    %swap3A_118 = vector.shape_cast %swap3A_117 : vector<16xi32> to vector<16xi32>
    %swap3A_119 = vector.shape_cast %and3A_115 : vector<16xi32> to vector<16xi32>
    tpu.vector_store %arg10[%swap3A_116], %swap3A_119 {strides = array<i32>} : memref<96xi32, #tpu.memory_space<vmem>>, vector<16xi32>,
    %get3A_120 = arith.constant 112 : index
    %get3A_121 = tpu.vector_load %arg6[%get3A_120] {strides = array<i32>} : memref<10080xi32, #tpu.memory_space<vmem>>, vector<16xi32>,
    %get3A_122 = vector.shape_cast %get3A_121 : vector<16xi32> to vector<16xi32>
    %shift_right_logical3A_123 = arith.constant 15 : i32
    %shift_right_logical3A_124 = vector.broadcast %shift_right_logical3A_123 : i32 to vector<16xi32>
    %shift_right_logical3A_125 = arith.shrui %get3A_122, %shift_right_logical3A_124 : vector<16xi32>
    %swap3A_126 = arith.constant 16 : index
    %swap3A_127 = tpu.vector_load %arg9[%swap3A_126] {strides = array<i32>} : memref<96xi32, #tpu.memory_space<vmem>>, vector<16xi32>,
    %swap3A_128 = vector.shape_cast %swap3A_127 : vector<16xi32> to vector<16xi32>
    %swap3A_129 = vector.shape_cast %shift_right_logical3A_125 : vector<16xi32> to vector<16xi32>
    tpu.vector_store %arg9[%swap3A_126], %swap3A_129 {strides = array<i32>} : memref<96xi32, #tpu.memory_space<vmem>>, vector<16xi32>,
    %and3A_130 = arith.constant 32767 : i32
    %and3A_131 = vector.broadcast %and3A_130 : i32 to vector<16xi32>
    %and3A_132 = arith.andi %get3A_122, %and3A_131 : vector<16xi32>
    %swap3A_133 = arith.constant 16 : index
    %swap3A_134 = tpu.vector_load %arg10[%swap3A_133] {strides = array<i32>} : memref<96xi32, #tpu.memory_space<vmem>>, vector<16xi32>,
    %swap3A_135 = vector.shape_cast %swap3A_134 : vector<16xi32> to vector<16xi32>
    %swap3A_136 = vector.shape_cast %and3A_132 : vector<16xi32> to vector<16xi32>
    tpu.vector_store %arg10[%swap3A_133], %swap3A_136 {strides = array<i32>} : memref<96xi32, #tpu.memory_space<vmem>>, vector<16xi32>,
    %get3A_137 = arith.constant 128 : index
    %get3A_138 = tpu.vector_load %arg6[%get3A_137] {strides = array<i32>} : memref<10080xi32, #tpu.memory_space<vmem>>, vector<16xi32>,
    %get3A_139 = vector.shape_cast %get3A_138 : vector<16xi32> to vector<16xi32>
    %shift_right_logical3A_140 = arith.constant 15 : i32
    %shift_right_logical3A_141 = vector.broadcast %shift_right_logical3A_140 : i32 to vector<16xi32>
    %shift_right_logical3A_142 = arith.shrui %get3A_139, %shift_right_logical3A_141 : vector<16xi32>
    %swap3A_143 = arith.constant 32 : index
    %swap3A_144 = tpu.vector_load %arg9[%swap3A_143] {strides = array<i32>} : memref<96xi32, #tpu.memory_space<vmem>>, vector<16xi32>,
    %swap3A_145 = vector.shape_cast %swap3A_144 : vector<16xi32> to vector<16xi32>
    %swap3A_146 = vector.shape_cast %shift_right_logical3A_142 : vector<16xi32> to vector<16xi32>
    tpu.vector_store %arg9[%swap3A_143], %swap3A_146 {strides = array<i32>} : memref<96xi32, #tpu.memory_space<vmem>>, vector<16xi32>,
    %and3A_147 = arith.constant 32767 : i32
    %and3A_148 = vector.broadcast %and3A_147 : i32 to vector<16xi32>
    %and3A_149 = arith.andi %get3A_139, %and3A_148 : vector<16xi32>
    %swap3A_150 = arith.constant 32 : index
    %swap3A_151 = tpu.vector_load %arg10[%swap3A_150] {strides = array<i32>} : memref<96xi32, #tpu.memory_space<vmem>>, vector<16xi32>,
    %swap3A_152 = vector.shape_cast %swap3A_151 : vector<16xi32> to vector<16xi32>
    %swap3A_153 = vector.shape_cast %and3A_149 : vector<16xi32> to vector<16xi32>
    tpu.vector_store %arg10[%swap3A_150], %swap3A_153 {strides = array<i32>} : memref<96xi32, #tpu.memory_space<vmem>>, vector<16xi32>,
    %get3A_154 = arith.constant 144 : index
    %get3A_155 = tpu.vector_load %arg6[%get3A_154] {strides = array<i32>} : memref<10080xi32, #tpu.memory_space<vmem>>, vector<16xi32>,
    %get3A_156 = vector.shape_cast %get3A_155 : vector<16xi32> to vector<16xi32>
    %shift_right_logical3A_157 = arith.constant 15 : i32
    %shift_right_logical3A_158 = vector.broadcast %shift_right_logical3A_157 : i32 to vector<16xi32>
    %shift_right_logical3A_159 = arith.shrui %get3A_156, %shift_right_logical3A_158 : vector<16xi32>
    %swap3A_160 = arith.constant 48 : index
    %swap3A_161 = tpu.vector_load %arg9[%swap3A_160] {strides = array<i32>} : memref<96xi32, #tpu.memory_space<vmem>>, vector<16xi32>,
    %swap3A_162 = vector.shape_cast %swap3A_161 : vector<16xi32> to vector<16xi32>
    %swap3A_163 = vector.shape_cast %shift_right_logical3A_159 : vector<16xi32> to vector<16xi32>
    tpu.vector_store %arg9[%swap3A_160], %swap3A_163 {strides = array<i32>} : memref<96xi32, #tpu.memory_space<vmem>>, vector<16xi32>,
    %and3A_164 = arith.constant 32767 : i32
    %and3A_165 = vector.broadcast %and3A_164 : i32 to vector<16xi32>
    %and3A_166 = arith.andi %get3A_156, %and3A_165 : vector<16xi32>
    %swap3A_167 = arith.constant 48 : index
    %swap3A_168 = tpu.vector_load %arg10[%swap3A_167] {strides = array<i32>} : memref<96xi32, #tpu.memory_space<vmem>>, vector<16xi32>,
    %swap3A_169 = vector.shape_cast %swap3A_168 : vector<16xi32> to vector<16xi32>
    %swap3A_170 = vector.shape_cast %and3A_166 : vector<16xi32> to vector<16xi32>
    tpu.vector_store %arg10[%swap3A_167], %swap3A_170 {strides = array<i32>} : memref<96xi32, #tpu.memory_space<vmem>>, vector<16xi32>,
    %get3A_171 = arith.constant 160 : index
    %get3A_172 = tpu.vector_load %arg6[%get3A_171] {strides = array<i32>} : memref<10080xi32, #tpu.memory_space<vmem>>, vector<16xi32>,
    %get3A_173 = vector.shape_cast %get3A_172 : vector<16xi32> to vector<16xi32>
    %shift_right_logical3A_174 = arith.constant 15 : i32
    %shift_right_logical3A_175 = vector.broadcast %shift_right_logical3A_174 : i32 to vector<16xi32>
    %shift_right_logical3A_176 = arith.shrui %get3A_173, %shift_right_logical3A_175 : vector<16xi32>
    %swap3A_177 = arith.constant 64 : index
    %swap3A_178 = tpu.vector_load %arg9[%swap3A_177] {strides = array<i32>} : memref<96xi32, #tpu.memory_space<vmem>>, vector<16xi32>,
    %swap3A_179 = vector.shape_cast %swap3A_178 : vector<16xi32> to vector<16xi32>
    %swap3A_180 = vector.shape_cast %shift_right_logical3A_176 : vector<16xi32> to vector<16xi32>
    tpu.vector_store %arg9[%swap3A_177], %swap3A_180 {strides = array<i32>} : memref<96xi32, #tpu.memory_space<vmem>>, vector<16xi32>,
    %and3A_181 = arith.constant 32767 : i32
    %and3A_182 = vector.broadcast %and3A_181 : i32 to vector<16xi32>
    %and3A_183 = arith.andi %get3A_173, %and3A_182 : vector<16xi32>
    %swap3A_184 = arith.constant 64 : index
    %swap3A_185 = tpu.vector_load %arg10[%swap3A_184] {strides = array<i32>} : memref<96xi32, #tpu.memory_space<vmem>>, vector<16xi32>,
    %swap3A_186 = vector.shape_cast %swap3A_185 : vector<16xi32> to vector<16xi32>
    %swap3A_187 = vector.shape_cast %and3A_183 : vector<16xi32> to vector<16xi32>
    tpu.vector_store %arg10[%swap3A_184], %swap3A_187 {strides = array<i32>} : memref<96xi32, #tpu.memory_space<vmem>>, vector<16xi32>,
    %get3A_188 = arith.constant 176 : index
    %get3A_189 = tpu.vector_load %arg6[%get3A_188] {strides = array<i32>} : memref<10080xi32, #tpu.memory_space<vmem>>, vector<16xi32>,
    %get3A_190 = vector.shape_cast %get3A_189 : vector<16xi32> to vector<16xi32>
    %shift_right_logical3A_191 = arith.constant 15 : i32
    %shift_right_logical3A_192 = vector.broadcast %shift_right_logical3A_191 : i32 to vector<16xi32>
    %shift_right_logical3A_193 = arith.shrui %get3A_190, %shift_right_logical3A_192 : vector<16xi32>
    %swap3A_194 = arith.constant 80 : index
    %swap3A_195 = tpu.vector_load %arg9[%swap3A_194] {strides = array<i32>} : memref<96xi32, #tpu.memory_space<vmem>>, vector<16xi32>,
    %swap3A_196 = vector.shape_cast %swap3A_195 : vector<16xi32> to vector<16xi32>
    %swap3A_197 = vector.shape_cast %shift_right_logical3A_193 : vector<16xi32> to vector<16xi32>
    tpu.vector_store %arg9[%swap3A_194], %swap3A_197 {strides = array<i32>} : memref<96xi32, #tpu.memory_space<vmem>>, vector<16xi32>,
    %and3A_198 = arith.constant 32767 : i32
    %and3A_199 = vector.broadcast %and3A_198 : i32 to vector<16xi32>
    %and3A_200 = arith.andi %get3A_190, %and3A_199 : vector<16xi32>
    %swap3A_201 = arith.constant 80 : index
    %swap3A_202 = tpu.vector_load %arg10[%swap3A_201] {strides = array<i32>} : memref<96xi32, #tpu.memory_space<vmem>>, vector<16xi32>,
    %swap3A_203 = vector.shape_cast %swap3A_202 : vector<16xi32> to vector<16xi32>
    %swap3A_204 = vector.shape_cast %and3A_200 : vector<16xi32> to vector<16xi32>
    tpu.vector_store %arg10[%swap3A_201], %swap3A_204 {strides = array<i32>} : memref<96xi32, #tpu.memory_space<vmem>>, vector<16xi32>,
    %dma_start3A_205 = arith.constant 0 : i32
    %dma_start3A_206 = arith.constant 0 : i32
    %dma_start3A_207 = tpu.memref_slice %arg2[%dma_start3A_205, %dma_start3A_206] : memref<10240x128xf32, #tpu.memory_space<hbm>> -> memref<10240x128xf32, #tpu.memory_space<hbm>>
    tpu.enqueue_indirect_dma source(%dma_start3A_207 : memref<10240x128xf32, #tpu.memory_space<hbm>>) target(%arg14 : memref<96x128xf32, #tpu.memory_space<vmem>>) offsets(%arg9 : memref<96xi32, #tpu.memory_space<vmem>>) semaphore(%arg18 : memref<!tpu.dma_semaphore, #tpu.memory_space<semaphore_mem>>)
    %get3A_208 = arith.constant 192 : index
    %get3A_209 = tpu.vector_load %arg6[%get3A_208] {strides = array<i32>} : memref<10080xi32, #tpu.memory_space<vmem>>, vector<16xi32>,
    %get3A_210 = vector.shape_cast %get3A_209 : vector<16xi32> to vector<16xi32>
    %shift_right_logical3A_211 = arith.constant 15 : i32
    %shift_right_logical3A_212 = vector.broadcast %shift_right_logical3A_211 : i32 to vector<16xi32>
    %shift_right_logical3A_213 = arith.shrui %get3A_210, %shift_right_logical3A_212 : vector<16xi32>
    %swap3A_214 = arith.constant 0 : index
    %swap3A_215 = tpu.vector_load %arg11[%swap3A_214] {strides = array<i32>} : memref<96xi32, #tpu.memory_space<vmem>>, vector<16xi32>,
    %swap3A_216 = vector.shape_cast %swap3A_215 : vector<16xi32> to vector<16xi32>
    %swap3A_217 = vector.shape_cast %shift_right_logical3A_213 : vector<16xi32> to vector<16xi32>
    tpu.vector_store %arg11[%swap3A_214], %swap3A_217 {strides = array<i32>} : memref<96xi32, #tpu.memory_space<vmem>>, vector<16xi32>,
    %and3A_218 = arith.constant 32767 : i32
    %and3A_219 = vector.broadcast %and3A_218 : i32 to vector<16xi32>
    %and3A_220 = arith.andi %get3A_210, %and3A_219 : vector<16xi32>
    %swap3A_221 = arith.constant 0 : index
    %swap3A_222 = tpu.vector_load %arg12[%swap3A_221] {strides = array<i32>} : memref<96xi32, #tpu.memory_space<vmem>>, vector<16xi32>,
    %swap3A_223 = vector.shape_cast %swap3A_222 : vector<16xi32> to vector<16xi32>
    %swap3A_224 = vector.shape_cast %and3A_220 : vector<16xi32> to vector<16xi32>
    tpu.vector_store %arg12[%swap3A_221], %swap3A_224 {strides = array<i32>} : memref<96xi32, #tpu.memory_space<vmem>>, vector<16xi32>,
    %get3A_225 = arith.constant 208 : index
    %get3A_226 = tpu.vector_load %arg6[%get3A_225] {strides = array<i32>} : memref<10080xi32, #tpu.memory_space<vmem>>, vector<16xi32>,
    %get3A_227 = vector.shape_cast %get3A_226 : vector<16xi32> to vector<16xi32>
    %shift_right_logical3A_228 = arith.constant 15 : i32
    %shift_right_logical3A_229 = vector.broadcast %shift_right_logical3A_228 : i32 to vector<16xi32>
    %shift_right_logical3A_230 = arith.shrui %get3A_227, %shift_right_logical3A_229 : vector<16xi32>
    %swap3A_231 = arith.constant 16 : index
    %swap3A_232 = tpu.vector_load %arg11[%swap3A_231] {strides = array<i32>} : memref<96xi32, #tpu.memory_space<vmem>>, vector<16xi32>,
    %swap3A_233 = vector.shape_cast %swap3A_232 : vector<16xi32> to vector<16xi32>
    %swap3A_234 = vector.shape_cast %shift_right_logical3A_230 : vector<16xi32> to vector<16xi32>
    tpu.vector_store %arg11[%swap3A_231], %swap3A_234 {strides = array<i32>} : memref<96xi32, #tpu.memory_space<vmem>>, vector<16xi32>,
    %and3A_235 = arith.constant 32767 : i32
    %and3A_236 = vector.broadcast %and3A_235 : i32 to vector<16xi32>
    %and3A_237 = arith.andi %get3A_227, %and3A_236 : vector<16xi32>
    %swap3A_238 = arith.constant 16 : index
    %swap3A_239 = tpu.vector_load %arg12[%swap3A_238] {strides = array<i32>} : memref<96xi32, #tpu.memory_space<vmem>>, vector<16xi32>,
    %swap3A_240 = vector.shape_cast %swap3A_239 : vector<16xi32> to vector<16xi32>
    %swap3A_241 = vector.shape_cast %and3A_237 : vector<16xi32> to vector<16xi32>
    tpu.vector_store %arg12[%swap3A_238], %swap3A_241 {strides = array<i32>} : memref<96xi32, #tpu.memory_space<vmem>>, vector<16xi32>,
    %get3A_242 = arith.constant 224 : index
    %get3A_243 = tpu.vector_load %arg6[%get3A_242] {strides = array<i32>} : memref<10080xi32, #tpu.memory_space<vmem>>, vector<16xi32>,
    %get3A_244 = vector.shape_cast %get3A_243 : vector<16xi32> to vector<16xi32>
    %shift_right_logical3A_245 = arith.constant 15 : i32
    %shift_right_logical3A_246 = vector.broadcast %shift_right_logical3A_245 : i32 to vector<16xi32>
    %shift_right_logical3A_247 = arith.shrui %get3A_244, %shift_right_logical3A_246 : vector<16xi32>
    %swap3A_248 = arith.constant 32 : index
    %swap3A_249 = tpu.vector_load %arg11[%swap3A_248] {strides = array<i32>} : memref<96xi32, #tpu.memory_space<vmem>>, vector<16xi32>,
    %swap3A_250 = vector.shape_cast %swap3A_249 : vector<16xi32> to vector<16xi32>
    %swap3A_251 = vector.shape_cast %shift_right_logical3A_247 : vector<16xi32> to vector<16xi32>
    tpu.vector_store %arg11[%swap3A_248], %swap3A_251 {strides = array<i32>} : memref<96xi32, #tpu.memory_space<vmem>>, vector<16xi32>,
    %and3A_252 = arith.constant 32767 : i32
    %and3A_253 = vector.broadcast %and3A_252 : i32 to vector<16xi32>
    %and3A_254 = arith.andi %get3A_244, %and3A_253 : vector<16xi32>
    %swap3A_255 = arith.constant 32 : index
    %swap3A_256 = tpu.vector_load %arg12[%swap3A_255] {strides = array<i32>} : memref<96xi32, #tpu.memory_space<vmem>>, vector<16xi32>,
    %swap3A_257 = vector.shape_cast %swap3A_256 : vector<16xi32> to vector<16xi32>
    %swap3A_258 = vector.shape_cast %and3A_254 : vector<16xi32> to vector<16xi32>
    tpu.vector_store %arg12[%swap3A_255], %swap3A_258 {strides = array<i32>} : memref<96xi32, #tpu.memory_space<vmem>>, vector<16xi32>,
    %get3A_259 = arith.constant 240 : index
    %get3A_260 = tpu.vector_load %arg6[%get3A_259] {strides = array<i32>} : memref<10080xi32, #tpu.memory_space<vmem>>, vector<16xi32>,
    %get3A_261 = vector.shape_cast %get3A_260 : vector<16xi32> to vector<16xi32>
    %shift_right_logical3A_262 = arith.constant 15 : i32
    %shift_right_logical3A_263 = vector.broadcast %shift_right_logical3A_262 : i32 to vector<16xi32>
    %shift_right_logical3A_264 = arith.shrui %get3A_261, %shift_right_logical3A_263 : vector<16xi32>
    %swap3A_265 = arith.constant 48 : index
    %swap3A_266 = tpu.vector_load %arg11[%swap3A_265] {strides = array<i32>} : memref<96xi32, #tpu.memory_space<vmem>>, vector<16xi32>,
    %swap3A_267 = vector.shape_cast %swap3A_266 : vector<16xi32> to vector<16xi32>
    %swap3A_268 = vector.shape_cast %shift_right_logical3A_264 : vector<16xi32> to vector<16xi32>
    tpu.vector_store %arg11[%swap3A_265], %swap3A_268 {strides = array<i32>} : memref<96xi32, #tpu.memory_space<vmem>>, vector<16xi32>,
    %and3A_269 = arith.constant 32767 : i32
    %and3A_270 = vector.broadcast %and3A_269 : i32 to vector<16xi32>
    %and3A_271 = arith.andi %get3A_261, %and3A_270 : vector<16xi32>
    %swap3A_272 = arith.constant 48 : index
    %swap3A_273 = tpu.vector_load %arg12[%swap3A_272] {strides = array<i32>} : memref<96xi32, #tpu.memory_space<vmem>>, vector<16xi32>,
    %swap3A_274 = vector.shape_cast %swap3A_273 : vector<16xi32> to vector<16xi32>
    %swap3A_275 = vector.shape_cast %and3A_271 : vector<16xi32> to vector<16xi32>
    tpu.vector_store %arg12[%swap3A_272], %swap3A_275 {strides = array<i32>} : memref<96xi32, #tpu.memory_space<vmem>>, vector<16xi32>,
    %get3A_276 = arith.constant 256 : index
    %get3A_277 = tpu.vector_load %arg6[%get3A_276] {strides = array<i32>} : memref<10080xi32, #tpu.memory_space<vmem>>, vector<16xi32>,
    %get3A_278 = vector.shape_cast %get3A_277 : vector<16xi32> to vector<16xi32>
    %shift_right_logical3A_279 = arith.constant 15 : i32
    %shift_right_logical3A_280 = vector.broadcast %shift_right_logical3A_279 : i32 to vector<16xi32>
    %shift_right_logical3A_281 = arith.shrui %get3A_278, %shift_right_logical3A_280 : vector<16xi32>
    %swap3A_282 = arith.constant 64 : index
    %swap3A_283 = tpu.vector_load %arg11[%swap3A_282] {strides = array<i32>} : memref<96xi32, #tpu.memory_space<vmem>>, vector<16xi32>,
    %swap3A_284 = vector.shape_cast %swap3A_283 : vector<16xi32> to vector<16xi32>
    %swap3A_285 = vector.shape_cast %shift_right_logical3A_281 : vector<16xi32> to vector<16xi32>
    tpu.vector_store %arg11[%swap3A_282], %swap3A_285 {strides = array<i32>} : memref<96xi32, #tpu.memory_space<vmem>>, vector<16xi32>,
    %and3A_286 = arith.constant 32767 : i32
    %and3A_287 = vector.broadcast %and3A_286 : i32 to vector<16xi32>
    %and3A_288 = arith.andi %get3A_278, %and3A_287 : vector<16xi32>
    %swap3A_289 = arith.constant 64 : index
    %swap3A_290 = tpu.vector_load %arg12[%swap3A_289] {strides = array<i32>} : memref<96xi32, #tpu.memory_space<vmem>>, vector<16xi32>,
    %swap3A_291 = vector.shape_cast %swap3A_290 : vector<16xi32> to vector<16xi32>
    %swap3A_292 = vector.shape_cast %and3A_288 : vector<16xi32> to vector<16xi32>
    tpu.vector_store %arg12[%swap3A_289], %swap3A_292 {strides = array<i32>} : memref<96xi32, #tpu.memory_space<vmem>>, vector<16xi32>,
    %get3A_293 = arith.constant 272 : index
    %get3A_294 = tpu.vector_load %arg6[%get3A_293] {strides = array<i32>} : memref<10080xi32, #tpu.memory_space<vmem>>, vector<16xi32>,
    %get3A_295 = vector.shape_cast %get3A_294 : vector<16xi32> to vector<16xi32>
    %shift_right_logical3A_296 = arith.constant 15 : i32
    %shift_right_logical3A_297 = vector.broadcast %shift_right_logical3A_296 : i32 to vector<16xi32>
    %shift_right_logical3A_298 = arith.shrui %get3A_295, %shift_right_logical3A_297 : vector<16xi32>
    %swap3A_299 = arith.constant 80 : index
    %swap3A_300 = tpu.vector_load %arg11[%swap3A_299] {strides = array<i32>} : memref<96xi32, #tpu.memory_space<vmem>>, vector<16xi32>,
    %swap3A_301 = vector.shape_cast %swap3A_300 : vector<16xi32> to vector<16xi32>
    %swap3A_302 = vector.shape_cast %shift_right_logical3A_298 : vector<16xi32> to vector<16xi32>
    tpu.vector_store %arg11[%swap3A_299], %swap3A_302 {strides = array<i32>} : memref<96xi32, #tpu.memory_space<vmem>>, vector<16xi32>,
    %and3A_303 = arith.constant 32767 : i32
    %and3A_304 = vector.broadcast %and3A_303 : i32 to vector<16xi32>
    %and3A_305 = arith.andi %get3A_295, %and3A_304 : vector<16xi32>
    %swap3A_306 = arith.constant 80 : index
    %swap3A_307 = tpu.vector_load %arg12[%swap3A_306] {strides = array<i32>} : memref<96xi32, #tpu.memory_space<vmem>>, vector<16xi32>,
    %swap3A_308 = vector.shape_cast %swap3A_307 : vector<16xi32> to vector<16xi32>
    %swap3A_309 = vector.shape_cast %and3A_305 : vector<16xi32> to vector<16xi32>
    tpu.vector_store %arg12[%swap3A_306], %swap3A_309 {strides = array<i32>} : memref<96xi32, #tpu.memory_space<vmem>>, vector<16xi32>,
    %dma_start3A_310 = arith.constant 0 : i32
    %dma_start3A_311 = arith.constant 0 : i32
    %dma_start3A_312 = tpu.memref_slice %arg2[%dma_start3A_310, %dma_start3A_311] : memref<10240x128xf32, #tpu.memory_space<hbm>> -> memref<10240x128xf32, #tpu.memory_space<hbm>>
    tpu.enqueue_indirect_dma source(%dma_start3A_312 : memref<10240x128xf32, #tpu.memory_space<hbm>>) target(%arg15 : memref<96x128xf32, #tpu.memory_space<vmem>>) offsets(%arg11 : memref<96xi32, #tpu.memory_space<vmem>>) semaphore(%arg19 : memref<!tpu.dma_semaphore, #tpu.memory_space<semaphore_mem>>)
    %scan3A = arith.constant 0 : i32
    %scan3A_313 = arith.constant 0 : i32
    %scan3A_314 = arith.constant 35 : i32
    %scan3A_315 = arith.addi %scan3A_313, %scan3A_314 : i32
    %scan3A_316 = arith.constant 1 : i32
    scf.for %scan3A_323 = %scan3A_313 to %scan3A_315 step %scan3A_316  : i32 {
      %mul3A_324 = arith.constant 3 : i32
      %mul3A_325 = arith.muli %mul3A_324, %scan3A_323 : i32
      %add3A_326 = arith.constant 0 : i32
      %add3A_327 = arith.addi %mul3A_325, %add3A_326 : i32
      %dma_wait3A = arith.constant 0 : i32
      %dma_wait3A_328 = arith.constant 0 : i32
      %dma_wait3A_329 = tpu.memref_slice %arg2[%dma_wait3A, %dma_wait3A_328] : memref<10240x128xf32, #tpu.memory_space<hbm>> -> memref<10240x128xf32, #tpu.memory_space<hbm>>
      tpu.wait_indirect_dma semaphore(%arg17 : memref<!tpu.dma_semaphore, #tpu.memory_space<semaphore_mem>>) src(%dma_wait3A_329 : memref<10240x128xf32, #tpu.memory_space<hbm>>) dst(%arg13 : memref<96x128xf32, #tpu.memory_space<vmem>>)
      "tpu.region"() ({
        %run_scoped3A = tpu.sem_alloc : memref<!tpu.dma_semaphore, #tpu.memory_space<semaphore_mem>>
        %dma_start3A_352 = arith.constant 0 : i32
        %dma_start3A_353 = arith.constant 0 : i32
        %dma_start3A_354 = tpu.memref_slice %arg16[%dma_start3A_352, %dma_start3A_353] : memref<10112x128xf32, #tpu.memory_space<vmem_shared>> -> memref<10112x128xf32, #tpu.memory_space<vmem_shared>>
        tpu.enqueue_indirect_dma source(%arg13 : memref<96x128xf32, #tpu.memory_space<vmem>>) target(%dma_start3A_354 : memref<10112x128xf32, #tpu.memory_space<vmem_shared>>) offsets(%arg8 : memref<96xi32, #tpu.memory_space<vmem>>) semaphore(%run_scoped3A : memref<!tpu.dma_semaphore, #tpu.memory_space<semaphore_mem>>) {add = true}
        %dma_wait3A_355 = arith.constant 0 : i32
        %dma_wait3A_356 = arith.constant 0 : i32
        %dma_wait3A_357 = tpu.memref_slice %arg16[%dma_wait3A_355, %dma_wait3A_356] : memref<10112x128xf32, #tpu.memory_space<vmem_shared>> -> memref<10112x128xf32, #tpu.memory_space<vmem_shared>>
        tpu.wait_indirect_dma semaphore(%run_scoped3A : memref<!tpu.dma_semaphore, #tpu.memory_space<semaphore_mem>>) src(%arg13 : memref<96x128xf32, #tpu.memory_space<vmem>>) dst(%dma_wait3A_357 : memref<10112x128xf32, #tpu.memory_space<vmem_shared>>)
        tpu.yield
      }) : () -> ()
      %lt3A = arith.constant 34 : i32
      %lt3A_330 = arith.cmpi slt, %scan3A_323, %lt3A : i32
      %convert_element_type3A = arith.extui %lt3A_330 : i1 to i32
      %cond3A = arith.constant 0 : i32
      %cond3A_331 = arith.cmpi ne, %convert_element_type3A, %cond3A : i32
      scf.if %cond3A_331 {
        %add3A_352 = arith.constant 3 : i32
        %add3A_353 = arith.addi %add3A_327, %add3A_352 : i32
        %mul3A_354 = arith.constant 96 : i32
        %mul3A_355 = arith.muli %add3A_353, %mul3A_354 : i32
        %add3A_356 = arith.constant 0 : i32
        %add3A_357 = arith.addi %mul3A_355, %add3A_356 : i32
        %get3A_358 = arith.index_cast %add3A_357 : i32 to index
        %get3A_359 = tpu.vector_load %arg6[%get3A_358] {strides = array<i32>} : memref<10080xi32, #tpu.memory_space<vmem>>, vector<16xi32>,
        %get3A_360 = vector.shape_cast %get3A_359 : vector<16xi32> to vector<16xi32>
        %shift_right_logical3A_361 = arith.constant 15 : i32
        %shift_right_logical3A_362 = vector.broadcast %shift_right_logical3A_361 : i32 to vector<16xi32>
        %shift_right_logical3A_363 = arith.shrui %get3A_360, %shift_right_logical3A_362 : vector<16xi32>
        %swap3A_364 = arith.constant 0 : index
        %swap3A_365 = tpu.vector_load %arg7[%swap3A_364] {strides = array<i32>} : memref<96xi32, #tpu.memory_space<vmem>>, vector<16xi32>,
        %swap3A_366 = vector.shape_cast %swap3A_365 : vector<16xi32> to vector<16xi32>
        %swap3A_367 = vector.shape_cast %shift_right_logical3A_363 : vector<16xi32> to vector<16xi32>
        tpu.vector_store %arg7[%swap3A_364], %swap3A_367 {strides = array<i32>} : memref<96xi32, #tpu.memory_space<vmem>>, vector<16xi32>,
        %and3A_368 = arith.constant 32767 : i32
        %and3A_369 = vector.broadcast %and3A_368 : i32 to vector<16xi32>
        %and3A_370 = arith.andi %get3A_360, %and3A_369 : vector<16xi32>
        %swap3A_371 = arith.constant 0 : index
        %swap3A_372 = tpu.vector_load %arg8[%swap3A_371] {strides = array<i32>} : memref<96xi32, #tpu.memory_space<vmem>>, vector<16xi32>,
        %swap3A_373 = vector.shape_cast %swap3A_372 : vector<16xi32> to vector<16xi32>
        %swap3A_374 = vector.shape_cast %and3A_370 : vector<16xi32> to vector<16xi32>
        tpu.vector_store %arg8[%swap3A_371], %swap3A_374 {strides = array<i32>} : memref<96xi32, #tpu.memory_space<vmem>>, vector<16xi32>,
        %mul3A_375 = arith.constant 96 : i32
        %mul3A_376 = arith.muli %add3A_353, %mul3A_375 : i32
        %add3A_377 = arith.constant 16 : i32
        %add3A_378 = arith.addi %mul3A_376, %add3A_377 : i32
        %get3A_379 = arith.index_cast %add3A_378 : i32 to index
        %get3A_380 = tpu.vector_load %arg6[%get3A_379] {strides = array<i32>} : memref<10080xi32, #tpu.memory_space<vmem>>, vector<16xi32>,
        %get3A_381 = vector.shape_cast %get3A_380 : vector<16xi32> to vector<16xi32>
        %shift_right_logical3A_382 = arith.constant 15 : i32
        %shift_right_logical3A_383 = vector.broadcast %shift_right_logical3A_382 : i32 to vector<16xi32>
        %shift_right_logical3A_384 = arith.shrui %get3A_381, %shift_right_logical3A_383 : vector<16xi32>
        %swap3A_385 = arith.constant 16 : index
        %swap3A_386 = tpu.vector_load %arg7[%swap3A_385] {strides = array<i32>} : memref<96xi32, #tpu.memory_space<vmem>>, vector<16xi32>,
        %swap3A_387 = vector.shape_cast %swap3A_386 : vector<16xi32> to vector<16xi32>
        %swap3A_388 = vector.shape_cast %shift_right_logical3A_384 : vector<16xi32> to vector<16xi32>
        tpu.vector_store %arg7[%swap3A_385], %swap3A_388 {strides = array<i32>} : memref<96xi32, #tpu.memory_space<vmem>>, vector<16xi32>,
        %and3A_389 = arith.constant 32767 : i32
        %and3A_390 = vector.broadcast %and3A_389 : i32 to vector<16xi32>
        %and3A_391 = arith.andi %get3A_381, %and3A_390 : vector<16xi32>
        %swap3A_392 = arith.constant 16 : index
        %swap3A_393 = tpu.vector_load %arg8[%swap3A_392] {strides = array<i32>} : memref<96xi32, #tpu.memory_space<vmem>>, vector<16xi32>,
        %swap3A_394 = vector.shape_cast %swap3A_393 : vector<16xi32> to vector<16xi32>
        %swap3A_395 = vector.shape_cast %and3A_391 : vector<16xi32> to vector<16xi32>
        tpu.vector_store %arg8[%swap3A_392], %swap3A_395 {strides = array<i32>} : memref<96xi32, #tpu.memory_space<vmem>>, vector<16xi32>,
        %mul3A_396 = arith.constant 96 : i32
        %mul3A_397 = arith.muli %add3A_353, %mul3A_396 : i32
        %add3A_398 = arith.constant 32 : i32
        %add3A_399 = arith.addi %mul3A_397, %add3A_398 : i32
        %get3A_400 = arith.index_cast %add3A_399 : i32 to index
        %get3A_401 = tpu.vector_load %arg6[%get3A_400] {strides = array<i32>} : memref<10080xi32, #tpu.memory_space<vmem>>, vector<16xi32>,
        %get3A_402 = vector.shape_cast %get3A_401 : vector<16xi32> to vector<16xi32>
        %shift_right_logical3A_403 = arith.constant 15 : i32
        %shift_right_logical3A_404 = vector.broadcast %shift_right_logical3A_403 : i32 to vector<16xi32>
        %shift_right_logical3A_405 = arith.shrui %get3A_402, %shift_right_logical3A_404 : vector<16xi32>
        %swap3A_406 = arith.constant 32 : index
        %swap3A_407 = tpu.vector_load %arg7[%swap3A_406] {strides = array<i32>} : memref<96xi32, #tpu.memory_space<vmem>>, vector<16xi32>,
        %swap3A_408 = vector.shape_cast %swap3A_407 : vector<16xi32> to vector<16xi32>
        %swap3A_409 = vector.shape_cast %shift_right_logical3A_405 : vector<16xi32> to vector<16xi32>
        tpu.vector_store %arg7[%swap3A_406], %swap3A_409 {strides = array<i32>} : memref<96xi32, #tpu.memory_space<vmem>>, vector<16xi32>,
        %and3A_410 = arith.constant 32767 : i32
        %and3A_411 = vector.broadcast %and3A_410 : i32 to vector<16xi32>
        %and3A_412 = arith.andi %get3A_402, %and3A_411 : vector<16xi32>
        %swap3A_413 = arith.constant 32 : index
        %swap3A_414 = tpu.vector_load %arg8[%swap3A_413] {strides = array<i32>} : memref<96xi32, #tpu.memory_space<vmem>>, vector<16xi32>,
        %swap3A_415 = vector.shape_cast %swap3A_414 : vector<16xi32> to vector<16xi32>
        %swap3A_416 = vector.shape_cast %and3A_412 : vector<16xi32> to vector<16xi32>
        tpu.vector_store %arg8[%swap3A_413], %swap3A_416 {strides = array<i32>} : memref<96xi32, #tpu.memory_space<vmem>>, vector<16xi32>,
        %mul3A_417 = arith.constant 96 : i32
        %mul3A_418 = arith.muli %add3A_353, %mul3A_417 : i32
        %add3A_419 = arith.constant 48 : i32
        %add3A_420 = arith.addi %mul3A_418, %add3A_419 : i32
        %get3A_421 = arith.index_cast %add3A_420 : i32 to index
        %get3A_422 = tpu.vector_load %arg6[%get3A_421] {strides = array<i32>} : memref<10080xi32, #tpu.memory_space<vmem>>, vector<16xi32>,
        %get3A_423 = vector.shape_cast %get3A_422 : vector<16xi32> to vector<16xi32>
        %shift_right_logical3A_424 = arith.constant 15 : i32
        %shift_right_logical3A_425 = vector.broadcast %shift_right_logical3A_424 : i32 to vector<16xi32>
        %shift_right_logical3A_426 = arith.shrui %get3A_423, %shift_right_logical3A_425 : vector<16xi32>
        %swap3A_427 = arith.constant 48 : index
        %swap3A_428 = tpu.vector_load %arg7[%swap3A_427] {strides = array<i32>} : memref<96xi32, #tpu.memory_space<vmem>>, vector<16xi32>,
        %swap3A_429 = vector.shape_cast %swap3A_428 : vector<16xi32> to vector<16xi32>
        %swap3A_430 = vector.shape_cast %shift_right_logical3A_426 : vector<16xi32> to vector<16xi32>
        tpu.vector_store %arg7[%swap3A_427], %swap3A_430 {strides = array<i32>} : memref<96xi32, #tpu.memory_space<vmem>>, vector<16xi32>,
        %and3A_431 = arith.constant 32767 : i32
        %and3A_432 = vector.broadcast %and3A_431 : i32 to vector<16xi32>
        %and3A_433 = arith.andi %get3A_423, %and3A_432 : vector<16xi32>
        %swap3A_434 = arith.constant 48 : index
        %swap3A_435 = tpu.vector_load %arg8[%swap3A_434] {strides = array<i32>} : memref<96xi32, #tpu.memory_space<vmem>>, vector<16xi32>,
        %swap3A_436 = vector.shape_cast %swap3A_435 : vector<16xi32> to vector<16xi32>
        %swap3A_437 = vector.shape_cast %and3A_433 : vector<16xi32> to vector<16xi32>
        tpu.vector_store %arg8[%swap3A_434], %swap3A_437 {strides = array<i32>} : memref<96xi32, #tpu.memory_space<vmem>>, vector<16xi32>,
        %mul3A_438 = arith.constant 96 : i32
        %mul3A_439 = arith.muli %add3A_353, %mul3A_438 : i32
        %add3A_440 = arith.constant 64 : i32
        %add3A_441 = arith.addi %mul3A_439, %add3A_440 : i32
        %get3A_442 = arith.index_cast %add3A_441 : i32 to index
        %get3A_443 = tpu.vector_load %arg6[%get3A_442] {strides = array<i32>} : memref<10080xi32, #tpu.memory_space<vmem>>, vector<16xi32>,
        %get3A_444 = vector.shape_cast %get3A_443 : vector<16xi32> to vector<16xi32>
        %shift_right_logical3A_445 = arith.constant 15 : i32
        %shift_right_logical3A_446 = vector.broadcast %shift_right_logical3A_445 : i32 to vector<16xi32>
        %shift_right_logical3A_447 = arith.shrui %get3A_444, %shift_right_logical3A_446 : vector<16xi32>
        %swap3A_448 = arith.constant 64 : index
        %swap3A_449 = tpu.vector_load %arg7[%swap3A_448] {strides = array<i32>} : memref<96xi32, #tpu.memory_space<vmem>>, vector<16xi32>,
        %swap3A_450 = vector.shape_cast %swap3A_449 : vector<16xi32> to vector<16xi32>
        %swap3A_451 = vector.shape_cast %shift_right_logical3A_447 : vector<16xi32> to vector<16xi32>
        tpu.vector_store %arg7[%swap3A_448], %swap3A_451 {strides = array<i32>} : memref<96xi32, #tpu.memory_space<vmem>>, vector<16xi32>,
        %and3A_452 = arith.constant 32767 : i32
        %and3A_453 = vector.broadcast %and3A_452 : i32 to vector<16xi32>
        %and3A_454 = arith.andi %get3A_444, %and3A_453 : vector<16xi32>
        %swap3A_455 = arith.constant 64 : index
        %swap3A_456 = tpu.vector_load %arg8[%swap3A_455] {strides = array<i32>} : memref<96xi32, #tpu.memory_space<vmem>>, vector<16xi32>,
        %swap3A_457 = vector.shape_cast %swap3A_456 : vector<16xi32> to vector<16xi32>
        %swap3A_458 = vector.shape_cast %and3A_454 : vector<16xi32> to vector<16xi32>
        tpu.vector_store %arg8[%swap3A_455], %swap3A_458 {strides = array<i32>} : memref<96xi32, #tpu.memory_space<vmem>>, vector<16xi32>,
        %mul3A_459 = arith.constant 96 : i32
        %mul3A_460 = arith.muli %add3A_353, %mul3A_459 : i32
        %add3A_461 = arith.constant 80 : i32
        %add3A_462 = arith.addi %mul3A_460, %add3A_461 : i32
        %get3A_463 = arith.index_cast %add3A_462 : i32 to index
        %get3A_464 = tpu.vector_load %arg6[%get3A_463] {strides = array<i32>} : memref<10080xi32, #tpu.memory_space<vmem>>, vector<16xi32>,
        %get3A_465 = vector.shape_cast %get3A_464 : vector<16xi32> to vector<16xi32>
        %shift_right_logical3A_466 = arith.constant 15 : i32
        %shift_right_logical3A_467 = vector.broadcast %shift_right_logical3A_466 : i32 to vector<16xi32>
        %shift_right_logical3A_468 = arith.shrui %get3A_465, %shift_right_logical3A_467 : vector<16xi32>
        %swap3A_469 = arith.constant 80 : index
        %swap3A_470 = tpu.vector_load %arg7[%swap3A_469] {strides = array<i32>} : memref<96xi32, #tpu.memory_space<vmem>>, vector<16xi32>,
        %swap3A_471 = vector.shape_cast %swap3A_470 : vector<16xi32> to vector<16xi32>
        %swap3A_472 = vector.shape_cast %shift_right_logical3A_468 : vector<16xi32> to vector<16xi32>
        tpu.vector_store %arg7[%swap3A_469], %swap3A_472 {strides = array<i32>} : memref<96xi32, #tpu.memory_space<vmem>>, vector<16xi32>,
        %and3A_473 = arith.constant 32767 : i32
        %and3A_474 = vector.broadcast %and3A_473 : i32 to vector<16xi32>
        %and3A_475 = arith.andi %get3A_465, %and3A_474 : vector<16xi32>
        %swap3A_476 = arith.constant 80 : index
        %swap3A_477 = tpu.vector_load %arg8[%swap3A_476] {strides = array<i32>} : memref<96xi32, #tpu.memory_space<vmem>>, vector<16xi32>,
        %swap3A_478 = vector.shape_cast %swap3A_477 : vector<16xi32> to vector<16xi32>
        %swap3A_479 = vector.shape_cast %and3A_475 : vector<16xi32> to vector<16xi32>
        tpu.vector_store %arg8[%swap3A_476], %swap3A_479 {strides = array<i32>} : memref<96xi32, #tpu.memory_space<vmem>>, vector<16xi32>,
        %dma_start3A_480 = arith.constant 0 : i32
        %dma_start3A_481 = arith.constant 0 : i32
        %dma_start3A_482 = tpu.memref_slice %arg2[%dma_start3A_480, %dma_start3A_481] : memref<10240x128xf32, #tpu.memory_space<hbm>> -> memref<10240x128xf32, #tpu.memory_space<hbm>>
        tpu.enqueue_indirect_dma source(%dma_start3A_482 : memref<10240x128xf32, #tpu.memory_space<hbm>>) target(%arg13 : memref<96x128xf32, #tpu.memory_space<vmem>>) offsets(%arg7 : memref<96xi32, #tpu.memory_space<vmem>>) semaphore(%arg17 : memref<!tpu.dma_semaphore, #tpu.memory_space<semaphore_mem>>)
      } else {
      }
      %add3A_332 = arith.constant 1 : i32
      %add3A_333 = arith.addi %mul3A_325, %add3A_332 : i32
      %dma_wait3A_334 = arith.constant 0 : i32
      %dma_wait3A_335 = arith.constant 0 : i32
      %dma_wait3A_336 = tpu.memref_slice %arg2[%dma_wait3A_334, %dma_wait3A_335] : memref<10240x128xf32, #tpu.memory_space<hbm>> -> memref<10240x128xf32, #tpu.memory_space<hbm>>
      tpu.wait_indirect_dma semaphore(%arg18 : memref<!tpu.dma_semaphore, #tpu.memory_space<semaphore_mem>>) src(%dma_wait3A_336 : memref<10240x128xf32, #tpu.memory_space<hbm>>) dst(%arg14 : memref<96x128xf32, #tpu.memory_space<vmem>>)
      "tpu.region"() ({
        %run_scoped3A = tpu.sem_alloc : memref<!tpu.dma_semaphore, #tpu.memory_space<semaphore_mem>>
        %dma_start3A_352 = arith.constant 0 : i32
        %dma_start3A_353 = arith.constant 0 : i32
        %dma_start3A_354 = tpu.memref_slice %arg16[%dma_start3A_352, %dma_start3A_353] : memref<10112x128xf32, #tpu.memory_space<vmem_shared>> -> memref<10112x128xf32, #tpu.memory_space<vmem_shared>>
        tpu.enqueue_indirect_dma source(%arg14 : memref<96x128xf32, #tpu.memory_space<vmem>>) target(%dma_start3A_354 : memref<10112x128xf32, #tpu.memory_space<vmem_shared>>) offsets(%arg10 : memref<96xi32, #tpu.memory_space<vmem>>) semaphore(%run_scoped3A : memref<!tpu.dma_semaphore, #tpu.memory_space<semaphore_mem>>) {add = true}
        %dma_wait3A_355 = arith.constant 0 : i32
        %dma_wait3A_356 = arith.constant 0 : i32
        %dma_wait3A_357 = tpu.memref_slice %arg16[%dma_wait3A_355, %dma_wait3A_356] : memref<10112x128xf32, #tpu.memory_space<vmem_shared>> -> memref<10112x128xf32, #tpu.memory_space<vmem_shared>>
        tpu.wait_indirect_dma semaphore(%run_scoped3A : memref<!tpu.dma_semaphore, #tpu.memory_space<semaphore_mem>>) src(%arg14 : memref<96x128xf32, #tpu.memory_space<vmem>>) dst(%dma_wait3A_357 : memref<10112x128xf32, #tpu.memory_space<vmem_shared>>)
        tpu.yield
      }) : () -> ()
      %lt3A_337 = arith.constant 34 : i32
      %lt3A_338 = arith.cmpi slt, %scan3A_323, %lt3A_337 : i32
      %convert_element_type3A_339 = arith.extui %lt3A_338 : i1 to i32
      %cond3A_340 = arith.constant 0 : i32
      %cond3A_341 = arith.cmpi ne, %convert_element_type3A_339, %cond3A_340 : i32
      scf.if %cond3A_341 {
        %add3A_352 = arith.constant 3 : i32
        %add3A_353 = arith.addi %add3A_333, %add3A_352 : i32
        %mul3A_354 = arith.constant 96 : i32
        %mul3A_355 = arith.muli %add3A_353, %mul3A_354 : i32
        %add3A_356 = arith.constant 0 : i32
        %add3A_357 = arith.addi %mul3A_355, %add3A_356 : i32
        %get3A_358 = arith.index_cast %add3A_357 : i32 to index
        %get3A_359 = tpu.vector_load %arg6[%get3A_358] {strides = array<i32>} : memref<10080xi32, #tpu.memory_space<vmem>>, vector<16xi32>,
        %get3A_360 = vector.shape_cast %get3A_359 : vector<16xi32> to vector<16xi32>
        %shift_right_logical3A_361 = arith.constant 15 : i32
        %shift_right_logical3A_362 = vector.broadcast %shift_right_logical3A_361 : i32 to vector<16xi32>
        %shift_right_logical3A_363 = arith.shrui %get3A_360, %shift_right_logical3A_362 : vector<16xi32>
        %swap3A_364 = arith.constant 0 : index
        %swap3A_365 = tpu.vector_load %arg9[%swap3A_364] {strides = array<i32>} : memref<96xi32, #tpu.memory_space<vmem>>, vector<16xi32>,
        %swap3A_366 = vector.shape_cast %swap3A_365 : vector<16xi32> to vector<16xi32>
        %swap3A_367 = vector.shape_cast %shift_right_logical3A_363 : vector<16xi32> to vector<16xi32>
        tpu.vector_store %arg9[%swap3A_364], %swap3A_367 {strides = array<i32>} : memref<96xi32, #tpu.memory_space<vmem>>, vector<16xi32>,
        %and3A_368 = arith.constant 32767 : i32
        %and3A_369 = vector.broadcast %and3A_368 : i32 to vector<16xi32>
        %and3A_370 = arith.andi %get3A_360, %and3A_369 : vector<16xi32>
        %swap3A_371 = arith.constant 0 : index
        %swap3A_372 = tpu.vector_load %arg10[%swap3A_371] {strides = array<i32>} : memref<96xi32, #tpu.memory_space<vmem>>, vector<16xi32>,
        %swap3A_373 = vector.shape_cast %swap3A_372 : vector<16xi32> to vector<16xi32>
        %swap3A_374 = vector.shape_cast %and3A_370 : vector<16xi32> to vector<16xi32>
        tpu.vector_store %arg10[%swap3A_371], %swap3A_374 {strides = array<i32>} : memref<96xi32, #tpu.memory_space<vmem>>, vector<16xi32>,
        %mul3A_375 = arith.constant 96 : i32
        %mul3A_376 = arith.muli %add3A_353, %mul3A_375 : i32
        %add3A_377 = arith.constant 16 : i32
        %add3A_378 = arith.addi %mul3A_376, %add3A_377 : i32
        %get3A_379 = arith.index_cast %add3A_378 : i32 to index
        %get3A_380 = tpu.vector_load %arg6[%get3A_379] {strides = array<i32>} : memref<10080xi32, #tpu.memory_space<vmem>>, vector<16xi32>,
        %get3A_381 = vector.shape_cast %get3A_380 : vector<16xi32> to vector<16xi32>
        %shift_right_logical3A_382 = arith.constant 15 : i32
        %shift_right_logical3A_383 = vector.broadcast %shift_right_logical3A_382 : i32 to vector<16xi32>
        %shift_right_logical3A_384 = arith.shrui %get3A_381, %shift_right_logical3A_383 : vector<16xi32>
        %swap3A_385 = arith.constant 16 : index
        %swap3A_386 = tpu.vector_load %arg9[%swap3A_385] {strides = array<i32>} : memref<96xi32, #tpu.memory_space<vmem>>, vector<16xi32>,
        %swap3A_387 = vector.shape_cast %swap3A_386 : vector<16xi32> to vector<16xi32>
        %swap3A_388 = vector.shape_cast %shift_right_logical3A_384 : vector<16xi32> to vector<16xi32>
        tpu.vector_store %arg9[%swap3A_385], %swap3A_388 {strides = array<i32>} : memref<96xi32, #tpu.memory_space<vmem>>, vector<16xi32>,
        %and3A_389 = arith.constant 32767 : i32
        %and3A_390 = vector.broadcast %and3A_389 : i32 to vector<16xi32>
        %and3A_391 = arith.andi %get3A_381, %and3A_390 : vector<16xi32>
        %swap3A_392 = arith.constant 16 : index
        %swap3A_393 = tpu.vector_load %arg10[%swap3A_392] {strides = array<i32>} : memref<96xi32, #tpu.memory_space<vmem>>, vector<16xi32>,
        %swap3A_394 = vector.shape_cast %swap3A_393 : vector<16xi32> to vector<16xi32>
        %swap3A_395 = vector.shape_cast %and3A_391 : vector<16xi32> to vector<16xi32>
        tpu.vector_store %arg10[%swap3A_392], %swap3A_395 {strides = array<i32>} : memref<96xi32, #tpu.memory_space<vmem>>, vector<16xi32>,
        %mul3A_396 = arith.constant 96 : i32
        %mul3A_397 = arith.muli %add3A_353, %mul3A_396 : i32
        %add3A_398 = arith.constant 32 : i32
        %add3A_399 = arith.addi %mul3A_397, %add3A_398 : i32
        %get3A_400 = arith.index_cast %add3A_399 : i32 to index
        %get3A_401 = tpu.vector_load %arg6[%get3A_400] {strides = array<i32>} : memref<10080xi32, #tpu.memory_space<vmem>>, vector<16xi32>,
        %get3A_402 = vector.shape_cast %get3A_401 : vector<16xi32> to vector<16xi32>
        %shift_right_logical3A_403 = arith.constant 15 : i32
        %shift_right_logical3A_404 = vector.broadcast %shift_right_logical3A_403 : i32 to vector<16xi32>
        %shift_right_logical3A_405 = arith.shrui %get3A_402, %shift_right_logical3A_404 : vector<16xi32>
        %swap3A_406 = arith.constant 32 : index
        %swap3A_407 = tpu.vector_load %arg9[%swap3A_406] {strides = array<i32>} : memref<96xi32, #tpu.memory_space<vmem>>, vector<16xi32>,
        %swap3A_408 = vector.shape_cast %swap3A_407 : vector<16xi32> to vector<16xi32>
        %swap3A_409 = vector.shape_cast %shift_right_logical3A_405 : vector<16xi32> to vector<16xi32>
        tpu.vector_store %arg9[%swap3A_406], %swap3A_409 {strides = array<i32>} : memref<96xi32, #tpu.memory_space<vmem>>, vector<16xi32>,
        %and3A_410 = arith.constant 32767 : i32
        %and3A_411 = vector.broadcast %and3A_410 : i32 to vector<16xi32>
        %and3A_412 = arith.andi %get3A_402, %and3A_411 : vector<16xi32>
        %swap3A_413 = arith.constant 32 : index
        %swap3A_414 = tpu.vector_load %arg10[%swap3A_413] {strides = array<i32>} : memref<96xi32, #tpu.memory_space<vmem>>, vector<16xi32>,
        %swap3A_415 = vector.shape_cast %swap3A_414 : vector<16xi32> to vector<16xi32>
        %swap3A_416 = vector.shape_cast %and3A_412 : vector<16xi32> to vector<16xi32>
        tpu.vector_store %arg10[%swap3A_413], %swap3A_416 {strides = array<i32>} : memref<96xi32, #tpu.memory_space<vmem>>, vector<16xi32>,
        %mul3A_417 = arith.constant 96 : i32
        %mul3A_418 = arith.muli %add3A_353, %mul3A_417 : i32
        %add3A_419 = arith.constant 48 : i32
        %add3A_420 = arith.addi %mul3A_418, %add3A_419 : i32
        %get3A_421 = arith.index_cast %add3A_420 : i32 to index
        %get3A_422 = tpu.vector_load %arg6[%get3A_421] {strides = array<i32>} : memref<10080xi32, #tpu.memory_space<vmem>>, vector<16xi32>,
        %get3A_423 = vector.shape_cast %get3A_422 : vector<16xi32> to vector<16xi32>
        %shift_right_logical3A_424 = arith.constant 15 : i32
        %shift_right_logical3A_425 = vector.broadcast %shift_right_logical3A_424 : i32 to vector<16xi32>
        %shift_right_logical3A_426 = arith.shrui %get3A_423, %shift_right_logical3A_425 : vector<16xi32>
        %swap3A_427 = arith.constant 48 : index
        %swap3A_428 = tpu.vector_load %arg9[%swap3A_427] {strides = array<i32>} : memref<96xi32, #tpu.memory_space<vmem>>, vector<16xi32>,
        %swap3A_429 = vector.shape_cast %swap3A_428 : vector<16xi32> to vector<16xi32>
        %swap3A_430 = vector.shape_cast %shift_right_logical3A_426 : vector<16xi32> to vector<16xi32>
        tpu.vector_store %arg9[%swap3A_427], %swap3A_430 {strides = array<i32>} : memref<96xi32, #tpu.memory_space<vmem>>, vector<16xi32>,
        %and3A_431 = arith.constant 32767 : i32
        %and3A_432 = vector.broadcast %and3A_431 : i32 to vector<16xi32>
        %and3A_433 = arith.andi %get3A_423, %and3A_432 : vector<16xi32>
        %swap3A_434 = arith.constant 48 : index
        %swap3A_435 = tpu.vector_load %arg10[%swap3A_434] {strides = array<i32>} : memref<96xi32, #tpu.memory_space<vmem>>, vector<16xi32>,
        %swap3A_436 = vector.shape_cast %swap3A_435 : vector<16xi32> to vector<16xi32>
        %swap3A_437 = vector.shape_cast %and3A_433 : vector<16xi32> to vector<16xi32>
        tpu.vector_store %arg10[%swap3A_434], %swap3A_437 {strides = array<i32>} : memref<96xi32, #tpu.memory_space<vmem>>, vector<16xi32>,
        %mul3A_438 = arith.constant 96 : i32
        %mul3A_439 = arith.muli %add3A_353, %mul3A_438 : i32
        %add3A_440 = arith.constant 64 : i32
        %add3A_441 = arith.addi %mul3A_439, %add3A_440 : i32
        %get3A_442 = arith.index_cast %add3A_441 : i32 to index
        %get3A_443 = tpu.vector_load %arg6[%get3A_442] {strides = array<i32>} : memref<10080xi32, #tpu.memory_space<vmem>>, vector<16xi32>,
        %get3A_444 = vector.shape_cast %get3A_443 : vector<16xi32> to vector<16xi32>
        %shift_right_logical3A_445 = arith.constant 15 : i32
        %shift_right_logical3A_446 = vector.broadcast %shift_right_logical3A_445 : i32 to vector<16xi32>
        %shift_right_logical3A_447 = arith.shrui %get3A_444, %shift_right_logical3A_446 : vector<16xi32>
        %swap3A_448 = arith.constant 64 : index
        %swap3A_449 = tpu.vector_load %arg9[%swap3A_448] {strides = array<i32>} : memref<96xi32, #tpu.memory_space<vmem>>, vector<16xi32>,
        %swap3A_450 = vector.shape_cast %swap3A_449 : vector<16xi32> to vector<16xi32>
        %swap3A_451 = vector.shape_cast %shift_right_logical3A_447 : vector<16xi32> to vector<16xi32>
        tpu.vector_store %arg9[%swap3A_448], %swap3A_451 {strides = array<i32>} : memref<96xi32, #tpu.memory_space<vmem>>, vector<16xi32>,
        %and3A_452 = arith.constant 32767 : i32
        %and3A_453 = vector.broadcast %and3A_452 : i32 to vector<16xi32>
        %and3A_454 = arith.andi %get3A_444, %and3A_453 : vector<16xi32>
        %swap3A_455 = arith.constant 64 : index
        %swap3A_456 = tpu.vector_load %arg10[%swap3A_455] {strides = array<i32>} : memref<96xi32, #tpu.memory_space<vmem>>, vector<16xi32>,
        %swap3A_457 = vector.shape_cast %swap3A_456 : vector<16xi32> to vector<16xi32>
        %swap3A_458 = vector.shape_cast %and3A_454 : vector<16xi32> to vector<16xi32>
        tpu.vector_store %arg10[%swap3A_455], %swap3A_458 {strides = array<i32>} : memref<96xi32, #tpu.memory_space<vmem>>, vector<16xi32>,
        %mul3A_459 = arith.constant 96 : i32
        %mul3A_460 = arith.muli %add3A_353, %mul3A_459 : i32
        %add3A_461 = arith.constant 80 : i32
        %add3A_462 = arith.addi %mul3A_460, %add3A_461 : i32
        %get3A_463 = arith.index_cast %add3A_462 : i32 to index
        %get3A_464 = tpu.vector_load %arg6[%get3A_463] {strides = array<i32>} : memref<10080xi32, #tpu.memory_space<vmem>>, vector<16xi32>,
        %get3A_465 = vector.shape_cast %get3A_464 : vector<16xi32> to vector<16xi32>
        %shift_right_logical3A_466 = arith.constant 15 : i32
        %shift_right_logical3A_467 = vector.broadcast %shift_right_logical3A_466 : i32 to vector<16xi32>
        %shift_right_logical3A_468 = arith.shrui %get3A_465, %shift_right_logical3A_467 : vector<16xi32>
        %swap3A_469 = arith.constant 80 : index
        %swap3A_470 = tpu.vector_load %arg9[%swap3A_469] {strides = array<i32>} : memref<96xi32, #tpu.memory_space<vmem>>, vector<16xi32>,
        %swap3A_471 = vector.shape_cast %swap3A_470 : vector<16xi32> to vector<16xi32>
        %swap3A_472 = vector.shape_cast %shift_right_logical3A_468 : vector<16xi32> to vector<16xi32>
        tpu.vector_store %arg9[%swap3A_469], %swap3A_472 {strides = array<i32>} : memref<96xi32, #tpu.memory_space<vmem>>, vector<16xi32>,
        %and3A_473 = arith.constant 32767 : i32
        %and3A_474 = vector.broadcast %and3A_473 : i32 to vector<16xi32>
        %and3A_475 = arith.andi %get3A_465, %and3A_474 : vector<16xi32>
        %swap3A_476 = arith.constant 80 : index
        %swap3A_477 = tpu.vector_load %arg10[%swap3A_476] {strides = array<i32>} : memref<96xi32, #tpu.memory_space<vmem>>, vector<16xi32>,
        %swap3A_478 = vector.shape_cast %swap3A_477 : vector<16xi32> to vector<16xi32>
        %swap3A_479 = vector.shape_cast %and3A_475 : vector<16xi32> to vector<16xi32>
        tpu.vector_store %arg10[%swap3A_476], %swap3A_479 {strides = array<i32>} : memref<96xi32, #tpu.memory_space<vmem>>, vector<16xi32>,
        %dma_start3A_480 = arith.constant 0 : i32
        %dma_start3A_481 = arith.constant 0 : i32
        %dma_start3A_482 = tpu.memref_slice %arg2[%dma_start3A_480, %dma_start3A_481] : memref<10240x128xf32, #tpu.memory_space<hbm>> -> memref<10240x128xf32, #tpu.memory_space<hbm>>
        tpu.enqueue_indirect_dma source(%dma_start3A_482 : memref<10240x128xf32, #tpu.memory_space<hbm>>) target(%arg14 : memref<96x128xf32, #tpu.memory_space<vmem>>) offsets(%arg9 : memref<96xi32, #tpu.memory_space<vmem>>) semaphore(%arg18 : memref<!tpu.dma_semaphore, #tpu.memory_space<semaphore_mem>>)
      } else {
      }
      %add3A_342 = arith.constant 2 : i32
      %add3A_343 = arith.addi %mul3A_325, %add3A_342 : i32
      %dma_wait3A_344 = arith.constant 0 : i32
      %dma_wait3A_345 = arith.constant 0 : i32
      %dma_wait3A_346 = tpu.memref_slice %arg2[%dma_wait3A_344, %dma_wait3A_345] : memref<10240x128xf32, #tpu.memory_space<hbm>> -> memref<10240x128xf32, #tpu.memory_space<hbm>>
      tpu.wait_indirect_dma semaphore(%arg19 : memref<!tpu.dma_semaphore, #tpu.memory_space<semaphore_mem>>) src(%dma_wait3A_346 : memref<10240x128xf32, #tpu.memory_space<hbm>>) dst(%arg15 : memref<96x128xf32, #tpu.memory_space<vmem>>)
      "tpu.region"() ({
        %run_scoped3A = tpu.sem_alloc : memref<!tpu.dma_semaphore, #tpu.memory_space<semaphore_mem>>
        %dma_start3A_352 = arith.constant 0 : i32
        %dma_start3A_353 = arith.constant 0 : i32
        %dma_start3A_354 = tpu.memref_slice %arg16[%dma_start3A_352, %dma_start3A_353] : memref<10112x128xf32, #tpu.memory_space<vmem_shared>> -> memref<10112x128xf32, #tpu.memory_space<vmem_shared>>
        tpu.enqueue_indirect_dma source(%arg15 : memref<96x128xf32, #tpu.memory_space<vmem>>) target(%dma_start3A_354 : memref<10112x128xf32, #tpu.memory_space<vmem_shared>>) offsets(%arg12 : memref<96xi32, #tpu.memory_space<vmem>>) semaphore(%run_scoped3A : memref<!tpu.dma_semaphore, #tpu.memory_space<semaphore_mem>>) {add = true}
        %dma_wait3A_355 = arith.constant 0 : i32
        %dma_wait3A_356 = arith.constant 0 : i32
        %dma_wait3A_357 = tpu.memref_slice %arg16[%dma_wait3A_355, %dma_wait3A_356] : memref<10112x128xf32, #tpu.memory_space<vmem_shared>> -> memref<10112x128xf32, #tpu.memory_space<vmem_shared>>
        tpu.wait_indirect_dma semaphore(%run_scoped3A : memref<!tpu.dma_semaphore, #tpu.memory_space<semaphore_mem>>) src(%arg15 : memref<96x128xf32, #tpu.memory_space<vmem>>) dst(%dma_wait3A_357 : memref<10112x128xf32, #tpu.memory_space<vmem_shared>>)
        tpu.yield
      }) : () -> ()
      %lt3A_347 = arith.constant 34 : i32
      %lt3A_348 = arith.cmpi slt, %scan3A_323, %lt3A_347 : i32
      %convert_element_type3A_349 = arith.extui %lt3A_348 : i1 to i32
      %cond3A_350 = arith.constant 0 : i32
      %cond3A_351 = arith.cmpi ne, %convert_element_type3A_349, %cond3A_350 : i32
      scf.if %cond3A_351 {
        %add3A_352 = arith.constant 3 : i32
        %add3A_353 = arith.addi %add3A_343, %add3A_352 : i32
        %mul3A_354 = arith.constant 96 : i32
        %mul3A_355 = arith.muli %add3A_353, %mul3A_354 : i32
        %add3A_356 = arith.constant 0 : i32
        %add3A_357 = arith.addi %mul3A_355, %add3A_356 : i32
        %get3A_358 = arith.index_cast %add3A_357 : i32 to index
        %get3A_359 = tpu.vector_load %arg6[%get3A_358] {strides = array<i32>} : memref<10080xi32, #tpu.memory_space<vmem>>, vector<16xi32>,
        %get3A_360 = vector.shape_cast %get3A_359 : vector<16xi32> to vector<16xi32>
        %shift_right_logical3A_361 = arith.constant 15 : i32
        %shift_right_logical3A_362 = vector.broadcast %shift_right_logical3A_361 : i32 to vector<16xi32>
        %shift_right_logical3A_363 = arith.shrui %get3A_360, %shift_right_logical3A_362 : vector<16xi32>
        %swap3A_364 = arith.constant 0 : index
        %swap3A_365 = tpu.vector_load %arg11[%swap3A_364] {strides = array<i32>} : memref<96xi32, #tpu.memory_space<vmem>>, vector<16xi32>,
        %swap3A_366 = vector.shape_cast %swap3A_365 : vector<16xi32> to vector<16xi32>
        %swap3A_367 = vector.shape_cast %shift_right_logical3A_363 : vector<16xi32> to vector<16xi32>
        tpu.vector_store %arg11[%swap3A_364], %swap3A_367 {strides = array<i32>} : memref<96xi32, #tpu.memory_space<vmem>>, vector<16xi32>,
        %and3A_368 = arith.constant 32767 : i32
        %and3A_369 = vector.broadcast %and3A_368 : i32 to vector<16xi32>
        %and3A_370 = arith.andi %get3A_360, %and3A_369 : vector<16xi32>
        %swap3A_371 = arith.constant 0 : index
        %swap3A_372 = tpu.vector_load %arg12[%swap3A_371] {strides = array<i32>} : memref<96xi32, #tpu.memory_space<vmem>>, vector<16xi32>,
        %swap3A_373 = vector.shape_cast %swap3A_372 : vector<16xi32> to vector<16xi32>
        %swap3A_374 = vector.shape_cast %and3A_370 : vector<16xi32> to vector<16xi32>
        tpu.vector_store %arg12[%swap3A_371], %swap3A_374 {strides = array<i32>} : memref<96xi32, #tpu.memory_space<vmem>>, vector<16xi32>,
        %mul3A_375 = arith.constant 96 : i32
        %mul3A_376 = arith.muli %add3A_353, %mul3A_375 : i32
        %add3A_377 = arith.constant 16 : i32
        %add3A_378 = arith.addi %mul3A_376, %add3A_377 : i32
        %get3A_379 = arith.index_cast %add3A_378 : i32 to index
        %get3A_380 = tpu.vector_load %arg6[%get3A_379] {strides = array<i32>} : memref<10080xi32, #tpu.memory_space<vmem>>, vector<16xi32>,
        %get3A_381 = vector.shape_cast %get3A_380 : vector<16xi32> to vector<16xi32>
        %shift_right_logical3A_382 = arith.constant 15 : i32
        %shift_right_logical3A_383 = vector.broadcast %shift_right_logical3A_382 : i32 to vector<16xi32>
        %shift_right_logical3A_384 = arith.shrui %get3A_381, %shift_right_logical3A_383 : vector<16xi32>
        %swap3A_385 = arith.constant 16 : index
        %swap3A_386 = tpu.vector_load %arg11[%swap3A_385] {strides = array<i32>} : memref<96xi32, #tpu.memory_space<vmem>>, vector<16xi32>,
        %swap3A_387 = vector.shape_cast %swap3A_386 : vector<16xi32> to vector<16xi32>
        %swap3A_388 = vector.shape_cast %shift_right_logical3A_384 : vector<16xi32> to vector<16xi32>
        tpu.vector_store %arg11[%swap3A_385], %swap3A_388 {strides = array<i32>} : memref<96xi32, #tpu.memory_space<vmem>>, vector<16xi32>,
        %and3A_389 = arith.constant 32767 : i32
        %and3A_390 = vector.broadcast %and3A_389 : i32 to vector<16xi32>
        %and3A_391 = arith.andi %get3A_381, %and3A_390 : vector<16xi32>
        %swap3A_392 = arith.constant 16 : index
        %swap3A_393 = tpu.vector_load %arg12[%swap3A_392] {strides = array<i32>} : memref<96xi32, #tpu.memory_space<vmem>>, vector<16xi32>,
        %swap3A_394 = vector.shape_cast %swap3A_393 : vector<16xi32> to vector<16xi32>
        %swap3A_395 = vector.shape_cast %and3A_391 : vector<16xi32> to vector<16xi32>
        tpu.vector_store %arg12[%swap3A_392], %swap3A_395 {strides = array<i32>} : memref<96xi32, #tpu.memory_space<vmem>>, vector<16xi32>,
        %mul3A_396 = arith.constant 96 : i32
        %mul3A_397 = arith.muli %add3A_353, %mul3A_396 : i32
        %add3A_398 = arith.constant 32 : i32
        %add3A_399 = arith.addi %mul3A_397, %add3A_398 : i32
        %get3A_400 = arith.index_cast %add3A_399 : i32 to index
        %get3A_401 = tpu.vector_load %arg6[%get3A_400] {strides = array<i32>} : memref<10080xi32, #tpu.memory_space<vmem>>, vector<16xi32>,
        %get3A_402 = vector.shape_cast %get3A_401 : vector<16xi32> to vector<16xi32>
        %shift_right_logical3A_403 = arith.constant 15 : i32
        %shift_right_logical3A_404 = vector.broadcast %shift_right_logical3A_403 : i32 to vector<16xi32>
        %shift_right_logical3A_405 = arith.shrui %get3A_402, %shift_right_logical3A_404 : vector<16xi32>
        %swap3A_406 = arith.constant 32 : index
        %swap3A_407 = tpu.vector_load %arg11[%swap3A_406] {strides = array<i32>} : memref<96xi32, #tpu.memory_space<vmem>>, vector<16xi32>,
        %swap3A_408 = vector.shape_cast %swap3A_407 : vector<16xi32> to vector<16xi32>
        %swap3A_409 = vector.shape_cast %shift_right_logical3A_405 : vector<16xi32> to vector<16xi32>
        tpu.vector_store %arg11[%swap3A_406], %swap3A_409 {strides = array<i32>} : memref<96xi32, #tpu.memory_space<vmem>>, vector<16xi32>,
        %and3A_410 = arith.constant 32767 : i32
        %and3A_411 = vector.broadcast %and3A_410 : i32 to vector<16xi32>
        %and3A_412 = arith.andi %get3A_402, %and3A_411 : vector<16xi32>
        %swap3A_413 = arith.constant 32 : index
        %swap3A_414 = tpu.vector_load %arg12[%swap3A_413] {strides = array<i32>} : memref<96xi32, #tpu.memory_space<vmem>>, vector<16xi32>,
        %swap3A_415 = vector.shape_cast %swap3A_414 : vector<16xi32> to vector<16xi32>
        %swap3A_416 = vector.shape_cast %and3A_412 : vector<16xi32> to vector<16xi32>
        tpu.vector_store %arg12[%swap3A_413], %swap3A_416 {strides = array<i32>} : memref<96xi32, #tpu.memory_space<vmem>>, vector<16xi32>,
        %mul3A_417 = arith.constant 96 : i32
        %mul3A_418 = arith.muli %add3A_353, %mul3A_417 : i32
        %add3A_419 = arith.constant 48 : i32
        %add3A_420 = arith.addi %mul3A_418, %add3A_419 : i32
        %get3A_421 = arith.index_cast %add3A_420 : i32 to index
        %get3A_422 = tpu.vector_load %arg6[%get3A_421] {strides = array<i32>} : memref<10080xi32, #tpu.memory_space<vmem>>, vector<16xi32>,
        %get3A_423 = vector.shape_cast %get3A_422 : vector<16xi32> to vector<16xi32>
        %shift_right_logical3A_424 = arith.constant 15 : i32
        %shift_right_logical3A_425 = vector.broadcast %shift_right_logical3A_424 : i32 to vector<16xi32>
        %shift_right_logical3A_426 = arith.shrui %get3A_423, %shift_right_logical3A_425 : vector<16xi32>
        %swap3A_427 = arith.constant 48 : index
        %swap3A_428 = tpu.vector_load %arg11[%swap3A_427] {strides = array<i32>} : memref<96xi32, #tpu.memory_space<vmem>>, vector<16xi32>,
        %swap3A_429 = vector.shape_cast %swap3A_428 : vector<16xi32> to vector<16xi32>
        %swap3A_430 = vector.shape_cast %shift_right_logical3A_426 : vector<16xi32> to vector<16xi32>
        tpu.vector_store %arg11[%swap3A_427], %swap3A_430 {strides = array<i32>} : memref<96xi32, #tpu.memory_space<vmem>>, vector<16xi32>,
        %and3A_431 = arith.constant 32767 : i32
        %and3A_432 = vector.broadcast %and3A_431 : i32 to vector<16xi32>
        %and3A_433 = arith.andi %get3A_423, %and3A_432 : vector<16xi32>
        %swap3A_434 = arith.constant 48 : index
        %swap3A_435 = tpu.vector_load %arg12[%swap3A_434] {strides = array<i32>} : memref<96xi32, #tpu.memory_space<vmem>>, vector<16xi32>,
        %swap3A_436 = vector.shape_cast %swap3A_435 : vector<16xi32> to vector<16xi32>
        %swap3A_437 = vector.shape_cast %and3A_433 : vector<16xi32> to vector<16xi32>
        tpu.vector_store %arg12[%swap3A_434], %swap3A_437 {strides = array<i32>} : memref<96xi32, #tpu.memory_space<vmem>>, vector<16xi32>,
        %mul3A_438 = arith.constant 96 : i32
        %mul3A_439 = arith.muli %add3A_353, %mul3A_438 : i32
        %add3A_440 = arith.constant 64 : i32
        %add3A_441 = arith.addi %mul3A_439, %add3A_440 : i32
        %get3A_442 = arith.index_cast %add3A_441 : i32 to index
        %get3A_443 = tpu.vector_load %arg6[%get3A_442] {strides = array<i32>} : memref<10080xi32, #tpu.memory_space<vmem>>, vector<16xi32>,
        %get3A_444 = vector.shape_cast %get3A_443 : vector<16xi32> to vector<16xi32>
        %shift_right_logical3A_445 = arith.constant 15 : i32
        %shift_right_logical3A_446 = vector.broadcast %shift_right_logical3A_445 : i32 to vector<16xi32>
        %shift_right_logical3A_447 = arith.shrui %get3A_444, %shift_right_logical3A_446 : vector<16xi32>
        %swap3A_448 = arith.constant 64 : index
        %swap3A_449 = tpu.vector_load %arg11[%swap3A_448] {strides = array<i32>} : memref<96xi32, #tpu.memory_space<vmem>>, vector<16xi32>,
        %swap3A_450 = vector.shape_cast %swap3A_449 : vector<16xi32> to vector<16xi32>
        %swap3A_451 = vector.shape_cast %shift_right_logical3A_447 : vector<16xi32> to vector<16xi32>
        tpu.vector_store %arg11[%swap3A_448], %swap3A_451 {strides = array<i32>} : memref<96xi32, #tpu.memory_space<vmem>>, vector<16xi32>,
        %and3A_452 = arith.constant 32767 : i32
        %and3A_453 = vector.broadcast %and3A_452 : i32 to vector<16xi32>
        %and3A_454 = arith.andi %get3A_444, %and3A_453 : vector<16xi32>
        %swap3A_455 = arith.constant 64 : index
        %swap3A_456 = tpu.vector_load %arg12[%swap3A_455] {strides = array<i32>} : memref<96xi32, #tpu.memory_space<vmem>>, vector<16xi32>,
        %swap3A_457 = vector.shape_cast %swap3A_456 : vector<16xi32> to vector<16xi32>
        %swap3A_458 = vector.shape_cast %and3A_454 : vector<16xi32> to vector<16xi32>
        tpu.vector_store %arg12[%swap3A_455], %swap3A_458 {strides = array<i32>} : memref<96xi32, #tpu.memory_space<vmem>>, vector<16xi32>,
        %mul3A_459 = arith.constant 96 : i32
        %mul3A_460 = arith.muli %add3A_353, %mul3A_459 : i32
        %add3A_461 = arith.constant 80 : i32
        %add3A_462 = arith.addi %mul3A_460, %add3A_461 : i32
        %get3A_463 = arith.index_cast %add3A_462 : i32 to index
        %get3A_464 = tpu.vector_load %arg6[%get3A_463] {strides = array<i32>} : memref<10080xi32, #tpu.memory_space<vmem>>, vector<16xi32>,
        %get3A_465 = vector.shape_cast %get3A_464 : vector<16xi32> to vector<16xi32>
        %shift_right_logical3A_466 = arith.constant 15 : i32
        %shift_right_logical3A_467 = vector.broadcast %shift_right_logical3A_466 : i32 to vector<16xi32>
        %shift_right_logical3A_468 = arith.shrui %get3A_465, %shift_right_logical3A_467 : vector<16xi32>
        %swap3A_469 = arith.constant 80 : index
        %swap3A_470 = tpu.vector_load %arg11[%swap3A_469] {strides = array<i32>} : memref<96xi32, #tpu.memory_space<vmem>>, vector<16xi32>,
        %swap3A_471 = vector.shape_cast %swap3A_470 : vector<16xi32> to vector<16xi32>
        %swap3A_472 = vector.shape_cast %shift_right_logical3A_468 : vector<16xi32> to vector<16xi32>
        tpu.vector_store %arg11[%swap3A_469], %swap3A_472 {strides = array<i32>} : memref<96xi32, #tpu.memory_space<vmem>>, vector<16xi32>,
        %and3A_473 = arith.constant 32767 : i32
        %and3A_474 = vector.broadcast %and3A_473 : i32 to vector<16xi32>
        %and3A_475 = arith.andi %get3A_465, %and3A_474 : vector<16xi32>
        %swap3A_476 = arith.constant 80 : index
        %swap3A_477 = tpu.vector_load %arg12[%swap3A_476] {strides = array<i32>} : memref<96xi32, #tpu.memory_space<vmem>>, vector<16xi32>,
        %swap3A_478 = vector.shape_cast %swap3A_477 : vector<16xi32> to vector<16xi32>
        %swap3A_479 = vector.shape_cast %and3A_475 : vector<16xi32> to vector<16xi32>
        tpu.vector_store %arg12[%swap3A_476], %swap3A_479 {strides = array<i32>} : memref<96xi32, #tpu.memory_space<vmem>>, vector<16xi32>,
        %dma_start3A_480 = arith.constant 0 : i32
        %dma_start3A_481 = arith.constant 0 : i32
        %dma_start3A_482 = tpu.memref_slice %arg2[%dma_start3A_480, %dma_start3A_481] : memref<10240x128xf32, #tpu.memory_space<hbm>> -> memref<10240x128xf32, #tpu.memory_space<hbm>>
        tpu.enqueue_indirect_dma source(%dma_start3A_482 : memref<10240x128xf32, #tpu.memory_space<hbm>>) target(%arg15 : memref<96x128xf32, #tpu.memory_space<vmem>>) offsets(%arg11 : memref<96xi32, #tpu.memory_space<vmem>>) semaphore(%arg19 : memref<!tpu.dma_semaphore, #tpu.memory_space<semaphore_mem>>)
      } else {
      }
    }
    %scan3A_317 = arith.constant 35 : i32
    %barrier3A_318 = arith.constant 0 : index
    tpu.barrier barrier_id(%barrier3A_318)
    %mul3A_319 = arith.constant 632 : i32
    %mul3A_320 = arith.muli %arg1, %mul3A_319 : i32
    %mul3A_321 = arith.constant 632 : i32
    %mul3A_322 = arith.muli %arg1, %mul3A_321 : i32
    "tpu.region"() ({
      %run_scoped3A = tpu.sem_alloc : memref<!tpu.dma_semaphore, #tpu.memory_space<semaphore_mem>>
      %dma_start3A_323 = arith.constant 0 : i32
      %dma_start3A_324 = tpu.memref_slice %arg5[%arg0, %mul3A_322, %dma_start3A_323] : memref<2x10112x128xf32, #tpu.memory_space<hbm>> -> memref<1x632x128xf32, #tpu.memory_space<hbm>>
      %dma_start3A_325 = tpu.memref_squeeze %dma_start3A_324 : memref<1x632x128xf32, #tpu.memory_space<hbm>> -> memref<632x128xf32, #tpu.memory_space<hbm>>
      %dma_start3A_326 = arith.constant 0 : i32
      %dma_start3A_327 = tpu.memref_slice %arg16[%mul3A_320, %dma_start3A_326] : memref<10112x128xf32, #tpu.memory_space<vmem_shared>> -> memref<632x128xf32, #tpu.memory_space<vmem_shared>>
      tpu.enqueue_dma source(%dma_start3A_327 : memref<632x128xf32, #tpu.memory_space<vmem_shared>>) target(%dma_start3A_325 : memref<632x128xf32, #tpu.memory_space<hbm>>) target_semaphore(%run_scoped3A : memref<!tpu.dma_semaphore, #tpu.memory_space<semaphore_mem>>)
      %dma_wait3A = arith.constant 0 : i32
      %dma_wait3A_328 = tpu.memref_slice %arg5[%arg0, %mul3A_322, %dma_wait3A] : memref<2x10112x128xf32, #tpu.memory_space<hbm>> -> memref<1x632x128xf32, #tpu.memory_space<hbm>>
      %dma_wait3A_329 = tpu.memref_squeeze %dma_wait3A_328 : memref<1x632x128xf32, #tpu.memory_space<hbm>> -> memref<632x128xf32, #tpu.memory_space<hbm>>
      %dma_wait3A_330 = arith.constant 0 : i32
      %dma_wait3A_331 = tpu.memref_slice %arg16[%mul3A_320, %dma_wait3A_330] : memref<10112x128xf32, #tpu.memory_space<vmem_shared>> -> memref<632x128xf32, #tpu.memory_space<vmem_shared>>
      tpu.wait_dma2 semaphore(%run_scoped3A : memref<!tpu.dma_semaphore, #tpu.memory_space<semaphore_mem>>) src(%dma_wait3A_331 : memref<632x128xf32, #tpu.memory_space<vmem_shared>>) dst(%dma_wait3A_329 : memref<632x128xf32, #tpu.memory_space<hbm>>)
      tpu.yield
    }) : () -> ()
    return
  }
}

module attributes {stable_mosaic.version = 14 : i64} {
  func.func @_proj_body(%arg0: i32, %arg1: memref<256x128xf32, #tpu.memory_space<vmem>>, %arg2: memref<128x128xf32, #tpu.memory_space<vmem>>, %arg3: memref<256x1xf32, #tpu.memory_space<vmem>>, %arg4: memref<256x1xf32, #tpu.memory_space<vmem>>, %arg5: memref<256x128xf32, #tpu.memory_space<vmem>>) attributes {dimension_semantics = [#tpu.dimension_semantics<arbitrary>], iteration_bounds = array<i64: 40>, scalar_prefetch = 0 : i64, scratch_operands = 0 : i64, tpu.core_type = #tpu.core_type<tc>, window_params = [{transform_indices = @transform_0, window_bounds = array<i64: 256, 128>}, {pipeline_mode = #tpu.pipeline_mode<synchronous>, transform_indices = @transform_1, window_bounds = array<i64: 128, 128>}, {transform_indices = @transform_2, window_bounds = array<i64: 256, 1>}, {transform_indices = @transform_3, window_bounds = array<i64: 256, 1>}, {transform_indices = @transform_4, window_bounds = array<i64: 256, 128>}]} {
    %get3A = arith.constant 0 : index
    %get3A_0 = arith.constant 0 : index
    %get3A_1 = vector.load %arg3[%get3A, %get3A_0] : memref<256x1xf32, #tpu.memory_space<vmem>>, vector<256x1xf32>
    %get3A_2 = arith.constant 0 : index
    %get3A_3 = arith.constant 0 : index
    %get3A_4 = vector.load %arg4[%get3A_2, %get3A_3] : memref<256x1xf32, #tpu.memory_space<vmem>>, vector<256x1xf32>
    %add3A = arith.addf %get3A_1, %get3A_4 : vector<256x1xf32>
    %add3A_5 = arith.constant 1.000000e+00 : f32
    %add3A_6 = vector.broadcast %add3A_5 : f32 to vector<256x1xf32>
    %add3A_7 = arith.addf %add3A, %add3A_6 : vector<256x1xf32>
    %rsqrt3A = math.rsqrt %add3A_7 : vector<256x1xf32>
    %get3A_8 = arith.constant 0 : index
    %get3A_9 = arith.constant 0 : index
    %get3A_10 = vector.load %arg1[%get3A_8, %get3A_9] : memref<256x128xf32, #tpu.memory_space<vmem>>, vector<256x128xf32>
    %get3A_11 = arith.constant 0 : index
    %get3A_12 = arith.constant 0 : index
    %get3A_13 = vector.load %arg2[%get3A_11, %get3A_12] : memref<128x128xf32, #tpu.memory_space<vmem>>, vector<128x128xf32>
    %dot_general3A = arith.constant dense<0.000000e+00> : vector<256x128xf32>
    %dot_general3A_14 = tpu.matmul %get3A_10, %get3A_13, %dot_general3A {dimension_numbers = #tpu.dot_dimension_numbers<[1], [0], [0], [1], [0, 0, 1, 1], [], []>, transpose_lhs_hint = false} : vector<256x128xf32>, vector<128x128xf32>, vector<256x128xf32> -> vector<256x128xf32>
    %mul3A = vector.broadcast %rsqrt3A : vector<256x1xf32> to vector<256x128xf32>
    %mul3A_15 = arith.mulf %mul3A, %dot_general3A_14 : vector<256x128xf32>
    %swap3A = arith.constant 0 : index
    %swap3A_16 = arith.constant 0 : index
    %swap3A_17 = vector.load %arg5[%swap3A, %swap3A_16] : memref<256x128xf32, #tpu.memory_space<vmem>>, vector<256x128xf32>
    tpu.vector_store %arg5[%swap3A, %swap3A_16], %mul3A_15 {strides = array<i32>} : memref<256x128xf32, #tpu.memory_space<vmem>>, vector<256x128xf32>,
    return
  }
  func.func @transform_0(%arg0: i32) -> (i32, i32) {
    %c0_i32 = arith.constant 0 : i32
    %c0_i32_0 = arith.constant 0 : i32
    return %arg0, %c0_i32 : i32, i32
  }
  func.func @transform_1(%arg0: i32) -> (i32, i32) {
    %c0_i32 = arith.constant 0 : i32
    %c0_i32_0 = arith.constant 0 : i32
    %c0_i32_1 = arith.constant 0 : i32
    return %c0_i32, %c0_i32_0 : i32, i32
  }
  func.func @transform_2(%arg0: i32) -> (i32, i32) {
    %c0_i32 = arith.constant 0 : i32
    %c0_i32_0 = arith.constant 0 : i32
    return %arg0, %c0_i32 : i32, i32
  }
  func.func @transform_3(%arg0: i32) -> (i32, i32) {
    %c0_i32 = arith.constant 0 : i32
    %c0_i32_0 = arith.constant 0 : i32
    return %arg0, %c0_i32 : i32, i32
  }
  func.func @transform_4(%arg0: i32) -> (i32, i32) {
    %c0_i32 = arith.constant 0 : i32
    %c0_i32_0 = arith.constant 0 : i32
    return %arg0, %c0_i32 : i32, i32
  }
}

module attributes {stable_mosaic.version = 14 : i64} {
  func.func @_mid_body(%arg0: i32, %arg1: memref<256x128xf32, #tpu.memory_space<vmem>>, %arg2: memref<256x128xf32, #tpu.memory_space<vmem>>, %arg3: memref<256x128xf32, #tpu.memory_space<vmem>>, %arg4: memref<256x1xf32, #tpu.memory_space<vmem>>, %arg5: memref<256x1xf32, #tpu.memory_space<vmem>>, %arg6: memref<1x128xf32, #tpu.memory_space<vmem>>, %arg7: memref<128x128xf32, #tpu.memory_space<vmem>>, %arg8: memref<256x128xf32, #tpu.memory_space<vmem>>) attributes {dimension_semantics = [#tpu.dimension_semantics<arbitrary>], iteration_bounds = array<i64: 40>, scalar_prefetch = 0 : i64, scratch_operands = 0 : i64, tpu.core_type = #tpu.core_type<tc>, window_params = [{transform_indices = @transform_0, window_bounds = array<i64: 256, 128>}, {transform_indices = @transform_1, window_bounds = array<i64: 256, 128>}, {transform_indices = @transform_2, window_bounds = array<i64: 256, 128>}, {transform_indices = @transform_3, window_bounds = array<i64: 256, 1>}, {transform_indices = @transform_4, window_bounds = array<i64: 256, 1>}, {pipeline_mode = #tpu.pipeline_mode<synchronous>, transform_indices = @transform_5, window_bounds = array<i64: 1, 128>}, {pipeline_mode = #tpu.pipeline_mode<synchronous>, transform_indices = @transform_6, window_bounds = array<i64: 128, 128>}, {transform_indices = @transform_7, window_bounds = array<i64: 256, 128>}]} {
    %get3A = arith.constant 0 : index
    %get3A_0 = arith.constant 0 : index
    %get3A_1 = vector.load %arg4[%get3A, %get3A_0] : memref<256x1xf32, #tpu.memory_space<vmem>>, vector<256x1xf32>
    %get3A_2 = arith.constant 0 : index
    %get3A_3 = arith.constant 0 : index
    %get3A_4 = vector.load %arg5[%get3A_2, %get3A_3] : memref<256x1xf32, #tpu.memory_space<vmem>>, vector<256x1xf32>
    %add3A = arith.addf %get3A_1, %get3A_4 : vector<256x1xf32>
    %add3A_5 = arith.constant 1.000000e+00 : f32
    %add3A_6 = vector.broadcast %add3A_5 : f32 to vector<256x1xf32>
    %add3A_7 = arith.addf %add3A, %add3A_6 : vector<256x1xf32>
    %rsqrt3A = math.rsqrt %add3A_7 : vector<256x1xf32>
    %get3A_8 = arith.constant 0 : index
    %get3A_9 = arith.constant 0 : index
    %get3A_10 = vector.load %arg1[%get3A_8, %get3A_9] : memref<256x128xf32, #tpu.memory_space<vmem>>, vector<256x128xf32>
    %get3A_11 = arith.constant 0 : index
    %get3A_12 = arith.constant 0 : index
    %get3A_13 = vector.load %arg2[%get3A_11, %get3A_12] : memref<256x128xf32, #tpu.memory_space<vmem>>, vector<256x128xf32>
    %add3A_14 = arith.addf %get3A_10, %get3A_13 : vector<256x128xf32>
    %get3A_15 = arith.constant 0 : index
    %get3A_16 = arith.constant 0 : index
    %get3A_17 = vector.load %arg3[%get3A_15, %get3A_16] : memref<256x128xf32, #tpu.memory_space<vmem>>, vector<256x128xf32>
    %add3A_18 = arith.addf %add3A_14, %get3A_17 : vector<256x128xf32>
    %mul3A = vector.broadcast %rsqrt3A : vector<256x1xf32> to vector<256x128xf32>
    %mul3A_19 = arith.mulf %mul3A, %add3A_18 : vector<256x128xf32>
    %get3A_20 = arith.constant 0 : index
    %get3A_21 = arith.constant 0 : index
    %get3A_22 = vector.load %arg6[%get3A_20, %get3A_21] : memref<1x128xf32, #tpu.memory_space<vmem>>, vector<1x128xf32>
    %add3A_23 = vector.broadcast %get3A_22 : vector<1x128xf32> to vector<256x128xf32>
    %add3A_24 = arith.addf %mul3A_19, %add3A_23 : vector<256x128xf32>
    %max3A = arith.constant 0.000000e+00 : f32
    %max3A_25 = vector.broadcast %max3A : f32 to vector<256x128xf32>
    %max3A_26 = arith.maximumf %add3A_24, %max3A_25 : vector<256x128xf32>
    %get3A_27 = arith.constant 0 : index
    %get3A_28 = arith.constant 0 : index
    %get3A_29 = vector.load %arg7[%get3A_27, %get3A_28] : memref<128x128xf32, #tpu.memory_space<vmem>>, vector<128x128xf32>
    %dot_general3A = arith.constant dense<0.000000e+00> : vector<256x128xf32>
    %dot_general3A_30 = tpu.matmul %max3A_26, %get3A_29, %dot_general3A {dimension_numbers = #tpu.dot_dimension_numbers<[1], [0], [0], [1], [0, 0, 1, 1], [], []>, transpose_lhs_hint = false} : vector<256x128xf32>, vector<128x128xf32>, vector<256x128xf32> -> vector<256x128xf32>
    %mul3A_31 = vector.broadcast %rsqrt3A : vector<256x1xf32> to vector<256x128xf32>
    %mul3A_32 = arith.mulf %mul3A_31, %dot_general3A_30 : vector<256x128xf32>
    %swap3A = arith.constant 0 : index
    %swap3A_33 = arith.constant 0 : index
    %swap3A_34 = vector.load %arg8[%swap3A, %swap3A_33] : memref<256x128xf32, #tpu.memory_space<vmem>>, vector<256x128xf32>
    tpu.vector_store %arg8[%swap3A, %swap3A_33], %mul3A_32 {strides = array<i32>} : memref<256x128xf32, #tpu.memory_space<vmem>>, vector<256x128xf32>,
    return
  }
  func.func @transform_0(%arg0: i32) -> (i32, i32) {
    %c0_i32 = arith.constant 0 : i32
    %c0_i32_0 = arith.constant 0 : i32
    return %arg0, %c0_i32 : i32, i32
  }
  func.func @transform_1(%arg0: i32) -> (i32, i32) {
    %c0_i32 = arith.constant 0 : i32
    %c0_i32_0 = arith.constant 0 : i32
    return %arg0, %c0_i32 : i32, i32
  }
  func.func @transform_2(%arg0: i32) -> (i32, i32) {
    %c0_i32 = arith.constant 0 : i32
    %c0_i32_0 = arith.constant 0 : i32
    return %arg0, %c0_i32 : i32, i32
  }
  func.func @transform_3(%arg0: i32) -> (i32, i32) {
    %c0_i32 = arith.constant 0 : i32
    %c0_i32_0 = arith.constant 0 : i32
    return %arg0, %c0_i32 : i32, i32
  }
  func.func @transform_4(%arg0: i32) -> (i32, i32) {
    %c0_i32 = arith.constant 0 : i32
    %c0_i32_0 = arith.constant 0 : i32
    return %arg0, %c0_i32 : i32, i32
  }
  func.func @transform_5(%arg0: i32) -> (i32, i32) {
    %c0_i32 = arith.constant 0 : i32
    %c0_i32_0 = arith.constant 0 : i32
    %c0_i32_1 = arith.constant 0 : i32
    return %c0_i32, %c0_i32_0 : i32, i32
  }
  func.func @transform_6(%arg0: i32) -> (i32, i32) {
    %c0_i32 = arith.constant 0 : i32
    %c0_i32_0 = arith.constant 0 : i32
    %c0_i32_1 = arith.constant 0 : i32
    return %c0_i32, %c0_i32_0 : i32, i32
  }
  func.func @transform_7(%arg0: i32) -> (i32, i32) {
    %c0_i32 = arith.constant 0 : i32
    %c0_i32_0 = arith.constant 0 : i32
    return %arg0, %c0_i32 : i32, i32
  }
}

module attributes {stable_mosaic.version = 14 : i64} {
  func.func @_final_body(%arg0: i32, %arg1: memref<256x128xf32, #tpu.memory_space<vmem>>, %arg2: memref<256x128xf32, #tpu.memory_space<vmem>>, %arg3: memref<256x128xf32, #tpu.memory_space<vmem>>, %arg4: memref<256x1xf32, #tpu.memory_space<vmem>>, %arg5: memref<256x1xf32, #tpu.memory_space<vmem>>, %arg6: memref<1x128xf32, #tpu.memory_space<vmem>>, %arg7: memref<256x1xi32, #tpu.memory_space<vmem>>, %arg8: memref<64x128xf32, #tpu.memory_space<vmem>>, %arg9: memref<64x128xf32, #tpu.memory_space<vmem>>, %arg10: memref<64x128xf32, #tpu.memory_space<vmem>>) attributes {dimension_semantics = [#tpu.dimension_semantics<arbitrary>], iteration_bounds = array<i64: 40>, scalar_prefetch = 0 : i64, scratch_operands = 2 : i64, tpu.core_type = #tpu.core_type<tc>, window_params = [{transform_indices = @transform_0, window_bounds = array<i64: 256, 128>}, {transform_indices = @transform_1, window_bounds = array<i64: 256, 128>}, {transform_indices = @transform_2, window_bounds = array<i64: 256, 128>}, {transform_indices = @transform_3, window_bounds = array<i64: 256, 1>}, {transform_indices = @transform_4, window_bounds = array<i64: 256, 1>}, {pipeline_mode = #tpu.pipeline_mode<synchronous>, transform_indices = @transform_5, window_bounds = array<i64: 1, 128>}, {transform_indices = @transform_6, window_bounds = array<i64: 256, 1>}, {pipeline_mode = #tpu.pipeline_mode<synchronous>, transform_indices = @transform_7, window_bounds = array<i64: 64, 128>}]} {
    %eq3A = arith.constant 0 : i32
    %eq3A_0 = arith.cmpi eq, %arg0, %eq3A : i32
    %convert_element_type3A = arith.extui %eq3A_0 : i1 to i32
    %cond3A = arith.constant 0 : i32
    %cond3A_1 = arith.cmpi ne, %convert_element_type3A, %cond3A : i32
    scf.if %cond3A_1 {
      %broadcast_in_dim3A_56 = arith.constant 0.000000e+00 : f32
      %broadcast_in_dim3A_57 = vector.broadcast %broadcast_in_dim3A_56 : f32 to vector<64x128xf32>
      %swap3A_58 = arith.constant 0 : index
      %swap3A_59 = arith.constant 0 : index
      %swap3A_60 = vector.load %arg9[%swap3A_58, %swap3A_59] : memref<64x128xf32, #tpu.memory_space<vmem>>, vector<64x128xf32>
      tpu.vector_store %arg9[%swap3A_58, %swap3A_59], %broadcast_in_dim3A_57 {strides = array<i32>} : memref<64x128xf32, #tpu.memory_space<vmem>>, vector<64x128xf32>,
      %broadcast_in_dim3A_61 = arith.constant 0.000000e+00 : f32
      %broadcast_in_dim3A_62 = vector.broadcast %broadcast_in_dim3A_61 : f32 to vector<64x128xf32>
      %swap3A_63 = arith.constant 0 : index
      %swap3A_64 = arith.constant 0 : index
      %swap3A_65 = vector.load %arg10[%swap3A_63, %swap3A_64] : memref<64x128xf32, #tpu.memory_space<vmem>>, vector<64x128xf32>
      tpu.vector_store %arg10[%swap3A_63, %swap3A_64], %broadcast_in_dim3A_62 {strides = array<i32>} : memref<64x128xf32, #tpu.memory_space<vmem>>, vector<64x128xf32>,
    } else {
    }
    %get3A = arith.constant 0 : index
    %get3A_2 = arith.constant 0 : index
    %get3A_3 = vector.load %arg4[%get3A, %get3A_2] : memref<256x1xf32, #tpu.memory_space<vmem>>, vector<256x1xf32>
    %get3A_4 = arith.constant 0 : index
    %get3A_5 = arith.constant 0 : index
    %get3A_6 = vector.load %arg5[%get3A_4, %get3A_5] : memref<256x1xf32, #tpu.memory_space<vmem>>, vector<256x1xf32>
    %add3A = arith.addf %get3A_3, %get3A_6 : vector<256x1xf32>
    %add3A_7 = arith.constant 1.000000e+00 : f32
    %add3A_8 = vector.broadcast %add3A_7 : f32 to vector<256x1xf32>
    %add3A_9 = arith.addf %add3A, %add3A_8 : vector<256x1xf32>
    %rsqrt3A = math.rsqrt %add3A_9 : vector<256x1xf32>
    %get3A_10 = arith.constant 0 : index
    %get3A_11 = arith.constant 0 : index
    %get3A_12 = vector.load %arg1[%get3A_10, %get3A_11] : memref<256x128xf32, #tpu.memory_space<vmem>>, vector<256x128xf32>
    %get3A_13 = arith.constant 0 : index
    %get3A_14 = arith.constant 0 : index
    %get3A_15 = vector.load %arg2[%get3A_13, %get3A_14] : memref<256x128xf32, #tpu.memory_space<vmem>>, vector<256x128xf32>
    %add3A_16 = arith.addf %get3A_12, %get3A_15 : vector<256x128xf32>
    %get3A_17 = arith.constant 0 : index
    %get3A_18 = arith.constant 0 : index
    %get3A_19 = vector.load %arg3[%get3A_17, %get3A_18] : memref<256x128xf32, #tpu.memory_space<vmem>>, vector<256x128xf32>
    %add3A_20 = arith.addf %add3A_16, %get3A_19 : vector<256x128xf32>
    %mul3A = vector.broadcast %rsqrt3A : vector<256x1xf32> to vector<256x128xf32>
    %mul3A_21 = arith.mulf %mul3A, %add3A_20 : vector<256x128xf32>
    %get3A_22 = arith.constant 0 : index
    %get3A_23 = arith.constant 0 : index
    %get3A_24 = vector.load %arg6[%get3A_22, %get3A_23] : memref<1x128xf32, #tpu.memory_space<vmem>>, vector<1x128xf32>
    %add3A_25 = vector.broadcast %get3A_24 : vector<1x128xf32> to vector<256x128xf32>
    %add3A_26 = arith.addf %mul3A_21, %add3A_25 : vector<256x128xf32>
    %get3A_27 = arith.constant 0 : index
    %get3A_28 = arith.constant 0 : index
    %get3A_29 = vector.load %arg7[%get3A_27, %get3A_28] : memref<256x1xi32, #tpu.memory_space<vmem>>, vector<256x1xi32>
    %iota3A = tpu.iota {dimensions = array<i32: 1>} : vector<256x64xi32>
    %eq3A_30 = vector.broadcast %get3A_29 : vector<256x1xi32> to vector<256x64xi32>
    %eq3A_31 = arith.cmpi eq, %eq3A_30, %iota3A : vector<256x64xi32>
    %convert_element_type3A_32 = arith.extui %eq3A_31 : vector<256x64xi1> to vector<256x64xi32>
    %convert_element_type3A_33 = arith.sitofp %convert_element_type3A_32 : vector<256x64xi32> to vector<256x64xf32>
    %get3A_34 = arith.constant 0 : index
    %get3A_35 = arith.constant 0 : index
    %get3A_36 = vector.load %arg9[%get3A_34, %get3A_35] : memref<64x128xf32, #tpu.memory_space<vmem>>, vector<64x128xf32>
    %dot_general3A = arith.constant dense<0.000000e+00> : vector<64x128xf32>
    %dot_general3A_37 = tpu.matmul %convert_element_type3A_33, %add3A_26, %dot_general3A {dimension_numbers = #tpu.dot_dimension_numbers<[0], [0], [1], [1], [0, 1, 1, 1], [], []>, transpose_lhs_hint = false} : vector<256x64xf32>, vector<256x128xf32>, vector<64x128xf32> -> vector<64x128xf32>
    %add3A_38 = arith.addf %get3A_36, %dot_general3A_37 : vector<64x128xf32>
    %swap3A = arith.constant 0 : index
    %swap3A_39 = arith.constant 0 : index
    %swap3A_40 = vector.load %arg9[%swap3A, %swap3A_39] : memref<64x128xf32, #tpu.memory_space<vmem>>, vector<64x128xf32>
    tpu.vector_store %arg9[%swap3A, %swap3A_39], %add3A_38 {strides = array<i32>} : memref<64x128xf32, #tpu.memory_space<vmem>>, vector<64x128xf32>,
    %get3A_41 = arith.constant 0 : index
    %get3A_42 = arith.constant 0 : index
    %get3A_43 = vector.load %arg10[%get3A_41, %get3A_42] : memref<64x128xf32, #tpu.memory_space<vmem>>, vector<64x128xf32>
    %broadcast_in_dim3A = arith.constant 1.000000e+00 : f32
    %broadcast_in_dim3A_44 = vector.broadcast %broadcast_in_dim3A : f32 to vector<256x128xf32>
    %dot_general3A_45 = arith.constant dense<0.000000e+00> : vector<64x128xf32>
    %dot_general3A_46 = tpu.matmul %convert_element_type3A_33, %broadcast_in_dim3A_44, %dot_general3A_45 {dimension_numbers = #tpu.dot_dimension_numbers<[0], [0], [1], [1], [0, 1, 1, 1], [], []>, transpose_lhs_hint = false} : vector<256x64xf32>, vector<256x128xf32>, vector<64x128xf32> -> vector<64x128xf32>
    %add3A_47 = arith.addf %get3A_43, %dot_general3A_46 : vector<64x128xf32>
    %swap3A_48 = arith.constant 0 : index
    %swap3A_49 = arith.constant 0 : index
    %swap3A_50 = vector.load %arg10[%swap3A_48, %swap3A_49] : memref<64x128xf32, #tpu.memory_space<vmem>>, vector<64x128xf32>
    tpu.vector_store %arg10[%swap3A_48, %swap3A_49], %add3A_47 {strides = array<i32>} : memref<64x128xf32, #tpu.memory_space<vmem>>, vector<64x128xf32>,
    %eq3A_51 = arith.constant 39 : i32
    %eq3A_52 = arith.cmpi eq, %arg0, %eq3A_51 : i32
    %convert_element_type3A_53 = arith.extui %eq3A_52 : i1 to i32
    %cond3A_54 = arith.constant 0 : i32
    %cond3A_55 = arith.cmpi ne, %convert_element_type3A_53, %cond3A_54 : i32
    scf.if %cond3A_55 {
      %get3A_56 = arith.constant 0 : index
      %get3A_57 = arith.constant 0 : index
      %get3A_58 = vector.load %arg9[%get3A_56, %get3A_57] : memref<64x128xf32, #tpu.memory_space<vmem>>, vector<64x128xf32>
      %get3A_59 = arith.constant 0 : index
      %get3A_60 = arith.constant 0 : index
      %get3A_61 = vector.load %arg10[%get3A_59, %get3A_60] : memref<64x128xf32, #tpu.memory_space<vmem>>, vector<64x128xf32>
      %max3A = arith.constant 1.000000e+00 : f32
      %max3A_62 = vector.broadcast %max3A : f32 to vector<64x128xf32>
      %max3A_63 = arith.maximumf %get3A_61, %max3A_62 : vector<64x128xf32>
      %div3A = arith.divf %get3A_58, %max3A_63 : vector<64x128xf32>
      %swap3A_64 = arith.constant 0 : index
      %swap3A_65 = arith.constant 0 : index
      %swap3A_66 = vector.load %arg8[%swap3A_64, %swap3A_65] : memref<64x128xf32, #tpu.memory_space<vmem>>, vector<64x128xf32>
      tpu.vector_store %arg8[%swap3A_64, %swap3A_65], %div3A {strides = array<i32>} : memref<64x128xf32, #tpu.memory_space<vmem>>, vector<64x128xf32>,
    } else {
    }
    return
  }
  func.func @transform_0(%arg0: i32) -> (i32, i32) {
    %c0_i32 = arith.constant 0 : i32
    %c0_i32_0 = arith.constant 0 : i32
    return %arg0, %c0_i32 : i32, i32
  }
  func.func @transform_1(%arg0: i32) -> (i32, i32) {
    %c0_i32 = arith.constant 0 : i32
    %c0_i32_0 = arith.constant 0 : i32
    return %arg0, %c0_i32 : i32, i32
  }
  func.func @transform_2(%arg0: i32) -> (i32, i32) {
    %c0_i32 = arith.constant 0 : i32
    %c0_i32_0 = arith.constant 0 : i32
    return %arg0, %c0_i32 : i32, i32
  }
  func.func @transform_3(%arg0: i32) -> (i32, i32) {
    %c0_i32 = arith.constant 0 : i32
    %c0_i32_0 = arith.constant 0 : i32
    return %arg0, %c0_i32 : i32, i32
  }
  func.func @transform_4(%arg0: i32) -> (i32, i32) {
    %c0_i32 = arith.constant 0 : i32
    %c0_i32_0 = arith.constant 0 : i32
    return %arg0, %c0_i32 : i32, i32
  }
  func.func @transform_5(%arg0: i32) -> (i32, i32) {
    %c0_i32 = arith.constant 0 : i32
    %c0_i32_0 = arith.constant 0 : i32
    %c0_i32_1 = arith.constant 0 : i32
    return %c0_i32, %c0_i32_0 : i32, i32
  }
  func.func @transform_6(%arg0: i32) -> (i32, i32) {
    %c0_i32 = arith.constant 0 : i32
    %c0_i32_0 = arith.constant 0 : i32
    return %arg0, %c0_i32 : i32, i32
  }
  func.func @transform_7(%arg0: i32) -> (i32, i32) {
    %c0_i32 = arith.constant 0 : i32
    %c0_i32_0 = arith.constant 0 : i32
    %c0_i32_1 = arith.constant 0 : i32
    return %c0_i32, %c0_i32_0 : i32, i32
  }
}

</mosaic_0001>

<sc_bundles>
// kernel: kernel.10.cloned.1.call-start
scs
__scs_entry_jumppad:
0x0: {  	(pc) =	sbr.rel $0x88, $3  }
0x1: {  	(tag) =	ssettag $0x0;
	lr =	simm.s32 $0x1  }
0x2: {  	[smem:$0x3F98] =	sst lr;
	_ =	strace $0xD0000000  }
0x3: {  	_ = 	snop  }
0x4: {  	_ = 	snop  }
0x5: {  	_ = 	snop  }
0x6: {  	_ = 	snop  }
0x7: {  	_ = 	snop  }
__scs_overlays_trampoline_lowered:
0x8: {  	[smem:$0x3FA7] =	sst s0  }
0x9: {  	[smem:$0x3FA8] =	sst s1  }
0xa: {  	[smem:$0x3FA9] =	sst s2  }
0xb: {  	[smem:$0x3FAA] =	sst s3  }
0xc: {  	[smem:$0x3FAB] =	sst s4  }
0xd: {  	[smem:$0x3FAC] =	sst s5  }
0xe: {  	[smem:$0x3FAD] =	sst s6  }
0xf: {  	[smem:$0x3FAE] =	sst s7  }
0x10: {  	[smem:$0x3FAF] =	sst s8  }
0x11: {  	[smem:$0x3FB0] =	sst s9;
	s0 =	simm.s32 @!p0 $0x0  }
0x12: {  	s1 =	sld [smem:$0x3F96];
	s0 =	simm.s32 @p0 $0x1  }
0x13: {  	[smem:$0x3FB1] =	sst s0;
	s0 =	simm.s32 @!p1 $0x0  }
0x14: {  	s2 =	sld [smem:$0x3F95];
	s0 =	simm.s32 @p1 $0x1  }
0x15: {  	[smem:$0x3FB2] =	sst s0;
	s0 =	simm.s32 @!p2 $0x0  }
0x16: {  	s3 =	sld [smem:$0x3FDB];
	s0 =	simm.s32 @p2 $0x1  }
0x17: {  	s4 =	simm.s32 $0x1BF5;
	[smem:$0x3FB4] =	sst s0  }
0x18: {  	s0 =	sld [smem:$0x3F97];
	_ =	swait.ge [sflag:s4], $0x0  }
0x19: {  	s7 =	sld [smem:$0x3F98]  }
0x1a: {  	s8 =	sadd.s32 $0xFFFFE003, lr  }
0x1b: {  	s9 =	sadd.s32 $0xFFFFFEF7, lr;
	s5 =	simm.s32 $0xFFFFFFFF;
	p2 =	slt.u32 s8, $0xFFFFF086  }
0x1c: {  	p1 =	slt.u32 s9, $0xF7A;
	s5 =	simm.s32 @!p2 $0x0  }
0x1d: {  	s5 =	simm.s32 @p1 $0x1;
	p0 =	seq.s32 s7, s2  }
0x1e: {  	s7 =	smul.u32 @!p0 $0xF7A, s2;
	p2 =	seq.s32 @!p0 s5, $0x0  }
0x1f: {  	s9 =	smul.u32 $0xF7A, s1;
	s8 =	simm.s32 @!p0 $0x1BF5;
	p2 =	por !p2, p0  }
0x20: {  	[sflag:s8] =	ssyncset.s32 @!p0 $0xFFFFF086;
	s6 =	sadd.s32 @!p0 s3, s7;
	s7 =	simm.s32 @!p0 $0x108  }
0x21: {  	s3 =	sadd.s32 s3, s9;
	s6 =	sadd.s32 @!p0 $0x88, s6;
	s7 =	simm.s32 @p2 $0x1082  }
0x22: {  	[simem:s7], [sflag:s8] =	dma.local @!p0 [hbm:s6], $0xF7A  }
0x23: {  	s9 =	sor.u32 $0xD0000000, s2;
	s6 =	simm.s32 $0x108;
	_ =	swait.ge @!p0 [sflag:s8], $0x0  }
0x24: {  	s3 =	sadd.s32 $0x88, s3;
	s6 =	simm.s32 @!p1 $0x1082;
	[sflag:s4] =	ssyncset.s32 $0xFFFFF086  }
0x25: {  	[simem:s6], [sflag:s4] =	dma.local [hbm:s3], $0xF7A  }
0x26: {  	[smem:$0x3F98] =	sst s1;
	(tag) =	ssettag s2;
	_ =	strace s9  }
0x27: {  	s1 =	sld [smem:$0x3FA8]  }
0x28: {  	s2 =	sld [smem:$0x3FA9]  }
0x29: {  	s4 =	sld [smem:$0x3FAB]  }
0x2a: {  	p0 =	seq.s32 s5, $0x0;
	s5 =	sld [smem:$0x3FAC]  }
0x2b: {  	s6 =	sld [smem:$0x3FAD]  }
0x2c: {  	s7 =	sld [smem:$0x3FAE]  }
0x2d: {  	s3 =	simm.s32 $0x108;
	s8 =	sld [smem:$0x3FAF]  }
0x2e: {  	s3 =	simm.s32 @!p0 $0x1082;
	s9 =	sld [smem:$0x3FB0]  }
0x2f: {  	lr =	sadd.s32 s0, s3;
	s0 =	sld [smem:$0x3FA7]  }
0x30: {  	s3 =	sld [smem:$0x3FAA]  }
0x31: {  	[smem:$0x3FB3] =	sst s10  }
0x32: {  	s10 =	sld [smem:$0x3FB1];
	_ =	sdelay $0x3  }
0x33: {  	p0 =	seq.s32 s10, $0x1;
	s10 =	sld [smem:$0x3FB3];
	_ =	sdelay $0x3  }
0x34: {  	[smem:$0x3FB3] =	sst s10  }
0x35: {  	s10 =	sld [smem:$0x3FB2];
	_ =	sdelay $0x3  }
0x36: {  	p1 =	seq.s32 s10, $0x1;
	s10 =	sld [smem:$0x3FB3];
	_ =	sdelay $0x3  }
0x37: {  	[smem:$0x3FB3] =	sst s10  }
0x38: {  	s10 =	sld [smem:$0x3FB4]  }
0x39: {  	_ = 	snop;
	(pc) =	sbr.ind lr, $3  }
0x3a: {  	_ = 	snop  }
0x3b: {  	_ = 	snop  }
0x3c: {  	p2 =	seq.s32 s10, $0x1;
	s10 =	sld [smem:$0x3FB3]  }
0x3d: {  	_ =	shalt  }
0x3e: {  	_ =	shalt  }
0x3f: {  	_ =	shalt  }
0x40: {  	_ =	shalt  }
0x41: {  	_ =	shalt  }
0x42: {  	_ =	shalt  }
0x43: {  	_ =	shalt  }
0x44: {  	_ =	shalt  }
0x45: {  	_ =	shalt  }
0x46: {  	_ =	shalt  }
0x47: {  	_ =	shalt  }
0x48: {  	_ =	shalt  }
0x49: {  	_ =	shalt  }
0x4a: {  	_ =	shalt  }
0x4b: {  	_ =	shalt  }
0x4c: {  	_ =	shalt  }
0x4d: {  	_ =	shalt  }
0x4e: {  	_ =	shalt  }
0x4f: {  	_ =	shalt  }
0x50: {  	_ =	shalt  }
0x51: {  	_ =	shalt  }
0x52: {  	_ =	shalt  }
0x53: {  	_ =	shalt  }
0x54: {  	_ =	shalt  }
0x55: {  	_ =	shalt  }
0x56: {  	_ =	shalt  }
0x57: {  	_ =	shalt  }
0x58: {  	_ =	shalt  }
0x59: {  	_ =	shalt  }
0x5a: {  	_ =	shalt  }
0x5b: {  	_ =	shalt  }
0x5c: {  	_ =	shalt  }
0x5d: {  	_ =	shalt  }
0x5e: {  	_ =	shalt  }
0x5f: {  	_ =	shalt  }
0x60: {  	_ =	shalt  }
0x61: {  	_ =	shalt  }
0x62: {  	_ =	shalt  }
0x63: {  	_ =	shalt  }
0x64: {  	_ =	shalt  }
0x65: {  	_ =	shalt  }
0x66: {  	_ =	shalt  }
0x67: {  	_ =	shalt  }
0x68: {  	_ =	shalt  }
0x69: {  	_ =	shalt  }
0x6a: {  	_ =	shalt  }
0x6b: {  	_ =	shalt  }
0x6c: {  	_ =	shalt  }
0x6d: {  	_ =	shalt  }
0x6e: {  	_ =	shalt  }
0x6f: {  	_ =	shalt  }
0x70: {  	_ =	shalt  }
0x71: {  	_ =	shalt  }
0x72: {  	_ =	shalt  }
0x73: {  	_ =	shalt  }
0x74: {  	_ =	shalt  }
0x75: {  	_ =	shalt  }
0x76: {  	_ =	shalt  }
0x77: {  	_ =	shalt  }
0x78: {  	_ =	shalt  }
0x79: {  	_ =	shalt  }
0x7a: {  	_ =	shalt  }
0x7b: {  	_ =	shalt  }
0x7c: {  	_ =	shalt  }
0x7d: {  	_ =	shalt  }
0x7e: {  	_ =	shalt  }
0x7f: {  	_ =	shalt  }
0x80: {  	_ =	shalt  }
0x81: {  	_ =	shalt  }
0x82: {  	_ =	shalt  }
0x83: {  	_ =	shalt  }
0x84: {  	_ =	shalt  }
0x85: {  	_ =	shalt  }
0x86: {  	_ =	shalt  }
0x87: {  	_ =	shalt  }
.Lfunc_end0:
.L_simem_size_0:
called_computation_lowered:
.L_overlay_start_0:
0x88: {  	s2 =	sld [smem:$0x3FD9]  }
0x89: {  	s3 =	sld [smem:$0x3FFE];
	_ =	sdelay $0x1  }
0x8a: {  	s1 =	srdreg.scid  }
0x8b: {  	s0 =	sand.u32 $0x1, s1  }
0x8c: {  	s17 =	sshll.u32 s0, $0xA;
	s2 =	sadd.s32 s3, s2  }
0x8d: {  	s2 =	sadd.s32 s2, s17  }
0x8e: {  	[smem:$0x3FBF] =	sst s2  }
0x8f: {  	_ = 	snop  }
0x90: {  	s2 =	sld [smem:$0x3FD0];
	(tm) =	ssettm $0x1  }
0x91: {  	s18 =	sld [smem:$0x3FFB];
	_ =	sdelay $0x3  }
0x92: {  	_ =	strace s18  }
0x93: {  	s3 =	sld [smem:$0x3FFC];
	_ =	sdelay $0x3  }
0x94: {  	_ =	strace s3  }
0x95: {  	s3 =	sld [smem:$0x3FFD];
	_ =	sdelay $0x3  }
0x96: {  	_ =	strace s3  }
0x97: {  	_ =	strace $0x8FFFFFFF  }
0x98: {  	s19 =	sld [smem:$0x3FDB];
	_ =	sdelay $0x1  }
0x99: {  	s4 =	simm.s32 $_scs_section_size  }
0x9a: {  	s5 =	simm.s32 $_size__tile_overlayer_lowered;
	s6 =	simm.s32 $_tile_overlayer_lowered  }
0x9b: {  	s22 =	simm.s32 $0x1BFF;
	s21 =	sshll.u32 s6, $0x1;
	s3 =	sadd.s32 s4, s19  }
0x9c: {  	s7 =	simm.s32 $0x0;
	s20 =	sshll.u32 s5, $0x1;
	s5 =	sadd.s32 s21, s3  }
0x9d: {  	[timem:s7], [sflag:s22] =	dma.local [hbm:s5], s20  }
0x9e: {  	_ =	swait.ge [sflag:s22], s20  }
0x9f: {  	s4 =	ssub.s32 $0x0, s20;
	[sflag:s22] =	ssyncset.done $0x0  }
0xa0: {  	[sflag:s22] =	ssyncadd.s32 s4;
	_ =	sdelay $0x1  }
0xa1: {  	s23 =	simm.s32 $0x1B8B  }
0xa2: {  	_ =	swait.ge [sflag:s23], $0x1  }
0xa3: {  	[sflag:s23] =	ssyncset.done $0x0  }
0xa4: {  	s25 =	simm.s32 $0x1B8E;
	s24 =	sld [smem:$0x3FFE];
	[sflag:s23] =	ssyncadd.s32 $0xFFFFFFFF  }
0xa5: {  	s26 =	simm.s32 $execute0_lowered;
	[smem:$0x3FD2] =	sst s25  }
0xa6: {  	s5 =	sshll.u32 s26, $0x1;
	_ =	strace $0x80000046;
	[dreg:$0x1] =	wrdreg $0xFFFFFFFF  }
0xa7: {  	s28 =	simm.s32 $_size_execute0_lowered;
	s3 =	sadd.s32 s3, s5;
	[dreg:$0x0] =	wrdreg $0x0  }
0xa8: {  	s5 =	sshll.u32 s28, $0x1;
	[dreg:$0x2] =	wrdreg s3  }
0xa9: {  	[dreg:$0x3] =	wrdreg s5  }
0xaa: {  	[dreg:$0x4] =	wrdreg $0xC0  }
0xab: {  	_ =	task [dreg:s7], $0x5FFFF  }
0xac: {  	[dreg:$0x1] =	wrdreg $0xFFFFFFFF  }
0xad: {  	[dreg:$0x0] =	wrdreg $0x60  }
0xae: {  	[dreg:$0x2] =	wrdreg s24  }
0xaf: {  	[dreg:$0x3] =	wrdreg s2  }
0xb0: {  	[dreg:$0x4] =	wrdreg $0x38800  }
0xb1: {  	[dreg:$0x5] =	wrdreg $0x9  }
0xb2: {  	_ =	task.clear_ibuf [dreg:s7], $0x6FFFF;
	_ =	strace $0x90000046  }
0xb3: {  	s29 =	simm.s32 $0x9;
	_ =	strace $0x80000048  }
0xb4: {  	_ =	swait.ge [sflag:s29], $0x1  }
0xb5: {  	[sflag:s29] =	ssyncadd.s32 $0xFFFFFFFF  }
0xb6: {  	_ =	strace $0x90000048  }
0xb7: {  	_ =	sfence  }
0xb8: {  	s30 =	sld [smem:$0x0];
	_ =	sdelay $0x2  }
0xb9: {  	s31 =	sshll.u32 s1, $0xD;
	s1 =	sshrl.u32 s1, $0x2  }
0xba: {  	s3 =	sand.u32 $0x4000, s31;
	s1 =	sadd.s32 s1, s30  }
0xbb: {  	s0 =	sor.u32 s3, s0;
	s1 =	sshll.u32 s1, $0x11  }
0xbc: {  	s0 =	sor.u32 s1, s0  }
0xbd: {  	s0 =	sadd.s32 $0x8F2B, s0  }
0xbe: {  	[sflag:s0] =	ssyncadd.remote.s32 $0x1  }
0xbf: {  	_ =	sfence.sel $0xFFFF  }
0xc0: {  	[dreg:$0x0] =	wrdreg $0xFFFFFFFF;
	(pc) =	sbr.abs _section_cstart, $3  }
0xc1: {  	[dreg:$0x1] =	wrdreg $0xFFFFFFFF  }
0xc2: {  	_ =	task.clear_ibuf [dreg:s7], $0x2FFFF;
	_ =	strace $0x9FFFFFFF  }
0xc3: {  	(tm) =	ssettm $0x7FFFFFFF  }
tec
execute0_lowered:
.L_overlay_start_1:
0x0: {  	(tag) =	ssettag $0x1  }
0x1: {  	s5 =	rddreg [dreg:$0x0]  }
0x2: {  	s2 =	rddreg [dreg:$0x1]  }
0x3: {  	s3 =	rddreg [dreg:$0x2];
	s4 =	srdreg.scid  }
0x4: {  	s0 =	rddreg [dreg:$0x3];
	s1 =	stileid.u32;
	s11 =	simm.s32 $0x60  }
0x5: {  	s12 =	simm.s32 $0x3800;
	s13 =	simm.s32 $0x20;
	s14 =	simm.s32 $0x10  }
0x6: {  	s15 =	simm.s32 $0x0;
	s6 =	sand.u32 $0x1, s4;
	s8 =	smul.u32 $0x500, s1  }
0x7: {  	s4 =	simm.s32 $0x0;
	s28 =	smul.u32 $0xA00, s1;
	s31 =	sshll.u32 s1, $0x6  }
0x8: {  	s7 =	sshll.u32 s6, $0x4;
	[smem:$0x7FF] =	sst s4;
	s9 =	sshll.u32 s6, $0x7  }
0x9: {  	s6 =	ssub.s32 $0x2, s6;
	s7 =	sor.u32 s1, s7;
	_ =	strace $0x80000047  }
0xa: {  	s8 =	sor.u32 s9, s8;
	s29 =	sshrl.u32 s6, $0x1;
	s7 =	smul.u32 $0x700, s7  }
0xb: {  	s30 =	sshrl.u32 s28, $0x2;
	s8 =	sshrl.u32 s8, $0x3;
	s10 =	ssub.s32 s6, s29  }
0xc: {  	s9 =	sadd.s32 s30, s3;
	s8 =	sadd.s32 s8, s5;
	s7 =	sadd.s32 s7, s5  }
0xd: {  	s9 =	sshrl.u32 s9, $0x3;
	s5 =	sor.u32 $0x1C01, s31;
	s6 =	sadd.s32 $0x5000, s7  }
0xe: {  	v0 =	vimm.f32 $1.000000000e+00;
	s7 =	sadd.s32 $0x13000, s8;
	s8 =	smax.u32 s10, $0x1;
	s10 =	simm.s32 $0x1  }
.LBB2_1:
0xf: {  	[tilespmem:$0x3800] =	vst v0  }
0x10: {  	[tilespmem:$0x3810] =	vst v0  }
0x11: {  	[tilespmem:$0x3820] =	vst v0  }
0x12: {  	[tilespmem:$0x3830] =	vst v0  }
0x13: {  	[tilespmem:$0x3840] =	vst v0  }
0x14: {  	[tilespmem:$0x3850] =	vst v0  }
0x15: {  	[spmem:s9], [sflag:s5] =	dma.local [hbm:s2], $0x50  }
0x16: {  	_ =	swait.ge [sflag:s10], $0x50  }
0x17: {  	[sflag:s10] =	ssyncset.done $0x0  }
0x18: {  	[sflag:s10] =	ssyncadd.s32 $0xFFFFFFB0  }
0x19: {  	[tilespmem:s4], [sflag:$0x1] =	stream.linear.gather [hbm4b:s6+s4], $0x3480, $0x38;
	[tilespmem:$0x3B00] =	vst v63  }
0x1a: {  	_ =	swait.ge [sflag:s10], $0x3480  }
0x1b: {  	[sflag:s10] =	ssyncset.done $0x0  }
0x1c: {  	[sflag:s10] =	ssyncadd.s32 $0xFFFFCB80  }
0x1d: {  	s16 =	simm.s32 $0x0;
	[bflag:$0x0] =	sbarrier.arrive $0xFFFF  }
0x1e: {  	[spmem:s3] =	stream.indirect.scatter.add.f32 [tilespmem:s12], [sflag:$0x1], $0x1, s16, s11, $0xb8;
	[tilespmem:$0x3B00] =	vst v63  }
0x1f: {  	_ =	swait.ge [sflag:s10], $0x60  }
0x20: {  	s16 =	simm.s32 $0x200;
	[sflag:s10] =	ssyncset.done $0x0  }
.LBB2_2:
0x21: {  	s17 =	sshra.s32 s16, $0x2;
	[sflag:s10] =	ssyncadd.s32 $0xFFFFFFA0;
	p0 =	sne.s32 s16, $0xD000  }
0x22: {  	[spmem:s3] =	stream.indirect.scatter.add.f32 [tilespmem:s12], [sflag:$0x1], $0x1, s17, s11, $0xb8;
	[tilespmem:$0x3B00] =	vst v63  }
.Ltmp0:
0x23: {  	_ = 	snop;
	(pc) =	sbr.rel @p0 .LBB2_2-.Ltmp0, $4  }
0x24: {  	_ = 	snop  }
0x25: {  	s16 =	sadd.s32 $0x200, s16  }
0x26: {  	_ =	swait.ge [sflag:s10], $0x60  }
0x27: {  	[sflag:s10] =	ssyncset.done $0x0  }
0x28: {  	s15 =	sadd.s32 $0x1, s15  }
0x29: {  	[sflag:s10] =	ssyncadd.s32 $0xFFFFFFA0;
	p0 =	sne.s32 s15, s8  }
.Ltmp1:
0x2a: {  	[bflag:$0x0] =	sbarrier.arrive $0xFFFF;
	(pc) =	sbr.rel @p0 .LBB2_1-.Ltmp1, $4  }
0x2b: {  	[hbm:s7@s13], [sflag:s5] =	dma.strided [spmem:s9@s14], $0x50, s10, $0x10   }
0x2c: {  	_ =	swait.ge [sflag:s10], $0x50  }
0x2d: {  	[sflag:s10] =	ssyncset.done $0x0  }
0x2e: {  	[sflag:s10] =	ssyncadd.s32 $0xFFFFFFB0  }
0x2f: {  	_ =	sfence.sel $0x180000  }
0x30: {  	[bflag:$0x0] =	sbarrier.arrive $0xFFFF  }
0x31: {  	p0 =	sne.s32 s1, $0x0;
	_ =	strace $0x90000047  }
0x32: {  	s0 =	sadd.s32 @!p0 $0x100000, s0;
	[bflag:$0x2] =	sbarrier.arrive $0xFFFF  }
0x33: {  	[sflag:s0] =	ssyncadd.tile.s32 @!p0 $0x1;
	_ =	shalt  }
.Lfunc_end2:
_tile_overlayer_lowered:
.L_overlay_start_2:
0x34: {  	(tag) =	ssettag $0x2  }
0x35: {  	s0 =	rddreg [dreg:$0x0];
	s2 =	stileid.u32  }
0x36: {  	s1 =	rddreg [dreg:$0x1];
	p0 =	sne.s32 s2, $0x0  }
0x37: {  	s3 =	rddreg [dreg:$0x2];
	[bflag:$0x3] =	sbarrier.arrive $0xFFFF;
	s2 =	simm.s32 @!p0 $0x1C01  }
0x38: {  	[timem:s3], [sflag:s2] =	dma.local @!p0 [hbm:s0], s1  }
0x39: {  	s0 =	simm.s32 @!p0 $0x1  }
0x3a: {  	_ =	swait.ge @!p0 [sflag:s0], s1  }
0x3b: {  	s1 =	ssub.s32 @!p0 $0x0, s1;
	[sflag:s0] =	ssyncset.done @!p0 $0x0  }
0x3c: {  	[sflag:s0] =	ssyncadd.s32 @!p0 s1  }
0x3d: {  	[bflag:$0x3] =	sbarrier.arrive $0xFFFF  }
0x3e: {  	_ =	shalt  }

// kernel: kernel.13.cloned.1.call-start
scs
__scs_entry_jumppad:
0x0: {  	(pc) =	sbr.rel $0x88, $3  }
0x1: {  	(tag) =	ssettag $0x0;
	lr =	simm.s32 $0x1  }
0x2: {  	[smem:$0x3F98] =	sst lr;
	_ =	strace $0xD0000000  }
0x3: {  	_ = 	snop  }
0x4: {  	_ = 	snop  }
0x5: {  	_ = 	snop  }
0x6: {  	_ = 	snop  }
0x7: {  	_ = 	snop  }
__scs_overlays_trampoline_lowered:
0x8: {  	[smem:$0x3FA7] =	sst s0  }
0x9: {  	[smem:$0x3FA8] =	sst s1  }
0xa: {  	[smem:$0x3FA9] =	sst s2  }
0xb: {  	[smem:$0x3FAA] =	sst s3  }
0xc: {  	[smem:$0x3FAB] =	sst s4  }
0xd: {  	[smem:$0x3FAC] =	sst s5  }
0xe: {  	[smem:$0x3FAD] =	sst s6  }
0xf: {  	[smem:$0x3FAE] =	sst s7  }
0x10: {  	[smem:$0x3FAF] =	sst s8  }
0x11: {  	[smem:$0x3FB0] =	sst s9;
	s0 =	simm.s32 @!p0 $0x0  }
0x12: {  	s1 =	sld [smem:$0x3F96];
	s0 =	simm.s32 @p0 $0x1  }
0x13: {  	[smem:$0x3FB1] =	sst s0;
	s0 =	simm.s32 @!p1 $0x0  }
0x14: {  	s2 =	sld [smem:$0x3F95];
	s0 =	simm.s32 @p1 $0x1  }
0x15: {  	[smem:$0x3FB2] =	sst s0;
	s0 =	simm.s32 @!p2 $0x0  }
0x16: {  	s3 =	sld [smem:$0x3FDB];
	s0 =	simm.s32 @p2 $0x1  }
0x17: {  	s4 =	simm.s32 $0x1BF5;
	[smem:$0x3FB4] =	sst s0  }
0x18: {  	s0 =	sld [smem:$0x3F97];
	_ =	swait.ge [sflag:s4], $0x0  }
0x19: {  	s7 =	sld [smem:$0x3F98]  }
0x1a: {  	s8 =	sadd.s32 $0xFFFFE003, lr  }
0x1b: {  	s9 =	sadd.s32 $0xFFFFFEF7, lr;
	s5 =	simm.s32 $0xFFFFFFFF;
	p2 =	slt.u32 s8, $0xFFFFF086  }
0x1c: {  	p1 =	slt.u32 s9, $0xF7A;
	s5 =	simm.s32 @!p2 $0x0  }
0x1d: {  	s5 =	simm.s32 @p1 $0x1;
	p0 =	seq.s32 s7, s2  }
0x1e: {  	s7 =	smul.u32 @!p0 $0xF7A, s2;
	p2 =	seq.s32 @!p0 s5, $0x0  }
0x1f: {  	s9 =	smul.u32 $0xF7A, s1;
	s8 =	simm.s32 @!p0 $0x1BF5;
	p2 =	por !p2, p0  }
0x20: {  	[sflag:s8] =	ssyncset.s32 @!p0 $0xFFFFF086;
	s6 =	sadd.s32 @!p0 s3, s7;
	s7 =	simm.s32 @!p0 $0x108  }
0x21: {  	s3 =	sadd.s32 s3, s9;
	s6 =	sadd.s32 @!p0 $0x88, s6;
	s7 =	simm.s32 @p2 $0x1082  }
0x22: {  	[simem:s7], [sflag:s8] =	dma.local @!p0 [hbm:s6], $0xF7A  }
0x23: {  	s9 =	sor.u32 $0xD0000000, s2;
	s6 =	simm.s32 $0x108;
	_ =	swait.ge @!p0 [sflag:s8], $0x0  }
0x24: {  	s3 =	sadd.s32 $0x88, s3;
	s6 =	simm.s32 @!p1 $0x1082;
	[sflag:s4] =	ssyncset.s32 $0xFFFFF086  }
0x25: {  	[simem:s6], [sflag:s4] =	dma.local [hbm:s3], $0xF7A  }
0x26: {  	[smem:$0x3F98] =	sst s1;
	(tag) =	ssettag s2;
	_ =	strace s9  }
0x27: {  	s1 =	sld [smem:$0x3FA8]  }
0x28: {  	s2 =	sld [smem:$0x3FA9]  }
0x29: {  	s4 =	sld [smem:$0x3FAB]  }
0x2a: {  	p0 =	seq.s32 s5, $0x0;
	s5 =	sld [smem:$0x3FAC]  }
0x2b: {  	s6 =	sld [smem:$0x3FAD]  }
0x2c: {  	s7 =	sld [smem:$0x3FAE]  }
0x2d: {  	s3 =	simm.s32 $0x108;
	s8 =	sld [smem:$0x3FAF]  }
0x2e: {  	s3 =	simm.s32 @!p0 $0x1082;
	s9 =	sld [smem:$0x3FB0]  }
0x2f: {  	lr =	sadd.s32 s0, s3;
	s0 =	sld [smem:$0x3FA7]  }
0x30: {  	s3 =	sld [smem:$0x3FAA]  }
0x31: {  	[smem:$0x3FB3] =	sst s10  }
0x32: {  	s10 =	sld [smem:$0x3FB1];
	_ =	sdelay $0x3  }
0x33: {  	p0 =	seq.s32 s10, $0x1;
	s10 =	sld [smem:$0x3FB3];
	_ =	sdelay $0x3  }
0x34: {  	[smem:$0x3FB3] =	sst s10  }
0x35: {  	s10 =	sld [smem:$0x3FB2];
	_ =	sdelay $0x3  }
0x36: {  	p1 =	seq.s32 s10, $0x1;
	s10 =	sld [smem:$0x3FB3];
	_ =	sdelay $0x3  }
0x37: {  	[smem:$0x3FB3] =	sst s10  }
0x38: {  	s10 =	sld [smem:$0x3FB4]  }
0x39: {  	_ = 	snop;
	(pc) =	sbr.ind lr, $3  }
0x3a: {  	_ = 	snop  }
0x3b: {  	_ = 	snop  }
0x3c: {  	p2 =	seq.s32 s10, $0x1;
	s10 =	sld [smem:$0x3FB3]  }
0x3d: {  	_ =	shalt  }
0x3e: {  	_ =	shalt  }
0x3f: {  	_ =	shalt  }
0x40: {  	_ =	shalt  }
0x41: {  	_ =	shalt  }
0x42: {  	_ =	shalt  }
0x43: {  	_ =	shalt  }
0x44: {  	_ =	shalt  }
0x45: {  	_ =	shalt  }
0x46: {  	_ =	shalt  }
0x47: {  	_ =	shalt  }
0x48: {  	_ =	shalt  }
0x49: {  	_ =	shalt  }
0x4a: {  	_ =	shalt  }
0x4b: {  	_ =	shalt  }
0x4c: {  	_ =	shalt  }
0x4d: {  	_ =	shalt  }
0x4e: {  	_ =	shalt  }
0x4f: {  	_ =	shalt  }
0x50: {  	_ =	shalt  }
0x51: {  	_ =	shalt  }
0x52: {  	_ =	shalt  }
0x53: {  	_ =	shalt  }
0x54: {  	_ =	shalt  }
0x55: {  	_ =	shalt  }
0x56: {  	_ =	shalt  }
0x57: {  	_ =	shalt  }
0x58: {  	_ =	shalt  }
0x59: {  	_ =	shalt  }
0x5a: {  	_ =	shalt  }
0x5b: {  	_ =	shalt  }
0x5c: {  	_ =	shalt  }
0x5d: {  	_ =	shalt  }
0x5e: {  	_ =	shalt  }
0x5f: {  	_ =	shalt  }
0x60: {  	_ =	shalt  }
0x61: {  	_ =	shalt  }
0x62: {  	_ =	shalt  }
0x63: {  	_ =	shalt  }
0x64: {  	_ =	shalt  }
0x65: {  	_ =	shalt  }
0x66: {  	_ =	shalt  }
0x67: {  	_ =	shalt  }
0x68: {  	_ =	shalt  }
0x69: {  	_ =	shalt  }
0x6a: {  	_ =	shalt  }
0x6b: {  	_ =	shalt  }
0x6c: {  	_ =	shalt  }
0x6d: {  	_ =	shalt  }
0x6e: {  	_ =	shalt  }
0x6f: {  	_ =	shalt  }
0x70: {  	_ =	shalt  }
0x71: {  	_ =	shalt  }
0x72: {  	_ =	shalt  }
0x73: {  	_ =	shalt  }
0x74: {  	_ =	shalt  }
0x75: {  	_ =	shalt  }
0x76: {  	_ =	shalt  }
0x77: {  	_ =	shalt  }
0x78: {  	_ =	shalt  }
0x79: {  	_ =	shalt  }
0x7a: {  	_ =	shalt  }
0x7b: {  	_ =	shalt  }
0x7c: {  	_ =	shalt  }
0x7d: {  	_ =	shalt  }
0x7e: {  	_ =	shalt  }
0x7f: {  	_ =	shalt  }
0x80: {  	_ =	shalt  }
0x81: {  	_ =	shalt  }
0x82: {  	_ =	shalt  }
0x83: {  	_ =	shalt  }
0x84: {  	_ =	shalt  }
0x85: {  	_ =	shalt  }
0x86: {  	_ =	shalt  }
0x87: {  	_ =	shalt  }
.Lfunc_end0:
.L_simem_size_0:
called_computation.1_lowered:
.L_overlay_start_0:
0x88: {  	s2 =	sld [smem:$0x3FD9]  }
0x89: {  	s3 =	sld [smem:$0x3FFE];
	_ =	sdelay $0x1  }
0x8a: {  	s1 =	srdreg.scid  }
0x8b: {  	s0 =	sand.u32 $0x1, s1  }
0x8c: {  	s16 =	sshll.u32 s0, $0xA;
	s2 =	sadd.s32 s3, s2  }
0x8d: {  	s2 =	sadd.s32 s2, s16  }
0x8e: {  	[smem:$0x3FBF] =	sst s2  }
0x8f: {  	_ = 	snop  }
0x90: {  	(tm) =	ssettm $0x1  }
0x91: {  	s17 =	sld [smem:$0x3FFB];
	_ =	sdelay $0x3  }
0x92: {  	_ =	strace s17  }
0x93: {  	s2 =	sld [smem:$0x3FFC];
	_ =	sdelay $0x3  }
0x94: {  	_ =	strace s2  }
0x95: {  	s2 =	sld [smem:$0x3FFD];
	_ =	sdelay $0x3  }
0x96: {  	_ =	strace s2  }
0x97: {  	_ =	strace $0x8FFFFFFF  }
0x98: {  	s18 =	sld [smem:$0x3FDB];
	_ =	sdelay $0x1  }
0x99: {  	s19 =	simm.s32 $_scs_section_size  }
0x9a: {  	s4 =	simm.s32 $_size__tile_overlayer_lowered;
	s5 =	simm.s32 $_tile_overlayer_lowered  }
0x9b: {  	s22 =	simm.s32 $0x1BFF;
	s21 =	sshll.u32 s5, $0x1;
	s2 =	sadd.s32 s19, s18  }
0x9c: {  	s6 =	simm.s32 $0x0;
	s20 =	sshll.u32 s4, $0x1;
	s4 =	sadd.s32 s21, s2  }
0x9d: {  	[timem:s6], [sflag:s22] =	dma.local [hbm:s4], s20  }
0x9e: {  	_ =	swait.ge [sflag:s22], s20  }
0x9f: {  	s3 =	ssub.s32 $0x0, s20;
	[sflag:s22] =	ssyncset.done $0x0  }
0xa0: {  	[sflag:s22] =	ssyncadd.s32 s3;
	_ =	sdelay $0x1  }
0xa1: {  	s23 =	simm.s32 $0x1B8B  }
0xa2: {  	_ =	swait.ge [sflag:s23], $0x1  }
0xa3: {  	[sflag:s23] =	ssyncset.done $0x0  }
0xa4: {  	s25 =	simm.s32 $0x1B8E;
	s24 =	sld [smem:$0x3FFE];
	[sflag:s23] =	ssyncadd.s32 $0xFFFFFFFF  }
0xa5: {  	s26 =	simm.s32 $execute0_lowered;
	[smem:$0x3FD2] =	sst s25  }
0xa6: {  	s4 =	sshll.u32 s26, $0x1;
	_ =	strace $0x80000049;
	[dreg:$0x1] =	wrdreg $0xFFFFFFFF  }
0xa7: {  	s28 =	simm.s32 $_size_execute0_lowered;
	s2 =	sadd.s32 s2, s4;
	[dreg:$0x0] =	wrdreg $0x0  }
0xa8: {  	s4 =	sshll.u32 s28, $0x1;
	[dreg:$0x2] =	wrdreg s2  }
0xa9: {  	[dreg:$0x3] =	wrdreg s4  }
0xaa: {  	[dreg:$0x4] =	wrdreg $0xC0  }
0xab: {  	_ =	task [dreg:s6], $0x5FFFF  }
0xac: {  	[dreg:$0x1] =	wrdreg $0xFFFFFFFF  }
0xad: {  	[dreg:$0x0] =	wrdreg $0x60  }
0xae: {  	[dreg:$0x2] =	wrdreg s24  }
0xaf: {  	[dreg:$0x3] =	wrdreg $0xBA800  }
0xb0: {  	[dreg:$0x4] =	wrdreg $0x9  }
0xb1: {  	_ =	task.clear_ibuf [dreg:s6], $0x5FFFF;
	_ =	strace $0x90000049  }
0xb2: {  	s29 =	simm.s32 $0x9;
	_ =	strace $0x8000004B  }
0xb3: {  	_ =	swait.ge [sflag:s29], $0x1  }
0xb4: {  	[sflag:s29] =	ssyncadd.s32 $0xFFFFFFFF  }
0xb5: {  	_ =	strace $0x9000004B  }
0xb6: {  	_ =	sfence  }
0xb7: {  	s30 =	sld [smem:$0x0];
	_ =	sdelay $0x2  }
0xb8: {  	s31 =	sshll.u32 s1, $0xD;
	s1 =	sshrl.u32 s1, $0x2  }
0xb9: {  	s3 =	sand.u32 $0x4000, s31;
	s1 =	sadd.s32 s1, s30  }
0xba: {  	s0 =	sor.u32 s3, s0;
	s1 =	sshll.u32 s1, $0x11  }
0xbb: {  	s0 =	sor.u32 s1, s0  }
0xbc: {  	s0 =	sadd.s32 $0x8F2B, s0  }
0xbd: {  	[sflag:s0] =	ssyncadd.remote.s32 $0x1  }
0xbe: {  	_ =	sfence.sel $0xFFFF  }
0xbf: {  	[dreg:$0x0] =	wrdreg $0xFFFFFFFF;
	(pc) =	sbr.abs _section_cstart, $3  }
0xc0: {  	[dreg:$0x1] =	wrdreg $0xFFFFFFFF  }
0xc1: {  	_ =	task.clear_ibuf [dreg:s6], $0x2FFFF;
	_ =	strace $0x9FFFFFFF  }
0xc2: {  	(tm) =	ssettm $0x7FFFFFFF  }
0xc3: {  	_ =	shalt  }
tec
execute0_lowered:
.L_overlay_start_1:
0x0: {  	(tag) =	ssettag $0x1  }
0x1: {  	s7 =	rddreg [dreg:$0x0]  }
0x2: {  	s0 =	srdreg.scid;
	s2 =	rddreg [dreg:$0x1];
	s13 =	simm.s32 $0x400  }
0x3: {  	s14 =	simm.s32 $0x60;
	s15 =	simm.s32 $0x2780;
	s16 =	simm.s32 $0x2A80  }
0x4: {  	s17 =	simm.s32 $0x2880;
	s18 =	simm.s32 $0x5A80;
	s19 =	simm.s32 $0x2980  }
0x5: {  	s20 =	simm.s32 $0x8A80;
	s21 =	simm.s32 $0x1;
	s22 =	simm.s32 $0x2800  }
0x6: {  	s23 =	simm.s32 $0x2;
	s24 =	simm.s32 $0x2900;
	s6 =	sand.u32 $0x1, s0  }
0x7: {  	s25 =	simm.s32 $0x3;
	s0 =	stileid.u32;
	s8 =	smul.u32 $0x13C000, s6  }
0x8: {  	s26 =	simm.s32 $0x2A00;
	s28 =	simm.s32 $0x0;
	s9 =	smul.u32 $0x13C00, s0  }
0x9: {  	s1 =	sshll.u32 s6, $0x4;
	s5 =	sshll.u32 s0, $0x7;
	s10 =	smul.u32 $0x4F000, s0  }
0xa: {  	s6 =	ssub.s32 $0x2, s6;
	s11 =	sshll.u32 s0, $0x6;
	s1 =	sor.u32 s0, s1  }
0xb: {  	s5 =	sand.u32 $0x380, s5;
	s31 =	sshrl.u32 s6, $0x1;
	s3 =	sshrl.u32 s1, $0x3  }
0xc: {  	s1 =	rddreg [dreg:$0x2];
	s8 =	sadd.s32 s9, s8;
	s10 =	sshrl.u32 s10, $0x2  }
0xd: {  	s12 =	ssub.s32 s6, s31;
	s6 =	sor.u32 $0x1C04, s11;
	s11 =	simm.s32 $0x4  }
0xe: {  	s4 =	smul.u32 $0x13C00, s3;
	s3 =	simm.s32 $0x0;
	s8 =	sshrl.u32 s8, $0x3  }
.Ltmp0:
0xf: {  	s10 =	sadd.s32 s10, s2;
	s9 =	smax.u32 s12, $0x1;
	(pc) =	sbr.rel .LBB2_1-.Ltmp0, $4  }
0x10: {  	s12 =	simm.s32 $0x80;
	[smem:$0x7FF] =	sst s3;
	s5 =	sor.u32 s5, s4  }
0x11: {  	s8 =	sadd.s32 s8, s7;
	s10 =	sshrl.u32 s10, $0x3;
	s5 =	sshrl.u32 s5, $0x3  }
0x12: {  	_ =	strace $0x8000004A;
	s4 =	sadd.s32 $0x6D800, s7;
	s30 =	sadd.s32 s5, s7  }
0x13: {  	s8 =	sadd.s32 $0x95800, s8;
	s5 =	sadd.s32 $0x5000, s7;
	s7 =	sadd.s32 $0x13A00, s30  }
.LBB2_7:
0x14: {  	s28 =	sadd.s32 $0x1, s28  }
0x15: {  	p0 =	sne.s32 s28, s9  }
.Ltmp1:
0x16: {  	[bflag:$0x0] =	sbarrier.arrive $0xFFFF;
	(pc) =	sbr.rel @!p0 .LBB2_8-.Ltmp1, $4  }
0x17: {  	[hbm:s8], [sflag:s6] =	dma.local [spmem:s10], $0x2780  }
0x18: {  	_ =	swait.ge [sflag:s11], $0x2780  }
0x19: {  	[sflag:s11] =	ssyncset.done $0x0  }
0x1a: {  	[sflag:s11] =	ssyncadd.s32 $0xFFFFD880  }
.LBB2_1:
0x1b: {  	[spmem:s10], [sflag:s6] =	dma.local [hbm:s5], $0x2780  }
0x1c: {  	_ =	swait.ge [sflag:s11], $0x2780  }
0x1d: {  	[sflag:s11] =	ssyncset.done $0x0  }
0x1e: {  	[sflag:s11] =	ssyncadd.s32 $0xFFFFD880  }
0x1f: {  	[tilespmem:s3], [sflag:$0x4] =	stream.strided.gather [hbm4b:s7+s12], $0x2780, s13, s12, $0x38;
	[tilespmem:$0x1F680] =	vst v63  }
0x20: {  	_ =	swait.ge [sflag:s11], $0x2780  }
0x21: {  	[sflag:s11] =	ssyncset.done $0x0  }
0x22: {  	[sflag:s11] =	ssyncadd.s32 $0xFFFFD880  }
0x23: {  	[bflag:$0x0] =	sbarrier.arrive $0xFFFF  }
0x24: {  	v0 =	vld [tilespmem:$0x0];
	_ =	sdelay $0x1  }
0x25: {  	v1 =	vld [tilespmem:$0x10];
	_ =	sdelay $0x1  }
0x26: {  	v2 =	vld [tilespmem:$0x20]  }
0x27: {  	v3 =	vshrl.u32 v0, $0xF  }
0x28: {  	v17 =	vld [tilespmem:$0x30];
	v0 =	vand.u32 $0x7FFF, v0;
	[tilespmem:$0x2780] =	vst v3  }
0x29: {  	v18 =	vshrl.u32 v1, $0xF;
	[tilespmem:$0x2800] =	vst v0  }
0x2a: {  	v20 =	vld [tilespmem:$0x40];
	v19 =	vand.u32 $0x7FFF, v1;
	[tilespmem:$0x2790] =	vst v18  }
0x2b: {  	v21 =	vshrl.u32 v2, $0xF;
	[tilespmem:$0x2810] =	vst v19  }
0x2c: {  	v23 =	vld [tilespmem:$0x50];
	v22 =	vand.u32 $0x7FFF, v2;
	[tilespmem:$0x27A0] =	vst v21  }
0x2d: {  	v24 =	vshrl.u32 v17, $0xF;
	[tilespmem:$0x2820] =	vst v22  }
0x2e: {  	v25 =	vand.u32 $0x7FFF, v17;
	[tilespmem:$0x27B0] =	vst v24  }
0x2f: {  	v26 =	vshrl.u32 v20, $0xF;
	[tilespmem:$0x2830] =	vst v25  }
0x30: {  	v27 =	vand.u32 $0x7FFF, v20;
	[tilespmem:$0x27C0] =	vst v26  }
0x31: {  	v28 =	vshrl.u32 v23, $0xF;
	[tilespmem:$0x2840] =	vst v27  }
0x32: {  	v29 =	vand.u32 $0x7FFF, v23;
	[tilespmem:$0x27D0] =	vst v28  }
0x33: {  	[tilespmem:$0x2850] =	vst v29  }
0x34: {  	[tilespmem:s16], [sflag:$0x1] =	stream.indirect.gather [hbm4b:s4+s14], $0x80, s15, s14, $0xb8;
	[tilespmem:$0x1F680] =	vst v63  }
0x35: {  	v30 =	vld [tilespmem:$0x60];
	_ =	sdelay $0x1  }
0x36: {  	v31 =	vld [tilespmem:$0x70];
	_ =	sdelay $0x1  }
0x37: {  	v32 =	vld [tilespmem:$0x80]  }
0x38: {  	v33 =	vshrl.u32 v30, $0xF  }
0x39: {  	v34 =	vld [tilespmem:$0x90];
	v0 =	vand.u32 $0x7FFF, v30;
	[tilespmem:$0x2880] =	vst v33  }
0x3a: {  	v35 =	vshrl.u32 v31, $0xF;
	[tilespmem:$0x2900] =	vst v0  }
0x3b: {  	v37 =	vld [tilespmem:$0xA0];
	v36 =	vand.u32 $0x7FFF, v31;
	[tilespmem:$0x2890] =	vst v35  }
0x3c: {  	v38 =	vshrl.u32 v32, $0xF;
	[tilespmem:$0x2910] =	vst v36  }
0x3d: {  	v40 =	vld [tilespmem:$0xB0];
	v39 =	vand.u32 $0x7FFF, v32;
	[tilespmem:$0x28A0] =	vst v38  }
0x3e: {  	v41 =	vshrl.u32 v34, $0xF;
	[tilespmem:$0x2920] =	vst v39  }
0x3f: {  	v42 =	vand.u32 $0x7FFF, v34;
	[tilespmem:$0x28B0] =	vst v41  }
0x40: {  	v43 =	vshrl.u32 v37, $0xF;
	[tilespmem:$0x2930] =	vst v42  }
0x41: {  	v44 =	vand.u32 $0x7FFF, v37;
	[tilespmem:$0x28C0] =	vst v43  }
0x42: {  	v45 =	vshrl.u32 v40, $0xF;
	[tilespmem:$0x2940] =	vst v44  }
0x43: {  	v46 =	vand.u32 $0x7FFF, v40;
	[tilespmem:$0x28D0] =	vst v45  }
0x44: {  	[tilespmem:$0x2950] =	vst v46  }
0x45: {  	[tilespmem:s18], [sflag:$0x2] =	stream.indirect.gather [hbm4b:s4+s14], $0x80, s17, s14, $0xb8;
	[tilespmem:$0x1F680] =	vst v63  }
0x46: {  	v47 =	vld [tilespmem:$0xC0];
	_ =	sdelay $0x1  }
0x47: {  	v48 =	vld [tilespmem:$0xD0];
	_ =	sdelay $0x1  }
0x48: {  	v49 =	vld [tilespmem:$0xE0]  }
0x49: {  	v50 =	vshrl.u32 v47, $0xF  }
0x4a: {  	v51 =	vld [tilespmem:$0xF0];
	v0 =	vand.u32 $0x7FFF, v47;
	[tilespmem:$0x2980] =	vst v50  }
0x4b: {  	v52 =	vshrl.u32 v48, $0xF;
	[tilespmem:$0x2A00] =	vst v0  }
0x4c: {  	v54 =	vld [tilespmem:$0x100];
	v53 =	vand.u32 $0x7FFF, v48;
	[tilespmem:$0x2990] =	vst v52  }
0x4d: {  	v55 =	vshrl.u32 v49, $0xF;
	[tilespmem:$0x2A10] =	vst v53  }
0x4e: {  	v57 =	vld [tilespmem:$0x110];
	v56 =	vand.u32 $0x7FFF, v49;
	[tilespmem:$0x29A0] =	vst v55  }
0x4f: {  	v58 =	vshrl.u32 v51, $0xF;
	[tilespmem:$0x2A20] =	vst v56  }
0x50: {  	v59 =	vand.u32 $0x7FFF, v51;
	[tilespmem:$0x29B0] =	vst v58  }
0x51: {  	v60 =	vshrl.u32 v54, $0xF;
	[tilespmem:$0x2A30] =	vst v59  }
0x52: {  	v61 =	vand.u32 $0x7FFF, v54;
	[tilespmem:$0x29C0] =	vst v60  }
0x53: {  	v62 =	vshrl.u32 v57, $0xF;
	[tilespmem:$0x2A40] =	vst v61  }
0x54: {  	v63 =	vand.u32 $0x7FFF, v57;
	[tilespmem:$0x29D0] =	vst v62  }
0x55: {  	s29 =	simm.s32 $0x230;
	s30 =	simm.s32 $0x0;
	[tilespmem:$0x2A50] =	vst v63  }
0x56: {  	[tilespmem:s20], [sflag:$0x3] =	stream.indirect.gather [hbm4b:s4+s14], $0x80, s19, s14, $0xb8;
	[tilespmem:$0x1F680] =	vst v63  }
.LBB2_2:
0x57: {  	_ =	swait.ge [sflag:s21], $0x3000  }
0x58: {  	p0 =	seq.s32 s30, $0x2640;
	[sflag:s21] =	ssyncset.done $0x0  }
.Ltmp2:
0x59: {  	[sflag:s21] =	ssyncadd.s32 $0xFFFFD000;
	(pc) =	sbr.rel @!p0 .LBB2_3-.Ltmp2, $4  }
0x5a: {  	[spmem:s2] =	stream.indirect.scatter.add.f32 [tilespmem:s16], [sflag:$0x4], $0x80, s22, s14, $0xb8;
	[tilespmem:$0x1F680] =	vst v63  }
0x5b: {  	_ =	swait.ge [sflag:s11], $0x3000  }
0x5c: {  	[sflag:s11] =	ssyncset.done $0x0  }
0x5d: {  	[sflag:s11] =	ssyncadd.s32 $0xFFFFD000  }
0x5e: {  	_ =	swait.ge [sflag:s23], $0x3000  }
0x5f: {  	[sflag:s23] =	ssyncset.done $0x0  }
.Ltmp3:
0x60: {  	[sflag:s23] =	ssyncadd.s32 $0xFFFFD000;
	(pc) =	sbr.rel .LBB2_5-.Ltmp3, $4  }
0x61: {  	[spmem:s2] =	stream.indirect.scatter.add.f32 [tilespmem:s18], [sflag:$0x4], $0x80, s24, s14, $0xb8;
	[tilespmem:$0x1F680] =	vst v63  }
0x62: {  	_ =	swait.ge [sflag:s11], $0x3000  }
0x63: {  	[sflag:s11] =	ssyncset.done $0x0  }
0x64: {  	[sflag:s11] =	ssyncadd.s32 $0xFFFFD000  }
.LBB2_3:
0x65: {  	v0 =	vld [tilespmem:s29+$0xFFFFFEF0];
	_ =	sdelay $0x4  }
0x66: {  	v1 =	vshrl.u32 v0, $0xF  }
0x67: {  	v0 =	vand.u32 $0x7FFF, v0;
	[tilespmem:$0x2780] =	vst v1  }
0x68: {  	[tilespmem:$0x2800] =	vst v0  }
0x69: {  	v0 =	vld [tilespmem:s29+$0xFFFFFF00];
	_ =	sdelay $0x4  }
0x6a: {  	v52 =	vshrl.u32 v0, $0xF  }
0x6b: {  	v0 =	vand.u32 $0x7FFF, v0;
	[tilespmem:$0x2790] =	vst v52  }
0x6c: {  	[tilespmem:$0x2810] =	vst v0  }
0x6d: {  	v0 =	vld [tilespmem:s29+$0xFFFFFF10];
	_ =	sdelay $0x4  }
0x6e: {  	v53 =	vshrl.u32 v0, $0xF  }
0x6f: {  	v0 =	vand.u32 $0x7FFF, v0;
	[tilespmem:$0x27A0] =	vst v53  }
0x70: {  	[tilespmem:$0x2820] =	vst v0  }
0x71: {  	v0 =	vld [tilespmem:s29+$0xFFFFFF20];
	_ =	sdelay $0x4  }
0x72: {  	v54 =	vshrl.u32 v0, $0xF  }
0x73: {  	v0 =	vand.u32 $0x7FFF, v0;
	[tilespmem:$0x27B0] =	vst v54  }
0x74: {  	[tilespmem:$0x2830] =	vst v0  }
0x75: {  	v0 =	vld [tilespmem:s29+$0xFFFFFF30];
	_ =	sdelay $0x4  }
0x76: {  	v55 =	vshrl.u32 v0, $0xF  }
0x77: {  	v0 =	vand.u32 $0x7FFF, v0;
	[tilespmem:$0x27C0] =	vst v55  }
0x78: {  	[tilespmem:$0x2840] =	vst v0  }
0x79: {  	v0 =	vld [tilespmem:s29+$0xFFFFFF40];
	_ =	sdelay $0x4  }
0x7a: {  	v56 =	vshrl.u32 v0, $0xF  }
0x7b: {  	v0 =	vand.u32 $0x7FFF, v0;
	[tilespmem:$0x27D0] =	vst v56  }
0x7c: {  	[tilespmem:$0x2850] =	vst v0  }
0x7d: {  	[tilespmem:s16], [sflag:$0x1] =	stream.indirect.gather [hbm4b:s4+s14], $0x80, s15, s14, $0xb8;
	[tilespmem:$0x1F680] =	vst v63  }
0x7e: {  	_ =	swait.ge [sflag:s23], $0x3000  }
0x7f: {  	[sflag:s23] =	ssyncset.done $0x0  }
0x80: {  	[sflag:s23] =	ssyncadd.s32 $0xFFFFD000  }
0x81: {  	[spmem:s2] =	stream.indirect.scatter.add.f32 [tilespmem:s18], [sflag:$0x4], $0x80, s24, s14, $0xb8;
	[tilespmem:$0x1F680] =	vst v63  }
0x82: {  	_ =	swait.ge [sflag:s11], $0x3000  }
0x83: {  	[sflag:s11] =	ssyncset.done $0x0  }
0x84: {  	s31 =	sand.u32 $0x7FE0, s30;
	[sflag:s11] =	ssyncadd.s32 $0xFFFFD000  }
0x85: {  	v57 =	vld [tilespmem:s31+$0x180];
	_ =	sdelay $0x4  }
0x86: {  	v58 =	vshrl.u32 v57, $0xF  }
0x87: {  	v0 =	vand.u32 $0x7FFF, v57;
	[tilespmem:$0x2880] =	vst v58  }
0x88: {  	[tilespmem:$0x2900] =	vst v0  }
0x89: {  	v0 =	vld [tilespmem:s29+$0xFFFFFF60];
	_ =	sdelay $0x4  }
0x8a: {  	v59 =	vshrl.u32 v0, $0xF  }
0x8b: {  	v0 =	vand.u32 $0x7FFF, v0;
	[tilespmem:$0x2890] =	vst v59  }
0x8c: {  	[tilespmem:$0x2910] =	vst v0  }
0x8d: {  	v0 =	vld [tilespmem:s29+$0xFFFFFF70];
	_ =	sdelay $0x4  }
0x8e: {  	v60 =	vshrl.u32 v0, $0xF  }
0x8f: {  	v0 =	vand.u32 $0x7FFF, v0;
	[tilespmem:$0x28A0] =	vst v60  }
0x90: {  	[tilespmem:$0x2920] =	vst v0  }
0x91: {  	v0 =	vld [tilespmem:s29+$0xFFFFFF80];
	_ =	sdelay $0x4  }
0x92: {  	v61 =	vshrl.u32 v0, $0xF  }
0x93: {  	v0 =	vand.u32 $0x7FFF, v0;
	[tilespmem:$0x28B0] =	vst v61  }
0x94: {  	[tilespmem:$0x2930] =	vst v0  }
0x95: {  	v0 =	vld [tilespmem:s29+$0xFFFFFF90];
	_ =	sdelay $0x4  }
0x96: {  	v62 =	vshrl.u32 v0, $0xF  }
0x97: {  	v0 =	vand.u32 $0x7FFF, v0;
	[tilespmem:$0x28C0] =	vst v62  }
0x98: {  	[tilespmem:$0x2940] =	vst v0  }
0x99: {  	v0 =	vld [tilespmem:s29+$0xFFFFFFA0];
	_ =	sdelay $0x4  }
0x9a: {  	v63 =	vshrl.u32 v0, $0xF  }
0x9b: {  	v0 =	vand.u32 $0x7FFF, v0;
	[tilespmem:$0x28D0] =	vst v63  }
0x9c: {  	[tilespmem:$0x2950] =	vst v0  }
0x9d: {  	[tilespmem:s18], [sflag:$0x2] =	stream.indirect.gather [hbm4b:s4+s14], $0x80, s17, s14, $0xb8;
	[tilespmem:$0x1F680] =	vst v63  }
.LBB2_5:
0x9e: {  	_ =	swait.ge [sflag:s25], $0x3000  }
0x9f: {  	[sflag:s25] =	ssyncset.done $0x0  }
.Ltmp4:
0xa0: {  	[sflag:s25] =	ssyncadd.s32 $0xFFFFD000;
	(pc) =	sbr.rel @p0 .LBB2_7-.Ltmp4, $4  }
0xa1: {  	[spmem:s2] =	stream.indirect.scatter.add.f32 [tilespmem:s20], [sflag:$0x4], $0x80, s26, s14, $0xb8;
	[tilespmem:$0x1F680] =	vst v63  }
0xa2: {  	_ =	swait.ge [sflag:s11], $0x3000  }
0xa3: {  	[sflag:s11] =	ssyncset.done $0x0  }
0xa4: {  	[sflag:s11] =	ssyncadd.s32 $0xFFFFD000  }
0xa5: {  	v0 =	vld [tilespmem:s29+$0xFFFFFFB0];
	_ =	sdelay $0x4  }
0xa6: {  	v1 =	vshrl.u32 v0, $0xF  }
0xa7: {  	v0 =	vand.u32 $0x7FFF, v0;
	[tilespmem:$0x2980] =	vst v1  }
0xa8: {  	[tilespmem:$0x2A00] =	vst v0  }
0xa9: {  	v0 =	vld [tilespmem:s29+$0xFFFFFFC0];
	_ =	sdelay $0x4  }
0xaa: {  	v59 =	vshrl.u32 v0, $0xF  }
0xab: {  	v0 =	vand.u32 $0x7FFF, v0;
	[tilespmem:$0x2990] =	vst v59  }
0xac: {  	s31 =	sand.u32 $0x7FE0, s30;
	[tilespmem:$0x2A10] =	vst v0  }
0xad: {  	v0 =	vld [tilespmem:s31+$0x200];
	_ =	sdelay $0x4  }
0xae: {  	v60 =	vshrl.u32 v0, $0xF  }
0xaf: {  	v0 =	vand.u32 $0x7FFF, v0;
	[tilespmem:$0x29A0] =	vst v60  }
0xb0: {  	[tilespmem:$0x2A20] =	vst v0  }
0xb1: {  	v0 =	vld [tilespmem:s29+$0xFFFFFFE0];
	_ =	sdelay $0x4  }
0xb2: {  	v61 =	vshrl.u32 v0, $0xF  }
0xb3: {  	v0 =	vand.u32 $0x7FFF, v0;
	[tilespmem:$0x29B0] =	vst v61  }
0xb4: {  	[tilespmem:$0x2A30] =	vst v0  }
0xb5: {  	v0 =	vld [tilespmem:s29+$0xFFFFFFF0];
	_ =	sdelay $0x4  }
0xb6: {  	v62 =	vshrl.u32 v0, $0xF  }
0xb7: {  	v0 =	vand.u32 $0x7FFF, v0;
	[tilespmem:$0x29C0] =	vst v62  }
0xb8: {  	[tilespmem:$0x2A40] =	vst v0  }
0xb9: {  	v0 =	vld [tilespmem:s29+$0x0];
	_ =	sdelay $0x3  }
.Ltmp5:
0xba: {  	_ = 	snop;
	(pc) =	sbr.rel .LBB2_2-.Ltmp5, $4  }
0xbb: {  	v63 =	vshrl.u32 v0, $0xF  }
0xbc: {  	v0 =	vand.u32 $0x7FFF, v0;
	[tilespmem:$0x29D0] =	vst v63  }
0xbd: {  	s30 =	sadd.s32 $0x120, s30;
	s29 =	sadd.s32 $0x120, s29;
	[tilespmem:$0x2A50] =	vst v0  }
0xbe: {  	[tilespmem:s20], [sflag:$0x3] =	stream.indirect.gather [hbm4b:s4+s14], $0x80, s19, s14, $0xb8;
	[tilespmem:$0x1F680] =	vst v63  }
.LBB2_8:
0xbf: {  	_ =	sfence.sel $0x180000  }
0xc0: {  	[bflag:$0x0] =	sbarrier.arrive $0xFFFF  }
0xc1: {  	p0 =	sne.s32 s0, $0x0;
	_ =	strace $0x9000004A  }
0xc2: {  	s0 =	sadd.s32 @!p0 $0x100000, s1;
	[bflag:$0x2] =	sbarrier.arrive $0xFFFF  }
0xc3: {  	[sflag:s0] =	ssyncadd.tile.s32 @!p0 $0x1;
	_ =	shalt  }
.Lfunc_end2:
_tile_overlayer_lowered:
.L_overlay_start_2:
0xc4: {  	(tag) =	ssettag $0x2  }
0xc5: {  	s0 =	rddreg [dreg:$0x0];
	s2 =	stileid.u32  }
0xc6: {  	s1 =	rddreg [dreg:$0x1];
	p0 =	sne.s32 s2, $0x0  }
0xc7: {  	s3 =	rddreg [dreg:$0x2];
	[bflag:$0x3] =	sbarrier.arrive $0xFFFF;
	s2 =	simm.s32 @!p0 $0x1C04  }
0xc8: {  	[timem:s3], [sflag:s2] =	dma.local @!p0 [hbm:s0], s1  }
0xc9: {  	s0 =	simm.s32 @!p0 $0x4  }
0xca: {  	_ =	swait.ge @!p0 [sflag:s0], s1  }
0xcb: {  	s1 =	ssub.s32 @!p0 $0x0, s1;
	[sflag:s0] =	ssyncset.done @!p0 $0x0  }
0xcc: {  	[sflag:s0] =	ssyncadd.s32 @!p0 s1  }
0xcd: {  	[bflag:$0x3] =	sbarrier.arrive $0xFFFF  }
0xce: {  	_ =	shalt  }

// kernel: kernel.16.cloned.1.call-start
scs
__scs_entry_jumppad:
0x0: {  	(pc) =	sbr.rel $0x88, $3  }
0x1: {  	(tag) =	ssettag $0x0;
	lr =	simm.s32 $0x1  }
0x2: {  	[smem:$0x3F98] =	sst lr;
	_ =	strace $0xD0000000  }
0x3: {  	_ = 	snop  }
0x4: {  	_ = 	snop  }
0x5: {  	_ = 	snop  }
0x6: {  	_ = 	snop  }
0x7: {  	_ = 	snop  }
__scs_overlays_trampoline_lowered:
0x8: {  	[smem:$0x3FA7] =	sst s0  }
0x9: {  	[smem:$0x3FA8] =	sst s1  }
0xa: {  	[smem:$0x3FA9] =	sst s2  }
0xb: {  	[smem:$0x3FAA] =	sst s3  }
0xc: {  	[smem:$0x3FAB] =	sst s4  }
0xd: {  	[smem:$0x3FAC] =	sst s5  }
0xe: {  	[smem:$0x3FAD] =	sst s6  }
0xf: {  	[smem:$0x3FAE] =	sst s7  }
0x10: {  	[smem:$0x3FAF] =	sst s8  }
0x11: {  	[smem:$0x3FB0] =	sst s9;
	s0 =	simm.s32 @!p0 $0x0  }
0x12: {  	s1 =	sld [smem:$0x3F96];
	s0 =	simm.s32 @p0 $0x1  }
0x13: {  	[smem:$0x3FB1] =	sst s0;
	s0 =	simm.s32 @!p1 $0x0  }
0x14: {  	s2 =	sld [smem:$0x3F95];
	s0 =	simm.s32 @p1 $0x1  }
0x15: {  	[smem:$0x3FB2] =	sst s0;
	s0 =	simm.s32 @!p2 $0x0  }
0x16: {  	s3 =	sld [smem:$0x3FDB];
	s0 =	simm.s32 @p2 $0x1  }
0x17: {  	s4 =	simm.s32 $0x1BF5;
	[smem:$0x3FB4] =	sst s0  }
0x18: {  	s0 =	sld [smem:$0x3F97];
	_ =	swait.ge [sflag:s4], $0x0  }
0x19: {  	s7 =	sld [smem:$0x3F98]  }
0x1a: {  	s8 =	sadd.s32 $0xFFFFE003, lr  }
0x1b: {  	s9 =	sadd.s32 $0xFFFFFEF7, lr;
	s5 =	simm.s32 $0xFFFFFFFF;
	p2 =	slt.u32 s8, $0xFFFFF086  }
0x1c: {  	p1 =	slt.u32 s9, $0xF7A;
	s5 =	simm.s32 @!p2 $0x0  }
0x1d: {  	s5 =	simm.s32 @p1 $0x1;
	p0 =	seq.s32 s7, s2  }
0x1e: {  	s7 =	smul.u32 @!p0 $0xF7A, s2;
	p2 =	seq.s32 @!p0 s5, $0x0  }
0x1f: {  	s9 =	smul.u32 $0xF7A, s1;
	s8 =	simm.s32 @!p0 $0x1BF5;
	p2 =	por !p2, p0  }
0x20: {  	[sflag:s8] =	ssyncset.s32 @!p0 $0xFFFFF086;
	s6 =	sadd.s32 @!p0 s3, s7;
	s7 =	simm.s32 @!p0 $0x108  }
0x21: {  	s3 =	sadd.s32 s3, s9;
	s6 =	sadd.s32 @!p0 $0x88, s6;
	s7 =	simm.s32 @p2 $0x1082  }
0x22: {  	[simem:s7], [sflag:s8] =	dma.local @!p0 [hbm:s6], $0xF7A  }
0x23: {  	s9 =	sor.u32 $0xD0000000, s2;
	s6 =	simm.s32 $0x108;
	_ =	swait.ge @!p0 [sflag:s8], $0x0  }
0x24: {  	s3 =	sadd.s32 $0x88, s3;
	s6 =	simm.s32 @!p1 $0x1082;
	[sflag:s4] =	ssyncset.s32 $0xFFFFF086  }
0x25: {  	[simem:s6], [sflag:s4] =	dma.local [hbm:s3], $0xF7A  }
0x26: {  	[smem:$0x3F98] =	sst s1;
	(tag) =	ssettag s2;
	_ =	strace s9  }
0x27: {  	s1 =	sld [smem:$0x3FA8]  }
0x28: {  	s2 =	sld [smem:$0x3FA9]  }
0x29: {  	s4 =	sld [smem:$0x3FAB]  }
0x2a: {  	p0 =	seq.s32 s5, $0x0;
	s5 =	sld [smem:$0x3FAC]  }
0x2b: {  	s6 =	sld [smem:$0x3FAD]  }
0x2c: {  	s7 =	sld [smem:$0x3FAE]  }
0x2d: {  	s3 =	simm.s32 $0x108;
	s8 =	sld [smem:$0x3FAF]  }
0x2e: {  	s3 =	simm.s32 @!p0 $0x1082;
	s9 =	sld [smem:$0x3FB0]  }
0x2f: {  	lr =	sadd.s32 s0, s3;
	s0 =	sld [smem:$0x3FA7]  }
0x30: {  	s3 =	sld [smem:$0x3FAA]  }
0x31: {  	[smem:$0x3FB3] =	sst s10  }
0x32: {  	s10 =	sld [smem:$0x3FB1];
	_ =	sdelay $0x3  }
0x33: {  	p0 =	seq.s32 s10, $0x1;
	s10 =	sld [smem:$0x3FB3];
	_ =	sdelay $0x3  }
0x34: {  	[smem:$0x3FB3] =	sst s10  }
0x35: {  	s10 =	sld [smem:$0x3FB2];
	_ =	sdelay $0x3  }
0x36: {  	p1 =	seq.s32 s10, $0x1;
	s10 =	sld [smem:$0x3FB3];
	_ =	sdelay $0x3  }
0x37: {  	[smem:$0x3FB3] =	sst s10  }
0x38: {  	s10 =	sld [smem:$0x3FB4]  }
0x39: {  	_ = 	snop;
	(pc) =	sbr.ind lr, $3  }
0x3a: {  	_ = 	snop  }
0x3b: {  	_ = 	snop  }
0x3c: {  	p2 =	seq.s32 s10, $0x1;
	s10 =	sld [smem:$0x3FB3]  }
0x3d: {  	_ =	shalt  }
0x3e: {  	_ =	shalt  }
0x3f: {  	_ =	shalt  }
0x40: {  	_ =	shalt  }
0x41: {  	_ =	shalt  }
0x42: {  	_ =	shalt  }
0x43: {  	_ =	shalt  }
0x44: {  	_ =	shalt  }
0x45: {  	_ =	shalt  }
0x46: {  	_ =	shalt  }
0x47: {  	_ =	shalt  }
0x48: {  	_ =	shalt  }
0x49: {  	_ =	shalt  }
0x4a: {  	_ =	shalt  }
0x4b: {  	_ =	shalt  }
0x4c: {  	_ =	shalt  }
0x4d: {  	_ =	shalt  }
0x4e: {  	_ =	shalt  }
0x4f: {  	_ =	shalt  }
0x50: {  	_ =	shalt  }
0x51: {  	_ =	shalt  }
0x52: {  	_ =	shalt  }
0x53: {  	_ =	shalt  }
0x54: {  	_ =	shalt  }
0x55: {  	_ =	shalt  }
0x56: {  	_ =	shalt  }
0x57: {  	_ =	shalt  }
0x58: {  	_ =	shalt  }
0x59: {  	_ =	shalt  }
0x5a: {  	_ =	shalt  }
0x5b: {  	_ =	shalt  }
0x5c: {  	_ =	shalt  }
0x5d: {  	_ =	shalt  }
0x5e: {  	_ =	shalt  }
0x5f: {  	_ =	shalt  }
0x60: {  	_ =	shalt  }
0x61: {  	_ =	shalt  }
0x62: {  	_ =	shalt  }
0x63: {  	_ =	shalt  }
0x64: {  	_ =	shalt  }
0x65: {  	_ =	shalt  }
0x66: {  	_ =	shalt  }
0x67: {  	_ =	shalt  }
0x68: {  	_ =	shalt  }
0x69: {  	_ =	shalt  }
0x6a: {  	_ =	shalt  }
0x6b: {  	_ =	shalt  }
0x6c: {  	_ =	shalt  }
0x6d: {  	_ =	shalt  }
0x6e: {  	_ =	shalt  }
0x6f: {  	_ =	shalt  }
0x70: {  	_ =	shalt  }
0x71: {  	_ =	shalt  }
0x72: {  	_ =	shalt  }
0x73: {  	_ =	shalt  }
0x74: {  	_ =	shalt  }
0x75: {  	_ =	shalt  }
0x76: {  	_ =	shalt  }
0x77: {  	_ =	shalt  }
0x78: {  	_ =	shalt  }
0x79: {  	_ =	shalt  }
0x7a: {  	_ =	shalt  }
0x7b: {  	_ =	shalt  }
0x7c: {  	_ =	shalt  }
0x7d: {  	_ =	shalt  }
0x7e: {  	_ =	shalt  }
0x7f: {  	_ =	shalt  }
0x80: {  	_ =	shalt  }
0x81: {  	_ =	shalt  }
0x82: {  	_ =	shalt  }
0x83: {  	_ =	shalt  }
0x84: {  	_ =	shalt  }
0x85: {  	_ =	shalt  }
0x86: {  	_ =	shalt  }
0x87: {  	_ =	shalt  }
.Lfunc_end0:
.L_simem_size_0:
called_computation.2_lowered:
.L_overlay_start_0:
0x88: {  	s2 =	sld [smem:$0x3FD9]  }
0x89: {  	s3 =	sld [smem:$0x3FFE];
	_ =	sdelay $0x1  }
0x8a: {  	s1 =	srdreg.scid  }
0x8b: {  	s0 =	sand.u32 $0x1, s1  }
0x8c: {  	s16 =	sshll.u32 s0, $0xA;
	s2 =	sadd.s32 s3, s2  }
0x8d: {  	s2 =	sadd.s32 s2, s16  }
0x8e: {  	[smem:$0x3FBF] =	sst s2  }
0x8f: {  	_ = 	snop  }
0x90: {  	(tm) =	ssettm $0x1  }
0x91: {  	s17 =	sld [smem:$0x3FFB];
	_ =	sdelay $0x3  }
0x92: {  	_ =	strace s17  }
0x93: {  	s2 =	sld [smem:$0x3FFC];
	_ =	sdelay $0x3  }
0x94: {  	_ =	strace s2  }
0x95: {  	s2 =	sld [smem:$0x3FFD];
	_ =	sdelay $0x3  }
0x96: {  	_ =	strace s2  }
0x97: {  	_ =	strace $0x8FFFFFFF  }
0x98: {  	s18 =	sld [smem:$0x3FDB];
	_ =	sdelay $0x1  }
0x99: {  	s19 =	simm.s32 $_scs_section_size  }
0x9a: {  	s4 =	simm.s32 $_size__tile_overlayer_lowered;
	s5 =	simm.s32 $_tile_overlayer_lowered  }
0x9b: {  	s22 =	simm.s32 $0x1BFF;
	s21 =	sshll.u32 s5, $0x1;
	s2 =	sadd.s32 s19, s18  }
0x9c: {  	s6 =	simm.s32 $0x0;
	s20 =	sshll.u32 s4, $0x1;
	s4 =	sadd.s32 s21, s2  }
0x9d: {  	[timem:s6], [sflag:s22] =	dma.local [hbm:s4], s20  }
0x9e: {  	_ =	swait.ge [sflag:s22], s20  }
0x9f: {  	s3 =	ssub.s32 $0x0, s20;
	[sflag:s22] =	ssyncset.done $0x0  }
0xa0: {  	[sflag:s22] =	ssyncadd.s32 s3;
	_ =	sdelay $0x1  }
0xa1: {  	s23 =	simm.s32 $0x1B8B  }
0xa2: {  	_ =	swait.ge [sflag:s23], $0x1  }
0xa3: {  	[sflag:s23] =	ssyncset.done $0x0  }
0xa4: {  	s25 =	simm.s32 $0x1B8E;
	s24 =	sld [smem:$0x3FFE];
	[sflag:s23] =	ssyncadd.s32 $0xFFFFFFFF  }
0xa5: {  	s26 =	simm.s32 $execute0_lowered;
	[smem:$0x3FD2] =	sst s25  }
0xa6: {  	s4 =	sshll.u32 s26, $0x1;
	_ =	strace $0x8000004C;
	[dreg:$0x1] =	wrdreg $0xFFFFFFFF  }
0xa7: {  	s28 =	simm.s32 $_size_execute0_lowered;
	s2 =	sadd.s32 s2, s4;
	[dreg:$0x0] =	wrdreg $0x0  }
0xa8: {  	s4 =	sshll.u32 s28, $0x1;
	[dreg:$0x2] =	wrdreg s2  }
0xa9: {  	[dreg:$0x3] =	wrdreg s4  }
0xaa: {  	[dreg:$0x4] =	wrdreg $0xC0  }
0xab: {  	_ =	task [dreg:s6], $0x5FFFF  }
0xac: {  	[dreg:$0x1] =	wrdreg $0xFFFFFFFF  }
0xad: {  	[dreg:$0x0] =	wrdreg $0x60  }
0xae: {  	[dreg:$0x2] =	wrdreg s24  }
0xaf: {  	[dreg:$0x3] =	wrdreg $0xBA800  }
0xb0: {  	[dreg:$0x4] =	wrdreg $0x9  }
0xb1: {  	_ =	task.clear_ibuf [dreg:s6], $0x5FFFF;
	_ =	strace $0x9000004C  }
0xb2: {  	s29 =	simm.s32 $0x9;
	_ =	strace $0x8000004E  }
0xb3: {  	_ =	swait.ge [sflag:s29], $0x1  }
0xb4: {  	[sflag:s29] =	ssyncadd.s32 $0xFFFFFFFF  }
0xb5: {  	_ =	strace $0x9000004E  }
0xb6: {  	_ =	sfence  }
0xb7: {  	s30 =	sld [smem:$0x0];
	_ =	sdelay $0x2  }
0xb8: {  	s31 =	sshll.u32 s1, $0xD;
	s1 =	sshrl.u32 s1, $0x2  }
0xb9: {  	s3 =	sand.u32 $0x4000, s31;
	s1 =	sadd.s32 s1, s30  }
0xba: {  	s0 =	sor.u32 s3, s0;
	s1 =	sshll.u32 s1, $0x11  }
0xbb: {  	s0 =	sor.u32 s1, s0  }
0xbc: {  	s0 =	sadd.s32 $0x8F2B, s0  }
0xbd: {  	[sflag:s0] =	ssyncadd.remote.s32 $0x1  }
0xbe: {  	_ =	sfence.sel $0xFFFF  }
0xbf: {  	[dreg:$0x0] =	wrdreg $0xFFFFFFFF;
	(pc) =	sbr.abs _section_cstart, $3  }
0xc0: {  	[dreg:$0x1] =	wrdreg $0xFFFFFFFF  }
0xc1: {  	_ =	task.clear_ibuf [dreg:s6], $0x2FFFF;
	_ =	strace $0x9FFFFFFF  }
0xc2: {  	(tm) =	ssettm $0x7FFFFFFF  }
0xc3: {  	_ =	shalt  }
tec
execute0_lowered:
.L_overlay_start_1:
0x0: {  	(tag) =	ssettag $0x1  }
0x1: {  	s7 =	rddreg [dreg:$0x0]  }
0x2: {  	s0 =	srdreg.scid;
	s2 =	rddreg [dreg:$0x1];
	s13 =	simm.s32 $0x400  }
0x3: {  	s14 =	simm.s32 $0x60;
	s15 =	simm.s32 $0x2780;
	s16 =	simm.s32 $0x2A80  }
0x4: {  	s17 =	simm.s32 $0x2880;
	s18 =	simm.s32 $0x5A80;
	s19 =	simm.s32 $0x2980  }
0x5: {  	s20 =	simm.s32 $0x8A80;
	s21 =	simm.s32 $0x1;
	s22 =	simm.s32 $0x2800  }
0x6: {  	s23 =	simm.s32 $0x2;
	s24 =	simm.s32 $0x2900;
	s6 =	sand.u32 $0x1, s0  }
0x7: {  	s25 =	simm.s32 $0x3;
	s0 =	stileid.u32;
	s8 =	smul.u32 $0x13C000, s6  }
0x8: {  	s26 =	simm.s32 $0x2A00;
	s28 =	simm.s32 $0x0;
	s9 =	smul.u32 $0x13C00, s0  }
0x9: {  	s1 =	sshll.u32 s6, $0x4;
	s5 =	sshll.u32 s0, $0x7;
	s10 =	smul.u32 $0x4F000, s0  }
0xa: {  	s6 =	ssub.s32 $0x2, s6;
	s11 =	sshll.u32 s0, $0x6;
	s1 =	sor.u32 s0, s1  }
0xb: {  	s5 =	sand.u32 $0x380, s5;
	s31 =	sshrl.u32 s6, $0x1;
	s3 =	sshrl.u32 s1, $0x3  }
0xc: {  	s1 =	rddreg [dreg:$0x2];
	s8 =	sadd.s32 s9, s8;
	s10 =	sshrl.u32 s10, $0x2  }
0xd: {  	s12 =	ssub.s32 s6, s31;
	s6 =	sor.u32 $0x1C04, s11;
	s11 =	simm.s32 $0x4  }
0xe: {  	s4 =	smul.u32 $0x13C00, s3;
	s3 =	simm.s32 $0x0;
	s8 =	sshrl.u32 s8, $0x3  }
.Ltmp0:
0xf: {  	s10 =	sadd.s32 s10, s2;
	s9 =	smax.u32 s12, $0x1;
	(pc) =	sbr.rel .LBB2_1-.Ltmp0, $4  }
0x10: {  	s12 =	simm.s32 $0x80;
	[smem:$0x7FF] =	sst s3;
	s5 =	sor.u32 s5, s4  }
0x11: {  	s8 =	sadd.s32 s8, s7;
	s10 =	sshrl.u32 s10, $0x3;
	s5 =	sshrl.u32 s5, $0x3  }
0x12: {  	_ =	strace $0x8000004D;
	s4 =	sadd.s32 $0x6D800, s7;
	s30 =	sadd.s32 s5, s7  }
0x13: {  	s8 =	sadd.s32 $0x95800, s8;
	s5 =	sadd.s32 $0x5000, s7;
	s7 =	sadd.s32 $0x13A00, s30  }
.LBB2_7:
0x14: {  	s28 =	sadd.s32 $0x1, s28  }
0x15: {  	p0 =	sne.s32 s28, s9  }
.Ltmp1:
0x16: {  	[bflag:$0x0] =	sbarrier.arrive $0xFFFF;
	(pc) =	sbr.rel @!p0 .LBB2_8-.Ltmp1, $4  }
0x17: {  	[hbm:s8], [sflag:s6] =	dma.local [spmem:s10], $0x2780  }
0x18: {  	_ =	swait.ge [sflag:s11], $0x2780  }
0x19: {  	[sflag:s11] =	ssyncset.done $0x0  }
0x1a: {  	[sflag:s11] =	ssyncadd.s32 $0xFFFFD880  }
.LBB2_1:
0x1b: {  	[spmem:s10], [sflag:s6] =	dma.local [hbm:s5], $0x2780  }
0x1c: {  	_ =	swait.ge [sflag:s11], $0x2780  }
0x1d: {  	[sflag:s11] =	ssyncset.done $0x0  }
0x1e: {  	[sflag:s11] =	ssyncadd.s32 $0xFFFFD880  }
0x1f: {  	[tilespmem:s3], [sflag:$0x4] =	stream.strided.gather [hbm4b:s7+s12], $0x2780, s13, s12, $0x38;
	[tilespmem:$0x1F680] =	vst v63  }
0x20: {  	_ =	swait.ge [sflag:s11], $0x2780  }
0x21: {  	[sflag:s11] =	ssyncset.done $0x0  }
0x22: {  	[sflag:s11] =	ssyncadd.s32 $0xFFFFD880  }
0x23: {  	[bflag:$0x0] =	sbarrier.arrive $0xFFFF  }
0x24: {  	v0 =	vld [tilespmem:$0x0];
	_ =	sdelay $0x1  }
0x25: {  	v1 =	vld [tilespmem:$0x10];
	_ =	sdelay $0x1  }
0x26: {  	v2 =	vld [tilespmem:$0x20]  }
0x27: {  	v3 =	vshrl.u32 v0, $0xF  }
0x28: {  	v17 =	vld [tilespmem:$0x30];
	v0 =	vand.u32 $0x7FFF, v0;
	[tilespmem:$0x2780] =	vst v3  }
0x29: {  	v18 =	vshrl.u32 v1, $0xF;
	[tilespmem:$0x2800] =	vst v0  }
0x2a: {  	v20 =	vld [tilespmem:$0x40];
	v19 =	vand.u32 $0x7FFF, v1;
	[tilespmem:$0x2790] =	vst v18  }
0x2b: {  	v21 =	vshrl.u32 v2, $0xF;
	[tilespmem:$0x2810] =	vst v19  }
0x2c: {  	v23 =	vld [tilespmem:$0x50];
	v22 =	vand.u32 $0x7FFF, v2;
	[tilespmem:$0x27A0] =	vst v21  }
0x2d: {  	v24 =	vshrl.u32 v17, $0xF;
	[tilespmem:$0x2820] =	vst v22  }
0x2e: {  	v25 =	vand.u32 $0x7FFF, v17;
	[tilespmem:$0x27B0] =	vst v24  }
0x2f: {  	v26 =	vshrl.u32 v20, $0xF;
	[tilespmem:$0x2830] =	vst v25  }
0x30: {  	v27 =	vand.u32 $0x7FFF, v20;
	[tilespmem:$0x27C0] =	vst v26  }
0x31: {  	v28 =	vshrl.u32 v23, $0xF;
	[tilespmem:$0x2840] =	vst v27  }
0x32: {  	v29 =	vand.u32 $0x7FFF, v23;
	[tilespmem:$0x27D0] =	vst v28  }
0x33: {  	[tilespmem:$0x2850] =	vst v29  }
0x34: {  	[tilespmem:s16], [sflag:$0x1] =	stream.indirect.gather [hbm4b:s4+s14], $0x80, s15, s14, $0xb8;
	[tilespmem:$0x1F680] =	vst v63  }
0x35: {  	v30 =	vld [tilespmem:$0x60];
	_ =	sdelay $0x1  }
0x36: {  	v31 =	vld [tilespmem:$0x70];
	_ =	sdelay $0x1  }
0x37: {  	v32 =	vld [tilespmem:$0x80]  }
0x38: {  	v33 =	vshrl.u32 v30, $0xF  }
0x39: {  	v34 =	vld [tilespmem:$0x90];
	v0 =	vand.u32 $0x7FFF, v30;
	[tilespmem:$0x2880] =	vst v33  }
0x3a: {  	v35 =	vshrl.u32 v31, $0xF;
	[tilespmem:$0x2900] =	vst v0  }
0x3b: {  	v37 =	vld [tilespmem:$0xA0];
	v36 =	vand.u32 $0x7FFF, v31;
	[tilespmem:$0x2890] =	vst v35  }
0x3c: {  	v38 =	vshrl.u32 v32, $0xF;
	[tilespmem:$0x2910] =	vst v36  }
0x3d: {  	v40 =	vld [tilespmem:$0xB0];
	v39 =	vand.u32 $0x7FFF, v32;
	[tilespmem:$0x28A0] =	vst v38  }
0x3e: {  	v41 =	vshrl.u32 v34, $0xF;
	[tilespmem:$0x2920] =	vst v39  }
0x3f: {  	v42 =	vand.u32 $0x7FFF, v34;
	[tilespmem:$0x28B0] =	vst v41  }
0x40: {  	v43 =	vshrl.u32 v37, $0xF;
	[tilespmem:$0x2930] =	vst v42  }
0x41: {  	v44 =	vand.u32 $0x7FFF, v37;
	[tilespmem:$0x28C0] =	vst v43  }
0x42: {  	v45 =	vshrl.u32 v40, $0xF;
	[tilespmem:$0x2940] =	vst v44  }
0x43: {  	v46 =	vand.u32 $0x7FFF, v40;
	[tilespmem:$0x28D0] =	vst v45  }
0x44: {  	[tilespmem:$0x2950] =	vst v46  }
0x45: {  	[tilespmem:s18], [sflag:$0x2] =	stream.indirect.gather [hbm4b:s4+s14], $0x80, s17, s14, $0xb8;
	[tilespmem:$0x1F680] =	vst v63  }
0x46: {  	v47 =	vld [tilespmem:$0xC0];
	_ =	sdelay $0x1  }
0x47: {  	v48 =	vld [tilespmem:$0xD0];
	_ =	sdelay $0x1  }
0x48: {  	v49 =	vld [tilespmem:$0xE0]  }
0x49: {  	v50 =	vshrl.u32 v47, $0xF  }
0x4a: {  	v51 =	vld [tilespmem:$0xF0];
	v0 =	vand.u32 $0x7FFF, v47;
	[tilespmem:$0x2980] =	vst v50  }
0x4b: {  	v52 =	vshrl.u32 v48, $0xF;
	[tilespmem:$0x2A00] =	vst v0  }
0x4c: {  	v54 =	vld [tilespmem:$0x100];
	v53 =	vand.u32 $0x7FFF, v48;
	[tilespmem:$0x2990] =	vst v52  }
0x4d: {  	v55 =	vshrl.u32 v49, $0xF;
	[tilespmem:$0x2A10] =	vst v53  }
0x4e: {  	v57 =	vld [tilespmem:$0x110];
	v56 =	vand.u32 $0x7FFF, v49;
	[tilespmem:$0x29A0] =	vst v55  }
0x4f: {  	v58 =	vshrl.u32 v51, $0xF;
	[tilespmem:$0x2A20] =	vst v56  }
0x50: {  	v59 =	vand.u32 $0x7FFF, v51;
	[tilespmem:$0x29B0] =	vst v58  }
0x51: {  	v60 =	vshrl.u32 v54, $0xF;
	[tilespmem:$0x2A30] =	vst v59  }
0x52: {  	v61 =	vand.u32 $0x7FFF, v54;
	[tilespmem:$0x29C0] =	vst v60  }
0x53: {  	v62 =	vshrl.u32 v57, $0xF;
	[tilespmem:$0x2A40] =	vst v61  }
0x54: {  	v63 =	vand.u32 $0x7FFF, v57;
	[tilespmem:$0x29D0] =	vst v62  }
0x55: {  	s29 =	simm.s32 $0x230;
	s30 =	simm.s32 $0x0;
	[tilespmem:$0x2A50] =	vst v63  }
0x56: {  	[tilespmem:s20], [sflag:$0x3] =	stream.indirect.gather [hbm4b:s4+s14], $0x80, s19, s14, $0xb8;
	[tilespmem:$0x1F680] =	vst v63  }
.LBB2_2:
0x57: {  	_ =	swait.ge [sflag:s21], $0x3000  }
0x58: {  	p0 =	seq.s32 s30, $0x2640;
	[sflag:s21] =	ssyncset.done $0x0  }
.Ltmp2:
0x59: {  	[sflag:s21] =	ssyncadd.s32 $0xFFFFD000;
	(pc) =	sbr.rel @!p0 .LBB2_3-.Ltmp2, $4  }
0x5a: {  	[spmem:s2] =	stream.indirect.scatter.add.f32 [tilespmem:s16], [sflag:$0x4], $0x80, s22, s14, $0xb8;
	[tilespmem:$0x1F680] =	vst v63  }
0x5b: {  	_ =	swait.ge [sflag:s11], $0x3000  }
0x5c: {  	[sflag:s11] =	ssyncset.done $0x0  }
0x5d: {  	[sflag:s11] =	ssyncadd.s32 $0xFFFFD000  }
0x5e: {  	_ =	swait.ge [sflag:s23], $0x3000  }
0x5f: {  	[sflag:s23] =	ssyncset.done $0x0  }
.Ltmp3:
0x60: {  	[sflag:s23] =	ssyncadd.s32 $0xFFFFD000;
	(pc) =	sbr.rel .LBB2_5-.Ltmp3, $4  }
0x61: {  	[spmem:s2] =	stream.indirect.scatter.add.f32 [tilespmem:s18], [sflag:$0x4], $0x80, s24, s14, $0xb8;
	[tilespmem:$0x1F680] =	vst v63  }
0x62: {  	_ =	swait.ge [sflag:s11], $0x3000  }
0x63: {  	[sflag:s11] =	ssyncset.done $0x0  }
0x64: {  	[sflag:s11] =	ssyncadd.s32 $0xFFFFD000  }
.LBB2_3:
0x65: {  	v0 =	vld [tilespmem:s29+$0xFFFFFEF0];
	_ =	sdelay $0x4  }
0x66: {  	v1 =	vshrl.u32 v0, $0xF  }
0x67: {  	v0 =	vand.u32 $0x7FFF, v0;
	[tilespmem:$0x2780] =	vst v1  }
0x68: {  	[tilespmem:$0x2800] =	vst v0  }
0x69: {  	v0 =	vld [tilespmem:s29+$0xFFFFFF00];
	_ =	sdelay $0x4  }
0x6a: {  	v52 =	vshrl.u32 v0, $0xF  }
0x6b: {  	v0 =	vand.u32 $0x7FFF, v0;
	[tilespmem:$0x2790] =	vst v52  }
0x6c: {  	[tilespmem:$0x2810] =	vst v0  }
0x6d: {  	v0 =	vld [tilespmem:s29+$0xFFFFFF10];
	_ =	sdelay $0x4  }
0x6e: {  	v53 =	vshrl.u32 v0, $0xF  }
0x6f: {  	v0 =	vand.u32 $0x7FFF, v0;
	[tilespmem:$0x27A0] =	vst v53  }
0x70: {  	[tilespmem:$0x2820] =	vst v0  }
0x71: {  	v0 =	vld [tilespmem:s29+$0xFFFFFF20];
	_ =	sdelay $0x4  }
0x72: {  	v54 =	vshrl.u32 v0, $0xF  }
0x73: {  	v0 =	vand.u32 $0x7FFF, v0;
	[tilespmem:$0x27B0] =	vst v54  }
0x74: {  	[tilespmem:$0x2830] =	vst v0  }
0x75: {  	v0 =	vld [tilespmem:s29+$0xFFFFFF30];
	_ =	sdelay $0x4  }
0x76: {  	v55 =	vshrl.u32 v0, $0xF  }
0x77: {  	v0 =	vand.u32 $0x7FFF, v0;
	[tilespmem:$0x27C0] =	vst v55  }
0x78: {  	[tilespmem:$0x2840] =	vst v0  }
0x79: {  	v0 =	vld [tilespmem:s29+$0xFFFFFF40];
	_ =	sdelay $0x4  }
0x7a: {  	v56 =	vshrl.u32 v0, $0xF  }
0x7b: {  	v0 =	vand.u32 $0x7FFF, v0;
	[tilespmem:$0x27D0] =	vst v56  }
0x7c: {  	[tilespmem:$0x2850] =	vst v0  }
0x7d: {  	[tilespmem:s16], [sflag:$0x1] =	stream.indirect.gather [hbm4b:s4+s14], $0x80, s15, s14, $0xb8;
	[tilespmem:$0x1F680] =	vst v63  }
0x7e: {  	_ =	swait.ge [sflag:s23], $0x3000  }
0x7f: {  	[sflag:s23] =	ssyncset.done $0x0  }
0x80: {  	[sflag:s23] =	ssyncadd.s32 $0xFFFFD000  }
0x81: {  	[spmem:s2] =	stream.indirect.scatter.add.f32 [tilespmem:s18], [sflag:$0x4], $0x80, s24, s14, $0xb8;
	[tilespmem:$0x1F680] =	vst v63  }
0x82: {  	_ =	swait.ge [sflag:s11], $0x3000  }
0x83: {  	[sflag:s11] =	ssyncset.done $0x0  }
0x84: {  	s31 =	sand.u32 $0x7FE0, s30;
	[sflag:s11] =	ssyncadd.s32 $0xFFFFD000  }
0x85: {  	v57 =	vld [tilespmem:s31+$0x180];
	_ =	sdelay $0x4  }
0x86: {  	v58 =	vshrl.u32 v57, $0xF  }
0x87: {  	v0 =	vand.u32 $0x7FFF, v57;
	[tilespmem:$0x2880] =	vst v58  }
0x88: {  	[tilespmem:$0x2900] =	vst v0  }
0x89: {  	v0 =	vld [tilespmem:s29+$0xFFFFFF60];
	_ =	sdelay $0x4  }
0x8a: {  	v59 =	vshrl.u32 v0, $0xF  }
0x8b: {  	v0 =	vand.u32 $0x7FFF, v0;
	[tilespmem:$0x2890] =	vst v59  }
0x8c: {  	[tilespmem:$0x2910] =	vst v0  }
0x8d: {  	v0 =	vld [tilespmem:s29+$0xFFFFFF70];
	_ =	sdelay $0x4  }
0x8e: {  	v60 =	vshrl.u32 v0, $0xF  }
0x8f: {  	v0 =	vand.u32 $0x7FFF, v0;
	[tilespmem:$0x28A0] =	vst v60  }
0x90: {  	[tilespmem:$0x2920] =	vst v0  }
0x91: {  	v0 =	vld [tilespmem:s29+$0xFFFFFF80];
	_ =	sdelay $0x4  }
0x92: {  	v61 =	vshrl.u32 v0, $0xF  }
0x93: {  	v0 =	vand.u32 $0x7FFF, v0;
	[tilespmem:$0x28B0] =	vst v61  }
0x94: {  	[tilespmem:$0x2930] =	vst v0  }
0x95: {  	v0 =	vld [tilespmem:s29+$0xFFFFFF90];
	_ =	sdelay $0x4  }
0x96: {  	v62 =	vshrl.u32 v0, $0xF  }
0x97: {  	v0 =	vand.u32 $0x7FFF, v0;
	[tilespmem:$0x28C0] =	vst v62  }
0x98: {  	[tilespmem:$0x2940] =	vst v0  }
0x99: {  	v0 =	vld [tilespmem:s29+$0xFFFFFFA0];
	_ =	sdelay $0x4  }
0x9a: {  	v63 =	vshrl.u32 v0, $0xF  }
0x9b: {  	v0 =	vand.u32 $0x7FFF, v0;
	[tilespmem:$0x28D0] =	vst v63  }
0x9c: {  	[tilespmem:$0x2950] =	vst v0  }
0x9d: {  	[tilespmem:s18], [sflag:$0x2] =	stream.indirect.gather [hbm4b:s4+s14], $0x80, s17, s14, $0xb8;
	[tilespmem:$0x1F680] =	vst v63  }
.LBB2_5:
0x9e: {  	_ =	swait.ge [sflag:s25], $0x3000  }
0x9f: {  	[sflag:s25] =	ssyncset.done $0x0  }
.Ltmp4:
0xa0: {  	[sflag:s25] =	ssyncadd.s32 $0xFFFFD000;
	(pc) =	sbr.rel @p0 .LBB2_7-.Ltmp4, $4  }
0xa1: {  	[spmem:s2] =	stream.indirect.scatter.add.f32 [tilespmem:s20], [sflag:$0x4], $0x80, s26, s14, $0xb8;
	[tilespmem:$0x1F680] =	vst v63  }
0xa2: {  	_ =	swait.ge [sflag:s11], $0x3000  }
0xa3: {  	[sflag:s11] =	ssyncset.done $0x0  }
0xa4: {  	[sflag:s11] =	ssyncadd.s32 $0xFFFFD000  }
0xa5: {  	v0 =	vld [tilespmem:s29+$0xFFFFFFB0];
	_ =	sdelay $0x4  }
0xa6: {  	v1 =	vshrl.u32 v0, $0xF  }
0xa7: {  	v0 =	vand.u32 $0x7FFF, v0;
	[tilespmem:$0x2980] =	vst v1  }
0xa8: {  	[tilespmem:$0x2A00] =	vst v0  }
0xa9: {  	v0 =	vld [tilespmem:s29+$0xFFFFFFC0];
	_ =	sdelay $0x4  }
0xaa: {  	v59 =	vshrl.u32 v0, $0xF  }
0xab: {  	v0 =	vand.u32 $0x7FFF, v0;
	[tilespmem:$0x2990] =	vst v59  }
0xac: {  	s31 =	sand.u32 $0x7FE0, s30;
	[tilespmem:$0x2A10] =	vst v0  }
0xad: {  	v0 =	vld [tilespmem:s31+$0x200];
	_ =	sdelay $0x4  }
0xae: {  	v60 =	vshrl.u32 v0, $0xF  }
0xaf: {  	v0 =	vand.u32 $0x7FFF, v0;
	[tilespmem:$0x29A0] =	vst v60  }
0xb0: {  	[tilespmem:$0x2A20] =	vst v0  }
0xb1: {  	v0 =	vld [tilespmem:s29+$0xFFFFFFE0];
	_ =	sdelay $0x4  }
0xb2: {  	v61 =	vshrl.u32 v0, $0xF  }
0xb3: {  	v0 =	vand.u32 $0x7FFF, v0;
	[tilespmem:$0x29B0] =	vst v61  }
0xb4: {  	[tilespmem:$0x2A30] =	vst v0  }
0xb5: {  	v0 =	vld [tilespmem:s29+$0xFFFFFFF0];
	_ =	sdelay $0x4  }
0xb6: {  	v62 =	vshrl.u32 v0, $0xF  }
0xb7: {  	v0 =	vand.u32 $0x7FFF, v0;
	[tilespmem:$0x29C0] =	vst v62  }
0xb8: {  	[tilespmem:$0x2A40] =	vst v0  }
0xb9: {  	v0 =	vld [tilespmem:s29+$0x0];
	_ =	sdelay $0x3  }
.Ltmp5:
0xba: {  	_ = 	snop;
	(pc) =	sbr.rel .LBB2_2-.Ltmp5, $4  }
0xbb: {  	v63 =	vshrl.u32 v0, $0xF  }
0xbc: {  	v0 =	vand.u32 $0x7FFF, v0;
	[tilespmem:$0x29D0] =	vst v63  }
0xbd: {  	s30 =	sadd.s32 $0x120, s30;
	s29 =	sadd.s32 $0x120, s29;
	[tilespmem:$0x2A50] =	vst v0  }
0xbe: {  	[tilespmem:s20], [sflag:$0x3] =	stream.indirect.gather [hbm4b:s4+s14], $0x80, s19, s14, $0xb8;
	[tilespmem:$0x1F680] =	vst v63  }
.LBB2_8:
0xbf: {  	_ =	sfence.sel $0x180000  }
0xc0: {  	[bflag:$0x0] =	sbarrier.arrive $0xFFFF  }
0xc1: {  	p0 =	sne.s32 s0, $0x0;
	_ =	strace $0x9000004D  }
0xc2: {  	s0 =	sadd.s32 @!p0 $0x100000, s1;
	[bflag:$0x2] =	sbarrier.arrive $0xFFFF  }
0xc3: {  	[sflag:s0] =	ssyncadd.tile.s32 @!p0 $0x1;
	_ =	shalt  }
.Lfunc_end2:
_tile_overlayer_lowered:
.L_overlay_start_2:
0xc4: {  	(tag) =	ssettag $0x2  }
0xc5: {  	s0 =	rddreg [dreg:$0x0];
	s2 =	stileid.u32  }
0xc6: {  	s1 =	rddreg [dreg:$0x1];
	p0 =	sne.s32 s2, $0x0  }
0xc7: {  	s3 =	rddreg [dreg:$0x2];
	[bflag:$0x3] =	sbarrier.arrive $0xFFFF;
	s2 =	simm.s32 @!p0 $0x1C04  }
0xc8: {  	[timem:s3], [sflag:s2] =	dma.local @!p0 [hbm:s0], s1  }
0xc9: {  	s0 =	simm.s32 @!p0 $0x4  }
0xca: {  	_ =	swait.ge @!p0 [sflag:s0], s1  }
0xcb: {  	s1 =	ssub.s32 @!p0 $0x0, s1;
	[sflag:s0] =	ssyncset.done @!p0 $0x0  }
0xcc: {  	[sflag:s0] =	ssyncadd.s32 @!p0 s1  }
0xcd: {  	[bflag:$0x3] =	sbarrier.arrive $0xFFFF  }
0xce: {  	_ =	shalt  }

// kernel: kernel.19.cloned.1.call-start
scs
__scs_entry_jumppad:
0x0: {  	(pc) =	sbr.rel $0x88, $3  }
0x1: {  	(tag) =	ssettag $0x0;
	lr =	simm.s32 $0x1  }
0x2: {  	[smem:$0x3F98] =	sst lr;
	_ =	strace $0xD0000000  }
0x3: {  	_ = 	snop  }
0x4: {  	_ = 	snop  }
0x5: {  	_ = 	snop  }
0x6: {  	_ = 	snop  }
0x7: {  	_ = 	snop  }
__scs_overlays_trampoline_lowered:
0x8: {  	[smem:$0x3FA7] =	sst s0  }
0x9: {  	[smem:$0x3FA8] =	sst s1  }
0xa: {  	[smem:$0x3FA9] =	sst s2  }
0xb: {  	[smem:$0x3FAA] =	sst s3  }
0xc: {  	[smem:$0x3FAB] =	sst s4  }
0xd: {  	[smem:$0x3FAC] =	sst s5  }
0xe: {  	[smem:$0x3FAD] =	sst s6  }
0xf: {  	[smem:$0x3FAE] =	sst s7  }
0x10: {  	[smem:$0x3FAF] =	sst s8  }
0x11: {  	[smem:$0x3FB0] =	sst s9;
	s0 =	simm.s32 @!p0 $0x0  }
0x12: {  	s1 =	sld [smem:$0x3F96];
	s0 =	simm.s32 @p0 $0x1  }
0x13: {  	[smem:$0x3FB1] =	sst s0;
	s0 =	simm.s32 @!p1 $0x0  }
0x14: {  	s2 =	sld [smem:$0x3F95];
	s0 =	simm.s32 @p1 $0x1  }
0x15: {  	[smem:$0x3FB2] =	sst s0;
	s0 =	simm.s32 @!p2 $0x0  }
0x16: {  	s3 =	sld [smem:$0x3FDB];
	s0 =	simm.s32 @p2 $0x1  }
0x17: {  	s4 =	simm.s32 $0x1BF5;
	[smem:$0x3FB4] =	sst s0  }
0x18: {  	s0 =	sld [smem:$0x3F97];
	_ =	swait.ge [sflag:s4], $0x0  }
0x19: {  	s7 =	sld [smem:$0x3F98]  }
0x1a: {  	s8 =	sadd.s32 $0xFFFFE003, lr  }
0x1b: {  	s9 =	sadd.s32 $0xFFFFFEF7, lr;
	s5 =	simm.s32 $0xFFFFFFFF;
	p2 =	slt.u32 s8, $0xFFFFF086  }
0x1c: {  	p1 =	slt.u32 s9, $0xF7A;
	s5 =	simm.s32 @!p2 $0x0  }
0x1d: {  	s5 =	simm.s32 @p1 $0x1;
	p0 =	seq.s32 s7, s2  }
0x1e: {  	s7 =	smul.u32 @!p0 $0xF7A, s2;
	p2 =	seq.s32 @!p0 s5, $0x0  }
0x1f: {  	s9 =	smul.u32 $0xF7A, s1;
	s8 =	simm.s32 @!p0 $0x1BF5;
	p2 =	por !p2, p0  }
0x20: {  	[sflag:s8] =	ssyncset.s32 @!p0 $0xFFFFF086;
	s6 =	sadd.s32 @!p0 s3, s7;
	s7 =	simm.s32 @!p0 $0x108  }
0x21: {  	s3 =	sadd.s32 s3, s9;
	s6 =	sadd.s32 @!p0 $0x88, s6;
	s7 =	simm.s32 @p2 $0x1082  }
0x22: {  	[simem:s7], [sflag:s8] =	dma.local @!p0 [hbm:s6], $0xF7A  }
0x23: {  	s9 =	sor.u32 $0xD0000000, s2;
	s6 =	simm.s32 $0x108;
	_ =	swait.ge @!p0 [sflag:s8], $0x0  }
0x24: {  	s3 =	sadd.s32 $0x88, s3;
	s6 =	simm.s32 @!p1 $0x1082;
	[sflag:s4] =	ssyncset.s32 $0xFFFFF086  }
0x25: {  	[simem:s6], [sflag:s4] =	dma.local [hbm:s3], $0xF7A  }
0x26: {  	[smem:$0x3F98] =	sst s1;
	(tag) =	ssettag s2;
	_ =	strace s9  }
0x27: {  	s1 =	sld [smem:$0x3FA8]  }
0x28: {  	s2 =	sld [smem:$0x3FA9]  }
0x29: {  	s4 =	sld [smem:$0x3FAB]  }
0x2a: {  	p0 =	seq.s32 s5, $0x0;
	s5 =	sld [smem:$0x3FAC]  }
0x2b: {  	s6 =	sld [smem:$0x3FAD]  }
0x2c: {  	s7 =	sld [smem:$0x3FAE]  }
0x2d: {  	s3 =	simm.s32 $0x108;
	s8 =	sld [smem:$0x3FAF]  }
0x2e: {  	s3 =	simm.s32 @!p0 $0x1082;
	s9 =	sld [smem:$0x3FB0]  }
0x2f: {  	lr =	sadd.s32 s0, s3;
	s0 =	sld [smem:$0x3FA7]  }
0x30: {  	s3 =	sld [smem:$0x3FAA]  }
0x31: {  	[smem:$0x3FB3] =	sst s10  }
0x32: {  	s10 =	sld [smem:$0x3FB1];
	_ =	sdelay $0x3  }
0x33: {  	p0 =	seq.s32 s10, $0x1;
	s10 =	sld [smem:$0x3FB3];
	_ =	sdelay $0x3  }
0x34: {  	[smem:$0x3FB3] =	sst s10  }
0x35: {  	s10 =	sld [smem:$0x3FB2];
	_ =	sdelay $0x3  }
0x36: {  	p1 =	seq.s32 s10, $0x1;
	s10 =	sld [smem:$0x3FB3];
	_ =	sdelay $0x3  }
0x37: {  	[smem:$0x3FB3] =	sst s10  }
0x38: {  	s10 =	sld [smem:$0x3FB4]  }
0x39: {  	_ = 	snop;
	(pc) =	sbr.ind lr, $3  }
0x3a: {  	_ = 	snop  }
0x3b: {  	_ = 	snop  }
0x3c: {  	p2 =	seq.s32 s10, $0x1;
	s10 =	sld [smem:$0x3FB3]  }
0x3d: {  	_ =	shalt  }
0x3e: {  	_ =	shalt  }
0x3f: {  	_ =	shalt  }
0x40: {  	_ =	shalt  }
0x41: {  	_ =	shalt  }
0x42: {  	_ =	shalt  }
0x43: {  	_ =	shalt  }
0x44: {  	_ =	shalt  }
0x45: {  	_ =	shalt  }
0x46: {  	_ =	shalt  }
0x47: {  	_ =	shalt  }
0x48: {  	_ =	shalt  }
0x49: {  	_ =	shalt  }
0x4a: {  	_ =	shalt  }
0x4b: {  	_ =	shalt  }
0x4c: {  	_ =	shalt  }
0x4d: {  	_ =	shalt  }
0x4e: {  	_ =	shalt  }
0x4f: {  	_ =	shalt  }
0x50: {  	_ =	shalt  }
0x51: {  	_ =	shalt  }
0x52: {  	_ =	shalt  }
0x53: {  	_ =	shalt  }
0x54: {  	_ =	shalt  }
0x55: {  	_ =	shalt  }
0x56: {  	_ =	shalt  }
0x57: {  	_ =	shalt  }
0x58: {  	_ =	shalt  }
0x59: {  	_ =	shalt  }
0x5a: {  	_ =	shalt  }
0x5b: {  	_ =	shalt  }
0x5c: {  	_ =	shalt  }
0x5d: {  	_ =	shalt  }
0x5e: {  	_ =	shalt  }
0x5f: {  	_ =	shalt  }
0x60: {  	_ =	shalt  }
0x61: {  	_ =	shalt  }
0x62: {  	_ =	shalt  }
0x63: {  	_ =	shalt  }
0x64: {  	_ =	shalt  }
0x65: {  	_ =	shalt  }
0x66: {  	_ =	shalt  }
0x67: {  	_ =	shalt  }
0x68: {  	_ =	shalt  }
0x69: {  	_ =	shalt  }
0x6a: {  	_ =	shalt  }
0x6b: {  	_ =	shalt  }
0x6c: {  	_ =	shalt  }
0x6d: {  	_ =	shalt  }
0x6e: {  	_ =	shalt  }
0x6f: {  	_ =	shalt  }
0x70: {  	_ =	shalt  }
0x71: {  	_ =	shalt  }
0x72: {  	_ =	shalt  }
0x73: {  	_ =	shalt  }
0x74: {  	_ =	shalt  }
0x75: {  	_ =	shalt  }
0x76: {  	_ =	shalt  }
0x77: {  	_ =	shalt  }
0x78: {  	_ =	shalt  }
0x79: {  	_ =	shalt  }
0x7a: {  	_ =	shalt  }
0x7b: {  	_ =	shalt  }
0x7c: {  	_ =	shalt  }
0x7d: {  	_ =	shalt  }
0x7e: {  	_ =	shalt  }
0x7f: {  	_ =	shalt  }
0x80: {  	_ =	shalt  }
0x81: {  	_ =	shalt  }
0x82: {  	_ =	shalt  }
0x83: {  	_ =	shalt  }
0x84: {  	_ =	shalt  }
0x85: {  	_ =	shalt  }
0x86: {  	_ =	shalt  }
0x87: {  	_ =	shalt  }
.Lfunc_end0:
.L_simem_size_0:
called_computation.3_lowered:
.L_overlay_start_0:
0x88: {  	s2 =	sld [smem:$0x3FD9]  }
0x89: {  	s3 =	sld [smem:$0x3FFE];
	_ =	sdelay $0x1  }
0x8a: {  	s1 =	srdreg.scid  }
0x8b: {  	s0 =	sand.u32 $0x1, s1  }
0x8c: {  	s16 =	sshll.u32 s0, $0xA;
	s2 =	sadd.s32 s3, s2  }
0x8d: {  	s2 =	sadd.s32 s2, s16  }
0x8e: {  	[smem:$0x3FBF] =	sst s2  }
0x8f: {  	_ = 	snop  }
0x90: {  	(tm) =	ssettm $0x1  }
0x91: {  	s17 =	sld [smem:$0x3FFB];
	_ =	sdelay $0x3  }
0x92: {  	_ =	strace s17  }
0x93: {  	s2 =	sld [smem:$0x3FFC];
	_ =	sdelay $0x3  }
0x94: {  	_ =	strace s2  }
0x95: {  	s2 =	sld [smem:$0x3FFD];
	_ =	sdelay $0x3  }
0x96: {  	_ =	strace s2  }
0x97: {  	_ =	strace $0x8FFFFFFF  }
0x98: {  	s18 =	sld [smem:$0x3FDB];
	_ =	sdelay $0x1  }
0x99: {  	s19 =	simm.s32 $_scs_section_size  }
0x9a: {  	s4 =	simm.s32 $_size__tile_overlayer_lowered;
	s5 =	simm.s32 $_tile_overlayer_lowered  }
0x9b: {  	s22 =	simm.s32 $0x1BFF;
	s21 =	sshll.u32 s5, $0x1;
	s2 =	sadd.s32 s19, s18  }
0x9c: {  	s6 =	simm.s32 $0x0;
	s20 =	sshll.u32 s4, $0x1;
	s4 =	sadd.s32 s21, s2  }
0x9d: {  	[timem:s6], [sflag:s22] =	dma.local [hbm:s4], s20  }
0x9e: {  	_ =	swait.ge [sflag:s22], s20  }
0x9f: {  	s3 =	ssub.s32 $0x0, s20;
	[sflag:s22] =	ssyncset.done $0x0  }
0xa0: {  	[sflag:s22] =	ssyncadd.s32 s3;
	_ =	sdelay $0x1  }
0xa1: {  	s23 =	simm.s32 $0x1B8B  }
0xa2: {  	_ =	swait.ge [sflag:s23], $0x1  }
0xa3: {  	[sflag:s23] =	ssyncset.done $0x0  }
0xa4: {  	s25 =	simm.s32 $0x1B8E;
	s24 =	sld [smem:$0x3FFE];
	[sflag:s23] =	ssyncadd.s32 $0xFFFFFFFF  }
0xa5: {  	s26 =	simm.s32 $execute0_lowered;
	[smem:$0x3FD2] =	sst s25  }
0xa6: {  	s4 =	sshll.u32 s26, $0x1;
	_ =	strace $0x8000004F;
	[dreg:$0x1] =	wrdreg $0xFFFFFFFF  }
0xa7: {  	s28 =	simm.s32 $_size_execute0_lowered;
	s2 =	sadd.s32 s2, s4;
	[dreg:$0x0] =	wrdreg $0x0  }
0xa8: {  	s4 =	sshll.u32 s28, $0x1;
	[dreg:$0x2] =	wrdreg s2  }
0xa9: {  	[dreg:$0x3] =	wrdreg s4  }
0xaa: {  	[dreg:$0x4] =	wrdreg $0xC0  }
0xab: {  	_ =	task [dreg:s6], $0x5FFFF  }
0xac: {  	[dreg:$0x1] =	wrdreg $0xFFFFFFFF  }
0xad: {  	[dreg:$0x0] =	wrdreg $0x60  }
0xae: {  	[dreg:$0x2] =	wrdreg s24  }
0xaf: {  	[dreg:$0x3] =	wrdreg $0xBA800  }
0xb0: {  	[dreg:$0x4] =	wrdreg $0x9  }
0xb1: {  	_ =	task.clear_ibuf [dreg:s6], $0x5FFFF;
	_ =	strace $0x9000004F  }
0xb2: {  	s29 =	simm.s32 $0x9;
	_ =	strace $0x80000051  }
0xb3: {  	_ =	swait.ge [sflag:s29], $0x1  }
0xb4: {  	[sflag:s29] =	ssyncadd.s32 $0xFFFFFFFF  }
0xb5: {  	_ =	strace $0x90000051  }
0xb6: {  	_ =	sfence  }
0xb7: {  	s30 =	sld [smem:$0x0];
	_ =	sdelay $0x2  }
0xb8: {  	s31 =	sshll.u32 s1, $0xD;
	s1 =	sshrl.u32 s1, $0x2  }
0xb9: {  	s3 =	sand.u32 $0x4000, s31;
	s1 =	sadd.s32 s1, s30  }
0xba: {  	s0 =	sor.u32 s3, s0;
	s1 =	sshll.u32 s1, $0x11  }
0xbb: {  	s0 =	sor.u32 s1, s0  }
0xbc: {  	s0 =	sadd.s32 $0x8F2B, s0  }
0xbd: {  	[sflag:s0] =	ssyncadd.remote.s32 $0x1  }
0xbe: {  	_ =	sfence.sel $0xFFFF  }
0xbf: {  	[dreg:$0x0] =	wrdreg $0xFFFFFFFF;
	(pc) =	sbr.abs _section_cstart, $3  }
0xc0: {  	[dreg:$0x1] =	wrdreg $0xFFFFFFFF  }
0xc1: {  	_ =	task.clear_ibuf [dreg:s6], $0x2FFFF;
	_ =	strace $0x9FFFFFFF  }
0xc2: {  	(tm) =	ssettm $0x7FFFFFFF  }
0xc3: {  	_ =	shalt  }
tec
execute0_lowered:
.L_overlay_start_1:
0x0: {  	(tag) =	ssettag $0x1  }
0x1: {  	s7 =	rddreg [dreg:$0x0]  }
0x2: {  	s0 =	srdreg.scid;
	s2 =	rddreg [dreg:$0x1];
	s13 =	simm.s32 $0x400  }
0x3: {  	s14 =	simm.s32 $0x60;
	s15 =	simm.s32 $0x2780;
	s16 =	simm.s32 $0x2A80  }
0x4: {  	s17 =	simm.s32 $0x2880;
	s18 =	simm.s32 $0x5A80;
	s19 =	simm.s32 $0x2980  }
0x5: {  	s20 =	simm.s32 $0x8A80;
	s21 =	simm.s32 $0x1;
	s22 =	simm.s32 $0x2800  }
0x6: {  	s23 =	simm.s32 $0x2;
	s24 =	simm.s32 $0x2900;
	s6 =	sand.u32 $0x1, s0  }
0x7: {  	s25 =	simm.s32 $0x3;
	s0 =	stileid.u32;
	s8 =	smul.u32 $0x13C000, s6  }
0x8: {  	s26 =	simm.s32 $0x2A00;
	s28 =	simm.s32 $0x0;
	s9 =	smul.u32 $0x13C00, s0  }
0x9: {  	s1 =	sshll.u32 s6, $0x4;
	s5 =	sshll.u32 s0, $0x7;
	s10 =	smul.u32 $0x4F000, s0  }
0xa: {  	s6 =	ssub.s32 $0x2, s6;
	s11 =	sshll.u32 s0, $0x6;
	s1 =	sor.u32 s0, s1  }
0xb: {  	s5 =	sand.u32 $0x380, s5;
	s31 =	sshrl.u32 s6, $0x1;
	s3 =	sshrl.u32 s1, $0x3  }
0xc: {  	s1 =	rddreg [dreg:$0x2];
	s8 =	sadd.s32 s9, s8;
	s10 =	sshrl.u32 s10, $0x2  }
0xd: {  	s12 =	ssub.s32 s6, s31;
	s6 =	sor.u32 $0x1C04, s11;
	s11 =	simm.s32 $0x4  }
0xe: {  	s4 =	smul.u32 $0x13C00, s3;
	s3 =	simm.s32 $0x0;
	s8 =	sshrl.u32 s8, $0x3  }
.Ltmp0:
0xf: {  	s10 =	sadd.s32 s10, s2;
	s9 =	smax.u32 s12, $0x1;
	(pc) =	sbr.rel .LBB2_1-.Ltmp0, $4  }
0x10: {  	s12 =	simm.s32 $0x80;
	[smem:$0x7FF] =	sst s3;
	s5 =	sor.u32 s5, s4  }
0x11: {  	s8 =	sadd.s32 s8, s7;
	s10 =	sshrl.u32 s10, $0x3;
	s5 =	sshrl.u32 s5, $0x3  }
0x12: {  	_ =	strace $0x80000050;
	s4 =	sadd.s32 $0x6D800, s7;
	s30 =	sadd.s32 s5, s7  }
0x13: {  	s8 =	sadd.s32 $0x95800, s8;
	s5 =	sadd.s32 $0x5000, s7;
	s7 =	sadd.s32 $0x13A00, s30  }
.LBB2_7:
0x14: {  	s28 =	sadd.s32 $0x1, s28  }
0x15: {  	p0 =	sne.s32 s28, s9  }
.Ltmp1:
0x16: {  	[bflag:$0x0] =	sbarrier.arrive $0xFFFF;
	(pc) =	sbr.rel @!p0 .LBB2_8-.Ltmp1, $4  }
0x17: {  	[hbm:s8], [sflag:s6] =	dma.local [spmem:s10], $0x2780  }
0x18: {  	_ =	swait.ge [sflag:s11], $0x2780  }
0x19: {  	[sflag:s11] =	ssyncset.done $0x0  }
0x1a: {  	[sflag:s11] =	ssyncadd.s32 $0xFFFFD880  }
.LBB2_1:
0x1b: {  	[spmem:s10], [sflag:s6] =	dma.local [hbm:s5], $0x2780  }
0x1c: {  	_ =	swait.ge [sflag:s11], $0x2780  }
0x1d: {  	[sflag:s11] =	ssyncset.done $0x0  }
0x1e: {  	[sflag:s11] =	ssyncadd.s32 $0xFFFFD880  }
0x1f: {  	[tilespmem:s3], [sflag:$0x4] =	stream.strided.gather [hbm4b:s7+s12], $0x2780, s13, s12, $0x38;
	[tilespmem:$0x1F680] =	vst v63  }
0x20: {  	_ =	swait.ge [sflag:s11], $0x2780  }
0x21: {  	[sflag:s11] =	ssyncset.done $0x0  }
0x22: {  	[sflag:s11] =	ssyncadd.s32 $0xFFFFD880  }
0x23: {  	[bflag:$0x0] =	sbarrier.arrive $0xFFFF  }
0x24: {  	v0 =	vld [tilespmem:$0x0];
	_ =	sdelay $0x1  }
0x25: {  	v1 =	vld [tilespmem:$0x10];
	_ =	sdelay $0x1  }
0x26: {  	v2 =	vld [tilespmem:$0x20]  }
0x27: {  	v3 =	vshrl.u32 v0, $0xF  }
0x28: {  	v17 =	vld [tilespmem:$0x30];
	v0 =	vand.u32 $0x7FFF, v0;
	[tilespmem:$0x2780] =	vst v3  }
0x29: {  	v18 =	vshrl.u32 v1, $0xF;
	[tilespmem:$0x2800] =	vst v0  }
0x2a: {  	v20 =	vld [tilespmem:$0x40];
	v19 =	vand.u32 $0x7FFF, v1;
	[tilespmem:$0x2790] =	vst v18  }
0x2b: {  	v21 =	vshrl.u32 v2, $0xF;
	[tilespmem:$0x2810] =	vst v19  }
0x2c: {  	v23 =	vld [tilespmem:$0x50];
	v22 =	vand.u32 $0x7FFF, v2;
	[tilespmem:$0x27A0] =	vst v21  }
0x2d: {  	v24 =	vshrl.u32 v17, $0xF;
	[tilespmem:$0x2820] =	vst v22  }
0x2e: {  	v25 =	vand.u32 $0x7FFF, v17;
	[tilespmem:$0x27B0] =	vst v24  }
0x2f: {  	v26 =	vshrl.u32 v20, $0xF;
	[tilespmem:$0x2830] =	vst v25  }
0x30: {  	v27 =	vand.u32 $0x7FFF, v20;
	[tilespmem:$0x27C0] =	vst v26  }
0x31: {  	v28 =	vshrl.u32 v23, $0xF;
	[tilespmem:$0x2840] =	vst v27  }
0x32: {  	v29 =	vand.u32 $0x7FFF, v23;
	[tilespmem:$0x27D0] =	vst v28  }
0x33: {  	[tilespmem:$0x2850] =	vst v29  }
0x34: {  	[tilespmem:s16], [sflag:$0x1] =	stream.indirect.gather [hbm4b:s4+s14], $0x80, s15, s14, $0xb8;
	[tilespmem:$0x1F680] =	vst v63  }
0x35: {  	v30 =	vld [tilespmem:$0x60];
	_ =	sdelay $0x1  }
0x36: {  	v31 =	vld [tilespmem:$0x70];
	_ =	sdelay $0x1  }
0x37: {  	v32 =	vld [tilespmem:$0x80]  }
0x38: {  	v33 =	vshrl.u32 v30, $0xF  }
0x39: {  	v34 =	vld [tilespmem:$0x90];
	v0 =	vand.u32 $0x7FFF, v30;
	[tilespmem:$0x2880] =	vst v33  }
0x3a: {  	v35 =	vshrl.u32 v31, $0xF;
	[tilespmem:$0x2900] =	vst v0  }
0x3b: {  	v37 =	vld [tilespmem:$0xA0];
	v36 =	vand.u32 $0x7FFF, v31;
	[tilespmem:$0x2890] =	vst v35  }
0x3c: {  	v38 =	vshrl.u32 v32, $0xF;
	[tilespmem:$0x2910] =	vst v36  }
0x3d: {  	v40 =	vld [tilespmem:$0xB0];
	v39 =	vand.u32 $0x7FFF, v32;
	[tilespmem:$0x28A0] =	vst v38  }
0x3e: {  	v41 =	vshrl.u32 v34, $0xF;
	[tilespmem:$0x2920] =	vst v39  }
0x3f: {  	v42 =	vand.u32 $0x7FFF, v34;
	[tilespmem:$0x28B0] =	vst v41  }
0x40: {  	v43 =	vshrl.u32 v37, $0xF;
	[tilespmem:$0x2930] =	vst v42  }
0x41: {  	v44 =	vand.u32 $0x7FFF, v37;
	[tilespmem:$0x28C0] =	vst v43  }
0x42: {  	v45 =	vshrl.u32 v40, $0xF;
	[tilespmem:$0x2940] =	vst v44  }
0x43: {  	v46 =	vand.u32 $0x7FFF, v40;
	[tilespmem:$0x28D0] =	vst v45  }
0x44: {  	[tilespmem:$0x2950] =	vst v46  }
0x45: {  	[tilespmem:s18], [sflag:$0x2] =	stream.indirect.gather [hbm4b:s4+s14], $0x80, s17, s14, $0xb8;
	[tilespmem:$0x1F680] =	vst v63  }
0x46: {  	v47 =	vld [tilespmem:$0xC0];
	_ =	sdelay $0x1  }
0x47: {  	v48 =	vld [tilespmem:$0xD0];
	_ =	sdelay $0x1  }
0x48: {  	v49 =	vld [tilespmem:$0xE0]  }
0x49: {  	v50 =	vshrl.u32 v47, $0xF  }
0x4a: {  	v51 =	vld [tilespmem:$0xF0];
	v0 =	vand.u32 $0x7FFF, v47;
	[tilespmem:$0x2980] =	vst v50  }
0x4b: {  	v52 =	vshrl.u32 v48, $0xF;
	[tilespmem:$0x2A00] =	vst v0  }
0x4c: {  	v54 =	vld [tilespmem:$0x100];
	v53 =	vand.u32 $0x7FFF, v48;
	[tilespmem:$0x2990] =	vst v52  }
0x4d: {  	v55 =	vshrl.u32 v49, $0xF;
	[tilespmem:$0x2A10] =	vst v53  }
0x4e: {  	v57 =	vld [tilespmem:$0x110];
	v56 =	vand.u32 $0x7FFF, v49;
	[tilespmem:$0x29A0] =	vst v55  }
0x4f: {  	v58 =	vshrl.u32 v51, $0xF;
	[tilespmem:$0x2A20] =	vst v56  }
0x50: {  	v59 =	vand.u32 $0x7FFF, v51;
	[tilespmem:$0x29B0] =	vst v58  }
0x51: {  	v60 =	vshrl.u32 v54, $0xF;
	[tilespmem:$0x2A30] =	vst v59  }
0x52: {  	v61 =	vand.u32 $0x7FFF, v54;
	[tilespmem:$0x29C0] =	vst v60  }
0x53: {  	v62 =	vshrl.u32 v57, $0xF;
	[tilespmem:$0x2A40] =	vst v61  }
0x54: {  	v63 =	vand.u32 $0x7FFF, v57;
	[tilespmem:$0x29D0] =	vst v62  }
0x55: {  	s29 =	simm.s32 $0x230;
	s30 =	simm.s32 $0x0;
	[tilespmem:$0x2A50] =	vst v63  }
0x56: {  	[tilespmem:s20], [sflag:$0x3] =	stream.indirect.gather [hbm4b:s4+s14], $0x80, s19, s14, $0xb8;
	[tilespmem:$0x1F680] =	vst v63  }
.LBB2_2:
0x57: {  	_ =	swait.ge [sflag:s21], $0x3000  }
0x58: {  	p0 =	seq.s32 s30, $0x2640;
	[sflag:s21] =	ssyncset.done $0x0  }
.Ltmp2:
0x59: {  	[sflag:s21] =	ssyncadd.s32 $0xFFFFD000;
	(pc) =	sbr.rel @!p0 .LBB2_3-.Ltmp2, $4  }
0x5a: {  	[spmem:s2] =	stream.indirect.scatter.add.f32 [tilespmem:s16], [sflag:$0x4], $0x80, s22, s14, $0xb8;
	[tilespmem:$0x1F680] =	vst v63  }
0x5b: {  	_ =	swait.ge [sflag:s11], $0x3000  }
0x5c: {  	[sflag:s11] =	ssyncset.done $0x0  }
0x5d: {  	[sflag:s11] =	ssyncadd.s32 $0xFFFFD000  }
0x5e: {  	_ =	swait.ge [sflag:s23], $0x3000  }
0x5f: {  	[sflag:s23] =	ssyncset.done $0x0  }
.Ltmp3:
0x60: {  	[sflag:s23] =	ssyncadd.s32 $0xFFFFD000;
	(pc) =	sbr.rel .LBB2_5-.Ltmp3, $4  }
0x61: {  	[spmem:s2] =	stream.indirect.scatter.add.f32 [tilespmem:s18], [sflag:$0x4], $0x80, s24, s14, $0xb8;
	[tilespmem:$0x1F680] =	vst v63  }
0x62: {  	_ =	swait.ge [sflag:s11], $0x3000  }
0x63: {  	[sflag:s11] =	ssyncset.done $0x0  }
0x64: {  	[sflag:s11] =	ssyncadd.s32 $0xFFFFD000  }
.LBB2_3:
0x65: {  	v0 =	vld [tilespmem:s29+$0xFFFFFEF0];
	_ =	sdelay $0x4  }
0x66: {  	v1 =	vshrl.u32 v0, $0xF  }
0x67: {  	v0 =	vand.u32 $0x7FFF, v0;
	[tilespmem:$0x2780] =	vst v1  }
0x68: {  	[tilespmem:$0x2800] =	vst v0  }
0x69: {  	v0 =	vld [tilespmem:s29+$0xFFFFFF00];
	_ =	sdelay $0x4  }
0x6a: {  	v52 =	vshrl.u32 v0, $0xF  }
0x6b: {  	v0 =	vand.u32 $0x7FFF, v0;
	[tilespmem:$0x2790] =	vst v52  }
0x6c: {  	[tilespmem:$0x2810] =	vst v0  }
0x6d: {  	v0 =	vld [tilespmem:s29+$0xFFFFFF10];
	_ =	sdelay $0x4  }
0x6e: {  	v53 =	vshrl.u32 v0, $0xF  }
0x6f: {  	v0 =	vand.u32 $0x7FFF, v0;
	[tilespmem:$0x27A0] =	vst v53  }
0x70: {  	[tilespmem:$0x2820] =	vst v0  }
0x71: {  	v0 =	vld [tilespmem:s29+$0xFFFFFF20];
	_ =	sdelay $0x4  }
0x72: {  	v54 =	vshrl.u32 v0, $0xF  }
0x73: {  	v0 =	vand.u32 $0x7FFF, v0;
	[tilespmem:$0x27B0] =	vst v54  }
0x74: {  	[tilespmem:$0x2830] =	vst v0  }
0x75: {  	v0 =	vld [tilespmem:s29+$0xFFFFFF30];
	_ =	sdelay $0x4  }
0x76: {  	v55 =	vshrl.u32 v0, $0xF  }
0x77: {  	v0 =	vand.u32 $0x7FFF, v0;
	[tilespmem:$0x27C0] =	vst v55  }
0x78: {  	[tilespmem:$0x2840] =	vst v0  }
0x79: {  	v0 =	vld [tilespmem:s29+$0xFFFFFF40];
	_ =	sdelay $0x4  }
0x7a: {  	v56 =	vshrl.u32 v0, $0xF  }
0x7b: {  	v0 =	vand.u32 $0x7FFF, v0;
	[tilespmem:$0x27D0] =	vst v56  }
0x7c: {  	[tilespmem:$0x2850] =	vst v0  }
0x7d: {  	[tilespmem:s16], [sflag:$0x1] =	stream.indirect.gather [hbm4b:s4+s14], $0x80, s15, s14, $0xb8;
	[tilespmem:$0x1F680] =	vst v63  }
0x7e: {  	_ =	swait.ge [sflag:s23], $0x3000  }
0x7f: {  	[sflag:s23] =	ssyncset.done $0x0  }
0x80: {  	[sflag:s23] =	ssyncadd.s32 $0xFFFFD000  }
0x81: {  	[spmem:s2] =	stream.indirect.scatter.add.f32 [tilespmem:s18], [sflag:$0x4], $0x80, s24, s14, $0xb8;
	[tilespmem:$0x1F680] =	vst v63  }
0x82: {  	_ =	swait.ge [sflag:s11], $0x3000  }
0x83: {  	[sflag:s11] =	ssyncset.done $0x0  }
0x84: {  	s31 =	sand.u32 $0x7FE0, s30;
	[sflag:s11] =	ssyncadd.s32 $0xFFFFD000  }
0x85: {  	v57 =	vld [tilespmem:s31+$0x180];
	_ =	sdelay $0x4  }
0x86: {  	v58 =	vshrl.u32 v57, $0xF  }
0x87: {  	v0 =	vand.u32 $0x7FFF, v57;
	[tilespmem:$0x2880] =	vst v58  }
0x88: {  	[tilespmem:$0x2900] =	vst v0  }
0x89: {  	v0 =	vld [tilespmem:s29+$0xFFFFFF60];
	_ =	sdelay $0x4  }
0x8a: {  	v59 =	vshrl.u32 v0, $0xF  }
0x8b: {  	v0 =	vand.u32 $0x7FFF, v0;
	[tilespmem:$0x2890] =	vst v59  }
0x8c: {  	[tilespmem:$0x2910] =	vst v0  }
0x8d: {  	v0 =	vld [tilespmem:s29+$0xFFFFFF70];
	_ =	sdelay $0x4  }
0x8e: {  	v60 =	vshrl.u32 v0, $0xF  }
0x8f: {  	v0 =	vand.u32 $0x7FFF, v0;
	[tilespmem:$0x28A0] =	vst v60  }
0x90: {  	[tilespmem:$0x2920] =	vst v0  }
0x91: {  	v0 =	vld [tilespmem:s29+$0xFFFFFF80];
	_ =	sdelay $0x4  }
0x92: {  	v61 =	vshrl.u32 v0, $0xF  }
0x93: {  	v0 =	vand.u32 $0x7FFF, v0;
	[tilespmem:$0x28B0] =	vst v61  }
0x94: {  	[tilespmem:$0x2930] =	vst v0  }
0x95: {  	v0 =	vld [tilespmem:s29+$0xFFFFFF90];
	_ =	sdelay $0x4  }
0x96: {  	v62 =	vshrl.u32 v0, $0xF  }
0x97: {  	v0 =	vand.u32 $0x7FFF, v0;
	[tilespmem:$0x28C0] =	vst v62  }
0x98: {  	[tilespmem:$0x2940] =	vst v0  }
0x99: {  	v0 =	vld [tilespmem:s29+$0xFFFFFFA0];
	_ =	sdelay $0x4  }
0x9a: {  	v63 =	vshrl.u32 v0, $0xF  }
0x9b: {  	v0 =	vand.u32 $0x7FFF, v0;
	[tilespmem:$0x28D0] =	vst v63  }
0x9c: {  	[tilespmem:$0x2950] =	vst v0  }
0x9d: {  	[tilespmem:s18], [sflag:$0x2] =	stream.indirect.gather [hbm4b:s4+s14], $0x80, s17, s14, $0xb8;
	[tilespmem:$0x1F680] =	vst v63  }
.LBB2_5:
0x9e: {  	_ =	swait.ge [sflag:s25], $0x3000  }
0x9f: {  	[sflag:s25] =	ssyncset.done $0x0  }
.Ltmp4:
0xa0: {  	[sflag:s25] =	ssyncadd.s32 $0xFFFFD000;
	(pc) =	sbr.rel @p0 .LBB2_7-.Ltmp4, $4  }
0xa1: {  	[spmem:s2] =	stream.indirect.scatter.add.f32 [tilespmem:s20], [sflag:$0x4], $0x80, s26, s14, $0xb8;
	[tilespmem:$0x1F680] =	vst v63  }
0xa2: {  	_ =	swait.ge [sflag:s11], $0x3000  }
0xa3: {  	[sflag:s11] =	ssyncset.done $0x0  }
0xa4: {  	[sflag:s11] =	ssyncadd.s32 $0xFFFFD000  }
0xa5: {  	v0 =	vld [tilespmem:s29+$0xFFFFFFB0];
	_ =	sdelay $0x4  }
0xa6: {  	v1 =	vshrl.u32 v0, $0xF  }
0xa7: {  	v0 =	vand.u32 $0x7FFF, v0;
	[tilespmem:$0x2980] =	vst v1  }
0xa8: {  	[tilespmem:$0x2A00] =	vst v0  }
0xa9: {  	v0 =	vld [tilespmem:s29+$0xFFFFFFC0];
	_ =	sdelay $0x4  }
0xaa: {  	v59 =	vshrl.u32 v0, $0xF  }
0xab: {  	v0 =	vand.u32 $0x7FFF, v0;
	[tilespmem:$0x2990] =	vst v59  }
0xac: {  	s31 =	sand.u32 $0x7FE0, s30;
	[tilespmem:$0x2A10] =	vst v0  }
0xad: {  	v0 =	vld [tilespmem:s31+$0x200];
	_ =	sdelay $0x4  }
0xae: {  	v60 =	vshrl.u32 v0, $0xF  }
0xaf: {  	v0 =	vand.u32 $0x7FFF, v0;
	[tilespmem:$0x29A0] =	vst v60  }
0xb0: {  	[tilespmem:$0x2A20] =	vst v0  }
0xb1: {  	v0 =	vld [tilespmem:s29+$0xFFFFFFE0];
	_ =	sdelay $0x4  }
0xb2: {  	v61 =	vshrl.u32 v0, $0xF  }
0xb3: {  	v0 =	vand.u32 $0x7FFF, v0;
	[tilespmem:$0x29B0] =	vst v61  }
0xb4: {  	[tilespmem:$0x2A30] =	vst v0  }
0xb5: {  	v0 =	vld [tilespmem:s29+$0xFFFFFFF0];
	_ =	sdelay $0x4  }
0xb6: {  	v62 =	vshrl.u32 v0, $0xF  }
0xb7: {  	v0 =	vand.u32 $0x7FFF, v0;
	[tilespmem:$0x29C0] =	vst v62  }
0xb8: {  	[tilespmem:$0x2A40] =	vst v0  }
0xb9: {  	v0 =	vld [tilespmem:s29+$0x0];
	_ =	sdelay $0x3  }
.Ltmp5:
0xba: {  	_ = 	snop;
	(pc) =	sbr.rel .LBB2_2-.Ltmp5, $4  }
0xbb: {  	v63 =	vshrl.u32 v0, $0xF  }
0xbc: {  	v0 =	vand.u32 $0x7FFF, v0;
	[tilespmem:$0x29D0] =	vst v63  }
0xbd: {  	s30 =	sadd.s32 $0x120, s30;
	s29 =	sadd.s32 $0x120, s29;
	[tilespmem:$0x2A50] =	vst v0  }
0xbe: {  	[tilespmem:s20], [sflag:$0x3] =	stream.indirect.gather [hbm4b:s4+s14], $0x80, s19, s14, $0xb8;
	[tilespmem:$0x1F680] =	vst v63  }
.LBB2_8:
0xbf: {  	_ =	sfence.sel $0x180000  }
0xc0: {  	[bflag:$0x0] =	sbarrier.arrive $0xFFFF  }
0xc1: {  	p0 =	sne.s32 s0, $0x0;
	_ =	strace $0x90000050  }
0xc2: {  	s0 =	sadd.s32 @!p0 $0x100000, s1;
	[bflag:$0x2] =	sbarrier.arrive $0xFFFF  }
0xc3: {  	[sflag:s0] =	ssyncadd.tile.s32 @!p0 $0x1;
	_ =	shalt  }
.Lfunc_end2:
_tile_overlayer_lowered:
.L_overlay_start_2:
0xc4: {  	(tag) =	ssettag $0x2  }
0xc5: {  	s0 =	rddreg [dreg:$0x0];
	s2 =	stileid.u32  }
0xc6: {  	s1 =	rddreg [dreg:$0x1];
	p0 =	sne.s32 s2, $0x0  }
0xc7: {  	s3 =	rddreg [dreg:$0x2];
	[bflag:$0x3] =	sbarrier.arrive $0xFFFF;
	s2 =	simm.s32 @!p0 $0x1C04  }
0xc8: {  	[timem:s3], [sflag:s2] =	dma.local @!p0 [hbm:s0], s1  }
0xc9: {  	s0 =	simm.s32 @!p0 $0x4  }
0xca: {  	_ =	swait.ge @!p0 [sflag:s0], s1  }
0xcb: {  	s1 =	ssub.s32 @!p0 $0x0, s1;
	[sflag:s0] =	ssyncset.done @!p0 $0x0  }
0xcc: {  	[sflag:s0] =	ssyncadd.s32 @!p0 s1  }
0xcd: {  	[bflag:$0x3] =	sbarrier.arrive $0xFFFF  }
0xce: {  	_ =	shalt  }

</sc_bundles>
